<compile_context>
chip_gen: v7x
topology: tpu7x:2x2x1
jax: 0.10.2.dev20260603
libtpu: 0.0.44.dev20260713+nightly
codegen_flags: <defaults>
</compile_context>

<pallas_src>
import jax
import jax.numpy as jnp
from jax import lax
from jax.experimental import pallas as pl
from jax.experimental.pallas import tpu as pltpu
from jax.experimental.pallas import tpu_sc as plsc

N = 10000
E = 160000
T = 320000
D = 9
HID = 128
CV = 32

NC = 2
NS = 16
NW = NC * NS
CH = 128

N_TCH = T // CH
N_ECH = E // CH

RANGES_PER_CORE = 2
RNG = E // (NC * RANGES_PER_CORE)
SLAB = 100
TRASH = RNG

EB2 = 640
EB3 = 640


def _sigmoid_tc(v):
    return 0.5 * jnp.tanh(0.5 * v) + 0.5


def _silu(v):
    return v * _sigmoid_tc(v)


def _vrsqrt(x):
    i = plsc.bitcast(x, jnp.int32)
    i = jnp.int32(0x5F3759DF) - (i >> 1)
    y = plsc.bitcast(i, jnp.float32)
    for _ in range(3):
        y = y * (jnp.float32(1.5) - jnp.float32(0.5) * x * y * y)
    return y



def _tc1_body(x_ref, wxh_ref, bxh_ref, wxk_ref, bxk_ref, wa_ref, wb_ref,
              sig_ref, a_ref, b_ref):
    x = x_ref[...]
    xh = jnp.dot(x, wxh_ref[...], preferred_element_type=jnp.float32) + bxh_ref[...]
    xk = jnp.dot(x, wxk_ref[...], preferred_element_type=jnp.float32) + bxk_ref[...]
    sig_ref[...] = _sigmoid_tc(xk)
    sx = _silu(xh)
    a_ref[...] = jnp.dot(sx, wa_ref[...], preferred_element_type=jnp.float32)
    b_ref[...] = jnp.dot(sx, wb_ref[...], preferred_element_type=jnp.float32)


def _tc1(x, wxh, bxh, wxk, bxk, wa, wb):
    bn = 1000
    grid = (N // bn,)
    w_spec = lambda shape: pl.BlockSpec(shape, lambda i: (0, 0))
    return pl.pallas_call(
        _tc1_body,
        grid=grid,
        in_specs=[
            pl.BlockSpec((bn, HID), lambda i: (i, 0)),
            w_spec((HID, CV)), w_spec((1, CV)),
            w_spec((HID, CV)), w_spec((1, CV)),
            w_spec((CV, CV)), w_spec((CV, CV)),
        ],
        out_specs=[
            pl.BlockSpec((bn, CV), lambda i: (i, 0)),
            pl.BlockSpec((bn, CV), lambda i: (i, 0)),
            pl.BlockSpec((bn, CV), lambda i: (i, 0)),
        ],
        out_shape=[
            jax.ShapeDtypeStruct((N, CV), jnp.float32),
            jax.ShapeDtypeStruct((N, CV), jnp.float32),
            jax.ShapeDtypeStruct((N, CV), jnp.float32),
        ],
    )(x, wxh, bxh, wxk, bxk, wa, wb)



def _tc2_body(cji_ref, robs_ref, wc1b_ref, wc2bb_ref, g_ref,
              rexp_ref, m_ref):
    eb = robs_ref.shape[0]

    c1 = jnp.dot(_silu(cji_ref[...]), wc1b_ref[...],
                 preferred_element_type=jnp.float32)
    ckj = jnp.dot(_silu(c1), wc2bb_ref[...],
                  preferred_element_type=jnp.float32)
    ssb = jnp.dot(ckj * ckj, g_ref[...],
                  preferred_element_type=jnp.float32)
    robs_band = jnp.dot(robs_ref[...], rexp_ref[...],
                        preferred_element_type=jnp.float32)
    mband = ckj * lax.rsqrt(jnp.maximum(ssb, 1e-24)) * robs_band
    m_ref[...] = jnp.concatenate(
        [mband, jnp.zeros((eb, 384 - D * CV), jnp.float32)], axis=1)


def _tc2(cji144, robs, wc1b, wc2bb, g, rexp):
    nblk = E // EB2
    grid = (nblk,)
    w_spec = lambda shape: pl.BlockSpec(shape, lambda i: (0, 0))
    return pl.pallas_call(
        _tc2_body,
        grid=grid,
        in_specs=[
            pl.BlockSpec((EB2, D * 16), lambda i: (i, 0)),
            pl.BlockSpec((EB2, D), lambda i: (i, 0)),
            w_spec((D * 16, D * CV)), w_spec((D * CV, D * CV)),
            w_spec((D * CV, D * CV)), w_spec((D, D * CV)),
        ],
        out_specs=pl.BlockSpec((EB2, 384), lambda i: (i, 0)),
        out_shape=jax.ShapeDtypeStruct((E, 384), jnp.float32),
    )(cji144, robs, wc1b, wc2bb, g, rexp)



def _sc1_body(m_hbm, shbs_hbm, sig_hbm, kj_hbm, k_hbm, tbw_hbm,
              kj_v0, kj_v1, k_v0, k_v1, shbs_v0, shbs_v1, m_v0, m_v1,
              xkg_v0, xkg_v1, tbw_v, semm0, semm1, semx0, semx1):
    wid = lax.axis_index("s") * NC + lax.axis_index("c")
    n_my = 78 + jnp.where(wid < (N_TCH - 78 * NW), 1, 0)
    kj_v = (kj_v0, kj_v1)
    k_v = (k_v0, k_v1)
    shbs_v = (shbs_v0, shbs_v1)
    m_v = (m_v0, m_v1)
    xkg_v = (xkg_v0, xkg_v1)
    semm = (semm0, semm1)
    semx = (semx0, semx1)

    def fetch(i, b):
        base = (wid + i * NW) * CH
        pltpu.sync_copy(kj_hbm.at[pl.ds(base, CH)], kj_v[b])
        pltpu.sync_copy(k_hbm.at[pl.ds(base, CH)], k_v[b])
        pltpu.sync_copy(shbs_hbm.at[pl.ds(base * D, CH * D)], shbs_v[b].at[pl.ds(0, CH * D)])
        pltpu.async_copy(m_hbm.at[kj_v[b]], m_v[b], semm[b])
        pltpu.async_copy(sig_hbm.at[k_v[b]], xkg_v[b], semx[b])

    for b in range(2):
        @pl.when(b < n_my)
        def _(b=b):
            fetch(b, b)

    def outer_body(j, _):
        for b in range(2):
            i = 2 * j + b

            @pl.when(i < n_my)
            def _(i=i, b=b):
                pltpu.make_async_copy(m_hbm.at[kj_v[b]], m_v[b],
                                      semm[b]).wait()
                pltpu.make_async_copy(sig_hbm.at[k_v[b]], xkg_v[b],
                                      semx[b]).wait()

                @plsc.parallel_loop(0, CH, unroll=4)
                def tri_body(t):
                    wrow = shbs_v[b][pl.ds(t * D, 16)]
                    acc0 = m_v[b][t, pl.ds(0, 16)] * wrow[0]
                    acc1 = m_v[b][t, pl.ds(16, 16)] * wrow[0]
                    for d in range(1, D):
                        sd = wrow[d]
                        acc0 = acc0 + m_v[b][t, pl.ds(d * CV, 16)] * sd
                        acc1 = acc1 + m_v[b][t, pl.ds(d * CV + 16, 16)] * sd
                    ss = jnp.sum(acc0 * acc0 + acc1 * acc1)
                    r = _vrsqrt(jnp.full((16,), jnp.maximum(ss, 1e-24),
                                         jnp.float32))
                    tbw_v[t, pl.ds(0, 16)] = acc0 * r * xkg_v[b][t, pl.ds(0, 16)]
                    tbw_v[t, pl.ds(16, 16)] = acc1 * r * xkg_v[b][t, pl.ds(16, 16)]
                base = (wid + i * NW) * CH
                pltpu.sync_copy(tbw_v, tbw_hbm.at[pl.ds(base, CH)])

                @pl.when(i + 2 < n_my)
                def _():
                    fetch(i + 2, b)
        return 0

    lax.fori_loop(0, 40, outer_body, 0)


def _sc1(m_table, shbs16, sigxk, edge_idx_kj, tri_idx_k):
    mesh = plsc.VectorSubcoreMesh(core_axis_name="c", subcore_axis_name="s",
                                  num_cores=NC, num_subcores=NS)
    f = pl.kernel(
        _sc1_body,
        out_type=jax.ShapeDtypeStruct((T, CV), jnp.float32),
        mesh=mesh,
        compiler_params=pltpu.CompilerParams(needs_layout_passes=False,
                                             use_tc_tiling_on_sc=False),
        scratch_types=[
            pltpu.VMEM((CH,), jnp.int32),
            pltpu.VMEM((CH,), jnp.int32),
            pltpu.VMEM((CH,), jnp.int32),
            pltpu.VMEM((CH,), jnp.int32),
            pltpu.VMEM((CH * D + 16, ), jnp.float32),
            pltpu.VMEM((CH * D + 16, ), jnp.float32),
            pltpu.VMEM((CH, 384), jnp.float32),
            pltpu.VMEM((CH, 384), jnp.float32),
            pltpu.VMEM((CH, CV), jnp.float32),
            pltpu.VMEM((CH, CV), jnp.float32),
            pltpu.VMEM((CH, CV), jnp.float32),
            pltpu.SemaphoreType.DMA,
            pltpu.SemaphoreType.DMA,
            pltpu.SemaphoreType.DMA,
            pltpu.SemaphoreType.DMA,
        ],
    )
    return f(m_table, shbs16, sigxk, edge_idx_kj, tri_idx_k)



def _scg_body(a_hbm, b_hbm, ii_hbm, jj_hbm, nm1_hbm,
              ii_v, jj_v, av_v, bv_v, sem1, sem2):
    wid = lax.axis_index("s") * NC + lax.axis_index("c")
    n_my = 39 + jnp.where(wid < (N_ECH - 39 * NW), 1, 0)

    def chunk_body(i, _):
        base = (wid + i * NW) * CH
        pltpu.sync_copy(ii_hbm.at[pl.ds(base, CH)], ii_v)
        pltpu.sync_copy(jj_hbm.at[pl.ds(base, CH)], jj_v)
        cp1 = pltpu.async_copy(a_hbm.at[ii_v], av_v, sem1)
        cp2 = pltpu.async_copy(b_hbm.at[jj_v], bv_v, sem2)
        cp1.wait()
        cp2.wait()

        @plsc.parallel_loop(0, CH, unroll=4)
        def row_body(t):
            av_v[t, pl.ds(0, 16)] = av_v[t, pl.ds(0, 16)] + bv_v[t, pl.ds(0, 16)]
            av_v[t, pl.ds(16, 16)] = av_v[t, pl.ds(16, 16)] + bv_v[t, pl.ds(16, 16)]
        pltpu.sync_copy(av_v, nm1_hbm.at[pl.ds(base, CH), pl.ds(0, CV)])
        return 0

    lax.fori_loop(0, n_my, chunk_body, 0)


def _scg(a, b, idx_i, idx_j):
    mesh = plsc.VectorSubcoreMesh(core_axis_name="c", subcore_axis_name="s",
                                  num_cores=NC, num_subcores=NS)
    f = pl.kernel(
        _scg_body,
        out_type=jax.ShapeDtypeStruct((E, 128), jnp.float32),
        mesh=mesh,
        compiler_params=pltpu.CompilerParams(needs_layout_passes=False,
                                             use_tc_tiling_on_sc=False),
        scratch_types=[
            pltpu.VMEM((CH,), jnp.int32),
            pltpu.VMEM((CH,), jnp.int32),
            pltpu.VMEM((CH, CV), jnp.float32),
            pltpu.VMEM((CH, CV), jnp.float32),
            pltpu.SemaphoreType.DMA,
            pltpu.SemaphoreType.DMA,
        ],
    )
    return f(a, b, idx_i, idx_j)



def _sc2_body(tbw_hbm, ji_hbm, agg_hbm,
              ji_v0, ji_v1, idx_v, rows_v0, rows_v1, zslab_v, sp_ref,
              semj0, semj1, semr0, semr1):
    c = lax.axis_index("c")
    s = lax.axis_index("s")
    ji_v = (ji_v0, ji_v1)
    rows_v = (rows_v0, rows_v1)
    semj = (semj0, semj1)
    semr = (semr0, semr1)

    def zrow(t, _):
        zslab_v[t, pl.ds(0, 16)] = jnp.zeros((16,), jnp.float32)
        zslab_v[t, pl.ds(16, 16)] = jnp.zeros((16,), jnp.float32)
        return 0
    lax.fori_loop(0, SLAB, zrow, 0)

    rows_per_tile = RNG // NS
    n_slabs = rows_per_tile // SLAB

    for r in range(RANGES_PER_CORE):
        base_e = (c * RANGES_PER_CORE + r) * RNG

        def zero_body(i, _):
            pltpu.sync_copy(zslab_v,
                            sp_ref.at[pl.ds(s * rows_per_tile + i * SLAB, SLAB)])
            return 0
        lax.fori_loop(0, n_slabs, zero_body, 0)

        @pl.when(s == 0)
        def _():
            pltpu.sync_copy(zslab_v.at[pl.ds(0, 8)], sp_ref.at[pl.ds(RNG, 8)])

        plsc.subcore_barrier()

        n_my = 156 + jnp.where(s < (N_TCH - 156 * NS), 1, 0)

        def fetch(i, b):
            base = (s + i * NS) * CH
            pltpu.async_copy(ji_hbm.at[pl.ds(base, CH)], ji_v[b], semj[b])
            pltpu.async_copy(tbw_hbm.at[pl.ds(base, CH)], rows_v[b], semr[b])

        for b in range(2):
            @pl.when(b < n_my)
            def _(b=b):
                fetch(b, b)

        def scan_outer(j, _):
            for b in range(2):
                i = 2 * j + b

                @pl.when(i < n_my)
                def _(i=i, b=b):
                    base = (s + i * NS) * CH
                    pltpu.make_async_copy(ji_hbm.at[pl.ds(base, CH)],
                                          ji_v[b], semj[b]).wait()
                    pltpu.make_async_copy(tbw_hbm.at[pl.ds(base, CH)],
                                          rows_v[b], semr[b]).wait()
                    for g in range(CH // 16):
                        v = ji_v[b][pl.ds(g * 16, 16)] - base_e
                        ok = (v >= 0) & (v < RNG)
                        idx_v[pl.ds(g * 16, 16)] = jnp.where(ok, v, TRASH)
                    pltpu.sync_copy(rows_v[b], sp_ref.at[idx_v], add=True)

                    @pl.when(i + 2 < n_my)
                    def _():
                        fetch(i + 2, b)
            return 0

        lax.fori_loop(0, 79, scan_outer, 0)
        plsc.subcore_barrier()

        def wb_body(i, _):
            off = s * rows_per_tile + i * SLAB
            pltpu.sync_copy(sp_ref.at[pl.ds(off, SLAB)],
                            rows_v0.at[pl.ds(0, SLAB)])
            pltpu.sync_copy(rows_v0.at[pl.ds(0, SLAB)],
                            agg_hbm.at[pl.ds(base_e + off, SLAB), pl.ds(0, CV)])
            return 0
        lax.fori_loop(0, n_slabs, wb_body, 0)
        plsc.subcore_barrier()


def _sc2(tbw, edge_idx_ji):
    mesh = plsc.VectorSubcoreMesh(core_axis_name="c", subcore_axis_name="s",
                                  num_cores=NC, num_subcores=NS)
    f = pl.kernel(
        _sc2_body,
        out_type=jax.ShapeDtypeStruct((E, 128), jnp.float32),
        mesh=mesh,
        compiler_params=pltpu.CompilerParams(needs_layout_passes=False,
                                             use_tc_tiling_on_sc=False),
        scratch_types=[
            pltpu.VMEM((CH,), jnp.int32),
            pltpu.VMEM((CH,), jnp.int32),
            pltpu.VMEM((CH,), jnp.int32),
            pltpu.VMEM((CH, CV), jnp.float32),
            pltpu.VMEM((CH, CV), jnp.float32),
            pltpu.VMEM((SLAB, CV), jnp.float32),
            pltpu.VMEM_SHARED((RNG + 8, CV), jnp.float32),
            pltpu.SemaphoreType.DMA,
            pltpu.SemaphoreType.DMA,
            pltpu.SemaphoreType.DMA,
            pltpu.SemaphoreType.DMA,
        ],
    )
    return f(tbw, edge_idx_ji)



def _tc3_body(cji_ref, robs_ref, agg_ref, nm1_ref, wc1b_ref, wc2ab_ref,
              g_ref, rexp_ref, t32_ref, wt_ref, bt_ref, bn1_ref, wn2_ref,
              bn2_ref, msg_ref):
    eb = agg_ref.shape[0]

    tbw = jnp.dot(_silu(agg_ref[..., :CV]), wt_ref[...],
                  preferred_element_type=jnp.float32) + bt_ref[...]
    scale_band = 1.0 + jnp.dot(tbw, t32_ref[...],
                               preferred_element_type=jnp.float32)

    c1 = jnp.dot(_silu(cji_ref[...]), wc1b_ref[...],
                 preferred_element_type=jnp.float32)
    cji2 = jnp.dot(_silu(c1), wc2ab_ref[...],
                   preferred_element_type=jnp.float32)
    c2 = cji2 * scale_band
    ssb = jnp.dot(c2 * c2, g_ref[...], preferred_element_type=jnp.float32)
    robs_band = jnp.dot(robs_ref[...], rexp_ref[...],
                        preferred_element_type=jnp.float32)
    weighted = c2 * lax.rsqrt(jnp.maximum(ssb, 1e-24)) * robs_band
    lcao = lax.dot_general(weighted, t32_ref[...], (((1,), (1,)), ((), ())),
                           preferred_element_type=jnp.float32)
    ss2 = jnp.sum(lcao * lcao, axis=1, keepdims=True)
    lcao_n = lcao * lax.rsqrt(jnp.maximum(ss2, 1e-24))

    nm = jnp.dot(_silu(nm1_ref[..., :CV] + bn1_ref[...]), wn2_ref[...],
                 preferred_element_type=jnp.float32) + bn2_ref[...]
    msg = lcao_n * nm
    msg_ref[...] = jnp.concatenate(
        [msg, jnp.zeros((eb, 128 - CV), jnp.float32)], axis=1)


def _tc3(cji144, robs, agg, nm1, wc1b, wc2ab, g, rexp, t32, wt, bt, bn1,
         wn2, bn2):
    eb = EB3
    nblk = E // eb
    grid = (nblk,)
    w_spec = lambda shape: pl.BlockSpec(shape, lambda i: (0, 0))
    return pl.pallas_call(
        _tc3_body,
        grid=grid,
        in_specs=[
            pl.BlockSpec((eb, D * 16), lambda i: (i, 0)),
            pl.BlockSpec((eb, D), lambda i: (i, 0)),
            pl.BlockSpec((eb, 128), lambda i: (i, 0)),
            pl.BlockSpec((eb, 128), lambda i: (i, 0)),
            w_spec((D * 16, D * CV)), w_spec((D * CV, D * CV)),
            w_spec((D * CV, D * CV)), w_spec((D, D * CV)),
            w_spec((CV, D * CV)),
            w_spec((CV, CV)), w_spec((1, CV)), w_spec((1, CV)),
            w_spec((CV, CV)), w_spec((1, CV)),
        ],
        out_specs=pl.BlockSpec((eb, 128), lambda i: (i, 0)),
        out_shape=jax.ShapeDtypeStruct((E, 128), jnp.float32),
    )(cji144, robs, agg, nm1, wc1b, wc2ab, g, rexp, t32, wt, bt, bn1,
      wn2, bn2)



def _sc3_body(msg_hbm, ii_hbm, part_hbm,
              ii_v, rows_v, zslab_v, sp_ref):
    c = lax.axis_index("c")
    s = lax.axis_index("s")
    wid = s * NC + c

    def zrow(t, _):
        zslab_v[t, pl.ds(0, 16)] = jnp.zeros((16,), jnp.float32)
        zslab_v[t, pl.ds(16, 16)] = jnp.zeros((16,), jnp.float32)
        return 0
    lax.fori_loop(0, 125, zrow, 0)

    rows_per_tile = N // NS

    def zero_body(i, _):
        pltpu.sync_copy(zslab_v, sp_ref.at[pl.ds(s * rows_per_tile + i * 125, 125)])
        return 0
    lax.fori_loop(0, rows_per_tile // 125, zero_body, 0)
    plsc.subcore_barrier()

    n_my = 39 + jnp.where(wid < (N_ECH - 39 * NW), 1, 0)

    def scan_body(i, _):
        base = (wid + i * NW) * CH
        pltpu.sync_copy(ii_hbm.at[pl.ds(base, CH)], ii_v)
        pltpu.sync_copy(msg_hbm.at[pl.ds(base, CH), pl.ds(0, CV)], rows_v)
        pltpu.sync_copy(rows_v, sp_ref.at[ii_v], add=True)
        return 0

    lax.fori_loop(0, n_my, scan_body, 0)
    plsc.subcore_barrier()

    def wb_body(i, _):
        off = s * rows_per_tile + i * 125
        pltpu.sync_copy(sp_ref.at[pl.ds(off, 125)], rows_v.at[pl.ds(0, 125)])
        pltpu.sync_copy(rows_v.at[pl.ds(0, 125)],
                        part_hbm.at[pl.ds(c * N + off, 125), pl.ds(0, CV)])
        return 0
    lax.fori_loop(0, rows_per_tile // 125, wb_body, 0)


def _sc3(msg, idx_i):
    mesh = plsc.VectorSubcoreMesh(core_axis_name="c", subcore_axis_name="s",
                                  num_cores=NC, num_subcores=NS)
    f = pl.kernel(
        _sc3_body,
        out_type=jax.ShapeDtypeStruct((NC * N, 128), jnp.float32),
        mesh=mesh,
        compiler_params=pltpu.CompilerParams(needs_layout_passes=False,
                                             use_tc_tiling_on_sc=False),
        scratch_types=[
            pltpu.VMEM((CH,), jnp.int32),
            pltpu.VMEM((CH, CV), jnp.float32),
            pltpu.VMEM((125, CV), jnp.float32),
            pltpu.VMEM_SHARED((N, CV), jnp.float32),
        ],
    )
    return f(msg, idx_i)



def _tc4_body(x_ref, p0_ref, p1_ref, wna_ref, out_ref):
    agg = p0_ref[..., :CV] + p1_ref[..., :CV]
    out_ref[...] = x_ref[...] + jnp.dot(agg, wna_ref[...],
                                        preferred_element_type=jnp.float32)


def _tc4(x, parts, wna):
    bn = 1000
    nb = N // bn
    grid = (nb,)
    return pl.pallas_call(
        _tc4_body,
        grid=grid,
        in_specs=[
            pl.BlockSpec((bn, HID), lambda i: (i, 0)),
            pl.BlockSpec((bn, 128), lambda i: (i, 0)),
            pl.BlockSpec((bn, 128), lambda i: (i + nb, 0)),
            pl.BlockSpec((CV, HID), lambda i: (0, 0)),
        ],
        out_specs=pl.BlockSpec((bn, HID), lambda i: (i, 0)),
        out_shape=jax.ShapeDtypeStruct((N, HID), jnp.float32),
    )(x, parts, parts, wna)



def kernel(x, cji, outer_mask, robs, shbs, idx_i, idx_j, tri_idx_k,
           edge_idx_kj, edge_idx_ji, W_nb, b_nb, W_c1, W_c2, W_t, b_t,
           W_n1, b_n1, W_n2, b_n2, W_na):
    del outer_mask
    idx_i = idx_i.astype(jnp.int32)
    idx_j = idx_j.astype(jnp.int32)
    tri_idx_k = tri_idx_k.astype(jnp.int32)
    edge_idx_kj = edge_idx_kj.astype(jnp.int32)
    edge_idx_ji = edge_idx_ji.astype(jnp.int32)

    wxh, wxk = W_nb[:, :CV], W_nb[:, CV:]
    bxh, bxk = b_nb[:CV].reshape(1, CV), b_nb[CV:].reshape(1, CV)
    wc2a, wc2b = W_c2[:, :CV], W_c2[:, CV:]
    wn1a, wn1b = W_n1[:CV, :], W_n1[CV:, :]
    bt = b_t.reshape(1, CV)
    bn1 = b_n1.reshape(1, CV)
    bn2 = b_n2.reshape(1, CV)

    cji144 = cji.reshape(E, D * 16)
    ii = jnp.arange(D * CV, dtype=jnp.int32)
    dgrp = ii // CV
    eye_d = lambda a, b: (a[:, None] == b[None, :]).astype(jnp.float32)
    blkdiag16 = jnp.zeros((D * 16, D * CV), jnp.float32)
    for d in range(D):
        blkdiag16 = blkdiag16.at[d * 16:(d + 1) * 16,
                                 d * CV:(d + 1) * CV].set(W_c1)
    wc2ab = jnp.zeros((D * CV, D * CV), jnp.float32)
    wc2bb = jnp.zeros((D * CV, D * CV), jnp.float32)
    for d in range(D):
        sl = slice(d * CV, (d + 1) * CV)
        wc2ab = wc2ab.at[sl, sl].set(wc2a)
        wc2bb = wc2bb.at[sl, sl].set(wc2b)
    g = eye_d(dgrp, dgrp)
    rexp = eye_d(jnp.arange(D, dtype=jnp.int32), dgrp)
    t32 = eye_d(jnp.arange(CV, dtype=jnp.int32), ii % CV)

    sigxk, a_tab, b_tab = _tc1(x, wxh, bxh, wxk, bxk, wn1a, wn1b)
    m_table = _tc2(cji144, robs, blkdiag16, wc2bb, g, rexp)

    tbw = _sc1(m_table, shbs.reshape(T * D), sigxk, edge_idx_kj, tri_idx_k)
    nm1 = _scg(a_tab, b_tab, idx_i, idx_j)
    agg = _sc2(tbw, edge_idx_ji)

    msg = _tc3(cji144, robs, agg, nm1, blkdiag16, wc2ab, g, rexp, t32,
               W_t, bt, bn1, W_n2, bn2)
    parts = _sc3(msg, idx_i)
    return _tc4(x, parts, W_na)

# --- scband reference (transcript-rebuilt; emitter-appended) ---
"""Pipeline reference for scband-lcaoconv-14955076125266 (READ-ONLY COPY).

The authoritative reference and input builder live on the scoring server;
editing this copy changes nothing except your own understanding.
"""

import jax, jax.numpy as jnp
import numpy as np

N = 10000
E = 160000
T = 320000
D = 9
HID = 128
CO = 16
CV = 32


def _silu(v):
    return v * jax.nn.sigmoid(v)


def _l2n(v):
    # F.normalize(v, dim=-1): L2 normalize with eps clamp
    n = jnp.linalg.norm(v, axis=-1, keepdims=True)
    return v / jnp.maximum(n, 1e-12)


def setup_inputs(seed: int = 0) -> dict:
    key = jax.random.key(seed)
    ks = jax.random.split(key, 20)
    s = 0.05
    inp = {}
    inp["x"] = jax.random.normal(ks[0], (N, HID), dtype=jnp.float32)
    inp["cji"] = jax.random.normal(ks[1], (E, D, CO), dtype=jnp.float32)
    inp["outer_mask"] = jnp.zeros((1,), dtype=jnp.float32)  # unused (outer=False)
    inp["robs"] = jax.random.normal(ks[2], (E, D), dtype=jnp.float32)
    inp["shbs"] = jax.random.normal(ks[3], (T, D), dtype=jnp.float32)
    inp["idx_i"] = jax.random.randint(ks[4], (E,), 0, N)
    inp["idx_j"] = jax.random.randint(ks[5], (E,), 0, N)
    inp["tri_idx_k"] = jax.random.randint(ks[6], (T,), 0, N)
    inp["edge_idx_kj"] = jax.random.randint(ks[7], (T,), 0, E)
    inp["edge_idx_ji"] = jax.random.randint(ks[8], (T,), 0, E)
    # node_before_lin: Dense(HID, 2*CV, bias=True)
    inp["W_nb"] = jax.random.normal(ks[9], (HID, 2 * CV), dtype=jnp.float32) * s
    inp["b_nb"] = jnp.zeros((2 * CV,), dtype=jnp.float32)
    # coeffs_before_lin: SiLU, Dense(CO, CV, no bias), SiLU, Dense(CV, 2*CV, no bias)
    inp["W_c1"] = jax.random.normal(ks[10], (CO, CV), dtype=jnp.float32) * s
    inp["W_c2"] = jax.random.normal(ks[11], (CV, 2 * CV), dtype=jnp.float32) * s
    # three_lin: SiLU, Dense(CV, CV, bias=True)
    inp["W_t"] = jax.random.normal(ks[12], (CV, CV), dtype=jnp.float32) * s
    inp["b_t"] = jnp.zeros((CV,), dtype=jnp.float32)
    # node_lin: SiLU, Dense(2*CV, CV, True), SiLU, Dense(CV, CV, True)
    inp["W_n1"] = jax.random.normal(ks[13], (2 * CV, CV), dtype=jnp.float32) * s
    inp["b_n1"] = jnp.zeros((CV,), dtype=jnp.float32)
    inp["W_n2"] = jax.random.normal(ks[14], (CV, CV), dtype=jnp.float32) * s
    inp["b_n2"] = jnp.zeros((CV,), dtype=jnp.float32)
    # node_after_lin: Dense(CV, HID, no bias)
    inp["W_na"] = jax.random.normal(ks[15], (CV, HID), dtype=jnp.float32) * s
    return inp


def reference(x, cji, outer_mask, robs, shbs, idx_i, idx_j, tri_idx_k,
              edge_idx_kj, edge_idx_ji, W_nb, b_nb, W_c1, W_c2, W_t, b_t,
              W_n1, b_n1, W_n2, b_n2, W_na):
    x_before = x
    h = x @ W_nb + b_nb                       # [N, 2*CV]
    xh, xk = jnp.split(h, 2, axis=-1)         # [N, CV] each
    c = _silu(cji) @ W_c1                     # [E, D, CV]
    c = _silu(c) @ W_c2                       # [E, D, 2*CV]
    cji2, ckj = jnp.split(c, 2, axis=-1)      # [E, D, CV] each (outer=False)
    ckj = ckj[edge_idx_kj]                    # gather -> [T, D, CV]
    ckj = _l2n(ckj)
    tbo = jnp.einsum('ed,edh->eh', shbs * robs[edge_idx_kj], ckj)  # [T, CV]
    tbo = _l2n(tbo)
    xkg = jax.nn.sigmoid(xk[tri_idx_k])       # gather -> [T, CV]
    tbw = tbo * xkg
    agg = jax.ops.segment_sum(tbw, edge_idx_ji, num_segments=robs.shape[0])  # [E, CV]
    tbw = _silu(agg) @ W_t + b_t              # [E, CV]
    cji2 = cji2 + cji2 * tbw[:, None, :]
    cji2 = _l2n(cji2)
    lcao_w = jnp.einsum('ed,edh->eh', robs, cji2)  # [E, CV]
    lcao_w = _l2n(lcao_w)
    nm = jnp.concatenate([xh[idx_i], xh[idx_j]], axis=-1)  # [E, 2*CV]
    nm = _silu(nm) @ W_n1 + b_n1
    nm = _silu(nm) @ W_n2 + b_n2              # [E, CV]
    msg = lcao_w * nm
    agg_node = jax.ops.segment_sum(msg, idx_i, num_segments=x_before.shape[0])  # [N, CV]
    return x_before + agg_node @ W_na

if __name__ == "__main__":
    import jax
    _d = setup_inputs()
    print(jax.jit(kernel)(*tuple(_d.values())))

</pallas_src>

<mosaic_0001>
#map = affine_map<(d0, d1) -> (0, 0)>
#map1 = affine_map<(d0, d1) -> (0)>
module attributes {stable_mosaic.version = 14 : i64} {
  func.func @_sc3_body(%arg0: i32, %arg1: i32, %arg2: memref<160000x128xf32, #tpu.memory_space<hbm>>, %arg3: memref<160000xi32, #tpu.memory_space<hbm>>, %arg4: memref<20000x128xf32, #tpu.memory_space<hbm>>, %arg5: memref<128xi32, #tpu.memory_space<vmem>>, %arg6: memref<128x32xf32, #tpu.memory_space<vmem>>, %arg7: memref<125x32xf32, #tpu.memory_space<vmem>>, %arg8: memref<10000x32xf32, #tpu.memory_space<vmem_shared>>) attributes {dimension_semantics = [#tpu.dimension_semantics<core_parallel>, #tpu.dimension_semantics<subcore_parallel>], iteration_bounds = array<i64: 2, 16>, scalar_prefetch = 0 : i64, scratch_operands = 4 : i64, tpu.core_type = #tpu.core_type<sc_vector_subcore>, window_params = [{transform_indices = #map}, {transform_indices = #map1}, {transform_indices = #map}]} {
    %mul3A = arith.constant 2 : i32
    %mul3A_0 = arith.muli %arg1, %mul3A : i32
    %add3A = arith.addi %mul3A_0, %arg0 : i32
    %scan3A = arith.constant 0 : i32
    %scan3A_1 = arith.constant 0 : i32
    %scan3A_2 = arith.constant 125 : i32
    %scan3A_3 = arith.addi %scan3A_1, %scan3A_2 : i32
    %scan3A_4 = arith.constant 1 : i32
    %scan3A_5 = scf.for %scan3A_37 = %scan3A_1 to %scan3A_3 step %scan3A_4 iter_args(%scan3A_38 = %scan3A) -> (i32)  : i32 {
      %broadcast_in_dim3A = arith.constant 0.000000e+00 : f32
      %broadcast_in_dim3A_39 = vector.broadcast %broadcast_in_dim3A : f32 to vector<16xf32>
      %swap3A = arith.index_cast %scan3A_37 : i32 to index
      %swap3A_40 = arith.constant 0 : index
      %swap3A_41 = tpu.vector_load %arg7[%swap3A, %swap3A_40] {strides = array<i32>} : memref<125x32xf32, #tpu.memory_space<vmem>>, vector<16xf32>,
      tpu.vector_store %arg7[%swap3A, %swap3A_40], %broadcast_in_dim3A_39 {strides = array<i32>} : memref<125x32xf32, #tpu.memory_space<vmem>>, vector<16xf32>,
      %broadcast_in_dim3A_42 = arith.constant 0.000000e+00 : f32
      %broadcast_in_dim3A_43 = vector.broadcast %broadcast_in_dim3A_42 : f32 to vector<16xf32>
      %swap3A_44 = arith.index_cast %scan3A_37 : i32 to index
      %swap3A_45 = arith.constant 16 : index
      %swap3A_46 = tpu.vector_load %arg7[%swap3A_44, %swap3A_45] {strides = array<i32>} : memref<125x32xf32, #tpu.memory_space<vmem>>, vector<16xf32>,
      tpu.vector_store %arg7[%swap3A_44, %swap3A_45], %broadcast_in_dim3A_43 {strides = array<i32>} : memref<125x32xf32, #tpu.memory_space<vmem>>, vector<16xf32>,
      %scan3A_47 = arith.constant 0 : i32
      scf.yield %scan3A_47 : i32
    }
    %scan3A_6 = arith.constant 125 : i32
    %scan3A_7 = arith.constant 0 : i32
    %scan3A_8 = arith.constant 0 : i32
    %scan3A_9 = arith.constant 5 : i32
    %scan3A_10 = arith.addi %scan3A_8, %scan3A_9 : i32
    %scan3A_11 = arith.constant 1 : i32
    %scan3A_12 = scf.for %scan3A_37 = %scan3A_8 to %scan3A_10 step %scan3A_11 iter_args(%scan3A_38 = %scan3A_7) -> (i32)  : i32 {
      %mul3A_39 = arith.constant 625 : i32
      %mul3A_40 = arith.muli %arg1, %mul3A_39 : i32
      %mul3A_41 = arith.constant 125 : i32
      %mul3A_42 = arith.muli %scan3A_37, %mul3A_41 : i32
      %add3A_43 = arith.addi %mul3A_40, %mul3A_42 : i32
      "tpu.region"() ({
        %run_scoped3A = tpu.sem_alloc : memref<!tpu.dma_semaphore, #tpu.memory_space<semaphore_mem>>
        %dma_start3A = arith.constant 0 : i32
        %dma_start3A_45 = tpu.memref_slice %arg8[%add3A_43, %dma_start3A] : memref<10000x32xf32, #tpu.memory_space<vmem_shared>> -> memref<125x32xf32, #tpu.memory_space<vmem_shared>>
        %dma_start3A_46 = arith.constant 0 : i32
        %dma_start3A_47 = tpu.memref_slice %arg8[%add3A_43, %dma_start3A_46] : memref<10000x32xf32, #tpu.memory_space<vmem_shared>> -> memref<125x32xf32, #tpu.memory_space<vmem_shared>>
        tpu.enqueue_dma source(%arg7 : memref<125x32xf32, #tpu.memory_space<vmem>>) target(%dma_start3A_47 : memref<125x32xf32, #tpu.memory_space<vmem_shared>>) target_semaphore(%run_scoped3A : memref<!tpu.dma_semaphore, #tpu.memory_space<semaphore_mem>>)
        %dma_wait3A = arith.constant 0 : i32
        %dma_wait3A_48 = tpu.memref_slice %arg8[%add3A_43, %dma_wait3A] : memref<10000x32xf32, #tpu.memory_space<vmem_shared>> -> memref<125x32xf32, #tpu.memory_space<vmem_shared>>
        %dma_wait3A_49 = arith.constant 0 : i32
        %dma_wait3A_50 = tpu.memref_slice %arg8[%add3A_43, %dma_wait3A_49] : memref<10000x32xf32, #tpu.memory_space<vmem_shared>> -> memref<125x32xf32, #tpu.memory_space<vmem_shared>>
        tpu.wait_dma2 semaphore(%run_scoped3A : memref<!tpu.dma_semaphore, #tpu.memory_space<semaphore_mem>>) src(%arg7 : memref<125x32xf32, #tpu.memory_space<vmem>>) dst(%dma_wait3A_50 : memref<125x32xf32, #tpu.memory_space<vmem_shared>>)
        tpu.yield
      }) : () -> ()
      %scan3A_44 = arith.constant 0 : i32
      scf.yield %scan3A_44 : i32
    }
    %scan3A_13 = arith.constant 5 : i32
    %barrier3A = arith.constant 0 : index
    tpu.barrier barrier_id(%barrier3A)
    %lt3A = arith.constant 2 : i32
    %lt3A_14 = arith.cmpi slt, %add3A, %lt3A : i32
    %jit3A = arith.constant 1 : i32
    %jit3A_15 = arith.constant 0 : i32
    %select_n3A = arith.select %lt3A_14, %jit3A, %jit3A_15 : i32
    %add3A_16 = arith.constant 39 : i32
    %add3A_17 = arith.addi %add3A_16, %select_n3A : i32
    %while3A = arith.constant 0 : i32
    %while3A_18 = arith.constant 0 : i32
    %while3A_19 = arith.subi %add3A_17, %while3A : i32
    %while3A_20 = arith.addi %while3A, %while3A_19 : i32
    %while3A_21 = arith.constant 1 : i32
    %while3A_22 = arith.divsi %while3A_19, %while3A_21 : i32
    %while3A_23 = arith.muli %while3A_22, %while3A_21 : i32
    %while3A_24 = arith.addi %while3A, %while3A_23 : i32
    %while3A_25 = arith.constant 1 : i32
    %while3A_26 = scf.for %while3A_37 = %while3A to %while3A_24 step %while3A_25 iter_args(%while3A_38 = %while3A_18) -> (i32)  : i32 {
      %mul3A_39 = arith.constant 32 : i32
      %mul3A_40 = arith.muli %while3A_37, %mul3A_39 : i32
      %add3A_41 = arith.addi %add3A, %mul3A_40 : i32
      %mul3A_42 = arith.constant 128 : i32
      %mul3A_43 = arith.muli %add3A_41, %mul3A_42 : i32
      "tpu.region"() ({
        %run_scoped3A = tpu.sem_alloc : memref<!tpu.dma_semaphore, #tpu.memory_space<semaphore_mem>>
        %dma_start3A = tpu.memref_slice %arg3[%mul3A_43] : memref<160000xi32, #tpu.memory_space<hbm>> -> memref<128xi32, #tpu.memory_space<hbm>>
        %dma_start3A_45 = tpu.memref_slice %arg3[%mul3A_43] : memref<160000xi32, #tpu.memory_space<hbm>> -> memref<128xi32, #tpu.memory_space<hbm>>
        tpu.enqueue_dma source(%dma_start3A_45 : memref<128xi32, #tpu.memory_space<hbm>>) target(%arg5 : memref<128xi32, #tpu.memory_space<vmem>>) target_semaphore(%run_scoped3A : memref<!tpu.dma_semaphore, #tpu.memory_space<semaphore_mem>>)
        %dma_wait3A = tpu.memref_slice %arg3[%mul3A_43] : memref<160000xi32, #tpu.memory_space<hbm>> -> memref<128xi32, #tpu.memory_space<hbm>>
        %dma_wait3A_46 = tpu.memref_slice %arg3[%mul3A_43] : memref<160000xi32, #tpu.memory_space<hbm>> -> memref<128xi32, #tpu.memory_space<hbm>>
        tpu.wait_dma2 semaphore(%run_scoped3A : memref<!tpu.dma_semaphore, #tpu.memory_space<semaphore_mem>>) src(%dma_wait3A_46 : memref<128xi32, #tpu.memory_space<hbm>>) dst(%arg5 : memref<128xi32, #tpu.memory_space<vmem>>)
        tpu.yield
      }) : () -> ()
      "tpu.region"() ({
        %run_scoped3A = tpu.sem_alloc : memref<!tpu.dma_semaphore, #tpu.memory_space<semaphore_mem>>
        %dma_start3A = arith.constant 0 : i32
        %dma_start3A_45 = tpu.memref_slice %arg2[%mul3A_43, %dma_start3A] : memref<160000x128xf32, #tpu.memory_space<hbm>> -> memref<128x32xf32, #tpu.memory_space<hbm>>
        %dma_start3A_46 = arith.constant 0 : i32
        %dma_start3A_47 = tpu.memref_slice %arg2[%mul3A_43, %dma_start3A_46] : memref<160000x128xf32, #tpu.memory_space<hbm>> -> memref<128x32xf32, #tpu.memory_space<hbm>>
        tpu.enqueue_dma source(%dma_start3A_47 : memref<128x32xf32, #tpu.memory_space<hbm>>) target(%arg6 : memref<128x32xf32, #tpu.memory_space<vmem>>) target_semaphore(%run_scoped3A : memref<!tpu.dma_semaphore, #tpu.memory_space<semaphore_mem>>)
        %dma_wait3A = arith.constant 0 : i32
        %dma_wait3A_48 = tpu.memref_slice %arg2[%mul3A_43, %dma_wait3A] : memref<160000x128xf32, #tpu.memory_space<hbm>> -> memref<128x32xf32, #tpu.memory_space<hbm>>
        %dma_wait3A_49 = arith.constant 0 : i32
        %dma_wait3A_50 = tpu.memref_slice %arg2[%mul3A_43, %dma_wait3A_49] : memref<160000x128xf32, #tpu.memory_space<hbm>> -> memref<128x32xf32, #tpu.memory_space<hbm>>
        tpu.wait_dma2 semaphore(%run_scoped3A : memref<!tpu.dma_semaphore, #tpu.memory_space<semaphore_mem>>) src(%dma_wait3A_50 : memref<128x32xf32, #tpu.memory_space<hbm>>) dst(%arg6 : memref<128x32xf32, #tpu.memory_space<vmem>>)
        tpu.yield
      }) : () -> ()
      "tpu.region"() ({
        %run_scoped3A = tpu.sem_alloc : memref<!tpu.dma_semaphore, #tpu.memory_space<semaphore_mem>>
        %dma_start3A = arith.constant 0 : i32
        %dma_start3A_45 = arith.constant 0 : i32
        %dma_start3A_46 = tpu.memref_slice %arg8[%dma_start3A, %dma_start3A_45] : memref<10000x32xf32, #tpu.memory_space<vmem_shared>> -> memref<10000x32xf32, #tpu.memory_space<vmem_shared>>
        tpu.enqueue_indirect_dma source(%arg6 : memref<128x32xf32, #tpu.memory_space<vmem>>) target(%dma_start3A_46 : memref<10000x32xf32, #tpu.memory_space<vmem_shared>>) offsets(%arg5 : memref<128xi32, #tpu.memory_space<vmem>>) semaphore(%run_scoped3A : memref<!tpu.dma_semaphore, #tpu.memory_space<semaphore_mem>>) {add = true}
        %dma_wait3A = arith.constant 0 : i32
        %dma_wait3A_47 = arith.constant 0 : i32
        %dma_wait3A_48 = tpu.memref_slice %arg8[%dma_wait3A, %dma_wait3A_47] : memref<10000x32xf32, #tpu.memory_space<vmem_shared>> -> memref<10000x32xf32, #tpu.memory_space<vmem_shared>>
        tpu.wait_indirect_dma semaphore(%run_scoped3A : memref<!tpu.dma_semaphore, #tpu.memory_space<semaphore_mem>>) src(%arg6 : memref<128x32xf32, #tpu.memory_space<vmem>>) dst(%dma_wait3A_48 : memref<10000x32xf32, #tpu.memory_space<vmem_shared>>)
        tpu.yield
      }) : () -> ()
      %while3A_44 = arith.constant 0 : i32
      scf.yield %while3A_44 : i32
    }
    %while3A_27 = arith.constant 1 : i32
    %while3A_28 = scf.for %while3A_37 = %while3A_24 to %while3A_20 step %while3A_27 iter_args(%while3A_38 = %while3A_26) -> (i32)  : i32 {
      %mul3A_39 = arith.constant 32 : i32
      %mul3A_40 = arith.muli %while3A_37, %mul3A_39 : i32
      %add3A_41 = arith.addi %add3A, %mul3A_40 : i32
      %mul3A_42 = arith.constant 128 : i32
      %mul3A_43 = arith.muli %add3A_41, %mul3A_42 : i32
      "tpu.region"() ({
        %run_scoped3A = tpu.sem_alloc : memref<!tpu.dma_semaphore, #tpu.memory_space<semaphore_mem>>
        %dma_start3A = tpu.memref_slice %arg3[%mul3A_43] : memref<160000xi32, #tpu.memory_space<hbm>> -> memref<128xi32, #tpu.memory_space<hbm>>
        %dma_start3A_45 = tpu.memref_slice %arg3[%mul3A_43] : memref<160000xi32, #tpu.memory_space<hbm>> -> memref<128xi32, #tpu.memory_space<hbm>>
        tpu.enqueue_dma source(%dma_start3A_45 : memref<128xi32, #tpu.memory_space<hbm>>) target(%arg5 : memref<128xi32, #tpu.memory_space<vmem>>) target_semaphore(%run_scoped3A : memref<!tpu.dma_semaphore, #tpu.memory_space<semaphore_mem>>)
        %dma_wait3A = tpu.memref_slice %arg3[%mul3A_43] : memref<160000xi32, #tpu.memory_space<hbm>> -> memref<128xi32, #tpu.memory_space<hbm>>
        %dma_wait3A_46 = tpu.memref_slice %arg3[%mul3A_43] : memref<160000xi32, #tpu.memory_space<hbm>> -> memref<128xi32, #tpu.memory_space<hbm>>
        tpu.wait_dma2 semaphore(%run_scoped3A : memref<!tpu.dma_semaphore, #tpu.memory_space<semaphore_mem>>) src(%dma_wait3A_46 : memref<128xi32, #tpu.memory_space<hbm>>) dst(%arg5 : memref<128xi32, #tpu.memory_space<vmem>>)
        tpu.yield
      }) : () -> ()
      "tpu.region"() ({
        %run_scoped3A = tpu.sem_alloc : memref<!tpu.dma_semaphore, #tpu.memory_space<semaphore_mem>>
        %dma_start3A = arith.constant 0 : i32
        %dma_start3A_45 = tpu.memref_slice %arg2[%mul3A_43, %dma_start3A] : memref<160000x128xf32, #tpu.memory_space<hbm>> -> memref<128x32xf32, #tpu.memory_space<hbm>>
        %dma_start3A_46 = arith.constant 0 : i32
        %dma_start3A_47 = tpu.memref_slice %arg2[%mul3A_43, %dma_start3A_46] : memref<160000x128xf32, #tpu.memory_space<hbm>> -> memref<128x32xf32, #tpu.memory_space<hbm>>
        tpu.enqueue_dma source(%dma_start3A_47 : memref<128x32xf32, #tpu.memory_space<hbm>>) target(%arg6 : memref<128x32xf32, #tpu.memory_space<vmem>>) target_semaphore(%run_scoped3A : memref<!tpu.dma_semaphore, #tpu.memory_space<semaphore_mem>>)
        %dma_wait3A = arith.constant 0 : i32
        %dma_wait3A_48 = tpu.memref_slice %arg2[%mul3A_43, %dma_wait3A] : memref<160000x128xf32, #tpu.memory_space<hbm>> -> memref<128x32xf32, #tpu.memory_space<hbm>>
        %dma_wait3A_49 = arith.constant 0 : i32
        %dma_wait3A_50 = tpu.memref_slice %arg2[%mul3A_43, %dma_wait3A_49] : memref<160000x128xf32, #tpu.memory_space<hbm>> -> memref<128x32xf32, #tpu.memory_space<hbm>>
        tpu.wait_dma2 semaphore(%run_scoped3A : memref<!tpu.dma_semaphore, #tpu.memory_space<semaphore_mem>>) src(%dma_wait3A_50 : memref<128x32xf32, #tpu.memory_space<hbm>>) dst(%arg6 : memref<128x32xf32, #tpu.memory_space<vmem>>)
        tpu.yield
      }) : () -> ()
      "tpu.region"() ({
        %run_scoped3A = tpu.sem_alloc : memref<!tpu.dma_semaphore, #tpu.memory_space<semaphore_mem>>
        %dma_start3A = arith.constant 0 : i32
        %dma_start3A_45 = arith.constant 0 : i32
        %dma_start3A_46 = tpu.memref_slice %arg8[%dma_start3A, %dma_start3A_45] : memref<10000x32xf32, #tpu.memory_space<vmem_shared>> -> memref<10000x32xf32, #tpu.memory_space<vmem_shared>>
        tpu.enqueue_indirect_dma source(%arg6 : memref<128x32xf32, #tpu.memory_space<vmem>>) target(%dma_start3A_46 : memref<10000x32xf32, #tpu.memory_space<vmem_shared>>) offsets(%arg5 : memref<128xi32, #tpu.memory_space<vmem>>) semaphore(%run_scoped3A : memref<!tpu.dma_semaphore, #tpu.memory_space<semaphore_mem>>) {add = true}
        %dma_wait3A = arith.constant 0 : i32
        %dma_wait3A_47 = arith.constant 0 : i32
        %dma_wait3A_48 = tpu.memref_slice %arg8[%dma_wait3A, %dma_wait3A_47] : memref<10000x32xf32, #tpu.memory_space<vmem_shared>> -> memref<10000x32xf32, #tpu.memory_space<vmem_shared>>
        tpu.wait_indirect_dma semaphore(%run_scoped3A : memref<!tpu.dma_semaphore, #tpu.memory_space<semaphore_mem>>) src(%arg6 : memref<128x32xf32, #tpu.memory_space<vmem>>) dst(%dma_wait3A_48 : memref<10000x32xf32, #tpu.memory_space<vmem_shared>>)
        tpu.yield
      }) : () -> ()
      %while3A_44 = arith.constant 0 : i32
      scf.yield %while3A_44 : i32
    }
    %barrier3A_29 = arith.constant 0 : index
    tpu.barrier barrier_id(%barrier3A_29)
    %scan3A_30 = arith.constant 0 : i32
    %scan3A_31 = arith.constant 0 : i32
    %scan3A_32 = arith.constant 5 : i32
    %scan3A_33 = arith.addi %scan3A_31, %scan3A_32 : i32
    %scan3A_34 = arith.constant 1 : i32
    %scan3A_35 = scf.for %scan3A_37 = %scan3A_31 to %scan3A_33 step %scan3A_34 iter_args(%scan3A_38 = %scan3A_30) -> (i32)  : i32 {
      %mul3A_39 = arith.constant 625 : i32
      %mul3A_40 = arith.muli %arg1, %mul3A_39 : i32
      %mul3A_41 = arith.constant 125 : i32
      %mul3A_42 = arith.muli %scan3A_37, %mul3A_41 : i32
      %add3A_43 = arith.addi %mul3A_40, %mul3A_42 : i32
      "tpu.region"() ({
        %run_scoped3A = tpu.sem_alloc : memref<!tpu.dma_semaphore, #tpu.memory_space<semaphore_mem>>
        %dma_start3A = arith.constant 0 : i32
        %dma_start3A_48 = arith.constant 0 : i32
        %dma_start3A_49 = tpu.memref_slice %arg6[%dma_start3A, %dma_start3A_48] : memref<128x32xf32, #tpu.memory_space<vmem>> -> memref<125x32xf32, #tpu.memory_space<vmem>>
        %dma_start3A_50 = arith.constant 0 : i32
        %dma_start3A_51 = tpu.memref_slice %arg8[%add3A_43, %dma_start3A_50] : memref<10000x32xf32, #tpu.memory_space<vmem_shared>> -> memref<125x32xf32, #tpu.memory_space<vmem_shared>>
        %dma_start3A_52 = arith.constant 0 : i32
        %dma_start3A_53 = arith.constant 0 : i32
        %dma_start3A_54 = tpu.memref_slice %arg6[%dma_start3A_52, %dma_start3A_53] : memref<128x32xf32, #tpu.memory_space<vmem>> -> memref<125x32xf32, #tpu.memory_space<vmem>>
        %dma_start3A_55 = arith.constant 0 : i32
        %dma_start3A_56 = tpu.memref_slice %arg8[%add3A_43, %dma_start3A_55] : memref<10000x32xf32, #tpu.memory_space<vmem_shared>> -> memref<125x32xf32, #tpu.memory_space<vmem_shared>>
        tpu.enqueue_dma source(%dma_start3A_56 : memref<125x32xf32, #tpu.memory_space<vmem_shared>>) target(%dma_start3A_54 : memref<125x32xf32, #tpu.memory_space<vmem>>) target_semaphore(%run_scoped3A : memref<!tpu.dma_semaphore, #tpu.memory_space<semaphore_mem>>)
        %dma_wait3A = arith.constant 0 : i32
        %dma_wait3A_57 = arith.constant 0 : i32
        %dma_wait3A_58 = tpu.memref_slice %arg6[%dma_wait3A, %dma_wait3A_57] : memref<128x32xf32, #tpu.memory_space<vmem>> -> memref<125x32xf32, #tpu.memory_space<vmem>>
        %dma_wait3A_59 = arith.constant 0 : i32
        %dma_wait3A_60 = tpu.memref_slice %arg8[%add3A_43, %dma_wait3A_59] : memref<10000x32xf32, #tpu.memory_space<vmem_shared>> -> memref<125x32xf32, #tpu.memory_space<vmem_shared>>
        %dma_wait3A_61 = arith.constant 0 : i32
        %dma_wait3A_62 = arith.constant 0 : i32
        %dma_wait3A_63 = tpu.memref_slice %arg6[%dma_wait3A_61, %dma_wait3A_62] : memref<128x32xf32, #tpu.memory_space<vmem>> -> memref<125x32xf32, #tpu.memory_space<vmem>>
        %dma_wait3A_64 = arith.constant 0 : i32
        %dma_wait3A_65 = tpu.memref_slice %arg8[%add3A_43, %dma_wait3A_64] : memref<10000x32xf32, #tpu.memory_space<vmem_shared>> -> memref<125x32xf32, #tpu.memory_space<vmem_shared>>
        tpu.wait_dma2 semaphore(%run_scoped3A : memref<!tpu.dma_semaphore, #tpu.memory_space<semaphore_mem>>) src(%dma_wait3A_65 : memref<125x32xf32, #tpu.memory_space<vmem_shared>>) dst(%dma_wait3A_63 : memref<125x32xf32, #tpu.memory_space<vmem>>)
        tpu.yield
      }) : () -> ()
      %mul3A_44 = arith.constant 10000 : i32
      %mul3A_45 = arith.muli %arg0, %mul3A_44 : i32
      %add3A_46 = arith.addi %mul3A_45, %add3A_43 : i32
      "tpu.region"() ({
        %run_scoped3A = tpu.sem_alloc : memref<!tpu.dma_semaphore, #tpu.memory_space<semaphore_mem>>
        %dma_start3A = arith.constant 0 : i32
        %dma_start3A_48 = arith.constant 0 : i32
        %dma_start3A_49 = tpu.memref_slice %arg6[%dma_start3A, %dma_start3A_48] : memref<128x32xf32, #tpu.memory_space<vmem>> -> memref<125x32xf32, #tpu.memory_space<vmem>>
        %dma_start3A_50 = arith.constant 0 : i32
        %dma_start3A_51 = tpu.memref_slice %arg4[%add3A_46, %dma_start3A_50] : memref<20000x128xf32, #tpu.memory_space<hbm>> -> memref<125x32xf32, #tpu.memory_space<hbm>>
        %dma_start3A_52 = arith.constant 0 : i32
        %dma_start3A_53 = tpu.memref_slice %arg4[%add3A_46, %dma_start3A_52] : memref<20000x128xf32, #tpu.memory_space<hbm>> -> memref<125x32xf32, #tpu.memory_space<hbm>>
        %dma_start3A_54 = arith.constant 0 : i32
        %dma_start3A_55 = arith.constant 0 : i32
        %dma_start3A_56 = tpu.memref_slice %arg6[%dma_start3A_54, %dma_start3A_55] : memref<128x32xf32, #tpu.memory_space<vmem>> -> memref<125x32xf32, #tpu.memory_space<vmem>>
        tpu.enqueue_dma source(%dma_start3A_56 : memref<125x32xf32, #tpu.memory_space<vmem>>) target(%dma_start3A_53 : memref<125x32xf32, #tpu.memory_space<hbm>>) target_semaphore(%run_scoped3A : memref<!tpu.dma_semaphore, #tpu.memory_space<semaphore_mem>>)
        %dma_wait3A = arith.constant 0 : i32
        %dma_wait3A_57 = arith.constant 0 : i32
        %dma_wait3A_58 = tpu.memref_slice %arg6[%dma_wait3A, %dma_wait3A_57] : memref<128x32xf32, #tpu.memory_space<vmem>> -> memref<125x32xf32, #tpu.memory_space<vmem>>
        %dma_wait3A_59 = arith.constant 0 : i32
        %dma_wait3A_60 = tpu.memref_slice %arg4[%add3A_46, %dma_wait3A_59] : memref<20000x128xf32, #tpu.memory_space<hbm>> -> memref<125x32xf32, #tpu.memory_space<hbm>>
        %dma_wait3A_61 = arith.constant 0 : i32
        %dma_wait3A_62 = tpu.memref_slice %arg4[%add3A_46, %dma_wait3A_61] : memref<20000x128xf32, #tpu.memory_space<hbm>> -> memref<125x32xf32, #tpu.memory_space<hbm>>
        %dma_wait3A_63 = arith.constant 0 : i32
        %dma_wait3A_64 = arith.constant 0 : i32
        %dma_wait3A_65 = tpu.memref_slice %arg6[%dma_wait3A_63, %dma_wait3A_64] : memref<128x32xf32, #tpu.memory_space<vmem>> -> memref<125x32xf32, #tpu.memory_space<vmem>>
        tpu.wait_dma2 semaphore(%run_scoped3A : memref<!tpu.dma_semaphore, #tpu.memory_space<semaphore_mem>>) src(%dma_wait3A_65 : memref<125x32xf32, #tpu.memory_space<vmem>>) dst(%dma_wait3A_62 : memref<125x32xf32, #tpu.memory_space<hbm>>)
        tpu.yield
      }) : () -> ()
      %scan3A_47 = arith.constant 0 : i32
      scf.yield %scan3A_47 : i32
    }
    %scan3A_36 = arith.constant 5 : i32
    return
  }
}

#map = affine_map<(d0, d1) -> (0, 0)>
#map1 = affine_map<(d0, d1) -> (0)>
module attributes {stable_mosaic.version = 14 : i64} {
  func.func @_scg_body(%arg0: i32, %arg1: i32, %arg2: memref<10000x32xf32, #tpu.memory_space<hbm>>, %arg3: memref<10000x32xf32, #tpu.memory_space<hbm>>, %arg4: memref<160000xi32, #tpu.memory_space<hbm>>, %arg5: memref<160000xi32, #tpu.memory_space<hbm>>, %arg6: memref<160000x128xf32, #tpu.memory_space<hbm>>, %arg7: memref<128xi32, #tpu.memory_space<vmem>>, %arg8: memref<128xi32, #tpu.memory_space<vmem>>, %arg9: memref<128x32xf32, #tpu.memory_space<vmem>>, %arg10: memref<128x32xf32, #tpu.memory_space<vmem>>, %arg11: memref<!tpu.dma_semaphore, #tpu.memory_space<semaphore_mem>>, %arg12: memref<!tpu.dma_semaphore, #tpu.memory_space<semaphore_mem>>) attributes {dimension_semantics = [#tpu.dimension_semantics<core_parallel>, #tpu.dimension_semantics<subcore_parallel>], iteration_bounds = array<i64: 2, 16>, scalar_prefetch = 0 : i64, scratch_operands = 6 : i64, tpu.core_type = #tpu.core_type<sc_vector_subcore>, window_params = [{transform_indices = #map}, {transform_indices = #map}, {transform_indices = #map1}, {transform_indices = #map1}, {transform_indices = #map}]} {
    %mul3A = arith.constant 2 : i32
    %mul3A_0 = arith.muli %arg1, %mul3A : i32
    %add3A = arith.addi %mul3A_0, %arg0 : i32
    %lt3A = arith.constant 2 : i32
    %lt3A_1 = arith.cmpi slt, %add3A, %lt3A : i32
    %jit3A = arith.constant 1 : i32
    %jit3A_2 = arith.constant 0 : i32
    %select_n3A = arith.select %lt3A_1, %jit3A, %jit3A_2 : i32
    %add3A_3 = arith.constant 39 : i32
    %add3A_4 = arith.addi %add3A_3, %select_n3A : i32
    %while3A = arith.constant 0 : i32
    %while3A_5 = arith.constant 0 : i32
    %while3A_6 = arith.subi %add3A_4, %while3A : i32
    %while3A_7 = arith.addi %while3A, %while3A_6 : i32
    %while3A_8 = arith.constant 1 : i32
    %while3A_9 = arith.divsi %while3A_6, %while3A_8 : i32
    %while3A_10 = arith.muli %while3A_9, %while3A_8 : i32
    %while3A_11 = arith.addi %while3A, %while3A_10 : i32
    %while3A_12 = arith.constant 1 : i32
    %while3A_13 = scf.for %while3A_16 = %while3A to %while3A_11 step %while3A_12 iter_args(%while3A_17 = %while3A_5) -> (i32)  : i32 {
      %mul3A_18 = arith.constant 32 : i32
      %mul3A_19 = arith.muli %while3A_16, %mul3A_18 : i32
      %add3A_20 = arith.addi %add3A, %mul3A_19 : i32
      %mul3A_21 = arith.constant 128 : i32
      %mul3A_22 = arith.muli %add3A_20, %mul3A_21 : i32
      "tpu.region"() ({
        %run_scoped3A = tpu.sem_alloc : memref<!tpu.dma_semaphore, #tpu.memory_space<semaphore_mem>>
        %dma_start3A_36 = tpu.memref_slice %arg4[%mul3A_22] : memref<160000xi32, #tpu.memory_space<hbm>> -> memref<128xi32, #tpu.memory_space<hbm>>
        %dma_start3A_37 = tpu.memref_slice %arg4[%mul3A_22] : memref<160000xi32, #tpu.memory_space<hbm>> -> memref<128xi32, #tpu.memory_space<hbm>>
        tpu.enqueue_dma source(%dma_start3A_37 : memref<128xi32, #tpu.memory_space<hbm>>) target(%arg7 : memref<128xi32, #tpu.memory_space<vmem>>) target_semaphore(%run_scoped3A : memref<!tpu.dma_semaphore, #tpu.memory_space<semaphore_mem>>)
        %dma_wait3A_38 = tpu.memref_slice %arg4[%mul3A_22] : memref<160000xi32, #tpu.memory_space<hbm>> -> memref<128xi32, #tpu.memory_space<hbm>>
        %dma_wait3A_39 = tpu.memref_slice %arg4[%mul3A_22] : memref<160000xi32, #tpu.memory_space<hbm>> -> memref<128xi32, #tpu.memory_space<hbm>>
        tpu.wait_dma2 semaphore(%run_scoped3A : memref<!tpu.dma_semaphore, #tpu.memory_space<semaphore_mem>>) src(%dma_wait3A_39 : memref<128xi32, #tpu.memory_space<hbm>>) dst(%arg7 : memref<128xi32, #tpu.memory_space<vmem>>)
        tpu.yield
      }) : () -> ()
      "tpu.region"() ({
        %run_scoped3A = tpu.sem_alloc : memref<!tpu.dma_semaphore, #tpu.memory_space<semaphore_mem>>
        %dma_start3A_36 = tpu.memref_slice %arg5[%mul3A_22] : memref<160000xi32, #tpu.memory_space<hbm>> -> memref<128xi32, #tpu.memory_space<hbm>>
        %dma_start3A_37 = tpu.memref_slice %arg5[%mul3A_22] : memref<160000xi32, #tpu.memory_space<hbm>> -> memref<128xi32, #tpu.memory_space<hbm>>
        tpu.enqueue_dma source(%dma_start3A_37 : memref<128xi32, #tpu.memory_space<hbm>>) target(%arg8 : memref<128xi32, #tpu.memory_space<vmem>>) target_semaphore(%run_scoped3A : memref<!tpu.dma_semaphore, #tpu.memory_space<semaphore_mem>>)
        %dma_wait3A_38 = tpu.memref_slice %arg5[%mul3A_22] : memref<160000xi32, #tpu.memory_space<hbm>> -> memref<128xi32, #tpu.memory_space<hbm>>
        %dma_wait3A_39 = tpu.memref_slice %arg5[%mul3A_22] : memref<160000xi32, #tpu.memory_space<hbm>> -> memref<128xi32, #tpu.memory_space<hbm>>
        tpu.wait_dma2 semaphore(%run_scoped3A : memref<!tpu.dma_semaphore, #tpu.memory_space<semaphore_mem>>) src(%dma_wait3A_39 : memref<128xi32, #tpu.memory_space<hbm>>) dst(%arg8 : memref<128xi32, #tpu.memory_space<vmem>>)
        tpu.yield
      }) : () -> ()
      %dma_start3A = arith.constant 0 : i32
      %dma_start3A_23 = arith.constant 0 : i32
      %dma_start3A_24 = tpu.memref_slice %arg2[%dma_start3A, %dma_start3A_23] : memref<10000x32xf32, #tpu.memory_space<hbm>> -> memref<10000x32xf32, #tpu.memory_space<hbm>>
      tpu.enqueue_indirect_dma source(%dma_start3A_24 : memref<10000x32xf32, #tpu.memory_space<hbm>>) target(%arg9 : memref<128x32xf32, #tpu.memory_space<vmem>>) offsets(%arg7 : memref<128xi32, #tpu.memory_space<vmem>>) semaphore(%arg11 : memref<!tpu.dma_semaphore, #tpu.memory_space<semaphore_mem>>)
      %dma_start3A_25 = arith.constant 0 : i32
      %dma_start3A_26 = arith.constant 0 : i32
      %dma_start3A_27 = tpu.memref_slice %arg3[%dma_start3A_25, %dma_start3A_26] : memref<10000x32xf32, #tpu.memory_space<hbm>> -> memref<10000x32xf32, #tpu.memory_space<hbm>>
      tpu.enqueue_indirect_dma source(%dma_start3A_27 : memref<10000x32xf32, #tpu.memory_space<hbm>>) target(%arg10 : memref<128x32xf32, #tpu.memory_space<vmem>>) offsets(%arg8 : memref<128xi32, #tpu.memory_space<vmem>>) semaphore(%arg12 : memref<!tpu.dma_semaphore, #tpu.memory_space<semaphore_mem>>)
      %dma_wait3A = arith.constant 0 : i32
      %dma_wait3A_28 = arith.constant 0 : i32
      %dma_wait3A_29 = tpu.memref_slice %arg2[%dma_wait3A, %dma_wait3A_28] : memref<10000x32xf32, #tpu.memory_space<hbm>> -> memref<10000x32xf32, #tpu.memory_space<hbm>>
      tpu.wait_indirect_dma semaphore(%arg11 : memref<!tpu.dma_semaphore, #tpu.memory_space<semaphore_mem>>) src(%dma_wait3A_29 : memref<10000x32xf32, #tpu.memory_space<hbm>>) dst(%arg9 : memref<128x32xf32, #tpu.memory_space<vmem>>)
      %dma_wait3A_30 = arith.constant 0 : i32
      %dma_wait3A_31 = arith.constant 0 : i32
      %dma_wait3A_32 = tpu.memref_slice %arg3[%dma_wait3A_30, %dma_wait3A_31] : memref<10000x32xf32, #tpu.memory_space<hbm>> -> memref<10000x32xf32, #tpu.memory_space<hbm>>
      tpu.wait_indirect_dma semaphore(%arg12 : memref<!tpu.dma_semaphore, #tpu.memory_space<semaphore_mem>>) src(%dma_wait3A_32 : memref<10000x32xf32, #tpu.memory_space<hbm>>) dst(%arg10 : memref<128x32xf32, #tpu.memory_space<vmem>>)
      %parallel_loop3A = arith.constant 0 : i32
      %parallel_loop3A_33 = arith.constant 128 : i32
      %parallel_loop3A_34 = arith.constant 1 : i32
      scf.for %parallel_loop3A_36 = %parallel_loop3A to %parallel_loop3A_33 step %parallel_loop3A_34  : i32 {
        %parallel_loop3A_37 = arith.index_cast %parallel_loop3A_36 : i32 to index
        %parallel_loop3A_38 = arith.constant 0 : index
        %parallel_loop3A_39 = tpu.vector_load %arg9[%parallel_loop3A_37, %parallel_loop3A_38] {strides = array<i32>} : memref<128x32xf32, #tpu.memory_space<vmem>>, vector<16xf32>,
        %parallel_loop3A_40 = arith.index_cast %parallel_loop3A_36 : i32 to index
        %parallel_loop3A_41 = arith.constant 0 : index
        %parallel_loop3A_42 = tpu.vector_load %arg10[%parallel_loop3A_40, %parallel_loop3A_41] {strides = array<i32>} : memref<128x32xf32, #tpu.memory_space<vmem>>, vector<16xf32>,
        %parallel_loop3A_43 = arith.addf %parallel_loop3A_39, %parallel_loop3A_42 : vector<16xf32>
        %parallel_loop3A_44 = arith.index_cast %parallel_loop3A_36 : i32 to index
        %parallel_loop3A_45 = arith.constant 0 : index
        %parallel_loop3A_46 = tpu.vector_load %arg9[%parallel_loop3A_44, %parallel_loop3A_45] {strides = array<i32>} : memref<128x32xf32, #tpu.memory_space<vmem>>, vector<16xf32>,
        tpu.vector_store %arg9[%parallel_loop3A_44, %parallel_loop3A_45], %parallel_loop3A_43 {strides = array<i32>} : memref<128x32xf32, #tpu.memory_space<vmem>>, vector<16xf32>,
        %parallel_loop3A_47 = arith.index_cast %parallel_loop3A_36 : i32 to index
        %parallel_loop3A_48 = arith.constant 16 : index
        %parallel_loop3A_49 = tpu.vector_load %arg9[%parallel_loop3A_47, %parallel_loop3A_48] {strides = array<i32>} : memref<128x32xf32, #tpu.memory_space<vmem>>, vector<16xf32>,
        %parallel_loop3A_50 = arith.index_cast %parallel_loop3A_36 : i32 to index
        %parallel_loop3A_51 = arith.constant 16 : index
        %parallel_loop3A_52 = tpu.vector_load %arg10[%parallel_loop3A_50, %parallel_loop3A_51] {strides = array<i32>} : memref<128x32xf32, #tpu.memory_space<vmem>>, vector<16xf32>,
        %parallel_loop3A_53 = arith.addf %parallel_loop3A_49, %parallel_loop3A_52 : vector<16xf32>
        %parallel_loop3A_54 = arith.index_cast %parallel_loop3A_36 : i32 to index
        %parallel_loop3A_55 = arith.constant 16 : index
        %parallel_loop3A_56 = tpu.vector_load %arg9[%parallel_loop3A_54, %parallel_loop3A_55] {strides = array<i32>} : memref<128x32xf32, #tpu.memory_space<vmem>>, vector<16xf32>,
        tpu.vector_store %arg9[%parallel_loop3A_54, %parallel_loop3A_55], %parallel_loop3A_53 {strides = array<i32>} : memref<128x32xf32, #tpu.memory_space<vmem>>, vector<16xf32>,
      } {sc.loop_unroll_factor = 4 : i64, sc.parallel_access}
      "tpu.region"() ({
        %run_scoped3A = tpu.sem_alloc : memref<!tpu.dma_semaphore, #tpu.memory_space<semaphore_mem>>
        %dma_start3A_36 = arith.constant 0 : i32
        %dma_start3A_37 = tpu.memref_slice %arg6[%mul3A_22, %dma_start3A_36] : memref<160000x128xf32, #tpu.memory_space<hbm>> -> memref<128x32xf32, #tpu.memory_space<hbm>>
        %dma_start3A_38 = arith.constant 0 : i32
        %dma_start3A_39 = tpu.memref_slice %arg6[%mul3A_22, %dma_start3A_38] : memref<160000x128xf32, #tpu.memory_space<hbm>> -> memref<128x32xf32, #tpu.memory_space<hbm>>
        tpu.enqueue_dma source(%arg9 : memref<128x32xf32, #tpu.memory_space<vmem>>) target(%dma_start3A_39 : memref<128x32xf32, #tpu.memory_space<hbm>>) target_semaphore(%run_scoped3A : memref<!tpu.dma_semaphore, #tpu.memory_space<semaphore_mem>>)
        %dma_wait3A_40 = arith.constant 0 : i32
        %dma_wait3A_41 = tpu.memref_slice %arg6[%mul3A_22, %dma_wait3A_40] : memref<160000x128xf32, #tpu.memory_space<hbm>> -> memref<128x32xf32, #tpu.memory_space<hbm>>
        %dma_wait3A_42 = arith.constant 0 : i32
        %dma_wait3A_43 = tpu.memref_slice %arg6[%mul3A_22, %dma_wait3A_42] : memref<160000x128xf32, #tpu.memory_space<hbm>> -> memref<128x32xf32, #tpu.memory_space<hbm>>
        tpu.wait_dma2 semaphore(%run_scoped3A : memref<!tpu.dma_semaphore, #tpu.memory_space<semaphore_mem>>) src(%arg9 : memref<128x32xf32, #tpu.memory_space<vmem>>) dst(%dma_wait3A_43 : memref<128x32xf32, #tpu.memory_space<hbm>>)
        tpu.yield
      }) : () -> ()
      %while3A_35 = arith.constant 0 : i32
      scf.yield %while3A_35 : i32
    }
    %while3A_14 = arith.constant 1 : i32
    %while3A_15 = scf.for %while3A_16 = %while3A_11 to %while3A_7 step %while3A_14 iter_args(%while3A_17 = %while3A_13) -> (i32)  : i32 {
      %mul3A_18 = arith.constant 32 : i32
      %mul3A_19 = arith.muli %while3A_16, %mul3A_18 : i32
      %add3A_20 = arith.addi %add3A, %mul3A_19 : i32
      %mul3A_21 = arith.constant 128 : i32
      %mul3A_22 = arith.muli %add3A_20, %mul3A_21 : i32
      "tpu.region"() ({
        %run_scoped3A = tpu.sem_alloc : memref<!tpu.dma_semaphore, #tpu.memory_space<semaphore_mem>>
        %dma_start3A_36 = tpu.memref_slice %arg4[%mul3A_22] : memref<160000xi32, #tpu.memory_space<hbm>> -> memref<128xi32, #tpu.memory_space<hbm>>
        %dma_start3A_37 = tpu.memref_slice %arg4[%mul3A_22] : memref<160000xi32, #tpu.memory_space<hbm>> -> memref<128xi32, #tpu.memory_space<hbm>>
        tpu.enqueue_dma source(%dma_start3A_37 : memref<128xi32, #tpu.memory_space<hbm>>) target(%arg7 : memref<128xi32, #tpu.memory_space<vmem>>) target_semaphore(%run_scoped3A : memref<!tpu.dma_semaphore, #tpu.memory_space<semaphore_mem>>)
        %dma_wait3A_38 = tpu.memref_slice %arg4[%mul3A_22] : memref<160000xi32, #tpu.memory_space<hbm>> -> memref<128xi32, #tpu.memory_space<hbm>>
        %dma_wait3A_39 = tpu.memref_slice %arg4[%mul3A_22] : memref<160000xi32, #tpu.memory_space<hbm>> -> memref<128xi32, #tpu.memory_space<hbm>>
        tpu.wait_dma2 semaphore(%run_scoped3A : memref<!tpu.dma_semaphore, #tpu.memory_space<semaphore_mem>>) src(%dma_wait3A_39 : memref<128xi32, #tpu.memory_space<hbm>>) dst(%arg7 : memref<128xi32, #tpu.memory_space<vmem>>)
        tpu.yield
      }) : () -> ()
      "tpu.region"() ({
        %run_scoped3A = tpu.sem_alloc : memref<!tpu.dma_semaphore, #tpu.memory_space<semaphore_mem>>
        %dma_start3A_36 = tpu.memref_slice %arg5[%mul3A_22] : memref<160000xi32, #tpu.memory_space<hbm>> -> memref<128xi32, #tpu.memory_space<hbm>>
        %dma_start3A_37 = tpu.memref_slice %arg5[%mul3A_22] : memref<160000xi32, #tpu.memory_space<hbm>> -> memref<128xi32, #tpu.memory_space<hbm>>
        tpu.enqueue_dma source(%dma_start3A_37 : memref<128xi32, #tpu.memory_space<hbm>>) target(%arg8 : memref<128xi32, #tpu.memory_space<vmem>>) target_semaphore(%run_scoped3A : memref<!tpu.dma_semaphore, #tpu.memory_space<semaphore_mem>>)
        %dma_wait3A_38 = tpu.memref_slice %arg5[%mul3A_22] : memref<160000xi32, #tpu.memory_space<hbm>> -> memref<128xi32, #tpu.memory_space<hbm>>
        %dma_wait3A_39 = tpu.memref_slice %arg5[%mul3A_22] : memref<160000xi32, #tpu.memory_space<hbm>> -> memref<128xi32, #tpu.memory_space<hbm>>
        tpu.wait_dma2 semaphore(%run_scoped3A : memref<!tpu.dma_semaphore, #tpu.memory_space<semaphore_mem>>) src(%dma_wait3A_39 : memref<128xi32, #tpu.memory_space<hbm>>) dst(%arg8 : memref<128xi32, #tpu.memory_space<vmem>>)
        tpu.yield
      }) : () -> ()
      %dma_start3A = arith.constant 0 : i32
      %dma_start3A_23 = arith.constant 0 : i32
      %dma_start3A_24 = tpu.memref_slice %arg2[%dma_start3A, %dma_start3A_23] : memref<10000x32xf32, #tpu.memory_space<hbm>> -> memref<10000x32xf32, #tpu.memory_space<hbm>>
      tpu.enqueue_indirect_dma source(%dma_start3A_24 : memref<10000x32xf32, #tpu.memory_space<hbm>>) target(%arg9 : memref<128x32xf32, #tpu.memory_space<vmem>>) offsets(%arg7 : memref<128xi32, #tpu.memory_space<vmem>>) semaphore(%arg11 : memref<!tpu.dma_semaphore, #tpu.memory_space<semaphore_mem>>)
      %dma_start3A_25 = arith.constant 0 : i32
      %dma_start3A_26 = arith.constant 0 : i32
      %dma_start3A_27 = tpu.memref_slice %arg3[%dma_start3A_25, %dma_start3A_26] : memref<10000x32xf32, #tpu.memory_space<hbm>> -> memref<10000x32xf32, #tpu.memory_space<hbm>>
      tpu.enqueue_indirect_dma source(%dma_start3A_27 : memref<10000x32xf32, #tpu.memory_space<hbm>>) target(%arg10 : memref<128x32xf32, #tpu.memory_space<vmem>>) offsets(%arg8 : memref<128xi32, #tpu.memory_space<vmem>>) semaphore(%arg12 : memref<!tpu.dma_semaphore, #tpu.memory_space<semaphore_mem>>)
      %dma_wait3A = arith.constant 0 : i32
      %dma_wait3A_28 = arith.constant 0 : i32
      %dma_wait3A_29 = tpu.memref_slice %arg2[%dma_wait3A, %dma_wait3A_28] : memref<10000x32xf32, #tpu.memory_space<hbm>> -> memref<10000x32xf32, #tpu.memory_space<hbm>>
      tpu.wait_indirect_dma semaphore(%arg11 : memref<!tpu.dma_semaphore, #tpu.memory_space<semaphore_mem>>) src(%dma_wait3A_29 : memref<10000x32xf32, #tpu.memory_space<hbm>>) dst(%arg9 : memref<128x32xf32, #tpu.memory_space<vmem>>)
      %dma_wait3A_30 = arith.constant 0 : i32
      %dma_wait3A_31 = arith.constant 0 : i32
      %dma_wait3A_32 = tpu.memref_slice %arg3[%dma_wait3A_30, %dma_wait3A_31] : memref<10000x32xf32, #tpu.memory_space<hbm>> -> memref<10000x32xf32, #tpu.memory_space<hbm>>
      tpu.wait_indirect_dma semaphore(%arg12 : memref<!tpu.dma_semaphore, #tpu.memory_space<semaphore_mem>>) src(%dma_wait3A_32 : memref<10000x32xf32, #tpu.memory_space<hbm>>) dst(%arg10 : memref<128x32xf32, #tpu.memory_space<vmem>>)
      %parallel_loop3A = arith.constant 0 : i32
      %parallel_loop3A_33 = arith.constant 128 : i32
      %parallel_loop3A_34 = arith.constant 1 : i32
      scf.for %parallel_loop3A_36 = %parallel_loop3A to %parallel_loop3A_33 step %parallel_loop3A_34  : i32 {
        %parallel_loop3A_37 = arith.index_cast %parallel_loop3A_36 : i32 to index
        %parallel_loop3A_38 = arith.constant 0 : index
        %parallel_loop3A_39 = tpu.vector_load %arg9[%parallel_loop3A_37, %parallel_loop3A_38] {strides = array<i32>} : memref<128x32xf32, #tpu.memory_space<vmem>>, vector<16xf32>,
        %parallel_loop3A_40 = arith.index_cast %parallel_loop3A_36 : i32 to index
        %parallel_loop3A_41 = arith.constant 0 : index
        %parallel_loop3A_42 = tpu.vector_load %arg10[%parallel_loop3A_40, %parallel_loop3A_41] {strides = array<i32>} : memref<128x32xf32, #tpu.memory_space<vmem>>, vector<16xf32>,
        %parallel_loop3A_43 = arith.addf %parallel_loop3A_39, %parallel_loop3A_42 : vector<16xf32>
        %parallel_loop3A_44 = arith.index_cast %parallel_loop3A_36 : i32 to index
        %parallel_loop3A_45 = arith.constant 0 : index
        %parallel_loop3A_46 = tpu.vector_load %arg9[%parallel_loop3A_44, %parallel_loop3A_45] {strides = array<i32>} : memref<128x32xf32, #tpu.memory_space<vmem>>, vector<16xf32>,
        tpu.vector_store %arg9[%parallel_loop3A_44, %parallel_loop3A_45], %parallel_loop3A_43 {strides = array<i32>} : memref<128x32xf32, #tpu.memory_space<vmem>>, vector<16xf32>,
        %parallel_loop3A_47 = arith.index_cast %parallel_loop3A_36 : i32 to index
        %parallel_loop3A_48 = arith.constant 16 : index
        %parallel_loop3A_49 = tpu.vector_load %arg9[%parallel_loop3A_47, %parallel_loop3A_48] {strides = array<i32>} : memref<128x32xf32, #tpu.memory_space<vmem>>, vector<16xf32>,
        %parallel_loop3A_50 = arith.index_cast %parallel_loop3A_36 : i32 to index
        %parallel_loop3A_51 = arith.constant 16 : index
        %parallel_loop3A_52 = tpu.vector_load %arg10[%parallel_loop3A_50, %parallel_loop3A_51] {strides = array<i32>} : memref<128x32xf32, #tpu.memory_space<vmem>>, vector<16xf32>,
        %parallel_loop3A_53 = arith.addf %parallel_loop3A_49, %parallel_loop3A_52 : vector<16xf32>
        %parallel_loop3A_54 = arith.index_cast %parallel_loop3A_36 : i32 to index
        %parallel_loop3A_55 = arith.constant 16 : index
        %parallel_loop3A_56 = tpu.vector_load %arg9[%parallel_loop3A_54, %parallel_loop3A_55] {strides = array<i32>} : memref<128x32xf32, #tpu.memory_space<vmem>>, vector<16xf32>,
        tpu.vector_store %arg9[%parallel_loop3A_54, %parallel_loop3A_55], %parallel_loop3A_53 {strides = array<i32>} : memref<128x32xf32, #tpu.memory_space<vmem>>, vector<16xf32>,
      } {sc.loop_unroll_factor = 4 : i64, sc.parallel_access}
      "tpu.region"() ({
        %run_scoped3A = tpu.sem_alloc : memref<!tpu.dma_semaphore, #tpu.memory_space<semaphore_mem>>
        %dma_start3A_36 = arith.constant 0 : i32
        %dma_start3A_37 = tpu.memref_slice %arg6[%mul3A_22, %dma_start3A_36] : memref<160000x128xf32, #tpu.memory_space<hbm>> -> memref<128x32xf32, #tpu.memory_space<hbm>>
        %dma_start3A_38 = arith.constant 0 : i32
        %dma_start3A_39 = tpu.memref_slice %arg6[%mul3A_22, %dma_start3A_38] : memref<160000x128xf32, #tpu.memory_space<hbm>> -> memref<128x32xf32, #tpu.memory_space<hbm>>
        tpu.enqueue_dma source(%arg9 : memref<128x32xf32, #tpu.memory_space<vmem>>) target(%dma_start3A_39 : memref<128x32xf32, #tpu.memory_space<hbm>>) target_semaphore(%run_scoped3A : memref<!tpu.dma_semaphore, #tpu.memory_space<semaphore_mem>>)
        %dma_wait3A_40 = arith.constant 0 : i32
        %dma_wait3A_41 = tpu.memref_slice %arg6[%mul3A_22, %dma_wait3A_40] : memref<160000x128xf32, #tpu.memory_space<hbm>> -> memref<128x32xf32, #tpu.memory_space<hbm>>
        %dma_wait3A_42 = arith.constant 0 : i32
        %dma_wait3A_43 = tpu.memref_slice %arg6[%mul3A_22, %dma_wait3A_42] : memref<160000x128xf32, #tpu.memory_space<hbm>> -> memref<128x32xf32, #tpu.memory_space<hbm>>
        tpu.wait_dma2 semaphore(%run_scoped3A : memref<!tpu.dma_semaphore, #tpu.memory_space<semaphore_mem>>) src(%arg9 : memref<128x32xf32, #tpu.memory_space<vmem>>) dst(%dma_wait3A_43 : memref<128x32xf32, #tpu.memory_space<hbm>>)
        tpu.yield
      }) : () -> ()
      %while3A_35 = arith.constant 0 : i32
      scf.yield %while3A_35 : i32
    }
    return
  }
}

#map = affine_map<(d0, d1) -> (0, 0)>
#map1 = affine_map<(d0, d1) -> (0)>
module attributes {stable_mosaic.version = 14 : i64} {
  func.func @_sc2_body(%arg0: i32, %arg1: i32, %arg2: memref<320000x32xf32, #tpu.memory_space<hbm>>, %arg3: memref<320000xi32, #tpu.memory_space<hbm>>, %arg4: memref<160000x128xf32, #tpu.memory_space<hbm>>, %arg5: memref<128xi32, #tpu.memory_space<vmem>>, %arg6: memref<128xi32, #tpu.memory_space<vmem>>, %arg7: memref<128xi32, #tpu.memory_space<vmem>>, %arg8: memref<128x32xf32, #tpu.memory_space<vmem>>, %arg9: memref<128x32xf32, #tpu.memory_space<vmem>>, %arg10: memref<100x32xf32, #tpu.memory_space<vmem>>, %arg11: memref<40008x32xf32, #tpu.memory_space<vmem_shared>>, %arg12: memref<!tpu.dma_semaphore, #tpu.memory_space<semaphore_mem>>, %arg13: memref<!tpu.dma_semaphore, #tpu.memory_space<semaphore_mem>>, %arg14: memref<!tpu.dma_semaphore, #tpu.memory_space<semaphore_mem>>, %arg15: memref<!tpu.dma_semaphore, #tpu.memory_space<semaphore_mem>>) attributes {dimension_semantics = [#tpu.dimension_semantics<core_parallel>, #tpu.dimension_semantics<subcore_parallel>], iteration_bounds = array<i64: 2, 16>, scalar_prefetch = 0 : i64, scratch_operands = 11 : i64, tpu.core_type = #tpu.core_type<sc_vector_subcore>, window_params = [{transform_indices = #map}, {transform_indices = #map1}, {transform_indices = #map}]} {
    %scan3A = arith.constant 0 : i32
    %scan3A_0 = arith.constant 0 : i32
    %scan3A_1 = arith.constant 100 : i32
    %scan3A_2 = arith.addi %scan3A_0, %scan3A_1 : i32
    %scan3A_3 = arith.constant 1 : i32
    %scan3A_4 = scf.for %scan3A_100 = %scan3A_0 to %scan3A_2 step %scan3A_3 iter_args(%scan3A_101 = %scan3A) -> (i32)  : i32 {
      %broadcast_in_dim3A = arith.constant 0.000000e+00 : f32
      %broadcast_in_dim3A_102 = vector.broadcast %broadcast_in_dim3A : f32 to vector<16xf32>
      %swap3A = arith.index_cast %scan3A_100 : i32 to index
      %swap3A_103 = arith.constant 0 : index
      %swap3A_104 = tpu.vector_load %arg10[%swap3A, %swap3A_103] {strides = array<i32>} : memref<100x32xf32, #tpu.memory_space<vmem>>, vector<16xf32>,
      tpu.vector_store %arg10[%swap3A, %swap3A_103], %broadcast_in_dim3A_102 {strides = array<i32>} : memref<100x32xf32, #tpu.memory_space<vmem>>, vector<16xf32>,
      %broadcast_in_dim3A_105 = arith.constant 0.000000e+00 : f32
      %broadcast_in_dim3A_106 = vector.broadcast %broadcast_in_dim3A_105 : f32 to vector<16xf32>
      %swap3A_107 = arith.index_cast %scan3A_100 : i32 to index
      %swap3A_108 = arith.constant 16 : index
      %swap3A_109 = tpu.vector_load %arg10[%swap3A_107, %swap3A_108] {strides = array<i32>} : memref<100x32xf32, #tpu.memory_space<vmem>>, vector<16xf32>,
      tpu.vector_store %arg10[%swap3A_107, %swap3A_108], %broadcast_in_dim3A_106 {strides = array<i32>} : memref<100x32xf32, #tpu.memory_space<vmem>>, vector<16xf32>,
      %scan3A_110 = arith.constant 0 : i32
      scf.yield %scan3A_110 : i32
    }
    %scan3A_5 = arith.constant 100 : i32
    %mul3A = arith.constant 2 : i32
    %mul3A_6 = arith.muli %arg0, %mul3A : i32
    %add3A = arith.constant 0 : i32
    %add3A_7 = arith.addi %mul3A_6, %add3A : i32
    %mul3A_8 = arith.constant 40000 : i32
    %mul3A_9 = arith.muli %add3A_7, %mul3A_8 : i32
    %scan3A_10 = arith.constant 0 : i32
    %scan3A_11 = arith.constant 0 : i32
    %scan3A_12 = arith.constant 25 : i32
    %scan3A_13 = arith.addi %scan3A_11, %scan3A_12 : i32
    %scan3A_14 = arith.constant 1 : i32
    %scan3A_15 = scf.for %scan3A_100 = %scan3A_11 to %scan3A_13 step %scan3A_14 iter_args(%scan3A_101 = %scan3A_10) -> (i32)  : i32 {
      %mul3A_102 = arith.constant 2500 : i32
      %mul3A_103 = arith.muli %arg1, %mul3A_102 : i32
      %mul3A_104 = arith.constant 100 : i32
      %mul3A_105 = arith.muli %scan3A_100, %mul3A_104 : i32
      %add3A_106 = arith.addi %mul3A_103, %mul3A_105 : i32
      "tpu.region"() ({
        %run_scoped3A = tpu.sem_alloc : memref<!tpu.dma_semaphore, #tpu.memory_space<semaphore_mem>>
        %dma_start3A = arith.constant 0 : i32
        %dma_start3A_108 = tpu.memref_slice %arg11[%add3A_106, %dma_start3A] : memref<40008x32xf32, #tpu.memory_space<vmem_shared>> -> memref<100x32xf32, #tpu.memory_space<vmem_shared>>
        %dma_start3A_109 = arith.constant 0 : i32
        %dma_start3A_110 = tpu.memref_slice %arg11[%add3A_106, %dma_start3A_109] : memref<40008x32xf32, #tpu.memory_space<vmem_shared>> -> memref<100x32xf32, #tpu.memory_space<vmem_shared>>
        tpu.enqueue_dma source(%arg10 : memref<100x32xf32, #tpu.memory_space<vmem>>) target(%dma_start3A_110 : memref<100x32xf32, #tpu.memory_space<vmem_shared>>) target_semaphore(%run_scoped3A : memref<!tpu.dma_semaphore, #tpu.memory_space<semaphore_mem>>)
        %dma_wait3A = arith.constant 0 : i32
        %dma_wait3A_111 = tpu.memref_slice %arg11[%add3A_106, %dma_wait3A] : memref<40008x32xf32, #tpu.memory_space<vmem_shared>> -> memref<100x32xf32, #tpu.memory_space<vmem_shared>>
        %dma_wait3A_112 = arith.constant 0 : i32
        %dma_wait3A_113 = tpu.memref_slice %arg11[%add3A_106, %dma_wait3A_112] : memref<40008x32xf32, #tpu.memory_space<vmem_shared>> -> memref<100x32xf32, #tpu.memory_space<vmem_shared>>
        tpu.wait_dma2 semaphore(%run_scoped3A : memref<!tpu.dma_semaphore, #tpu.memory_space<semaphore_mem>>) src(%arg10 : memref<100x32xf32, #tpu.memory_space<vmem>>) dst(%dma_wait3A_113 : memref<100x32xf32, #tpu.memory_space<vmem_shared>>)
        tpu.yield
      }) : () -> ()
      %scan3A_107 = arith.constant 0 : i32
      scf.yield %scan3A_107 : i32
    }
    %scan3A_16 = arith.constant 25 : i32
    %eq3A = arith.constant 0 : i32
    %eq3A_17 = arith.cmpi eq, %arg1, %eq3A : i32
    %convert_element_type3A = arith.extui %eq3A_17 : i1 to i32
    %cond3A = arith.constant 0 : i32
    %cond3A_18 = arith.cmpi ne, %convert_element_type3A, %cond3A : i32
    scf.if %cond3A_18 {
      "tpu.region"() ({
        %run_scoped3A = tpu.sem_alloc : memref<!tpu.dma_semaphore, #tpu.memory_space<semaphore_mem>>
        %dma_start3A = arith.constant 0 : i32
        %dma_start3A_100 = arith.constant 0 : i32
        %dma_start3A_101 = tpu.memref_slice %arg10[%dma_start3A, %dma_start3A_100] : memref<100x32xf32, #tpu.memory_space<vmem>> -> memref<8x32xf32, #tpu.memory_space<vmem>>
        %dma_start3A_102 = arith.constant 40000 : i32
        %dma_start3A_103 = arith.constant 0 : i32
        %dma_start3A_104 = tpu.memref_slice %arg11[%dma_start3A_102, %dma_start3A_103] : memref<40008x32xf32, #tpu.memory_space<vmem_shared>> -> memref<8x32xf32, #tpu.memory_space<vmem_shared>>
        %dma_start3A_105 = arith.constant 40000 : i32
        %dma_start3A_106 = arith.constant 0 : i32
        %dma_start3A_107 = tpu.memref_slice %arg11[%dma_start3A_105, %dma_start3A_106] : memref<40008x32xf32, #tpu.memory_space<vmem_shared>> -> memref<8x32xf32, #tpu.memory_space<vmem_shared>>
        %dma_start3A_108 = arith.constant 0 : i32
        %dma_start3A_109 = arith.constant 0 : i32
        %dma_start3A_110 = tpu.memref_slice %arg10[%dma_start3A_108, %dma_start3A_109] : memref<100x32xf32, #tpu.memory_space<vmem>> -> memref<8x32xf32, #tpu.memory_space<vmem>>
        tpu.enqueue_dma source(%dma_start3A_110 : memref<8x32xf32, #tpu.memory_space<vmem>>) target(%dma_start3A_107 : memref<8x32xf32, #tpu.memory_space<vmem_shared>>) target_semaphore(%run_scoped3A : memref<!tpu.dma_semaphore, #tpu.memory_space<semaphore_mem>>)
        %dma_wait3A = arith.constant 0 : i32
        %dma_wait3A_111 = arith.constant 0 : i32
        %dma_wait3A_112 = tpu.memref_slice %arg10[%dma_wait3A, %dma_wait3A_111] : memref<100x32xf32, #tpu.memory_space<vmem>> -> memref<8x32xf32, #tpu.memory_space<vmem>>
        %dma_wait3A_113 = arith.constant 40000 : i32
        %dma_wait3A_114 = arith.constant 0 : i32
        %dma_wait3A_115 = tpu.memref_slice %arg11[%dma_wait3A_113, %dma_wait3A_114] : memref<40008x32xf32, #tpu.memory_space<vmem_shared>> -> memref<8x32xf32, #tpu.memory_space<vmem_shared>>
        %dma_wait3A_116 = arith.constant 40000 : i32
        %dma_wait3A_117 = arith.constant 0 : i32
        %dma_wait3A_118 = tpu.memref_slice %arg11[%dma_wait3A_116, %dma_wait3A_117] : memref<40008x32xf32, #tpu.memory_space<vmem_shared>> -> memref<8x32xf32, #tpu.memory_space<vmem_shared>>
        %dma_wait3A_119 = arith.constant 0 : i32
        %dma_wait3A_120 = arith.constant 0 : i32
        %dma_wait3A_121 = tpu.memref_slice %arg10[%dma_wait3A_119, %dma_wait3A_120] : memref<100x32xf32, #tpu.memory_space<vmem>> -> memref<8x32xf32, #tpu.memory_space<vmem>>
        tpu.wait_dma2 semaphore(%run_scoped3A : memref<!tpu.dma_semaphore, #tpu.memory_space<semaphore_mem>>) src(%dma_wait3A_121 : memref<8x32xf32, #tpu.memory_space<vmem>>) dst(%dma_wait3A_118 : memref<8x32xf32, #tpu.memory_space<vmem_shared>>)
        tpu.yield
      }) : () -> ()
    } else {
    }
    %barrier3A = arith.constant 0 : index
    tpu.barrier barrier_id(%barrier3A)
    %lt3A = arith.constant 4 : i32
    %lt3A_19 = arith.cmpi slt, %arg1, %lt3A : i32
    %jit3A = arith.constant 1 : i32
    %jit3A_20 = arith.constant 0 : i32
    %select_n3A = arith.select %lt3A_19, %jit3A, %jit3A_20 : i32
    %add3A_21 = arith.constant 156 : i32
    %add3A_22 = arith.addi %add3A_21, %select_n3A : i32
    %gt3A = arith.constant 0 : i32
    %gt3A_23 = arith.cmpi sgt, %add3A_22, %gt3A : i32
    %convert_element_type3A_24 = arith.extui %gt3A_23 : i1 to i32
    %cond3A_25 = arith.constant 0 : i32
    %cond3A_26 = arith.cmpi ne, %convert_element_type3A_24, %cond3A_25 : i32
    scf.if %cond3A_26 {
      %add3A_100 = arith.constant 0 : i32
      %add3A_101 = arith.addi %arg1, %add3A_100 : i32
      %mul3A_102 = arith.constant 128 : i32
      %mul3A_103 = arith.muli %add3A_101, %mul3A_102 : i32
      %dma_start3A = tpu.memref_slice %arg3[%mul3A_103] : memref<320000xi32, #tpu.memory_space<hbm>> -> memref<128xi32, #tpu.memory_space<hbm>>
      %dma_start3A_104 = tpu.memref_slice %arg3[%mul3A_103] : memref<320000xi32, #tpu.memory_space<hbm>> -> memref<128xi32, #tpu.memory_space<hbm>>
      tpu.enqueue_dma source(%dma_start3A_104 : memref<128xi32, #tpu.memory_space<hbm>>) target(%arg5 : memref<128xi32, #tpu.memory_space<vmem>>) target_semaphore(%arg12 : memref<!tpu.dma_semaphore, #tpu.memory_space<semaphore_mem>>)
      %dma_start3A_105 = arith.constant 0 : i32
      %dma_start3A_106 = tpu.memref_slice %arg2[%mul3A_103, %dma_start3A_105] : memref<320000x32xf32, #tpu.memory_space<hbm>> -> memref<128x32xf32, #tpu.memory_space<hbm>>
      %dma_start3A_107 = arith.constant 0 : i32
      %dma_start3A_108 = tpu.memref_slice %arg2[%mul3A_103, %dma_start3A_107] : memref<320000x32xf32, #tpu.memory_space<hbm>> -> memref<128x32xf32, #tpu.memory_space<hbm>>
      tpu.enqueue_dma source(%dma_start3A_108 : memref<128x32xf32, #tpu.memory_space<hbm>>) target(%arg8 : memref<128x32xf32, #tpu.memory_space<vmem>>) target_semaphore(%arg14 : memref<!tpu.dma_semaphore, #tpu.memory_space<semaphore_mem>>)
    } else {
    }
    %gt3A_27 = arith.constant 1 : i32
    %gt3A_28 = arith.cmpi sgt, %add3A_22, %gt3A_27 : i32
    %convert_element_type3A_29 = arith.extui %gt3A_28 : i1 to i32
    %cond3A_30 = arith.constant 0 : i32
    %cond3A_31 = arith.cmpi ne, %convert_element_type3A_29, %cond3A_30 : i32
    scf.if %cond3A_31 {
      %add3A_100 = arith.constant 16 : i32
      %add3A_101 = arith.addi %arg1, %add3A_100 : i32
      %mul3A_102 = arith.constant 128 : i32
      %mul3A_103 = arith.muli %add3A_101, %mul3A_102 : i32
      %dma_start3A = tpu.memref_slice %arg3[%mul3A_103] : memref<320000xi32, #tpu.memory_space<hbm>> -> memref<128xi32, #tpu.memory_space<hbm>>
      %dma_start3A_104 = tpu.memref_slice %arg3[%mul3A_103] : memref<320000xi32, #tpu.memory_space<hbm>> -> memref<128xi32, #tpu.memory_space<hbm>>
      tpu.enqueue_dma source(%dma_start3A_104 : memref<128xi32, #tpu.memory_space<hbm>>) target(%arg6 : memref<128xi32, #tpu.memory_space<vmem>>) target_semaphore(%arg13 : memref<!tpu.dma_semaphore, #tpu.memory_space<semaphore_mem>>)
      %dma_start3A_105 = arith.constant 0 : i32
      %dma_start3A_106 = tpu.memref_slice %arg2[%mul3A_103, %dma_start3A_105] : memref<320000x32xf32, #tpu.memory_space<hbm>> -> memref<128x32xf32, #tpu.memory_space<hbm>>
      %dma_start3A_107 = arith.constant 0 : i32
      %dma_start3A_108 = tpu.memref_slice %arg2[%mul3A_103, %dma_start3A_107] : memref<320000x32xf32, #tpu.memory_space<hbm>> -> memref<128x32xf32, #tpu.memory_space<hbm>>
      tpu.enqueue_dma source(%dma_start3A_108 : memref<128x32xf32, #tpu.memory_space<hbm>>) target(%arg9 : memref<128x32xf32, #tpu.memory_space<vmem>>) target_semaphore(%arg15 : memref<!tpu.dma_semaphore, #tpu.memory_space<semaphore_mem>>)
    } else {
    }
    %scan3A_32 = arith.constant 0 : i32
    %scan3A_33 = arith.constant 0 : i32
    %scan3A_34 = arith.constant 79 : i32
    %scan3A_35 = arith.addi %scan3A_33, %scan3A_34 : i32
    %scan3A_36 = arith.constant 1 : i32
    %scan3A_37 = scf.for %scan3A_100 = %scan3A_33 to %scan3A_35 step %scan3A_36 iter_args(%scan3A_101 = %scan3A_32) -> (i32)  : i32 {
      %mul3A_102 = arith.constant 2 : i32
      %mul3A_103 = arith.muli %mul3A_102, %scan3A_100 : i32
      %add3A_104 = arith.constant 0 : i32
      %add3A_105 = arith.addi %mul3A_103, %add3A_104 : i32
      %lt3A_106 = arith.cmpi slt, %add3A_105, %add3A_22 : i32
      %convert_element_type3A_107 = arith.extui %lt3A_106 : i1 to i32
      %cond3A_108 = arith.constant 0 : i32
      %cond3A_109 = arith.cmpi ne, %convert_element_type3A_107, %cond3A_108 : i32
      scf.if %cond3A_109 {
        %mul3A_119 = arith.constant 16 : i32
        %mul3A_120 = arith.muli %add3A_105, %mul3A_119 : i32
        %add3A_121 = arith.addi %arg1, %mul3A_120 : i32
        %mul3A_122 = arith.constant 128 : i32
        %mul3A_123 = arith.muli %add3A_121, %mul3A_122 : i32
        %dma_wait3A = tpu.memref_slice %arg3[%mul3A_123] : memref<320000xi32, #tpu.memory_space<hbm>> -> memref<128xi32, #tpu.memory_space<hbm>>
        %dma_wait3A_124 = tpu.memref_slice %arg3[%mul3A_123] : memref<320000xi32, #tpu.memory_space<hbm>> -> memref<128xi32, #tpu.memory_space<hbm>>
        tpu.wait_dma2 semaphore(%arg12 : memref<!tpu.dma_semaphore, #tpu.memory_space<semaphore_mem>>) src(%dma_wait3A_124 : memref<128xi32, #tpu.memory_space<hbm>>) dst(%arg5 : memref<128xi32, #tpu.memory_space<vmem>>)
        %dma_wait3A_125 = arith.constant 0 : i32
        %dma_wait3A_126 = tpu.memref_slice %arg2[%mul3A_123, %dma_wait3A_125] : memref<320000x32xf32, #tpu.memory_space<hbm>> -> memref<128x32xf32, #tpu.memory_space<hbm>>
        %dma_wait3A_127 = arith.constant 0 : i32
        %dma_wait3A_128 = tpu.memref_slice %arg2[%mul3A_123, %dma_wait3A_127] : memref<320000x32xf32, #tpu.memory_space<hbm>> -> memref<128x32xf32, #tpu.memory_space<hbm>>
        tpu.wait_dma2 semaphore(%arg14 : memref<!tpu.dma_semaphore, #tpu.memory_space<semaphore_mem>>) src(%dma_wait3A_128 : memref<128x32xf32, #tpu.memory_space<hbm>>) dst(%arg8 : memref<128x32xf32, #tpu.memory_space<vmem>>)
        %get3A = arith.constant 0 : index
        %get3A_129 = tpu.vector_load %arg5[%get3A] {strides = array<i32>} : memref<128xi32, #tpu.memory_space<vmem>>, vector<16xi32>,
        %sub3A = vector.broadcast %mul3A_9 : i32 to vector<16xi32>
        %sub3A_130 = arith.subi %get3A_129, %sub3A : vector<16xi32>
        %ge3A = arith.constant 0 : i32
        %ge3A_131 = vector.broadcast %ge3A : i32 to vector<16xi32>
        %ge3A_132 = arith.cmpi sge, %sub3A_130, %ge3A_131 : vector<16xi32>
        %lt3A_133 = arith.constant 40000 : i32
        %lt3A_134 = vector.broadcast %lt3A_133 : i32 to vector<16xi32>
        %lt3A_135 = arith.cmpi slt, %sub3A_130, %lt3A_134 : vector<16xi32>
        %and3A = arith.andi %ge3A_132, %lt3A_135 : vector<16xi1>
        %jit3A_136 = arith.constant 40000 : i32
        %broadcast_in_dim3A = vector.broadcast %jit3A_136 : i32 to vector<16xi32>
        %select_n3A_137 = arith.select %and3A, %sub3A_130, %broadcast_in_dim3A : vector<16xi1>, vector<16xi32>
        %swap3A = arith.constant 0 : index
        %swap3A_138 = tpu.vector_load %arg7[%swap3A] {strides = array<i32>} : memref<128xi32, #tpu.memory_space<vmem>>, vector<16xi32>,
        tpu.vector_store %arg7[%swap3A], %select_n3A_137 {strides = array<i32>} : memref<128xi32, #tpu.memory_space<vmem>>, vector<16xi32>,
        %get3A_139 = arith.constant 16 : index
        %get3A_140 = tpu.vector_load %arg5[%get3A_139] {strides = array<i32>} : memref<128xi32, #tpu.memory_space<vmem>>, vector<16xi32>,
        %sub3A_141 = vector.broadcast %mul3A_9 : i32 to vector<16xi32>
        %sub3A_142 = arith.subi %get3A_140, %sub3A_141 : vector<16xi32>
        %ge3A_143 = arith.constant 0 : i32
        %ge3A_144 = vector.broadcast %ge3A_143 : i32 to vector<16xi32>
        %ge3A_145 = arith.cmpi sge, %sub3A_142, %ge3A_144 : vector<16xi32>
        %lt3A_146 = arith.constant 40000 : i32
        %lt3A_147 = vector.broadcast %lt3A_146 : i32 to vector<16xi32>
        %lt3A_148 = arith.cmpi slt, %sub3A_142, %lt3A_147 : vector<16xi32>
        %and3A_149 = arith.andi %ge3A_145, %lt3A_148 : vector<16xi1>
        %jit3A_150 = arith.constant 40000 : i32
        %broadcast_in_dim3A_151 = vector.broadcast %jit3A_150 : i32 to vector<16xi32>
        %select_n3A_152 = arith.select %and3A_149, %sub3A_142, %broadcast_in_dim3A_151 : vector<16xi1>, vector<16xi32>
        %swap3A_153 = arith.constant 16 : index
        %swap3A_154 = tpu.vector_load %arg7[%swap3A_153] {strides = array<i32>} : memref<128xi32, #tpu.memory_space<vmem>>, vector<16xi32>,
        tpu.vector_store %arg7[%swap3A_153], %select_n3A_152 {strides = array<i32>} : memref<128xi32, #tpu.memory_space<vmem>>, vector<16xi32>,
        %get3A_155 = arith.constant 32 : index
        %get3A_156 = tpu.vector_load %arg5[%get3A_155] {strides = array<i32>} : memref<128xi32, #tpu.memory_space<vmem>>, vector<16xi32>,
        %sub3A_157 = vector.broadcast %mul3A_9 : i32 to vector<16xi32>
        %sub3A_158 = arith.subi %get3A_156, %sub3A_157 : vector<16xi32>
        %ge3A_159 = arith.constant 0 : i32
        %ge3A_160 = vector.broadcast %ge3A_159 : i32 to vector<16xi32>
        %ge3A_161 = arith.cmpi sge, %sub3A_158, %ge3A_160 : vector<16xi32>
        %lt3A_162 = arith.constant 40000 : i32
        %lt3A_163 = vector.broadcast %lt3A_162 : i32 to vector<16xi32>
        %lt3A_164 = arith.cmpi slt, %sub3A_158, %lt3A_163 : vector<16xi32>
        %and3A_165 = arith.andi %ge3A_161, %lt3A_164 : vector<16xi1>
        %jit3A_166 = arith.constant 40000 : i32
        %broadcast_in_dim3A_167 = vector.broadcast %jit3A_166 : i32 to vector<16xi32>
        %select_n3A_168 = arith.select %and3A_165, %sub3A_158, %broadcast_in_dim3A_167 : vector<16xi1>, vector<16xi32>
        %swap3A_169 = arith.constant 32 : index
        %swap3A_170 = tpu.vector_load %arg7[%swap3A_169] {strides = array<i32>} : memref<128xi32, #tpu.memory_space<vmem>>, vector<16xi32>,
        tpu.vector_store %arg7[%swap3A_169], %select_n3A_168 {strides = array<i32>} : memref<128xi32, #tpu.memory_space<vmem>>, vector<16xi32>,
        %get3A_171 = arith.constant 48 : index
        %get3A_172 = tpu.vector_load %arg5[%get3A_171] {strides = array<i32>} : memref<128xi32, #tpu.memory_space<vmem>>, vector<16xi32>,
        %sub3A_173 = vector.broadcast %mul3A_9 : i32 to vector<16xi32>
        %sub3A_174 = arith.subi %get3A_172, %sub3A_173 : vector<16xi32>
        %ge3A_175 = arith.constant 0 : i32
        %ge3A_176 = vector.broadcast %ge3A_175 : i32 to vector<16xi32>
        %ge3A_177 = arith.cmpi sge, %sub3A_174, %ge3A_176 : vector<16xi32>
        %lt3A_178 = arith.constant 40000 : i32
        %lt3A_179 = vector.broadcast %lt3A_178 : i32 to vector<16xi32>
        %lt3A_180 = arith.cmpi slt, %sub3A_174, %lt3A_179 : vector<16xi32>
        %and3A_181 = arith.andi %ge3A_177, %lt3A_180 : vector<16xi1>
        %jit3A_182 = arith.constant 40000 : i32
        %broadcast_in_dim3A_183 = vector.broadcast %jit3A_182 : i32 to vector<16xi32>
        %select_n3A_184 = arith.select %and3A_181, %sub3A_174, %broadcast_in_dim3A_183 : vector<16xi1>, vector<16xi32>
        %swap3A_185 = arith.constant 48 : index
        %swap3A_186 = tpu.vector_load %arg7[%swap3A_185] {strides = array<i32>} : memref<128xi32, #tpu.memory_space<vmem>>, vector<16xi32>,
        tpu.vector_store %arg7[%swap3A_185], %select_n3A_184 {strides = array<i32>} : memref<128xi32, #tpu.memory_space<vmem>>, vector<16xi32>,
        %get3A_187 = arith.constant 64 : index
        %get3A_188 = tpu.vector_load %arg5[%get3A_187] {strides = array<i32>} : memref<128xi32, #tpu.memory_space<vmem>>, vector<16xi32>,
        %sub3A_189 = vector.broadcast %mul3A_9 : i32 to vector<16xi32>
        %sub3A_190 = arith.subi %get3A_188, %sub3A_189 : vector<16xi32>
        %ge3A_191 = arith.constant 0 : i32
        %ge3A_192 = vector.broadcast %ge3A_191 : i32 to vector<16xi32>
        %ge3A_193 = arith.cmpi sge, %sub3A_190, %ge3A_192 : vector<16xi32>
        %lt3A_194 = arith.constant 40000 : i32
        %lt3A_195 = vector.broadcast %lt3A_194 : i32 to vector<16xi32>
        %lt3A_196 = arith.cmpi slt, %sub3A_190, %lt3A_195 : vector<16xi32>
        %and3A_197 = arith.andi %ge3A_193, %lt3A_196 : vector<16xi1>
        %jit3A_198 = arith.constant 40000 : i32
        %broadcast_in_dim3A_199 = vector.broadcast %jit3A_198 : i32 to vector<16xi32>
        %select_n3A_200 = arith.select %and3A_197, %sub3A_190, %broadcast_in_dim3A_199 : vector<16xi1>, vector<16xi32>
        %swap3A_201 = arith.constant 64 : index
        %swap3A_202 = tpu.vector_load %arg7[%swap3A_201] {strides = array<i32>} : memref<128xi32, #tpu.memory_space<vmem>>, vector<16xi32>,
        tpu.vector_store %arg7[%swap3A_201], %select_n3A_200 {strides = array<i32>} : memref<128xi32, #tpu.memory_space<vmem>>, vector<16xi32>,
        %get3A_203 = arith.constant 80 : index
        %get3A_204 = tpu.vector_load %arg5[%get3A_203] {strides = array<i32>} : memref<128xi32, #tpu.memory_space<vmem>>, vector<16xi32>,
        %sub3A_205 = vector.broadcast %mul3A_9 : i32 to vector<16xi32>
        %sub3A_206 = arith.subi %get3A_204, %sub3A_205 : vector<16xi32>
        %ge3A_207 = arith.constant 0 : i32
        %ge3A_208 = vector.broadcast %ge3A_207 : i32 to vector<16xi32>
        %ge3A_209 = arith.cmpi sge, %sub3A_206, %ge3A_208 : vector<16xi32>
        %lt3A_210 = arith.constant 40000 : i32
        %lt3A_211 = vector.broadcast %lt3A_210 : i32 to vector<16xi32>
        %lt3A_212 = arith.cmpi slt, %sub3A_206, %lt3A_211 : vector<16xi32>
        %and3A_213 = arith.andi %ge3A_209, %lt3A_212 : vector<16xi1>
        %jit3A_214 = arith.constant 40000 : i32
        %broadcast_in_dim3A_215 = vector.broadcast %jit3A_214 : i32 to vector<16xi32>
        %select_n3A_216 = arith.select %and3A_213, %sub3A_206, %broadcast_in_dim3A_215 : vector<16xi1>, vector<16xi32>
        %swap3A_217 = arith.constant 80 : index
        %swap3A_218 = tpu.vector_load %arg7[%swap3A_217] {strides = array<i32>} : memref<128xi32, #tpu.memory_space<vmem>>, vector<16xi32>,
        tpu.vector_store %arg7[%swap3A_217], %select_n3A_216 {strides = array<i32>} : memref<128xi32, #tpu.memory_space<vmem>>, vector<16xi32>,
        %get3A_219 = arith.constant 96 : index
        %get3A_220 = tpu.vector_load %arg5[%get3A_219] {strides = array<i32>} : memref<128xi32, #tpu.memory_space<vmem>>, vector<16xi32>,
        %sub3A_221 = vector.broadcast %mul3A_9 : i32 to vector<16xi32>
        %sub3A_222 = arith.subi %get3A_220, %sub3A_221 : vector<16xi32>
        %ge3A_223 = arith.constant 0 : i32
        %ge3A_224 = vector.broadcast %ge3A_223 : i32 to vector<16xi32>
        %ge3A_225 = arith.cmpi sge, %sub3A_222, %ge3A_224 : vector<16xi32>
        %lt3A_226 = arith.constant 40000 : i32
        %lt3A_227 = vector.broadcast %lt3A_226 : i32 to vector<16xi32>
        %lt3A_228 = arith.cmpi slt, %sub3A_222, %lt3A_227 : vector<16xi32>
        %and3A_229 = arith.andi %ge3A_225, %lt3A_228 : vector<16xi1>
        %jit3A_230 = arith.constant 40000 : i32
        %broadcast_in_dim3A_231 = vector.broadcast %jit3A_230 : i32 to vector<16xi32>
        %select_n3A_232 = arith.select %and3A_229, %sub3A_222, %broadcast_in_dim3A_231 : vector<16xi1>, vector<16xi32>
        %swap3A_233 = arith.constant 96 : index
        %swap3A_234 = tpu.vector_load %arg7[%swap3A_233] {strides = array<i32>} : memref<128xi32, #tpu.memory_space<vmem>>, vector<16xi32>,
        tpu.vector_store %arg7[%swap3A_233], %select_n3A_232 {strides = array<i32>} : memref<128xi32, #tpu.memory_space<vmem>>, vector<16xi32>,
        %get3A_235 = arith.constant 112 : index
        %get3A_236 = tpu.vector_load %arg5[%get3A_235] {strides = array<i32>} : memref<128xi32, #tpu.memory_space<vmem>>, vector<16xi32>,
        %sub3A_237 = vector.broadcast %mul3A_9 : i32 to vector<16xi32>
        %sub3A_238 = arith.subi %get3A_236, %sub3A_237 : vector<16xi32>
        %ge3A_239 = arith.constant 0 : i32
        %ge3A_240 = vector.broadcast %ge3A_239 : i32 to vector<16xi32>
        %ge3A_241 = arith.cmpi sge, %sub3A_238, %ge3A_240 : vector<16xi32>
        %lt3A_242 = arith.constant 40000 : i32
        %lt3A_243 = vector.broadcast %lt3A_242 : i32 to vector<16xi32>
        %lt3A_244 = arith.cmpi slt, %sub3A_238, %lt3A_243 : vector<16xi32>
        %and3A_245 = arith.andi %ge3A_241, %lt3A_244 : vector<16xi1>
        %jit3A_246 = arith.constant 40000 : i32
        %broadcast_in_dim3A_247 = vector.broadcast %jit3A_246 : i32 to vector<16xi32>
        %select_n3A_248 = arith.select %and3A_245, %sub3A_238, %broadcast_in_dim3A_247 : vector<16xi1>, vector<16xi32>
        %swap3A_249 = arith.constant 112 : index
        %swap3A_250 = tpu.vector_load %arg7[%swap3A_249] {strides = array<i32>} : memref<128xi32, #tpu.memory_space<vmem>>, vector<16xi32>,
        tpu.vector_store %arg7[%swap3A_249], %select_n3A_248 {strides = array<i32>} : memref<128xi32, #tpu.memory_space<vmem>>, vector<16xi32>,
        "tpu.region"() ({
          %run_scoped3A = tpu.sem_alloc : memref<!tpu.dma_semaphore, #tpu.memory_space<semaphore_mem>>
          %dma_start3A = arith.constant 0 : i32
          %dma_start3A_257 = arith.constant 0 : i32
          %dma_start3A_258 = tpu.memref_slice %arg11[%dma_start3A, %dma_start3A_257] : memref<40008x32xf32, #tpu.memory_space<vmem_shared>> -> memref<40008x32xf32, #tpu.memory_space<vmem_shared>>
          tpu.enqueue_indirect_dma source(%arg8 : memref<128x32xf32, #tpu.memory_space<vmem>>) target(%dma_start3A_258 : memref<40008x32xf32, #tpu.memory_space<vmem_shared>>) offsets(%arg7 : memref<128xi32, #tpu.memory_space<vmem>>) semaphore(%run_scoped3A : memref<!tpu.dma_semaphore, #tpu.memory_space<semaphore_mem>>) {add = true}
          %dma_wait3A_259 = arith.constant 0 : i32
          %dma_wait3A_260 = arith.constant 0 : i32
          %dma_wait3A_261 = tpu.memref_slice %arg11[%dma_wait3A_259, %dma_wait3A_260] : memref<40008x32xf32, #tpu.memory_space<vmem_shared>> -> memref<40008x32xf32, #tpu.memory_space<vmem_shared>>
          tpu.wait_indirect_dma semaphore(%run_scoped3A : memref<!tpu.dma_semaphore, #tpu.memory_space<semaphore_mem>>) src(%arg8 : memref<128x32xf32, #tpu.memory_space<vmem>>) dst(%dma_wait3A_261 : memref<40008x32xf32, #tpu.memory_space<vmem_shared>>)
          tpu.yield
        }) : () -> ()
        %add3A_251 = arith.constant 2 : i32
        %add3A_252 = arith.addi %add3A_105, %add3A_251 : i32
        %lt3A_253 = arith.cmpi slt, %add3A_252, %add3A_22 : i32
        %convert_element_type3A_254 = arith.extui %lt3A_253 : i1 to i32
        %cond3A_255 = arith.constant 0 : i32
        %cond3A_256 = arith.cmpi ne, %convert_element_type3A_254, %cond3A_255 : i32
        scf.if %cond3A_256 {
          %add3A_257 = arith.constant 2 : i32
          %add3A_258 = arith.addi %add3A_105, %add3A_257 : i32
          %mul3A_259 = arith.constant 16 : i32
          %mul3A_260 = arith.muli %add3A_258, %mul3A_259 : i32
          %add3A_261 = arith.addi %arg1, %mul3A_260 : i32
          %mul3A_262 = arith.constant 128 : i32
          %mul3A_263 = arith.muli %add3A_261, %mul3A_262 : i32
          %dma_start3A = tpu.memref_slice %arg3[%mul3A_263] : memref<320000xi32, #tpu.memory_space<hbm>> -> memref<128xi32, #tpu.memory_space<hbm>>
          %dma_start3A_264 = tpu.memref_slice %arg3[%mul3A_263] : memref<320000xi32, #tpu.memory_space<hbm>> -> memref<128xi32, #tpu.memory_space<hbm>>
          tpu.enqueue_dma source(%dma_start3A_264 : memref<128xi32, #tpu.memory_space<hbm>>) target(%arg5 : memref<128xi32, #tpu.memory_space<vmem>>) target_semaphore(%arg12 : memref<!tpu.dma_semaphore, #tpu.memory_space<semaphore_mem>>)
          %dma_start3A_265 = arith.constant 0 : i32
          %dma_start3A_266 = tpu.memref_slice %arg2[%mul3A_263, %dma_start3A_265] : memref<320000x32xf32, #tpu.memory_space<hbm>> -> memref<128x32xf32, #tpu.memory_space<hbm>>
          %dma_start3A_267 = arith.constant 0 : i32
          %dma_start3A_268 = tpu.memref_slice %arg2[%mul3A_263, %dma_start3A_267] : memref<320000x32xf32, #tpu.memory_space<hbm>> -> memref<128x32xf32, #tpu.memory_space<hbm>>
          tpu.enqueue_dma source(%dma_start3A_268 : memref<128x32xf32, #tpu.memory_space<hbm>>) target(%arg8 : memref<128x32xf32, #tpu.memory_space<vmem>>) target_semaphore(%arg14 : memref<!tpu.dma_semaphore, #tpu.memory_space<semaphore_mem>>)
        } else {
        }
      } else {
      }
      %mul3A_110 = arith.constant 2 : i32
      %mul3A_111 = arith.muli %mul3A_110, %scan3A_100 : i32
      %add3A_112 = arith.constant 1 : i32
      %add3A_113 = arith.addi %mul3A_111, %add3A_112 : i32
      %lt3A_114 = arith.cmpi slt, %add3A_113, %add3A_22 : i32
      %convert_element_type3A_115 = arith.extui %lt3A_114 : i1 to i32
      %cond3A_116 = arith.constant 0 : i32
      %cond3A_117 = arith.cmpi ne, %convert_element_type3A_115, %cond3A_116 : i32
      scf.if %cond3A_117 {
        %mul3A_119 = arith.constant 16 : i32
        %mul3A_120 = arith.muli %add3A_113, %mul3A_119 : i32
        %add3A_121 = arith.addi %arg1, %mul3A_120 : i32
        %mul3A_122 = arith.constant 128 : i32
        %mul3A_123 = arith.muli %add3A_121, %mul3A_122 : i32
        %dma_wait3A = tpu.memref_slice %arg3[%mul3A_123] : memref<320000xi32, #tpu.memory_space<hbm>> -> memref<128xi32, #tpu.memory_space<hbm>>
        %dma_wait3A_124 = tpu.memref_slice %arg3[%mul3A_123] : memref<320000xi32, #tpu.memory_space<hbm>> -> memref<128xi32, #tpu.memory_space<hbm>>
        tpu.wait_dma2 semaphore(%arg13 : memref<!tpu.dma_semaphore, #tpu.memory_space<semaphore_mem>>) src(%dma_wait3A_124 : memref<128xi32, #tpu.memory_space<hbm>>) dst(%arg6 : memref<128xi32, #tpu.memory_space<vmem>>)
        %dma_wait3A_125 = arith.constant 0 : i32
        %dma_wait3A_126 = tpu.memref_slice %arg2[%mul3A_123, %dma_wait3A_125] : memref<320000x32xf32, #tpu.memory_space<hbm>> -> memref<128x32xf32, #tpu.memory_space<hbm>>
        %dma_wait3A_127 = arith.constant 0 : i32
        %dma_wait3A_128 = tpu.memref_slice %arg2[%mul3A_123, %dma_wait3A_127] : memref<320000x32xf32, #tpu.memory_space<hbm>> -> memref<128x32xf32, #tpu.memory_space<hbm>>
        tpu.wait_dma2 semaphore(%arg15 : memref<!tpu.dma_semaphore, #tpu.memory_space<semaphore_mem>>) src(%dma_wait3A_128 : memref<128x32xf32, #tpu.memory_space<hbm>>) dst(%arg9 : memref<128x32xf32, #tpu.memory_space<vmem>>)
        %get3A = arith.constant 0 : index
        %get3A_129 = tpu.vector_load %arg6[%get3A] {strides = array<i32>} : memref<128xi32, #tpu.memory_space<vmem>>, vector<16xi32>,
        %sub3A = vector.broadcast %mul3A_9 : i32 to vector<16xi32>
        %sub3A_130 = arith.subi %get3A_129, %sub3A : vector<16xi32>
        %ge3A = arith.constant 0 : i32
        %ge3A_131 = vector.broadcast %ge3A : i32 to vector<16xi32>
        %ge3A_132 = arith.cmpi sge, %sub3A_130, %ge3A_131 : vector<16xi32>
        %lt3A_133 = arith.constant 40000 : i32
        %lt3A_134 = vector.broadcast %lt3A_133 : i32 to vector<16xi32>
        %lt3A_135 = arith.cmpi slt, %sub3A_130, %lt3A_134 : vector<16xi32>
        %and3A = arith.andi %ge3A_132, %lt3A_135 : vector<16xi1>
        %jit3A_136 = arith.constant 40000 : i32
        %broadcast_in_dim3A = vector.broadcast %jit3A_136 : i32 to vector<16xi32>
        %select_n3A_137 = arith.select %and3A, %sub3A_130, %broadcast_in_dim3A : vector<16xi1>, vector<16xi32>
        %swap3A = arith.constant 0 : index
        %swap3A_138 = tpu.vector_load %arg7[%swap3A] {strides = array<i32>} : memref<128xi32, #tpu.memory_space<vmem>>, vector<16xi32>,
        tpu.vector_store %arg7[%swap3A], %select_n3A_137 {strides = array<i32>} : memref<128xi32, #tpu.memory_space<vmem>>, vector<16xi32>,
        %get3A_139 = arith.constant 16 : index
        %get3A_140 = tpu.vector_load %arg6[%get3A_139] {strides = array<i32>} : memref<128xi32, #tpu.memory_space<vmem>>, vector<16xi32>,
        %sub3A_141 = vector.broadcast %mul3A_9 : i32 to vector<16xi32>
        %sub3A_142 = arith.subi %get3A_140, %sub3A_141 : vector<16xi32>
        %ge3A_143 = arith.constant 0 : i32
        %ge3A_144 = vector.broadcast %ge3A_143 : i32 to vector<16xi32>
        %ge3A_145 = arith.cmpi sge, %sub3A_142, %ge3A_144 : vector<16xi32>
        %lt3A_146 = arith.constant 40000 : i32
        %lt3A_147 = vector.broadcast %lt3A_146 : i32 to vector<16xi32>
        %lt3A_148 = arith.cmpi slt, %sub3A_142, %lt3A_147 : vector<16xi32>
        %and3A_149 = arith.andi %ge3A_145, %lt3A_148 : vector<16xi1>
        %jit3A_150 = arith.constant 40000 : i32
        %broadcast_in_dim3A_151 = vector.broadcast %jit3A_150 : i32 to vector<16xi32>
        %select_n3A_152 = arith.select %and3A_149, %sub3A_142, %broadcast_in_dim3A_151 : vector<16xi1>, vector<16xi32>
        %swap3A_153 = arith.constant 16 : index
        %swap3A_154 = tpu.vector_load %arg7[%swap3A_153] {strides = array<i32>} : memref<128xi32, #tpu.memory_space<vmem>>, vector<16xi32>,
        tpu.vector_store %arg7[%swap3A_153], %select_n3A_152 {strides = array<i32>} : memref<128xi32, #tpu.memory_space<vmem>>, vector<16xi32>,
        %get3A_155 = arith.constant 32 : index
        %get3A_156 = tpu.vector_load %arg6[%get3A_155] {strides = array<i32>} : memref<128xi32, #tpu.memory_space<vmem>>, vector<16xi32>,
        %sub3A_157 = vector.broadcast %mul3A_9 : i32 to vector<16xi32>
        %sub3A_158 = arith.subi %get3A_156, %sub3A_157 : vector<16xi32>
        %ge3A_159 = arith.constant 0 : i32
        %ge3A_160 = vector.broadcast %ge3A_159 : i32 to vector<16xi32>
        %ge3A_161 = arith.cmpi sge, %sub3A_158, %ge3A_160 : vector<16xi32>
        %lt3A_162 = arith.constant 40000 : i32
        %lt3A_163 = vector.broadcast %lt3A_162 : i32 to vector<16xi32>
        %lt3A_164 = arith.cmpi slt, %sub3A_158, %lt3A_163 : vector<16xi32>
        %and3A_165 = arith.andi %ge3A_161, %lt3A_164 : vector<16xi1>
        %jit3A_166 = arith.constant 40000 : i32
        %broadcast_in_dim3A_167 = vector.broadcast %jit3A_166 : i32 to vector<16xi32>
        %select_n3A_168 = arith.select %and3A_165, %sub3A_158, %broadcast_in_dim3A_167 : vector<16xi1>, vector<16xi32>
        %swap3A_169 = arith.constant 32 : index
        %swap3A_170 = tpu.vector_load %arg7[%swap3A_169] {strides = array<i32>} : memref<128xi32, #tpu.memory_space<vmem>>, vector<16xi32>,
        tpu.vector_store %arg7[%swap3A_169], %select_n3A_168 {strides = array<i32>} : memref<128xi32, #tpu.memory_space<vmem>>, vector<16xi32>,
        %get3A_171 = arith.constant 48 : index
        %get3A_172 = tpu.vector_load %arg6[%get3A_171] {strides = array<i32>} : memref<128xi32, #tpu.memory_space<vmem>>, vector<16xi32>,
        %sub3A_173 = vector.broadcast %mul3A_9 : i32 to vector<16xi32>
        %sub3A_174 = arith.subi %get3A_172, %sub3A_173 : vector<16xi32>
        %ge3A_175 = arith.constant 0 : i32
        %ge3A_176 = vector.broadcast %ge3A_175 : i32 to vector<16xi32>
        %ge3A_177 = arith.cmpi sge, %sub3A_174, %ge3A_176 : vector<16xi32>
        %lt3A_178 = arith.constant 40000 : i32
        %lt3A_179 = vector.broadcast %lt3A_178 : i32 to vector<16xi32>
        %lt3A_180 = arith.cmpi slt, %sub3A_174, %lt3A_179 : vector<16xi32>
        %and3A_181 = arith.andi %ge3A_177, %lt3A_180 : vector<16xi1>
        %jit3A_182 = arith.constant 40000 : i32
        %broadcast_in_dim3A_183 = vector.broadcast %jit3A_182 : i32 to vector<16xi32>
        %select_n3A_184 = arith.select %and3A_181, %sub3A_174, %broadcast_in_dim3A_183 : vector<16xi1>, vector<16xi32>
        %swap3A_185 = arith.constant 48 : index
        %swap3A_186 = tpu.vector_load %arg7[%swap3A_185] {strides = array<i32>} : memref<128xi32, #tpu.memory_space<vmem>>, vector<16xi32>,
        tpu.vector_store %arg7[%swap3A_185], %select_n3A_184 {strides = array<i32>} : memref<128xi32, #tpu.memory_space<vmem>>, vector<16xi32>,
        %get3A_187 = arith.constant 64 : index
        %get3A_188 = tpu.vector_load %arg6[%get3A_187] {strides = array<i32>} : memref<128xi32, #tpu.memory_space<vmem>>, vector<16xi32>,
        %sub3A_189 = vector.broadcast %mul3A_9 : i32 to vector<16xi32>
        %sub3A_190 = arith.subi %get3A_188, %sub3A_189 : vector<16xi32>
        %ge3A_191 = arith.constant 0 : i32
        %ge3A_192 = vector.broadcast %ge3A_191 : i32 to vector<16xi32>
        %ge3A_193 = arith.cmpi sge, %sub3A_190, %ge3A_192 : vector<16xi32>
        %lt3A_194 = arith.constant 40000 : i32
        %lt3A_195 = vector.broadcast %lt3A_194 : i32 to vector<16xi32>
        %lt3A_196 = arith.cmpi slt, %sub3A_190, %lt3A_195 : vector<16xi32>
        %and3A_197 = arith.andi %ge3A_193, %lt3A_196 : vector<16xi1>
        %jit3A_198 = arith.constant 40000 : i32
        %broadcast_in_dim3A_199 = vector.broadcast %jit3A_198 : i32 to vector<16xi32>
        %select_n3A_200 = arith.select %and3A_197, %sub3A_190, %broadcast_in_dim3A_199 : vector<16xi1>, vector<16xi32>
        %swap3A_201 = arith.constant 64 : index
        %swap3A_202 = tpu.vector_load %arg7[%swap3A_201] {strides = array<i32>} : memref<128xi32, #tpu.memory_space<vmem>>, vector<16xi32>,
        tpu.vector_store %arg7[%swap3A_201], %select_n3A_200 {strides = array<i32>} : memref<128xi32, #tpu.memory_space<vmem>>, vector<16xi32>,
        %get3A_203 = arith.constant 80 : index
        %get3A_204 = tpu.vector_load %arg6[%get3A_203] {strides = array<i32>} : memref<128xi32, #tpu.memory_space<vmem>>, vector<16xi32>,
        %sub3A_205 = vector.broadcast %mul3A_9 : i32 to vector<16xi32>
        %sub3A_206 = arith.subi %get3A_204, %sub3A_205 : vector<16xi32>
        %ge3A_207 = arith.constant 0 : i32
        %ge3A_208 = vector.broadcast %ge3A_207 : i32 to vector<16xi32>
        %ge3A_209 = arith.cmpi sge, %sub3A_206, %ge3A_208 : vector<16xi32>
        %lt3A_210 = arith.constant 40000 : i32
        %lt3A_211 = vector.broadcast %lt3A_210 : i32 to vector<16xi32>
        %lt3A_212 = arith.cmpi slt, %sub3A_206, %lt3A_211 : vector<16xi32>
        %and3A_213 = arith.andi %ge3A_209, %lt3A_212 : vector<16xi1>
        %jit3A_214 = arith.constant 40000 : i32
        %broadcast_in_dim3A_215 = vector.broadcast %jit3A_214 : i32 to vector<16xi32>
        %select_n3A_216 = arith.select %and3A_213, %sub3A_206, %broadcast_in_dim3A_215 : vector<16xi1>, vector<16xi32>
        %swap3A_217 = arith.constant 80 : index
        %swap3A_218 = tpu.vector_load %arg7[%swap3A_217] {strides = array<i32>} : memref<128xi32, #tpu.memory_space<vmem>>, vector<16xi32>,
        tpu.vector_store %arg7[%swap3A_217], %select_n3A_216 {strides = array<i32>} : memref<128xi32, #tpu.memory_space<vmem>>, vector<16xi32>,
        %get3A_219 = arith.constant 96 : index
        %get3A_220 = tpu.vector_load %arg6[%get3A_219] {strides = array<i32>} : memref<128xi32, #tpu.memory_space<vmem>>, vector<16xi32>,
        %sub3A_221 = vector.broadcast %mul3A_9 : i32 to vector<16xi32>
        %sub3A_222 = arith.subi %get3A_220, %sub3A_221 : vector<16xi32>
        %ge3A_223 = arith.constant 0 : i32
        %ge3A_224 = vector.broadcast %ge3A_223 : i32 to vector<16xi32>
        %ge3A_225 = arith.cmpi sge, %sub3A_222, %ge3A_224 : vector<16xi32>
        %lt3A_226 = arith.constant 40000 : i32
        %lt3A_227 = vector.broadcast %lt3A_226 : i32 to vector<16xi32>
        %lt3A_228 = arith.cmpi slt, %sub3A_222, %lt3A_227 : vector<16xi32>
        %and3A_229 = arith.andi %ge3A_225, %lt3A_228 : vector<16xi1>
        %jit3A_230 = arith.constant 40000 : i32
        %broadcast_in_dim3A_231 = vector.broadcast %jit3A_230 : i32 to vector<16xi32>
        %select_n3A_232 = arith.select %and3A_229, %sub3A_222, %broadcast_in_dim3A_231 : vector<16xi1>, vector<16xi32>
        %swap3A_233 = arith.constant 96 : index
        %swap3A_234 = tpu.vector_load %arg7[%swap3A_233] {strides = array<i32>} : memref<128xi32, #tpu.memory_space<vmem>>, vector<16xi32>,
        tpu.vector_store %arg7[%swap3A_233], %select_n3A_232 {strides = array<i32>} : memref<128xi32, #tpu.memory_space<vmem>>, vector<16xi32>,
        %get3A_235 = arith.constant 112 : index
        %get3A_236 = tpu.vector_load %arg6[%get3A_235] {strides = array<i32>} : memref<128xi32, #tpu.memory_space<vmem>>, vector<16xi32>,
        %sub3A_237 = vector.broadcast %mul3A_9 : i32 to vector<16xi32>
        %sub3A_238 = arith.subi %get3A_236, %sub3A_237 : vector<16xi32>
        %ge3A_239 = arith.constant 0 : i32
        %ge3A_240 = vector.broadcast %ge3A_239 : i32 to vector<16xi32>
        %ge3A_241 = arith.cmpi sge, %sub3A_238, %ge3A_240 : vector<16xi32>
        %lt3A_242 = arith.constant 40000 : i32
        %lt3A_243 = vector.broadcast %lt3A_242 : i32 to vector<16xi32>
        %lt3A_244 = arith.cmpi slt, %sub3A_238, %lt3A_243 : vector<16xi32>
        %and3A_245 = arith.andi %ge3A_241, %lt3A_244 : vector<16xi1>
        %jit3A_246 = arith.constant 40000 : i32
        %broadcast_in_dim3A_247 = vector.broadcast %jit3A_246 : i32 to vector<16xi32>
        %select_n3A_248 = arith.select %and3A_245, %sub3A_238, %broadcast_in_dim3A_247 : vector<16xi1>, vector<16xi32>
        %swap3A_249 = arith.constant 112 : index
        %swap3A_250 = tpu.vector_load %arg7[%swap3A_249] {strides = array<i32>} : memref<128xi32, #tpu.memory_space<vmem>>, vector<16xi32>,
        tpu.vector_store %arg7[%swap3A_249], %select_n3A_248 {strides = array<i32>} : memref<128xi32, #tpu.memory_space<vmem>>, vector<16xi32>,
        "tpu.region"() ({
          %run_scoped3A = tpu.sem_alloc : memref<!tpu.dma_semaphore, #tpu.memory_space<semaphore_mem>>
          %dma_start3A = arith.constant 0 : i32
          %dma_start3A_257 = arith.constant 0 : i32
          %dma_start3A_258 = tpu.memref_slice %arg11[%dma_start3A, %dma_start3A_257] : memref<40008x32xf32, #tpu.memory_space<vmem_shared>> -> memref<40008x32xf32, #tpu.memory_space<vmem_shared>>
          tpu.enqueue_indirect_dma source(%arg9 : memref<128x32xf32, #tpu.memory_space<vmem>>) target(%dma_start3A_258 : memref<40008x32xf32, #tpu.memory_space<vmem_shared>>) offsets(%arg7 : memref<128xi32, #tpu.memory_space<vmem>>) semaphore(%run_scoped3A : memref<!tpu.dma_semaphore, #tpu.memory_space<semaphore_mem>>) {add = true}
          %dma_wait3A_259 = arith.constant 0 : i32
          %dma_wait3A_260 = arith.constant 0 : i32
          %dma_wait3A_261 = tpu.memref_slice %arg11[%dma_wait3A_259, %dma_wait3A_260] : memref<40008x32xf32, #tpu.memory_space<vmem_shared>> -> memref<40008x32xf32, #tpu.memory_space<vmem_shared>>
          tpu.wait_indirect_dma semaphore(%run_scoped3A : memref<!tpu.dma_semaphore, #tpu.memory_space<semaphore_mem>>) src(%arg9 : memref<128x32xf32, #tpu.memory_space<vmem>>) dst(%dma_wait3A_261 : memref<40008x32xf32, #tpu.memory_space<vmem_shared>>)
          tpu.yield
        }) : () -> ()
        %add3A_251 = arith.constant 2 : i32
        %add3A_252 = arith.addi %add3A_113, %add3A_251 : i32
        %lt3A_253 = arith.cmpi slt, %add3A_252, %add3A_22 : i32
        %convert_element_type3A_254 = arith.extui %lt3A_253 : i1 to i32
        %cond3A_255 = arith.constant 0 : i32
        %cond3A_256 = arith.cmpi ne, %convert_element_type3A_254, %cond3A_255 : i32
        scf.if %cond3A_256 {
          %add3A_257 = arith.constant 2 : i32
          %add3A_258 = arith.addi %add3A_113, %add3A_257 : i32
          %mul3A_259 = arith.constant 16 : i32
          %mul3A_260 = arith.muli %add3A_258, %mul3A_259 : i32
          %add3A_261 = arith.addi %arg1, %mul3A_260 : i32
          %mul3A_262 = arith.constant 128 : i32
          %mul3A_263 = arith.muli %add3A_261, %mul3A_262 : i32
          %dma_start3A = tpu.memref_slice %arg3[%mul3A_263] : memref<320000xi32, #tpu.memory_space<hbm>> -> memref<128xi32, #tpu.memory_space<hbm>>
          %dma_start3A_264 = tpu.memref_slice %arg3[%mul3A_263] : memref<320000xi32, #tpu.memory_space<hbm>> -> memref<128xi32, #tpu.memory_space<hbm>>
          tpu.enqueue_dma source(%dma_start3A_264 : memref<128xi32, #tpu.memory_space<hbm>>) target(%arg6 : memref<128xi32, #tpu.memory_space<vmem>>) target_semaphore(%arg13 : memref<!tpu.dma_semaphore, #tpu.memory_space<semaphore_mem>>)
          %dma_start3A_265 = arith.constant 0 : i32
          %dma_start3A_266 = tpu.memref_slice %arg2[%mul3A_263, %dma_start3A_265] : memref<320000x32xf32, #tpu.memory_space<hbm>> -> memref<128x32xf32, #tpu.memory_space<hbm>>
          %dma_start3A_267 = arith.constant 0 : i32
          %dma_start3A_268 = tpu.memref_slice %arg2[%mul3A_263, %dma_start3A_267] : memref<320000x32xf32, #tpu.memory_space<hbm>> -> memref<128x32xf32, #tpu.memory_space<hbm>>
          tpu.enqueue_dma source(%dma_start3A_268 : memref<128x32xf32, #tpu.memory_space<hbm>>) target(%arg9 : memref<128x32xf32, #tpu.memory_space<vmem>>) target_semaphore(%arg15 : memref<!tpu.dma_semaphore, #tpu.memory_space<semaphore_mem>>)
        } else {
        }
      } else {
      }
      %scan3A_118 = arith.constant 0 : i32
      scf.yield %scan3A_118 : i32
    }
    %scan3A_38 = arith.constant 79 : i32
    %barrier3A_39 = arith.constant 0 : index
    tpu.barrier barrier_id(%barrier3A_39)
    %scan3A_40 = arith.constant 0 : i32
    %scan3A_41 = arith.constant 0 : i32
    %scan3A_42 = arith.constant 25 : i32
    %scan3A_43 = arith.addi %scan3A_41, %scan3A_42 : i32
    %scan3A_44 = arith.constant 1 : i32
    %scan3A_45 = scf.for %scan3A_100 = %scan3A_41 to %scan3A_43 step %scan3A_44 iter_args(%scan3A_101 = %scan3A_40) -> (i32)  : i32 {
      %mul3A_102 = arith.constant 2500 : i32
      %mul3A_103 = arith.muli %arg1, %mul3A_102 : i32
      %mul3A_104 = arith.constant 100 : i32
      %mul3A_105 = arith.muli %scan3A_100, %mul3A_104 : i32
      %add3A_106 = arith.addi %mul3A_103, %mul3A_105 : i32
      "tpu.region"() ({
        %run_scoped3A = tpu.sem_alloc : memref<!tpu.dma_semaphore, #tpu.memory_space<semaphore_mem>>
        %dma_start3A = arith.constant 0 : i32
        %dma_start3A_109 = arith.constant 0 : i32
        %dma_start3A_110 = tpu.memref_slice %arg8[%dma_start3A, %dma_start3A_109] : memref<128x32xf32, #tpu.memory_space<vmem>> -> memref<100x32xf32, #tpu.memory_space<vmem>>
        %dma_start3A_111 = arith.constant 0 : i32
        %dma_start3A_112 = tpu.memref_slice %arg11[%add3A_106, %dma_start3A_111] : memref<40008x32xf32, #tpu.memory_space<vmem_shared>> -> memref<100x32xf32, #tpu.memory_space<vmem_shared>>
        %dma_start3A_113 = arith.constant 0 : i32
        %dma_start3A_114 = arith.constant 0 : i32
        %dma_start3A_115 = tpu.memref_slice %arg8[%dma_start3A_113, %dma_start3A_114] : memref<128x32xf32, #tpu.memory_space<vmem>> -> memref<100x32xf32, #tpu.memory_space<vmem>>
        %dma_start3A_116 = arith.constant 0 : i32
        %dma_start3A_117 = tpu.memref_slice %arg11[%add3A_106, %dma_start3A_116] : memref<40008x32xf32, #tpu.memory_space<vmem_shared>> -> memref<100x32xf32, #tpu.memory_space<vmem_shared>>
        tpu.enqueue_dma source(%dma_start3A_117 : memref<100x32xf32, #tpu.memory_space<vmem_shared>>) target(%dma_start3A_115 : memref<100x32xf32, #tpu.memory_space<vmem>>) target_semaphore(%run_scoped3A : memref<!tpu.dma_semaphore, #tpu.memory_space<semaphore_mem>>)
        %dma_wait3A = arith.constant 0 : i32
        %dma_wait3A_118 = arith.constant 0 : i32
        %dma_wait3A_119 = tpu.memref_slice %arg8[%dma_wait3A, %dma_wait3A_118] : memref<128x32xf32, #tpu.memory_space<vmem>> -> memref<100x32xf32, #tpu.memory_space<vmem>>
        %dma_wait3A_120 = arith.constant 0 : i32
        %dma_wait3A_121 = tpu.memref_slice %arg11[%add3A_106, %dma_wait3A_120] : memref<40008x32xf32, #tpu.memory_space<vmem_shared>> -> memref<100x32xf32, #tpu.memory_space<vmem_shared>>
        %dma_wait3A_122 = arith.constant 0 : i32
        %dma_wait3A_123 = arith.constant 0 : i32
        %dma_wait3A_124 = tpu.memref_slice %arg8[%dma_wait3A_122, %dma_wait3A_123] : memref<128x32xf32, #tpu.memory_space<vmem>> -> memref<100x32xf32, #tpu.memory_space<vmem>>
        %dma_wait3A_125 = arith.constant 0 : i32
        %dma_wait3A_126 = tpu.memref_slice %arg11[%add3A_106, %dma_wait3A_125] : memref<40008x32xf32, #tpu.memory_space<vmem_shared>> -> memref<100x32xf32, #tpu.memory_space<vmem_shared>>
        tpu.wait_dma2 semaphore(%run_scoped3A : memref<!tpu.dma_semaphore, #tpu.memory_space<semaphore_mem>>) src(%dma_wait3A_126 : memref<100x32xf32, #tpu.memory_space<vmem_shared>>) dst(%dma_wait3A_124 : memref<100x32xf32, #tpu.memory_space<vmem>>)
        tpu.yield
      }) : () -> ()
      %add3A_107 = arith.addi %mul3A_9, %add3A_106 : i32
      "tpu.region"() ({
        %run_scoped3A = tpu.sem_alloc : memref<!tpu.dma_semaphore, #tpu.memory_space<semaphore_mem>>
        %dma_start3A = arith.constant 0 : i32
        %dma_start3A_109 = arith.constant 0 : i32
        %dma_start3A_110 = tpu.memref_slice %arg8[%dma_start3A, %dma_start3A_109] : memref<128x32xf32, #tpu.memory_space<vmem>> -> memref<100x32xf32, #tpu.memory_space<vmem>>
        %dma_start3A_111 = arith.constant 0 : i32
        %dma_start3A_112 = tpu.memref_slice %arg4[%add3A_107, %dma_start3A_111] : memref<160000x128xf32, #tpu.memory_space<hbm>> -> memref<100x32xf32, #tpu.memory_space<hbm>>
        %dma_start3A_113 = arith.constant 0 : i32
        %dma_start3A_114 = tpu.memref_slice %arg4[%add3A_107, %dma_start3A_113] : memref<160000x128xf32, #tpu.memory_space<hbm>> -> memref<100x32xf32, #tpu.memory_space<hbm>>
        %dma_start3A_115 = arith.constant 0 : i32
        %dma_start3A_116 = arith.constant 0 : i32
        %dma_start3A_117 = tpu.memref_slice %arg8[%dma_start3A_115, %dma_start3A_116] : memref<128x32xf32, #tpu.memory_space<vmem>> -> memref<100x32xf32, #tpu.memory_space<vmem>>
        tpu.enqueue_dma source(%dma_start3A_117 : memref<100x32xf32, #tpu.memory_space<vmem>>) target(%dma_start3A_114 : memref<100x32xf32, #tpu.memory_space<hbm>>) target_semaphore(%run_scoped3A : memref<!tpu.dma_semaphore, #tpu.memory_space<semaphore_mem>>)
        %dma_wait3A = arith.constant 0 : i32
        %dma_wait3A_118 = arith.constant 0 : i32
        %dma_wait3A_119 = tpu.memref_slice %arg8[%dma_wait3A, %dma_wait3A_118] : memref<128x32xf32, #tpu.memory_space<vmem>> -> memref<100x32xf32, #tpu.memory_space<vmem>>
        %dma_wait3A_120 = arith.constant 0 : i32
        %dma_wait3A_121 = tpu.memref_slice %arg4[%add3A_107, %dma_wait3A_120] : memref<160000x128xf32, #tpu.memory_space<hbm>> -> memref<100x32xf32, #tpu.memory_space<hbm>>
        %dma_wait3A_122 = arith.constant 0 : i32
        %dma_wait3A_123 = tpu.memref_slice %arg4[%add3A_107, %dma_wait3A_122] : memref<160000x128xf32, #tpu.memory_space<hbm>> -> memref<100x32xf32, #tpu.memory_space<hbm>>
        %dma_wait3A_124 = arith.constant 0 : i32
        %dma_wait3A_125 = arith.constant 0 : i32
        %dma_wait3A_126 = tpu.memref_slice %arg8[%dma_wait3A_124, %dma_wait3A_125] : memref<128x32xf32, #tpu.memory_space<vmem>> -> memref<100x32xf32, #tpu.memory_space<vmem>>
        tpu.wait_dma2 semaphore(%run_scoped3A : memref<!tpu.dma_semaphore, #tpu.memory_space<semaphore_mem>>) src(%dma_wait3A_126 : memref<100x32xf32, #tpu.memory_space<vmem>>) dst(%dma_wait3A_123 : memref<100x32xf32, #tpu.memory_space<hbm>>)
        tpu.yield
      }) : () -> ()
      %scan3A_108 = arith.constant 0 : i32
      scf.yield %scan3A_108 : i32
    }
    %scan3A_46 = arith.constant 25 : i32
    %barrier3A_47 = arith.constant 0 : index
    tpu.barrier barrier_id(%barrier3A_47)
    %mul3A_48 = arith.constant 2 : i32
    %mul3A_49 = arith.muli %arg0, %mul3A_48 : i32
    %add3A_50 = arith.constant 1 : i32
    %add3A_51 = arith.addi %mul3A_49, %add3A_50 : i32
    %mul3A_52 = arith.constant 40000 : i32
    %mul3A_53 = arith.muli %add3A_51, %mul3A_52 : i32
    %scan3A_54 = arith.constant 0 : i32
    %scan3A_55 = arith.constant 0 : i32
    %scan3A_56 = arith.constant 25 : i32
    %scan3A_57 = arith.addi %scan3A_55, %scan3A_56 : i32
    %scan3A_58 = arith.constant 1 : i32
    %scan3A_59 = scf.for %scan3A_100 = %scan3A_55 to %scan3A_57 step %scan3A_58 iter_args(%scan3A_101 = %scan3A_54) -> (i32)  : i32 {
      %mul3A_102 = arith.constant 2500 : i32
      %mul3A_103 = arith.muli %arg1, %mul3A_102 : i32
      %mul3A_104 = arith.constant 100 : i32
      %mul3A_105 = arith.muli %scan3A_100, %mul3A_104 : i32
      %add3A_106 = arith.addi %mul3A_103, %mul3A_105 : i32
      "tpu.region"() ({
        %run_scoped3A = tpu.sem_alloc : memref<!tpu.dma_semaphore, #tpu.memory_space<semaphore_mem>>
        %dma_start3A = arith.constant 0 : i32
        %dma_start3A_108 = tpu.memref_slice %arg11[%add3A_106, %dma_start3A] : memref<40008x32xf32, #tpu.memory_space<vmem_shared>> -> memref<100x32xf32, #tpu.memory_space<vmem_shared>>
        %dma_start3A_109 = arith.constant 0 : i32
        %dma_start3A_110 = tpu.memref_slice %arg11[%add3A_106, %dma_start3A_109] : memref<40008x32xf32, #tpu.memory_space<vmem_shared>> -> memref<100x32xf32, #tpu.memory_space<vmem_shared>>
        tpu.enqueue_dma source(%arg10 : memref<100x32xf32, #tpu.memory_space<vmem>>) target(%dma_start3A_110 : memref<100x32xf32, #tpu.memory_space<vmem_shared>>) target_semaphore(%run_scoped3A : memref<!tpu.dma_semaphore, #tpu.memory_space<semaphore_mem>>)
        %dma_wait3A = arith.constant 0 : i32
        %dma_wait3A_111 = tpu.memref_slice %arg11[%add3A_106, %dma_wait3A] : memref<40008x32xf32, #tpu.memory_space<vmem_shared>> -> memref<100x32xf32, #tpu.memory_space<vmem_shared>>
        %dma_wait3A_112 = arith.constant 0 : i32
        %dma_wait3A_113 = tpu.memref_slice %arg11[%add3A_106, %dma_wait3A_112] : memref<40008x32xf32, #tpu.memory_space<vmem_shared>> -> memref<100x32xf32, #tpu.memory_space<vmem_shared>>
        tpu.wait_dma2 semaphore(%run_scoped3A : memref<!tpu.dma_semaphore, #tpu.memory_space<semaphore_mem>>) src(%arg10 : memref<100x32xf32, #tpu.memory_space<vmem>>) dst(%dma_wait3A_113 : memref<100x32xf32, #tpu.memory_space<vmem_shared>>)
        tpu.yield
      }) : () -> ()
      %scan3A_107 = arith.constant 0 : i32
      scf.yield %scan3A_107 : i32
    }
    %scan3A_60 = arith.constant 25 : i32
    %eq3A_61 = arith.constant 0 : i32
    %eq3A_62 = arith.cmpi eq, %arg1, %eq3A_61 : i32
    %convert_element_type3A_63 = arith.extui %eq3A_62 : i1 to i32
    %cond3A_64 = arith.constant 0 : i32
    %cond3A_65 = arith.cmpi ne, %convert_element_type3A_63, %cond3A_64 : i32
    scf.if %cond3A_65 {
      "tpu.region"() ({
        %run_scoped3A = tpu.sem_alloc : memref<!tpu.dma_semaphore, #tpu.memory_space<semaphore_mem>>
        %dma_start3A = arith.constant 0 : i32
        %dma_start3A_100 = arith.constant 0 : i32
        %dma_start3A_101 = tpu.memref_slice %arg10[%dma_start3A, %dma_start3A_100] : memref<100x32xf32, #tpu.memory_space<vmem>> -> memref<8x32xf32, #tpu.memory_space<vmem>>
        %dma_start3A_102 = arith.constant 40000 : i32
        %dma_start3A_103 = arith.constant 0 : i32
        %dma_start3A_104 = tpu.memref_slice %arg11[%dma_start3A_102, %dma_start3A_103] : memref<40008x32xf32, #tpu.memory_space<vmem_shared>> -> memref<8x32xf32, #tpu.memory_space<vmem_shared>>
        %dma_start3A_105 = arith.constant 40000 : i32
        %dma_start3A_106 = arith.constant 0 : i32
        %dma_start3A_107 = tpu.memref_slice %arg11[%dma_start3A_105, %dma_start3A_106] : memref<40008x32xf32, #tpu.memory_space<vmem_shared>> -> memref<8x32xf32, #tpu.memory_space<vmem_shared>>
        %dma_start3A_108 = arith.constant 0 : i32
        %dma_start3A_109 = arith.constant 0 : i32
        %dma_start3A_110 = tpu.memref_slice %arg10[%dma_start3A_108, %dma_start3A_109] : memref<100x32xf32, #tpu.memory_space<vmem>> -> memref<8x32xf32, #tpu.memory_space<vmem>>
        tpu.enqueue_dma source(%dma_start3A_110 : memref<8x32xf32, #tpu.memory_space<vmem>>) target(%dma_start3A_107 : memref<8x32xf32, #tpu.memory_space<vmem_shared>>) target_semaphore(%run_scoped3A : memref<!tpu.dma_semaphore, #tpu.memory_space<semaphore_mem>>)
        %dma_wait3A = arith.constant 0 : i32
        %dma_wait3A_111 = arith.constant 0 : i32
        %dma_wait3A_112 = tpu.memref_slice %arg10[%dma_wait3A, %dma_wait3A_111] : memref<100x32xf32, #tpu.memory_space<vmem>> -> memref<8x32xf32, #tpu.memory_space<vmem>>
        %dma_wait3A_113 = arith.constant 40000 : i32
        %dma_wait3A_114 = arith.constant 0 : i32
        %dma_wait3A_115 = tpu.memref_slice %arg11[%dma_wait3A_113, %dma_wait3A_114] : memref<40008x32xf32, #tpu.memory_space<vmem_shared>> -> memref<8x32xf32, #tpu.memory_space<vmem_shared>>
        %dma_wait3A_116 = arith.constant 40000 : i32
        %dma_wait3A_117 = arith.constant 0 : i32
        %dma_wait3A_118 = tpu.memref_slice %arg11[%dma_wait3A_116, %dma_wait3A_117] : memref<40008x32xf32, #tpu.memory_space<vmem_shared>> -> memref<8x32xf32, #tpu.memory_space<vmem_shared>>
        %dma_wait3A_119 = arith.constant 0 : i32
        %dma_wait3A_120 = arith.constant 0 : i32
        %dma_wait3A_121 = tpu.memref_slice %arg10[%dma_wait3A_119, %dma_wait3A_120] : memref<100x32xf32, #tpu.memory_space<vmem>> -> memref<8x32xf32, #tpu.memory_space<vmem>>
        tpu.wait_dma2 semaphore(%run_scoped3A : memref<!tpu.dma_semaphore, #tpu.memory_space<semaphore_mem>>) src(%dma_wait3A_121 : memref<8x32xf32, #tpu.memory_space<vmem>>) dst(%dma_wait3A_118 : memref<8x32xf32, #tpu.memory_space<vmem_shared>>)
        tpu.yield
      }) : () -> ()
    } else {
    }
    %barrier3A_66 = arith.constant 0 : index
    tpu.barrier barrier_id(%barrier3A_66)
    %lt3A_67 = arith.constant 4 : i32
    %lt3A_68 = arith.cmpi slt, %arg1, %lt3A_67 : i32
    %jit3A_69 = arith.constant 1 : i32
    %jit3A_70 = arith.constant 0 : i32
    %select_n3A_71 = arith.select %lt3A_68, %jit3A_69, %jit3A_70 : i32
    %add3A_72 = arith.constant 156 : i32
    %add3A_73 = arith.addi %add3A_72, %select_n3A_71 : i32
    %gt3A_74 = arith.constant 0 : i32
    %gt3A_75 = arith.cmpi sgt, %add3A_73, %gt3A_74 : i32
    %convert_element_type3A_76 = arith.extui %gt3A_75 : i1 to i32
    %cond3A_77 = arith.constant 0 : i32
    %cond3A_78 = arith.cmpi ne, %convert_element_type3A_76, %cond3A_77 : i32
    scf.if %cond3A_78 {
      %add3A_100 = arith.constant 0 : i32
      %add3A_101 = arith.addi %arg1, %add3A_100 : i32
      %mul3A_102 = arith.constant 128 : i32
      %mul3A_103 = arith.muli %add3A_101, %mul3A_102 : i32
      %dma_start3A = tpu.memref_slice %arg3[%mul3A_103] : memref<320000xi32, #tpu.memory_space<hbm>> -> memref<128xi32, #tpu.memory_space<hbm>>
      %dma_start3A_104 = tpu.memref_slice %arg3[%mul3A_103] : memref<320000xi32, #tpu.memory_space<hbm>> -> memref<128xi32, #tpu.memory_space<hbm>>
      tpu.enqueue_dma source(%dma_start3A_104 : memref<128xi32, #tpu.memory_space<hbm>>) target(%arg5 : memref<128xi32, #tpu.memory_space<vmem>>) target_semaphore(%arg12 : memref<!tpu.dma_semaphore, #tpu.memory_space<semaphore_mem>>)
      %dma_start3A_105 = arith.constant 0 : i32
      %dma_start3A_106 = tpu.memref_slice %arg2[%mul3A_103, %dma_start3A_105] : memref<320000x32xf32, #tpu.memory_space<hbm>> -> memref<128x32xf32, #tpu.memory_space<hbm>>
      %dma_start3A_107 = arith.constant 0 : i32
      %dma_start3A_108 = tpu.memref_slice %arg2[%mul3A_103, %dma_start3A_107] : memref<320000x32xf32, #tpu.memory_space<hbm>> -> memref<128x32xf32, #tpu.memory_space<hbm>>
      tpu.enqueue_dma source(%dma_start3A_108 : memref<128x32xf32, #tpu.memory_space<hbm>>) target(%arg8 : memref<128x32xf32, #tpu.memory_space<vmem>>) target_semaphore(%arg14 : memref<!tpu.dma_semaphore, #tpu.memory_space<semaphore_mem>>)
    } else {
    }
    %gt3A_79 = arith.constant 1 : i32
    %gt3A_80 = arith.cmpi sgt, %add3A_73, %gt3A_79 : i32
    %convert_element_type3A_81 = arith.extui %gt3A_80 : i1 to i32
    %cond3A_82 = arith.constant 0 : i32
    %cond3A_83 = arith.cmpi ne, %convert_element_type3A_81, %cond3A_82 : i32
    scf.if %cond3A_83 {
      %add3A_100 = arith.constant 16 : i32
      %add3A_101 = arith.addi %arg1, %add3A_100 : i32
      %mul3A_102 = arith.constant 128 : i32
      %mul3A_103 = arith.muli %add3A_101, %mul3A_102 : i32
      %dma_start3A = tpu.memref_slice %arg3[%mul3A_103] : memref<320000xi32, #tpu.memory_space<hbm>> -> memref<128xi32, #tpu.memory_space<hbm>>
      %dma_start3A_104 = tpu.memref_slice %arg3[%mul3A_103] : memref<320000xi32, #tpu.memory_space<hbm>> -> memref<128xi32, #tpu.memory_space<hbm>>
      tpu.enqueue_dma source(%dma_start3A_104 : memref<128xi32, #tpu.memory_space<hbm>>) target(%arg6 : memref<128xi32, #tpu.memory_space<vmem>>) target_semaphore(%arg13 : memref<!tpu.dma_semaphore, #tpu.memory_space<semaphore_mem>>)
      %dma_start3A_105 = arith.constant 0 : i32
      %dma_start3A_106 = tpu.memref_slice %arg2[%mul3A_103, %dma_start3A_105] : memref<320000x32xf32, #tpu.memory_space<hbm>> -> memref<128x32xf32, #tpu.memory_space<hbm>>
      %dma_start3A_107 = arith.constant 0 : i32
      %dma_start3A_108 = tpu.memref_slice %arg2[%mul3A_103, %dma_start3A_107] : memref<320000x32xf32, #tpu.memory_space<hbm>> -> memref<128x32xf32, #tpu.memory_space<hbm>>
      tpu.enqueue_dma source(%dma_start3A_108 : memref<128x32xf32, #tpu.memory_space<hbm>>) target(%arg9 : memref<128x32xf32, #tpu.memory_space<vmem>>) target_semaphore(%arg15 : memref<!tpu.dma_semaphore, #tpu.memory_space<semaphore_mem>>)
    } else {
    }
    %scan3A_84 = arith.constant 0 : i32
    %scan3A_85 = arith.constant 0 : i32
    %scan3A_86 = arith.constant 79 : i32
    %scan3A_87 = arith.addi %scan3A_85, %scan3A_86 : i32
    %scan3A_88 = arith.constant 1 : i32
    %scan3A_89 = scf.for %scan3A_100 = %scan3A_85 to %scan3A_87 step %scan3A_88 iter_args(%scan3A_101 = %scan3A_84) -> (i32)  : i32 {
      %mul3A_102 = arith.constant 2 : i32
      %mul3A_103 = arith.muli %mul3A_102, %scan3A_100 : i32
      %add3A_104 = arith.constant 0 : i32
      %add3A_105 = arith.addi %mul3A_103, %add3A_104 : i32
      %lt3A_106 = arith.cmpi slt, %add3A_105, %add3A_73 : i32
      %convert_element_type3A_107 = arith.extui %lt3A_106 : i1 to i32
      %cond3A_108 = arith.constant 0 : i32
      %cond3A_109 = arith.cmpi ne, %convert_element_type3A_107, %cond3A_108 : i32
      scf.if %cond3A_109 {
        %mul3A_119 = arith.constant 16 : i32
        %mul3A_120 = arith.muli %add3A_105, %mul3A_119 : i32
        %add3A_121 = arith.addi %arg1, %mul3A_120 : i32
        %mul3A_122 = arith.constant 128 : i32
        %mul3A_123 = arith.muli %add3A_121, %mul3A_122 : i32
        %dma_wait3A = tpu.memref_slice %arg3[%mul3A_123] : memref<320000xi32, #tpu.memory_space<hbm>> -> memref<128xi32, #tpu.memory_space<hbm>>
        %dma_wait3A_124 = tpu.memref_slice %arg3[%mul3A_123] : memref<320000xi32, #tpu.memory_space<hbm>> -> memref<128xi32, #tpu.memory_space<hbm>>
        tpu.wait_dma2 semaphore(%arg12 : memref<!tpu.dma_semaphore, #tpu.memory_space<semaphore_mem>>) src(%dma_wait3A_124 : memref<128xi32, #tpu.memory_space<hbm>>) dst(%arg5 : memref<128xi32, #tpu.memory_space<vmem>>)
        %dma_wait3A_125 = arith.constant 0 : i32
        %dma_wait3A_126 = tpu.memref_slice %arg2[%mul3A_123, %dma_wait3A_125] : memref<320000x32xf32, #tpu.memory_space<hbm>> -> memref<128x32xf32, #tpu.memory_space<hbm>>
        %dma_wait3A_127 = arith.constant 0 : i32
        %dma_wait3A_128 = tpu.memref_slice %arg2[%mul3A_123, %dma_wait3A_127] : memref<320000x32xf32, #tpu.memory_space<hbm>> -> memref<128x32xf32, #tpu.memory_space<hbm>>
        tpu.wait_dma2 semaphore(%arg14 : memref<!tpu.dma_semaphore, #tpu.memory_space<semaphore_mem>>) src(%dma_wait3A_128 : memref<128x32xf32, #tpu.memory_space<hbm>>) dst(%arg8 : memref<128x32xf32, #tpu.memory_space<vmem>>)
        %get3A = arith.constant 0 : index
        %get3A_129 = tpu.vector_load %arg5[%get3A] {strides = array<i32>} : memref<128xi32, #tpu.memory_space<vmem>>, vector<16xi32>,
        %sub3A = vector.broadcast %mul3A_53 : i32 to vector<16xi32>
        %sub3A_130 = arith.subi %get3A_129, %sub3A : vector<16xi32>
        %ge3A = arith.constant 0 : i32
        %ge3A_131 = vector.broadcast %ge3A : i32 to vector<16xi32>
        %ge3A_132 = arith.cmpi sge, %sub3A_130, %ge3A_131 : vector<16xi32>
        %lt3A_133 = arith.constant 40000 : i32
        %lt3A_134 = vector.broadcast %lt3A_133 : i32 to vector<16xi32>
        %lt3A_135 = arith.cmpi slt, %sub3A_130, %lt3A_134 : vector<16xi32>
        %and3A = arith.andi %ge3A_132, %lt3A_135 : vector<16xi1>
        %jit3A_136 = arith.constant 40000 : i32
        %broadcast_in_dim3A = vector.broadcast %jit3A_136 : i32 to vector<16xi32>
        %select_n3A_137 = arith.select %and3A, %sub3A_130, %broadcast_in_dim3A : vector<16xi1>, vector<16xi32>
        %swap3A = arith.constant 0 : index
        %swap3A_138 = tpu.vector_load %arg7[%swap3A] {strides = array<i32>} : memref<128xi32, #tpu.memory_space<vmem>>, vector<16xi32>,
        tpu.vector_store %arg7[%swap3A], %select_n3A_137 {strides = array<i32>} : memref<128xi32, #tpu.memory_space<vmem>>, vector<16xi32>,
        %get3A_139 = arith.constant 16 : index
        %get3A_140 = tpu.vector_load %arg5[%get3A_139] {strides = array<i32>} : memref<128xi32, #tpu.memory_space<vmem>>, vector<16xi32>,
        %sub3A_141 = vector.broadcast %mul3A_53 : i32 to vector<16xi32>
        %sub3A_142 = arith.subi %get3A_140, %sub3A_141 : vector<16xi32>
        %ge3A_143 = arith.constant 0 : i32
        %ge3A_144 = vector.broadcast %ge3A_143 : i32 to vector<16xi32>
        %ge3A_145 = arith.cmpi sge, %sub3A_142, %ge3A_144 : vector<16xi32>
        %lt3A_146 = arith.constant 40000 : i32
        %lt3A_147 = vector.broadcast %lt3A_146 : i32 to vector<16xi32>
        %lt3A_148 = arith.cmpi slt, %sub3A_142, %lt3A_147 : vector<16xi32>
        %and3A_149 = arith.andi %ge3A_145, %lt3A_148 : vector<16xi1>
        %jit3A_150 = arith.constant 40000 : i32
        %broadcast_in_dim3A_151 = vector.broadcast %jit3A_150 : i32 to vector<16xi32>
        %select_n3A_152 = arith.select %and3A_149, %sub3A_142, %broadcast_in_dim3A_151 : vector<16xi1>, vector<16xi32>
        %swap3A_153 = arith.constant 16 : index
        %swap3A_154 = tpu.vector_load %arg7[%swap3A_153] {strides = array<i32>} : memref<128xi32, #tpu.memory_space<vmem>>, vector<16xi32>,
        tpu.vector_store %arg7[%swap3A_153], %select_n3A_152 {strides = array<i32>} : memref<128xi32, #tpu.memory_space<vmem>>, vector<16xi32>,
        %get3A_155 = arith.constant 32 : index
        %get3A_156 = tpu.vector_load %arg5[%get3A_155] {strides = array<i32>} : memref<128xi32, #tpu.memory_space<vmem>>, vector<16xi32>,
        %sub3A_157 = vector.broadcast %mul3A_53 : i32 to vector<16xi32>
        %sub3A_158 = arith.subi %get3A_156, %sub3A_157 : vector<16xi32>
        %ge3A_159 = arith.constant 0 : i32
        %ge3A_160 = vector.broadcast %ge3A_159 : i32 to vector<16xi32>
        %ge3A_161 = arith.cmpi sge, %sub3A_158, %ge3A_160 : vector<16xi32>
        %lt3A_162 = arith.constant 40000 : i32
        %lt3A_163 = vector.broadcast %lt3A_162 : i32 to vector<16xi32>
        %lt3A_164 = arith.cmpi slt, %sub3A_158, %lt3A_163 : vector<16xi32>
        %and3A_165 = arith.andi %ge3A_161, %lt3A_164 : vector<16xi1>
        %jit3A_166 = arith.constant 40000 : i32
        %broadcast_in_dim3A_167 = vector.broadcast %jit3A_166 : i32 to vector<16xi32>
        %select_n3A_168 = arith.select %and3A_165, %sub3A_158, %broadcast_in_dim3A_167 : vector<16xi1>, vector<16xi32>
        %swap3A_169 = arith.constant 32 : index
        %swap3A_170 = tpu.vector_load %arg7[%swap3A_169] {strides = array<i32>} : memref<128xi32, #tpu.memory_space<vmem>>, vector<16xi32>,
        tpu.vector_store %arg7[%swap3A_169], %select_n3A_168 {strides = array<i32>} : memref<128xi32, #tpu.memory_space<vmem>>, vector<16xi32>,
        %get3A_171 = arith.constant 48 : index
        %get3A_172 = tpu.vector_load %arg5[%get3A_171] {strides = array<i32>} : memref<128xi32, #tpu.memory_space<vmem>>, vector<16xi32>,
        %sub3A_173 = vector.broadcast %mul3A_53 : i32 to vector<16xi32>
        %sub3A_174 = arith.subi %get3A_172, %sub3A_173 : vector<16xi32>
        %ge3A_175 = arith.constant 0 : i32
        %ge3A_176 = vector.broadcast %ge3A_175 : i32 to vector<16xi32>
        %ge3A_177 = arith.cmpi sge, %sub3A_174, %ge3A_176 : vector<16xi32>
        %lt3A_178 = arith.constant 40000 : i32
        %lt3A_179 = vector.broadcast %lt3A_178 : i32 to vector<16xi32>
        %lt3A_180 = arith.cmpi slt, %sub3A_174, %lt3A_179 : vector<16xi32>
        %and3A_181 = arith.andi %ge3A_177, %lt3A_180 : vector<16xi1>
        %jit3A_182 = arith.constant 40000 : i32
        %broadcast_in_dim3A_183 = vector.broadcast %jit3A_182 : i32 to vector<16xi32>
        %select_n3A_184 = arith.select %and3A_181, %sub3A_174, %broadcast_in_dim3A_183 : vector<16xi1>, vector<16xi32>
        %swap3A_185 = arith.constant 48 : index
        %swap3A_186 = tpu.vector_load %arg7[%swap3A_185] {strides = array<i32>} : memref<128xi32, #tpu.memory_space<vmem>>, vector<16xi32>,
        tpu.vector_store %arg7[%swap3A_185], %select_n3A_184 {strides = array<i32>} : memref<128xi32, #tpu.memory_space<vmem>>, vector<16xi32>,
        %get3A_187 = arith.constant 64 : index
        %get3A_188 = tpu.vector_load %arg5[%get3A_187] {strides = array<i32>} : memref<128xi32, #tpu.memory_space<vmem>>, vector<16xi32>,
        %sub3A_189 = vector.broadcast %mul3A_53 : i32 to vector<16xi32>
        %sub3A_190 = arith.subi %get3A_188, %sub3A_189 : vector<16xi32>
        %ge3A_191 = arith.constant 0 : i32
        %ge3A_192 = vector.broadcast %ge3A_191 : i32 to vector<16xi32>
        %ge3A_193 = arith.cmpi sge, %sub3A_190, %ge3A_192 : vector<16xi32>
        %lt3A_194 = arith.constant 40000 : i32
        %lt3A_195 = vector.broadcast %lt3A_194 : i32 to vector<16xi32>
        %lt3A_196 = arith.cmpi slt, %sub3A_190, %lt3A_195 : vector<16xi32>
        %and3A_197 = arith.andi %ge3A_193, %lt3A_196 : vector<16xi1>
        %jit3A_198 = arith.constant 40000 : i32
        %broadcast_in_dim3A_199 = vector.broadcast %jit3A_198 : i32 to vector<16xi32>
        %select_n3A_200 = arith.select %and3A_197, %sub3A_190, %broadcast_in_dim3A_199 : vector<16xi1>, vector<16xi32>
        %swap3A_201 = arith.constant 64 : index
        %swap3A_202 = tpu.vector_load %arg7[%swap3A_201] {strides = array<i32>} : memref<128xi32, #tpu.memory_space<vmem>>, vector<16xi32>,
        tpu.vector_store %arg7[%swap3A_201], %select_n3A_200 {strides = array<i32>} : memref<128xi32, #tpu.memory_space<vmem>>, vector<16xi32>,
        %get3A_203 = arith.constant 80 : index
        %get3A_204 = tpu.vector_load %arg5[%get3A_203] {strides = array<i32>} : memref<128xi32, #tpu.memory_space<vmem>>, vector<16xi32>,
        %sub3A_205 = vector.broadcast %mul3A_53 : i32 to vector<16xi32>
        %sub3A_206 = arith.subi %get3A_204, %sub3A_205 : vector<16xi32>
        %ge3A_207 = arith.constant 0 : i32
        %ge3A_208 = vector.broadcast %ge3A_207 : i32 to vector<16xi32>
        %ge3A_209 = arith.cmpi sge, %sub3A_206, %ge3A_208 : vector<16xi32>
        %lt3A_210 = arith.constant 40000 : i32
        %lt3A_211 = vector.broadcast %lt3A_210 : i32 to vector<16xi32>
        %lt3A_212 = arith.cmpi slt, %sub3A_206, %lt3A_211 : vector<16xi32>
        %and3A_213 = arith.andi %ge3A_209, %lt3A_212 : vector<16xi1>
        %jit3A_214 = arith.constant 40000 : i32
        %broadcast_in_dim3A_215 = vector.broadcast %jit3A_214 : i32 to vector<16xi32>
        %select_n3A_216 = arith.select %and3A_213, %sub3A_206, %broadcast_in_dim3A_215 : vector<16xi1>, vector<16xi32>
        %swap3A_217 = arith.constant 80 : index
        %swap3A_218 = tpu.vector_load %arg7[%swap3A_217] {strides = array<i32>} : memref<128xi32, #tpu.memory_space<vmem>>, vector<16xi32>,
        tpu.vector_store %arg7[%swap3A_217], %select_n3A_216 {strides = array<i32>} : memref<128xi32, #tpu.memory_space<vmem>>, vector<16xi32>,
        %get3A_219 = arith.constant 96 : index
        %get3A_220 = tpu.vector_load %arg5[%get3A_219] {strides = array<i32>} : memref<128xi32, #tpu.memory_space<vmem>>, vector<16xi32>,
        %sub3A_221 = vector.broadcast %mul3A_53 : i32 to vector<16xi32>
        %sub3A_222 = arith.subi %get3A_220, %sub3A_221 : vector<16xi32>
        %ge3A_223 = arith.constant 0 : i32
        %ge3A_224 = vector.broadcast %ge3A_223 : i32 to vector<16xi32>
        %ge3A_225 = arith.cmpi sge, %sub3A_222, %ge3A_224 : vector<16xi32>
        %lt3A_226 = arith.constant 40000 : i32
        %lt3A_227 = vector.broadcast %lt3A_226 : i32 to vector<16xi32>
        %lt3A_228 = arith.cmpi slt, %sub3A_222, %lt3A_227 : vector<16xi32>
        %and3A_229 = arith.andi %ge3A_225, %lt3A_228 : vector<16xi1>
        %jit3A_230 = arith.constant 40000 : i32
        %broadcast_in_dim3A_231 = vector.broadcast %jit3A_230 : i32 to vector<16xi32>
        %select_n3A_232 = arith.select %and3A_229, %sub3A_222, %broadcast_in_dim3A_231 : vector<16xi1>, vector<16xi32>
        %swap3A_233 = arith.constant 96 : index
        %swap3A_234 = tpu.vector_load %arg7[%swap3A_233] {strides = array<i32>} : memref<128xi32, #tpu.memory_space<vmem>>, vector<16xi32>,
        tpu.vector_store %arg7[%swap3A_233], %select_n3A_232 {strides = array<i32>} : memref<128xi32, #tpu.memory_space<vmem>>, vector<16xi32>,
        %get3A_235 = arith.constant 112 : index
        %get3A_236 = tpu.vector_load %arg5[%get3A_235] {strides = array<i32>} : memref<128xi32, #tpu.memory_space<vmem>>, vector<16xi32>,
        %sub3A_237 = vector.broadcast %mul3A_53 : i32 to vector<16xi32>
        %sub3A_238 = arith.subi %get3A_236, %sub3A_237 : vector<16xi32>
        %ge3A_239 = arith.constant 0 : i32
        %ge3A_240 = vector.broadcast %ge3A_239 : i32 to vector<16xi32>
        %ge3A_241 = arith.cmpi sge, %sub3A_238, %ge3A_240 : vector<16xi32>
        %lt3A_242 = arith.constant 40000 : i32
        %lt3A_243 = vector.broadcast %lt3A_242 : i32 to vector<16xi32>
        %lt3A_244 = arith.cmpi slt, %sub3A_238, %lt3A_243 : vector<16xi32>
        %and3A_245 = arith.andi %ge3A_241, %lt3A_244 : vector<16xi1>
        %jit3A_246 = arith.constant 40000 : i32
        %broadcast_in_dim3A_247 = vector.broadcast %jit3A_246 : i32 to vector<16xi32>
        %select_n3A_248 = arith.select %and3A_245, %sub3A_238, %broadcast_in_dim3A_247 : vector<16xi1>, vector<16xi32>
        %swap3A_249 = arith.constant 112 : index
        %swap3A_250 = tpu.vector_load %arg7[%swap3A_249] {strides = array<i32>} : memref<128xi32, #tpu.memory_space<vmem>>, vector<16xi32>,
        tpu.vector_store %arg7[%swap3A_249], %select_n3A_248 {strides = array<i32>} : memref<128xi32, #tpu.memory_space<vmem>>, vector<16xi32>,
        "tpu.region"() ({
          %run_scoped3A = tpu.sem_alloc : memref<!tpu.dma_semaphore, #tpu.memory_space<semaphore_mem>>
          %dma_start3A = arith.constant 0 : i32
          %dma_start3A_257 = arith.constant 0 : i32
          %dma_start3A_258 = tpu.memref_slice %arg11[%dma_start3A, %dma_start3A_257] : memref<40008x32xf32, #tpu.memory_space<vmem_shared>> -> memref<40008x32xf32, #tpu.memory_space<vmem_shared>>
          tpu.enqueue_indirect_dma source(%arg8 : memref<128x32xf32, #tpu.memory_space<vmem>>) target(%dma_start3A_258 : memref<40008x32xf32, #tpu.memory_space<vmem_shared>>) offsets(%arg7 : memref<128xi32, #tpu.memory_space<vmem>>) semaphore(%run_scoped3A : memref<!tpu.dma_semaphore, #tpu.memory_space<semaphore_mem>>) {add = true}
          %dma_wait3A_259 = arith.constant 0 : i32
          %dma_wait3A_260 = arith.constant 0 : i32
          %dma_wait3A_261 = tpu.memref_slice %arg11[%dma_wait3A_259, %dma_wait3A_260] : memref<40008x32xf32, #tpu.memory_space<vmem_shared>> -> memref<40008x32xf32, #tpu.memory_space<vmem_shared>>
          tpu.wait_indirect_dma semaphore(%run_scoped3A : memref<!tpu.dma_semaphore, #tpu.memory_space<semaphore_mem>>) src(%arg8 : memref<128x32xf32, #tpu.memory_space<vmem>>) dst(%dma_wait3A_261 : memref<40008x32xf32, #tpu.memory_space<vmem_shared>>)
          tpu.yield
        }) : () -> ()
        %add3A_251 = arith.constant 2 : i32
        %add3A_252 = arith.addi %add3A_105, %add3A_251 : i32
        %lt3A_253 = arith.cmpi slt, %add3A_252, %add3A_73 : i32
        %convert_element_type3A_254 = arith.extui %lt3A_253 : i1 to i32
        %cond3A_255 = arith.constant 0 : i32
        %cond3A_256 = arith.cmpi ne, %convert_element_type3A_254, %cond3A_255 : i32
        scf.if %cond3A_256 {
          %add3A_257 = arith.constant 2 : i32
          %add3A_258 = arith.addi %add3A_105, %add3A_257 : i32
          %mul3A_259 = arith.constant 16 : i32
          %mul3A_260 = arith.muli %add3A_258, %mul3A_259 : i32
          %add3A_261 = arith.addi %arg1, %mul3A_260 : i32
          %mul3A_262 = arith.constant 128 : i32
          %mul3A_263 = arith.muli %add3A_261, %mul3A_262 : i32
          %dma_start3A = tpu.memref_slice %arg3[%mul3A_263] : memref<320000xi32, #tpu.memory_space<hbm>> -> memref<128xi32, #tpu.memory_space<hbm>>
          %dma_start3A_264 = tpu.memref_slice %arg3[%mul3A_263] : memref<320000xi32, #tpu.memory_space<hbm>> -> memref<128xi32, #tpu.memory_space<hbm>>
          tpu.enqueue_dma source(%dma_start3A_264 : memref<128xi32, #tpu.memory_space<hbm>>) target(%arg5 : memref<128xi32, #tpu.memory_space<vmem>>) target_semaphore(%arg12 : memref<!tpu.dma_semaphore, #tpu.memory_space<semaphore_mem>>)
          %dma_start3A_265 = arith.constant 0 : i32
          %dma_start3A_266 = tpu.memref_slice %arg2[%mul3A_263, %dma_start3A_265] : memref<320000x32xf32, #tpu.memory_space<hbm>> -> memref<128x32xf32, #tpu.memory_space<hbm>>
          %dma_start3A_267 = arith.constant 0 : i32
          %dma_start3A_268 = tpu.memref_slice %arg2[%mul3A_263, %dma_start3A_267] : memref<320000x32xf32, #tpu.memory_space<hbm>> -> memref<128x32xf32, #tpu.memory_space<hbm>>
          tpu.enqueue_dma source(%dma_start3A_268 : memref<128x32xf32, #tpu.memory_space<hbm>>) target(%arg8 : memref<128x32xf32, #tpu.memory_space<vmem>>) target_semaphore(%arg14 : memref<!tpu.dma_semaphore, #tpu.memory_space<semaphore_mem>>)
        } else {
        }
      } else {
      }
      %mul3A_110 = arith.constant 2 : i32
      %mul3A_111 = arith.muli %mul3A_110, %scan3A_100 : i32
      %add3A_112 = arith.constant 1 : i32
      %add3A_113 = arith.addi %mul3A_111, %add3A_112 : i32
      %lt3A_114 = arith.cmpi slt, %add3A_113, %add3A_73 : i32
      %convert_element_type3A_115 = arith.extui %lt3A_114 : i1 to i32
      %cond3A_116 = arith.constant 0 : i32
      %cond3A_117 = arith.cmpi ne, %convert_element_type3A_115, %cond3A_116 : i32
      scf.if %cond3A_117 {
        %mul3A_119 = arith.constant 16 : i32
        %mul3A_120 = arith.muli %add3A_113, %mul3A_119 : i32
        %add3A_121 = arith.addi %arg1, %mul3A_120 : i32
        %mul3A_122 = arith.constant 128 : i32
        %mul3A_123 = arith.muli %add3A_121, %mul3A_122 : i32
        %dma_wait3A = tpu.memref_slice %arg3[%mul3A_123] : memref<320000xi32, #tpu.memory_space<hbm>> -> memref<128xi32, #tpu.memory_space<hbm>>
        %dma_wait3A_124 = tpu.memref_slice %arg3[%mul3A_123] : memref<320000xi32, #tpu.memory_space<hbm>> -> memref<128xi32, #tpu.memory_space<hbm>>
        tpu.wait_dma2 semaphore(%arg13 : memref<!tpu.dma_semaphore, #tpu.memory_space<semaphore_mem>>) src(%dma_wait3A_124 : memref<128xi32, #tpu.memory_space<hbm>>) dst(%arg6 : memref<128xi32, #tpu.memory_space<vmem>>)
        %dma_wait3A_125 = arith.constant 0 : i32
        %dma_wait3A_126 = tpu.memref_slice %arg2[%mul3A_123, %dma_wait3A_125] : memref<320000x32xf32, #tpu.memory_space<hbm>> -> memref<128x32xf32, #tpu.memory_space<hbm>>
        %dma_wait3A_127 = arith.constant 0 : i32
        %dma_wait3A_128 = tpu.memref_slice %arg2[%mul3A_123, %dma_wait3A_127] : memref<320000x32xf32, #tpu.memory_space<hbm>> -> memref<128x32xf32, #tpu.memory_space<hbm>>
        tpu.wait_dma2 semaphore(%arg15 : memref<!tpu.dma_semaphore, #tpu.memory_space<semaphore_mem>>) src(%dma_wait3A_128 : memref<128x32xf32, #tpu.memory_space<hbm>>) dst(%arg9 : memref<128x32xf32, #tpu.memory_space<vmem>>)
        %get3A = arith.constant 0 : index
        %get3A_129 = tpu.vector_load %arg6[%get3A] {strides = array<i32>} : memref<128xi32, #tpu.memory_space<vmem>>, vector<16xi32>,
        %sub3A = vector.broadcast %mul3A_53 : i32 to vector<16xi32>
        %sub3A_130 = arith.subi %get3A_129, %sub3A : vector<16xi32>
        %ge3A = arith.constant 0 : i32
        %ge3A_131 = vector.broadcast %ge3A : i32 to vector<16xi32>
        %ge3A_132 = arith.cmpi sge, %sub3A_130, %ge3A_131 : vector<16xi32>
        %lt3A_133 = arith.constant 40000 : i32
        %lt3A_134 = vector.broadcast %lt3A_133 : i32 to vector<16xi32>
        %lt3A_135 = arith.cmpi slt, %sub3A_130, %lt3A_134 : vector<16xi32>
        %and3A = arith.andi %ge3A_132, %lt3A_135 : vector<16xi1>
        %jit3A_136 = arith.constant 40000 : i32
        %broadcast_in_dim3A = vector.broadcast %jit3A_136 : i32 to vector<16xi32>
        %select_n3A_137 = arith.select %and3A, %sub3A_130, %broadcast_in_dim3A : vector<16xi1>, vector<16xi32>
        %swap3A = arith.constant 0 : index
        %swap3A_138 = tpu.vector_load %arg7[%swap3A] {strides = array<i32>} : memref<128xi32, #tpu.memory_space<vmem>>, vector<16xi32>,
        tpu.vector_store %arg7[%swap3A], %select_n3A_137 {strides = array<i32>} : memref<128xi32, #tpu.memory_space<vmem>>, vector<16xi32>,
        %get3A_139 = arith.constant 16 : index
        %get3A_140 = tpu.vector_load %arg6[%get3A_139] {strides = array<i32>} : memref<128xi32, #tpu.memory_space<vmem>>, vector<16xi32>,
        %sub3A_141 = vector.broadcast %mul3A_53 : i32 to vector<16xi32>
        %sub3A_142 = arith.subi %get3A_140, %sub3A_141 : vector<16xi32>
        %ge3A_143 = arith.constant 0 : i32
        %ge3A_144 = vector.broadcast %ge3A_143 : i32 to vector<16xi32>
        %ge3A_145 = arith.cmpi sge, %sub3A_142, %ge3A_144 : vector<16xi32>
        %lt3A_146 = arith.constant 40000 : i32
        %lt3A_147 = vector.broadcast %lt3A_146 : i32 to vector<16xi32>
        %lt3A_148 = arith.cmpi slt, %sub3A_142, %lt3A_147 : vector<16xi32>
        %and3A_149 = arith.andi %ge3A_145, %lt3A_148 : vector<16xi1>
        %jit3A_150 = arith.constant 40000 : i32
        %broadcast_in_dim3A_151 = vector.broadcast %jit3A_150 : i32 to vector<16xi32>
        %select_n3A_152 = arith.select %and3A_149, %sub3A_142, %broadcast_in_dim3A_151 : vector<16xi1>, vector<16xi32>
        %swap3A_153 = arith.constant 16 : index
        %swap3A_154 = tpu.vector_load %arg7[%swap3A_153] {strides = array<i32>} : memref<128xi32, #tpu.memory_space<vmem>>, vector<16xi32>,
        tpu.vector_store %arg7[%swap3A_153], %select_n3A_152 {strides = array<i32>} : memref<128xi32, #tpu.memory_space<vmem>>, vector<16xi32>,
        %get3A_155 = arith.constant 32 : index
        %get3A_156 = tpu.vector_load %arg6[%get3A_155] {strides = array<i32>} : memref<128xi32, #tpu.memory_space<vmem>>, vector<16xi32>,
        %sub3A_157 = vector.broadcast %mul3A_53 : i32 to vector<16xi32>
        %sub3A_158 = arith.subi %get3A_156, %sub3A_157 : vector<16xi32>
        %ge3A_159 = arith.constant 0 : i32
        %ge3A_160 = vector.broadcast %ge3A_159 : i32 to vector<16xi32>
        %ge3A_161 = arith.cmpi sge, %sub3A_158, %ge3A_160 : vector<16xi32>
        %lt3A_162 = arith.constant 40000 : i32
        %lt3A_163 = vector.broadcast %lt3A_162 : i32 to vector<16xi32>
        %lt3A_164 = arith.cmpi slt, %sub3A_158, %lt3A_163 : vector<16xi32>
        %and3A_165 = arith.andi %ge3A_161, %lt3A_164 : vector<16xi1>
        %jit3A_166 = arith.constant 40000 : i32
        %broadcast_in_dim3A_167 = vector.broadcast %jit3A_166 : i32 to vector<16xi32>
        %select_n3A_168 = arith.select %and3A_165, %sub3A_158, %broadcast_in_dim3A_167 : vector<16xi1>, vector<16xi32>
        %swap3A_169 = arith.constant 32 : index
        %swap3A_170 = tpu.vector_load %arg7[%swap3A_169] {strides = array<i32>} : memref<128xi32, #tpu.memory_space<vmem>>, vector<16xi32>,
        tpu.vector_store %arg7[%swap3A_169], %select_n3A_168 {strides = array<i32>} : memref<128xi32, #tpu.memory_space<vmem>>, vector<16xi32>,
        %get3A_171 = arith.constant 48 : index
        %get3A_172 = tpu.vector_load %arg6[%get3A_171] {strides = array<i32>} : memref<128xi32, #tpu.memory_space<vmem>>, vector<16xi32>,
        %sub3A_173 = vector.broadcast %mul3A_53 : i32 to vector<16xi32>
        %sub3A_174 = arith.subi %get3A_172, %sub3A_173 : vector<16xi32>
        %ge3A_175 = arith.constant 0 : i32
        %ge3A_176 = vector.broadcast %ge3A_175 : i32 to vector<16xi32>
        %ge3A_177 = arith.cmpi sge, %sub3A_174, %ge3A_176 : vector<16xi32>
        %lt3A_178 = arith.constant 40000 : i32
        %lt3A_179 = vector.broadcast %lt3A_178 : i32 to vector<16xi32>
        %lt3A_180 = arith.cmpi slt, %sub3A_174, %lt3A_179 : vector<16xi32>
        %and3A_181 = arith.andi %ge3A_177, %lt3A_180 : vector<16xi1>
        %jit3A_182 = arith.constant 40000 : i32
        %broadcast_in_dim3A_183 = vector.broadcast %jit3A_182 : i32 to vector<16xi32>
        %select_n3A_184 = arith.select %and3A_181, %sub3A_174, %broadcast_in_dim3A_183 : vector<16xi1>, vector<16xi32>
        %swap3A_185 = arith.constant 48 : index
        %swap3A_186 = tpu.vector_load %arg7[%swap3A_185] {strides = array<i32>} : memref<128xi32, #tpu.memory_space<vmem>>, vector<16xi32>,
        tpu.vector_store %arg7[%swap3A_185], %select_n3A_184 {strides = array<i32>} : memref<128xi32, #tpu.memory_space<vmem>>, vector<16xi32>,
        %get3A_187 = arith.constant 64 : index
        %get3A_188 = tpu.vector_load %arg6[%get3A_187] {strides = array<i32>} : memref<128xi32, #tpu.memory_space<vmem>>, vector<16xi32>,
        %sub3A_189 = vector.broadcast %mul3A_53 : i32 to vector<16xi32>
        %sub3A_190 = arith.subi %get3A_188, %sub3A_189 : vector<16xi32>
        %ge3A_191 = arith.constant 0 : i32
        %ge3A_192 = vector.broadcast %ge3A_191 : i32 to vector<16xi32>
        %ge3A_193 = arith.cmpi sge, %sub3A_190, %ge3A_192 : vector<16xi32>
        %lt3A_194 = arith.constant 40000 : i32
        %lt3A_195 = vector.broadcast %lt3A_194 : i32 to vector<16xi32>
        %lt3A_196 = arith.cmpi slt, %sub3A_190, %lt3A_195 : vector<16xi32>
        %and3A_197 = arith.andi %ge3A_193, %lt3A_196 : vector<16xi1>
        %jit3A_198 = arith.constant 40000 : i32
        %broadcast_in_dim3A_199 = vector.broadcast %jit3A_198 : i32 to vector<16xi32>
        %select_n3A_200 = arith.select %and3A_197, %sub3A_190, %broadcast_in_dim3A_199 : vector<16xi1>, vector<16xi32>
        %swap3A_201 = arith.constant 64 : index
        %swap3A_202 = tpu.vector_load %arg7[%swap3A_201] {strides = array<i32>} : memref<128xi32, #tpu.memory_space<vmem>>, vector<16xi32>,
        tpu.vector_store %arg7[%swap3A_201], %select_n3A_200 {strides = array<i32>} : memref<128xi32, #tpu.memory_space<vmem>>, vector<16xi32>,
        %get3A_203 = arith.constant 80 : index
        %get3A_204 = tpu.vector_load %arg6[%get3A_203] {strides = array<i32>} : memref<128xi32, #tpu.memory_space<vmem>>, vector<16xi32>,
        %sub3A_205 = vector.broadcast %mul3A_53 : i32 to vector<16xi32>
        %sub3A_206 = arith.subi %get3A_204, %sub3A_205 : vector<16xi32>
        %ge3A_207 = arith.constant 0 : i32
        %ge3A_208 = vector.broadcast %ge3A_207 : i32 to vector<16xi32>
        %ge3A_209 = arith.cmpi sge, %sub3A_206, %ge3A_208 : vector<16xi32>
        %lt3A_210 = arith.constant 40000 : i32
        %lt3A_211 = vector.broadcast %lt3A_210 : i32 to vector<16xi32>
        %lt3A_212 = arith.cmpi slt, %sub3A_206, %lt3A_211 : vector<16xi32>
        %and3A_213 = arith.andi %ge3A_209, %lt3A_212 : vector<16xi1>
        %jit3A_214 = arith.constant 40000 : i32
        %broadcast_in_dim3A_215 = vector.broadcast %jit3A_214 : i32 to vector<16xi32>
        %select_n3A_216 = arith.select %and3A_213, %sub3A_206, %broadcast_in_dim3A_215 : vector<16xi1>, vector<16xi32>
        %swap3A_217 = arith.constant 80 : index
        %swap3A_218 = tpu.vector_load %arg7[%swap3A_217] {strides = array<i32>} : memref<128xi32, #tpu.memory_space<vmem>>, vector<16xi32>,
        tpu.vector_store %arg7[%swap3A_217], %select_n3A_216 {strides = array<i32>} : memref<128xi32, #tpu.memory_space<vmem>>, vector<16xi32>,
        %get3A_219 = arith.constant 96 : index
        %get3A_220 = tpu.vector_load %arg6[%get3A_219] {strides = array<i32>} : memref<128xi32, #tpu.memory_space<vmem>>, vector<16xi32>,
        %sub3A_221 = vector.broadcast %mul3A_53 : i32 to vector<16xi32>
        %sub3A_222 = arith.subi %get3A_220, %sub3A_221 : vector<16xi32>
        %ge3A_223 = arith.constant 0 : i32
        %ge3A_224 = vector.broadcast %ge3A_223 : i32 to vector<16xi32>
        %ge3A_225 = arith.cmpi sge, %sub3A_222, %ge3A_224 : vector<16xi32>
        %lt3A_226 = arith.constant 40000 : i32
        %lt3A_227 = vector.broadcast %lt3A_226 : i32 to vector<16xi32>
        %lt3A_228 = arith.cmpi slt, %sub3A_222, %lt3A_227 : vector<16xi32>
        %and3A_229 = arith.andi %ge3A_225, %lt3A_228 : vector<16xi1>
        %jit3A_230 = arith.constant 40000 : i32
        %broadcast_in_dim3A_231 = vector.broadcast %jit3A_230 : i32 to vector<16xi32>
        %select_n3A_232 = arith.select %and3A_229, %sub3A_222, %broadcast_in_dim3A_231 : vector<16xi1>, vector<16xi32>
        %swap3A_233 = arith.constant 96 : index
        %swap3A_234 = tpu.vector_load %arg7[%swap3A_233] {strides = array<i32>} : memref<128xi32, #tpu.memory_space<vmem>>, vector<16xi32>,
        tpu.vector_store %arg7[%swap3A_233], %select_n3A_232 {strides = array<i32>} : memref<128xi32, #tpu.memory_space<vmem>>, vector<16xi32>,
        %get3A_235 = arith.constant 112 : index
        %get3A_236 = tpu.vector_load %arg6[%get3A_235] {strides = array<i32>} : memref<128xi32, #tpu.memory_space<vmem>>, vector<16xi32>,
        %sub3A_237 = vector.broadcast %mul3A_53 : i32 to vector<16xi32>
        %sub3A_238 = arith.subi %get3A_236, %sub3A_237 : vector<16xi32>
        %ge3A_239 = arith.constant 0 : i32
        %ge3A_240 = vector.broadcast %ge3A_239 : i32 to vector<16xi32>
        %ge3A_241 = arith.cmpi sge, %sub3A_238, %ge3A_240 : vector<16xi32>
        %lt3A_242 = arith.constant 40000 : i32
        %lt3A_243 = vector.broadcast %lt3A_242 : i32 to vector<16xi32>
        %lt3A_244 = arith.cmpi slt, %sub3A_238, %lt3A_243 : vector<16xi32>
        %and3A_245 = arith.andi %ge3A_241, %lt3A_244 : vector<16xi1>
        %jit3A_246 = arith.constant 40000 : i32
        %broadcast_in_dim3A_247 = vector.broadcast %jit3A_246 : i32 to vector<16xi32>
        %select_n3A_248 = arith.select %and3A_245, %sub3A_238, %broadcast_in_dim3A_247 : vector<16xi1>, vector<16xi32>
        %swap3A_249 = arith.constant 112 : index
        %swap3A_250 = tpu.vector_load %arg7[%swap3A_249] {strides = array<i32>} : memref<128xi32, #tpu.memory_space<vmem>>, vector<16xi32>,
        tpu.vector_store %arg7[%swap3A_249], %select_n3A_248 {strides = array<i32>} : memref<128xi32, #tpu.memory_space<vmem>>, vector<16xi32>,
        "tpu.region"() ({
          %run_scoped3A = tpu.sem_alloc : memref<!tpu.dma_semaphore, #tpu.memory_space<semaphore_mem>>
          %dma_start3A = arith.constant 0 : i32
          %dma_start3A_257 = arith.constant 0 : i32
          %dma_start3A_258 = tpu.memref_slice %arg11[%dma_start3A, %dma_start3A_257] : memref<40008x32xf32, #tpu.memory_space<vmem_shared>> -> memref<40008x32xf32, #tpu.memory_space<vmem_shared>>
          tpu.enqueue_indirect_dma source(%arg9 : memref<128x32xf32, #tpu.memory_space<vmem>>) target(%dma_start3A_258 : memref<40008x32xf32, #tpu.memory_space<vmem_shared>>) offsets(%arg7 : memref<128xi32, #tpu.memory_space<vmem>>) semaphore(%run_scoped3A : memref<!tpu.dma_semaphore, #tpu.memory_space<semaphore_mem>>) {add = true}
          %dma_wait3A_259 = arith.constant 0 : i32
          %dma_wait3A_260 = arith.constant 0 : i32
          %dma_wait3A_261 = tpu.memref_slice %arg11[%dma_wait3A_259, %dma_wait3A_260] : memref<40008x32xf32, #tpu.memory_space<vmem_shared>> -> memref<40008x32xf32, #tpu.memory_space<vmem_shared>>
          tpu.wait_indirect_dma semaphore(%run_scoped3A : memref<!tpu.dma_semaphore, #tpu.memory_space<semaphore_mem>>) src(%arg9 : memref<128x32xf32, #tpu.memory_space<vmem>>) dst(%dma_wait3A_261 : memref<40008x32xf32, #tpu.memory_space<vmem_shared>>)
          tpu.yield
        }) : () -> ()
        %add3A_251 = arith.constant 2 : i32
        %add3A_252 = arith.addi %add3A_113, %add3A_251 : i32
        %lt3A_253 = arith.cmpi slt, %add3A_252, %add3A_73 : i32
        %convert_element_type3A_254 = arith.extui %lt3A_253 : i1 to i32
        %cond3A_255 = arith.constant 0 : i32
        %cond3A_256 = arith.cmpi ne, %convert_element_type3A_254, %cond3A_255 : i32
        scf.if %cond3A_256 {
          %add3A_257 = arith.constant 2 : i32
          %add3A_258 = arith.addi %add3A_113, %add3A_257 : i32
          %mul3A_259 = arith.constant 16 : i32
          %mul3A_260 = arith.muli %add3A_258, %mul3A_259 : i32
          %add3A_261 = arith.addi %arg1, %mul3A_260 : i32
          %mul3A_262 = arith.constant 128 : i32
          %mul3A_263 = arith.muli %add3A_261, %mul3A_262 : i32
          %dma_start3A = tpu.memref_slice %arg3[%mul3A_263] : memref<320000xi32, #tpu.memory_space<hbm>> -> memref<128xi32, #tpu.memory_space<hbm>>
          %dma_start3A_264 = tpu.memref_slice %arg3[%mul3A_263] : memref<320000xi32, #tpu.memory_space<hbm>> -> memref<128xi32, #tpu.memory_space<hbm>>
          tpu.enqueue_dma source(%dma_start3A_264 : memref<128xi32, #tpu.memory_space<hbm>>) target(%arg6 : memref<128xi32, #tpu.memory_space<vmem>>) target_semaphore(%arg13 : memref<!tpu.dma_semaphore, #tpu.memory_space<semaphore_mem>>)
          %dma_start3A_265 = arith.constant 0 : i32
          %dma_start3A_266 = tpu.memref_slice %arg2[%mul3A_263, %dma_start3A_265] : memref<320000x32xf32, #tpu.memory_space<hbm>> -> memref<128x32xf32, #tpu.memory_space<hbm>>
          %dma_start3A_267 = arith.constant 0 : i32
          %dma_start3A_268 = tpu.memref_slice %arg2[%mul3A_263, %dma_start3A_267] : memref<320000x32xf32, #tpu.memory_space<hbm>> -> memref<128x32xf32, #tpu.memory_space<hbm>>
          tpu.enqueue_dma source(%dma_start3A_268 : memref<128x32xf32, #tpu.memory_space<hbm>>) target(%arg9 : memref<128x32xf32, #tpu.memory_space<vmem>>) target_semaphore(%arg15 : memref<!tpu.dma_semaphore, #tpu.memory_space<semaphore_mem>>)
        } else {
        }
      } else {
      }
      %scan3A_118 = arith.constant 0 : i32
      scf.yield %scan3A_118 : i32
    }
    %scan3A_90 = arith.constant 79 : i32
    %barrier3A_91 = arith.constant 0 : index
    tpu.barrier barrier_id(%barrier3A_91)
    %scan3A_92 = arith.constant 0 : i32
    %scan3A_93 = arith.constant 0 : i32
    %scan3A_94 = arith.constant 25 : i32
    %scan3A_95 = arith.addi %scan3A_93, %scan3A_94 : i32
    %scan3A_96 = arith.constant 1 : i32
    %scan3A_97 = scf.for %scan3A_100 = %scan3A_93 to %scan3A_95 step %scan3A_96 iter_args(%scan3A_101 = %scan3A_92) -> (i32)  : i32 {
      %mul3A_102 = arith.constant 2500 : i32
      %mul3A_103 = arith.muli %arg1, %mul3A_102 : i32
      %mul3A_104 = arith.constant 100 : i32
      %mul3A_105 = arith.muli %scan3A_100, %mul3A_104 : i32
      %add3A_106 = arith.addi %mul3A_103, %mul3A_105 : i32
      "tpu.region"() ({
        %run_scoped3A = tpu.sem_alloc : memref<!tpu.dma_semaphore, #tpu.memory_space<semaphore_mem>>
        %dma_start3A = arith.constant 0 : i32
        %dma_start3A_109 = arith.constant 0 : i32
        %dma_start3A_110 = tpu.memref_slice %arg8[%dma_start3A, %dma_start3A_109] : memref<128x32xf32, #tpu.memory_space<vmem>> -> memref<100x32xf32, #tpu.memory_space<vmem>>
        %dma_start3A_111 = arith.constant 0 : i32
        %dma_start3A_112 = tpu.memref_slice %arg11[%add3A_106, %dma_start3A_111] : memref<40008x32xf32, #tpu.memory_space<vmem_shared>> -> memref<100x32xf32, #tpu.memory_space<vmem_shared>>
        %dma_start3A_113 = arith.constant 0 : i32
        %dma_start3A_114 = arith.constant 0 : i32
        %dma_start3A_115 = tpu.memref_slice %arg8[%dma_start3A_113, %dma_start3A_114] : memref<128x32xf32, #tpu.memory_space<vmem>> -> memref<100x32xf32, #tpu.memory_space<vmem>>
        %dma_start3A_116 = arith.constant 0 : i32
        %dma_start3A_117 = tpu.memref_slice %arg11[%add3A_106, %dma_start3A_116] : memref<40008x32xf32, #tpu.memory_space<vmem_shared>> -> memref<100x32xf32, #tpu.memory_space<vmem_shared>>
        tpu.enqueue_dma source(%dma_start3A_117 : memref<100x32xf32, #tpu.memory_space<vmem_shared>>) target(%dma_start3A_115 : memref<100x32xf32, #tpu.memory_space<vmem>>) target_semaphore(%run_scoped3A : memref<!tpu.dma_semaphore, #tpu.memory_space<semaphore_mem>>)
        %dma_wait3A = arith.constant 0 : i32
        %dma_wait3A_118 = arith.constant 0 : i32
        %dma_wait3A_119 = tpu.memref_slice %arg8[%dma_wait3A, %dma_wait3A_118] : memref<128x32xf32, #tpu.memory_space<vmem>> -> memref<100x32xf32, #tpu.memory_space<vmem>>
        %dma_wait3A_120 = arith.constant 0 : i32
        %dma_wait3A_121 = tpu.memref_slice %arg11[%add3A_106, %dma_wait3A_120] : memref<40008x32xf32, #tpu.memory_space<vmem_shared>> -> memref<100x32xf32, #tpu.memory_space<vmem_shared>>
        %dma_wait3A_122 = arith.constant 0 : i32
        %dma_wait3A_123 = arith.constant 0 : i32
        %dma_wait3A_124 = tpu.memref_slice %arg8[%dma_wait3A_122, %dma_wait3A_123] : memref<128x32xf32, #tpu.memory_space<vmem>> -> memref<100x32xf32, #tpu.memory_space<vmem>>
        %dma_wait3A_125 = arith.constant 0 : i32
        %dma_wait3A_126 = tpu.memref_slice %arg11[%add3A_106, %dma_wait3A_125] : memref<40008x32xf32, #tpu.memory_space<vmem_shared>> -> memref<100x32xf32, #tpu.memory_space<vmem_shared>>
        tpu.wait_dma2 semaphore(%run_scoped3A : memref<!tpu.dma_semaphore, #tpu.memory_space<semaphore_mem>>) src(%dma_wait3A_126 : memref<100x32xf32, #tpu.memory_space<vmem_shared>>) dst(%dma_wait3A_124 : memref<100x32xf32, #tpu.memory_space<vmem>>)
        tpu.yield
      }) : () -> ()
      %add3A_107 = arith.addi %mul3A_53, %add3A_106 : i32
      "tpu.region"() ({
        %run_scoped3A = tpu.sem_alloc : memref<!tpu.dma_semaphore, #tpu.memory_space<semaphore_mem>>
        %dma_start3A = arith.constant 0 : i32
        %dma_start3A_109 = arith.constant 0 : i32
        %dma_start3A_110 = tpu.memref_slice %arg8[%dma_start3A, %dma_start3A_109] : memref<128x32xf32, #tpu.memory_space<vmem>> -> memref<100x32xf32, #tpu.memory_space<vmem>>
        %dma_start3A_111 = arith.constant 0 : i32
        %dma_start3A_112 = tpu.memref_slice %arg4[%add3A_107, %dma_start3A_111] : memref<160000x128xf32, #tpu.memory_space<hbm>> -> memref<100x32xf32, #tpu.memory_space<hbm>>
        %dma_start3A_113 = arith.constant 0 : i32
        %dma_start3A_114 = tpu.memref_slice %arg4[%add3A_107, %dma_start3A_113] : memref<160000x128xf32, #tpu.memory_space<hbm>> -> memref<100x32xf32, #tpu.memory_space<hbm>>
        %dma_start3A_115 = arith.constant 0 : i32
        %dma_start3A_116 = arith.constant 0 : i32
        %dma_start3A_117 = tpu.memref_slice %arg8[%dma_start3A_115, %dma_start3A_116] : memref<128x32xf32, #tpu.memory_space<vmem>> -> memref<100x32xf32, #tpu.memory_space<vmem>>
        tpu.enqueue_dma source(%dma_start3A_117 : memref<100x32xf32, #tpu.memory_space<vmem>>) target(%dma_start3A_114 : memref<100x32xf32, #tpu.memory_space<hbm>>) target_semaphore(%run_scoped3A : memref<!tpu.dma_semaphore, #tpu.memory_space<semaphore_mem>>)
        %dma_wait3A = arith.constant 0 : i32
        %dma_wait3A_118 = arith.constant 0 : i32
        %dma_wait3A_119 = tpu.memref_slice %arg8[%dma_wait3A, %dma_wait3A_118] : memref<128x32xf32, #tpu.memory_space<vmem>> -> memref<100x32xf32, #tpu.memory_space<vmem>>
        %dma_wait3A_120 = arith.constant 0 : i32
        %dma_wait3A_121 = tpu.memref_slice %arg4[%add3A_107, %dma_wait3A_120] : memref<160000x128xf32, #tpu.memory_space<hbm>> -> memref<100x32xf32, #tpu.memory_space<hbm>>
        %dma_wait3A_122 = arith.constant 0 : i32
        %dma_wait3A_123 = tpu.memref_slice %arg4[%add3A_107, %dma_wait3A_122] : memref<160000x128xf32, #tpu.memory_space<hbm>> -> memref<100x32xf32, #tpu.memory_space<hbm>>
        %dma_wait3A_124 = arith.constant 0 : i32
        %dma_wait3A_125 = arith.constant 0 : i32
        %dma_wait3A_126 = tpu.memref_slice %arg8[%dma_wait3A_124, %dma_wait3A_125] : memref<128x32xf32, #tpu.memory_space<vmem>> -> memref<100x32xf32, #tpu.memory_space<vmem>>
        tpu.wait_dma2 semaphore(%run_scoped3A : memref<!tpu.dma_semaphore, #tpu.memory_space<semaphore_mem>>) src(%dma_wait3A_126 : memref<100x32xf32, #tpu.memory_space<vmem>>) dst(%dma_wait3A_123 : memref<100x32xf32, #tpu.memory_space<hbm>>)
        tpu.yield
      }) : () -> ()
      %scan3A_108 = arith.constant 0 : i32
      scf.yield %scan3A_108 : i32
    }
    %scan3A_98 = arith.constant 25 : i32
    %barrier3A_99 = arith.constant 0 : index
    tpu.barrier barrier_id(%barrier3A_99)
    return
  }
}

#map = affine_map<(d0, d1) -> (0, 0)>
#map1 = affine_map<(d0, d1) -> (0)>
module attributes {stable_mosaic.version = 14 : i64} {
  func.func @_sc1_body(%arg0: i32, %arg1: i32, %arg2: memref<160000x384xf32, #tpu.memory_space<hbm>>, %arg3: memref<2880000xf32, #tpu.memory_space<hbm>>, %arg4: memref<10000x32xf32, #tpu.memory_space<hbm>>, %arg5: memref<320000xi32, #tpu.memory_space<hbm>>, %arg6: memref<320000xi32, #tpu.memory_space<hbm>>, %arg7: memref<320000x32xf32, #tpu.memory_space<hbm>>, %arg8: memref<128xi32, #tpu.memory_space<vmem>>, %arg9: memref<128xi32, #tpu.memory_space<vmem>>, %arg10: memref<128xi32, #tpu.memory_space<vmem>>, %arg11: memref<128xi32, #tpu.memory_space<vmem>>, %arg12: memref<1168xf32, #tpu.memory_space<vmem>>, %arg13: memref<1168xf32, #tpu.memory_space<vmem>>, %arg14: memref<128x384xf32, #tpu.memory_space<vmem>>, %arg15: memref<128x384xf32, #tpu.memory_space<vmem>>, %arg16: memref<128x32xf32, #tpu.memory_space<vmem>>, %arg17: memref<128x32xf32, #tpu.memory_space<vmem>>, %arg18: memref<128x32xf32, #tpu.memory_space<vmem>>, %arg19: memref<!tpu.dma_semaphore, #tpu.memory_space<semaphore_mem>>, %arg20: memref<!tpu.dma_semaphore, #tpu.memory_space<semaphore_mem>>, %arg21: memref<!tpu.dma_semaphore, #tpu.memory_space<semaphore_mem>>, %arg22: memref<!tpu.dma_semaphore, #tpu.memory_space<semaphore_mem>>) attributes {dimension_semantics = [#tpu.dimension_semantics<core_parallel>, #tpu.dimension_semantics<subcore_parallel>], iteration_bounds = array<i64: 2, 16>, scalar_prefetch = 0 : i64, scratch_operands = 15 : i64, tpu.core_type = #tpu.core_type<sc_vector_subcore>, window_params = [{transform_indices = #map}, {transform_indices = #map1}, {transform_indices = #map}, {transform_indices = #map1}, {transform_indices = #map1}, {transform_indices = #map}]} {
    %mul3A = arith.constant 2 : i32
    %mul3A_0 = arith.muli %arg1, %mul3A : i32
    %add3A = arith.addi %mul3A_0, %arg0 : i32
    %lt3A = arith.constant 4 : i32
    %lt3A_1 = arith.cmpi slt, %add3A, %lt3A : i32
    %jit3A = arith.constant 1 : i32
    %jit3A_2 = arith.constant 0 : i32
    %select_n3A = arith.select %lt3A_1, %jit3A, %jit3A_2 : i32
    %add3A_3 = arith.constant 78 : i32
    %add3A_4 = arith.addi %add3A_3, %select_n3A : i32
    %gt3A = arith.constant 0 : i32
    %gt3A_5 = arith.cmpi sgt, %add3A_4, %gt3A : i32
    %convert_element_type3A = arith.extui %gt3A_5 : i1 to i32
    %cond3A = arith.constant 0 : i32
    %cond3A_6 = arith.cmpi ne, %convert_element_type3A, %cond3A : i32
    scf.if %cond3A_6 {
      %add3A_18 = arith.constant 0 : i32
      %add3A_19 = arith.addi %add3A, %add3A_18 : i32
      %mul3A_20 = arith.constant 128 : i32
      %mul3A_21 = arith.muli %add3A_19, %mul3A_20 : i32
      "tpu.region"() ({
        %run_scoped3A = tpu.sem_alloc : memref<!tpu.dma_semaphore, #tpu.memory_space<semaphore_mem>>
        %dma_start3A_29 = tpu.memref_slice %arg5[%mul3A_21] : memref<320000xi32, #tpu.memory_space<hbm>> -> memref<128xi32, #tpu.memory_space<hbm>>
        %dma_start3A_30 = tpu.memref_slice %arg5[%mul3A_21] : memref<320000xi32, #tpu.memory_space<hbm>> -> memref<128xi32, #tpu.memory_space<hbm>>
        tpu.enqueue_dma source(%dma_start3A_30 : memref<128xi32, #tpu.memory_space<hbm>>) target(%arg8 : memref<128xi32, #tpu.memory_space<vmem>>) target_semaphore(%run_scoped3A : memref<!tpu.dma_semaphore, #tpu.memory_space<semaphore_mem>>)
        %dma_wait3A = tpu.memref_slice %arg5[%mul3A_21] : memref<320000xi32, #tpu.memory_space<hbm>> -> memref<128xi32, #tpu.memory_space<hbm>>
        %dma_wait3A_31 = tpu.memref_slice %arg5[%mul3A_21] : memref<320000xi32, #tpu.memory_space<hbm>> -> memref<128xi32, #tpu.memory_space<hbm>>
        tpu.wait_dma2 semaphore(%run_scoped3A : memref<!tpu.dma_semaphore, #tpu.memory_space<semaphore_mem>>) src(%dma_wait3A_31 : memref<128xi32, #tpu.memory_space<hbm>>) dst(%arg8 : memref<128xi32, #tpu.memory_space<vmem>>)
        tpu.yield
      }) : () -> ()
      "tpu.region"() ({
        %run_scoped3A = tpu.sem_alloc : memref<!tpu.dma_semaphore, #tpu.memory_space<semaphore_mem>>
        %dma_start3A_29 = tpu.memref_slice %arg6[%mul3A_21] : memref<320000xi32, #tpu.memory_space<hbm>> -> memref<128xi32, #tpu.memory_space<hbm>>
        %dma_start3A_30 = tpu.memref_slice %arg6[%mul3A_21] : memref<320000xi32, #tpu.memory_space<hbm>> -> memref<128xi32, #tpu.memory_space<hbm>>
        tpu.enqueue_dma source(%dma_start3A_30 : memref<128xi32, #tpu.memory_space<hbm>>) target(%arg10 : memref<128xi32, #tpu.memory_space<vmem>>) target_semaphore(%run_scoped3A : memref<!tpu.dma_semaphore, #tpu.memory_space<semaphore_mem>>)
        %dma_wait3A = tpu.memref_slice %arg6[%mul3A_21] : memref<320000xi32, #tpu.memory_space<hbm>> -> memref<128xi32, #tpu.memory_space<hbm>>
        %dma_wait3A_31 = tpu.memref_slice %arg6[%mul3A_21] : memref<320000xi32, #tpu.memory_space<hbm>> -> memref<128xi32, #tpu.memory_space<hbm>>
        tpu.wait_dma2 semaphore(%run_scoped3A : memref<!tpu.dma_semaphore, #tpu.memory_space<semaphore_mem>>) src(%dma_wait3A_31 : memref<128xi32, #tpu.memory_space<hbm>>) dst(%arg10 : memref<128xi32, #tpu.memory_space<vmem>>)
        tpu.yield
      }) : () -> ()
      %mul3A_22 = arith.constant 9 : i32
      %mul3A_23 = arith.muli %mul3A_21, %mul3A_22 : i32
      "tpu.region"() ({
        %run_scoped3A = tpu.sem_alloc : memref<!tpu.dma_semaphore, #tpu.memory_space<semaphore_mem>>
        %dma_start3A_29 = arith.constant 0 : i32
        %dma_start3A_30 = tpu.memref_slice %arg12[%dma_start3A_29] : memref<1168xf32, #tpu.memory_space<vmem>> -> memref<1152xf32, #tpu.memory_space<vmem>>
        %dma_start3A_31 = tpu.memref_slice %arg3[%mul3A_23] : memref<2880000xf32, #tpu.memory_space<hbm>> -> memref<1152xf32, #tpu.memory_space<hbm>>
        %dma_start3A_32 = arith.constant 0 : i32
        %dma_start3A_33 = tpu.memref_slice %arg12[%dma_start3A_32] : memref<1168xf32, #tpu.memory_space<vmem>> -> memref<1152xf32, #tpu.memory_space<vmem>>
        %dma_start3A_34 = tpu.memref_slice %arg3[%mul3A_23] : memref<2880000xf32, #tpu.memory_space<hbm>> -> memref<1152xf32, #tpu.memory_space<hbm>>
        tpu.enqueue_dma source(%dma_start3A_34 : memref<1152xf32, #tpu.memory_space<hbm>>) target(%dma_start3A_33 : memref<1152xf32, #tpu.memory_space<vmem>>) target_semaphore(%run_scoped3A : memref<!tpu.dma_semaphore, #tpu.memory_space<semaphore_mem>>)
        %dma_wait3A = arith.constant 0 : i32
        %dma_wait3A_35 = tpu.memref_slice %arg12[%dma_wait3A] : memref<1168xf32, #tpu.memory_space<vmem>> -> memref<1152xf32, #tpu.memory_space<vmem>>
        %dma_wait3A_36 = tpu.memref_slice %arg3[%mul3A_23] : memref<2880000xf32, #tpu.memory_space<hbm>> -> memref<1152xf32, #tpu.memory_space<hbm>>
        %dma_wait3A_37 = arith.constant 0 : i32
        %dma_wait3A_38 = tpu.memref_slice %arg12[%dma_wait3A_37] : memref<1168xf32, #tpu.memory_space<vmem>> -> memref<1152xf32, #tpu.memory_space<vmem>>
        %dma_wait3A_39 = tpu.memref_slice %arg3[%mul3A_23] : memref<2880000xf32, #tpu.memory_space<hbm>> -> memref<1152xf32, #tpu.memory_space<hbm>>
        tpu.wait_dma2 semaphore(%run_scoped3A : memref<!tpu.dma_semaphore, #tpu.memory_space<semaphore_mem>>) src(%dma_wait3A_39 : memref<1152xf32, #tpu.memory_space<hbm>>) dst(%dma_wait3A_38 : memref<1152xf32, #tpu.memory_space<vmem>>)
        tpu.yield
      }) : () -> ()
      %dma_start3A = arith.constant 0 : i32
      %dma_start3A_24 = arith.constant 0 : i32
      %dma_start3A_25 = tpu.memref_slice %arg2[%dma_start3A, %dma_start3A_24] : memref<160000x384xf32, #tpu.memory_space<hbm>> -> memref<160000x384xf32, #tpu.memory_space<hbm>>
      tpu.enqueue_indirect_dma source(%dma_start3A_25 : memref<160000x384xf32, #tpu.memory_space<hbm>>) target(%arg14 : memref<128x384xf32, #tpu.memory_space<vmem>>) offsets(%arg8 : memref<128xi32, #tpu.memory_space<vmem>>) semaphore(%arg19 : memref<!tpu.dma_semaphore, #tpu.memory_space<semaphore_mem>>)
      %dma_start3A_26 = arith.constant 0 : i32
      %dma_start3A_27 = arith.constant 0 : i32
      %dma_start3A_28 = tpu.memref_slice %arg4[%dma_start3A_26, %dma_start3A_27] : memref<10000x32xf32, #tpu.memory_space<hbm>> -> memref<10000x32xf32, #tpu.memory_space<hbm>>
      tpu.enqueue_indirect_dma source(%dma_start3A_28 : memref<10000x32xf32, #tpu.memory_space<hbm>>) target(%arg16 : memref<128x32xf32, #tpu.memory_space<vmem>>) offsets(%arg10 : memref<128xi32, #tpu.memory_space<vmem>>) semaphore(%arg21 : memref<!tpu.dma_semaphore, #tpu.memory_space<semaphore_mem>>)
    } else {
    }
    %gt3A_7 = arith.constant 1 : i32
    %gt3A_8 = arith.cmpi sgt, %add3A_4, %gt3A_7 : i32
    %convert_element_type3A_9 = arith.extui %gt3A_8 : i1 to i32
    %cond3A_10 = arith.constant 0 : i32
    %cond3A_11 = arith.cmpi ne, %convert_element_type3A_9, %cond3A_10 : i32
    scf.if %cond3A_11 {
      %add3A_18 = arith.constant 32 : i32
      %add3A_19 = arith.addi %add3A, %add3A_18 : i32
      %mul3A_20 = arith.constant 128 : i32
      %mul3A_21 = arith.muli %add3A_19, %mul3A_20 : i32
      "tpu.region"() ({
        %run_scoped3A = tpu.sem_alloc : memref<!tpu.dma_semaphore, #tpu.memory_space<semaphore_mem>>
        %dma_start3A_29 = tpu.memref_slice %arg5[%mul3A_21] : memref<320000xi32, #tpu.memory_space<hbm>> -> memref<128xi32, #tpu.memory_space<hbm>>
        %dma_start3A_30 = tpu.memref_slice %arg5[%mul3A_21] : memref<320000xi32, #tpu.memory_space<hbm>> -> memref<128xi32, #tpu.memory_space<hbm>>
        tpu.enqueue_dma source(%dma_start3A_30 : memref<128xi32, #tpu.memory_space<hbm>>) target(%arg9 : memref<128xi32, #tpu.memory_space<vmem>>) target_semaphore(%run_scoped3A : memref<!tpu.dma_semaphore, #tpu.memory_space<semaphore_mem>>)
        %dma_wait3A = tpu.memref_slice %arg5[%mul3A_21] : memref<320000xi32, #tpu.memory_space<hbm>> -> memref<128xi32, #tpu.memory_space<hbm>>
        %dma_wait3A_31 = tpu.memref_slice %arg5[%mul3A_21] : memref<320000xi32, #tpu.memory_space<hbm>> -> memref<128xi32, #tpu.memory_space<hbm>>
        tpu.wait_dma2 semaphore(%run_scoped3A : memref<!tpu.dma_semaphore, #tpu.memory_space<semaphore_mem>>) src(%dma_wait3A_31 : memref<128xi32, #tpu.memory_space<hbm>>) dst(%arg9 : memref<128xi32, #tpu.memory_space<vmem>>)
        tpu.yield
      }) : () -> ()
      "tpu.region"() ({
        %run_scoped3A = tpu.sem_alloc : memref<!tpu.dma_semaphore, #tpu.memory_space<semaphore_mem>>
        %dma_start3A_29 = tpu.memref_slice %arg6[%mul3A_21] : memref<320000xi32, #tpu.memory_space<hbm>> -> memref<128xi32, #tpu.memory_space<hbm>>
        %dma_start3A_30 = tpu.memref_slice %arg6[%mul3A_21] : memref<320000xi32, #tpu.memory_space<hbm>> -> memref<128xi32, #tpu.memory_space<hbm>>
        tpu.enqueue_dma source(%dma_start3A_30 : memref<128xi32, #tpu.memory_space<hbm>>) target(%arg11 : memref<128xi32, #tpu.memory_space<vmem>>) target_semaphore(%run_scoped3A : memref<!tpu.dma_semaphore, #tpu.memory_space<semaphore_mem>>)
        %dma_wait3A = tpu.memref_slice %arg6[%mul3A_21] : memref<320000xi32, #tpu.memory_space<hbm>> -> memref<128xi32, #tpu.memory_space<hbm>>
        %dma_wait3A_31 = tpu.memref_slice %arg6[%mul3A_21] : memref<320000xi32, #tpu.memory_space<hbm>> -> memref<128xi32, #tpu.memory_space<hbm>>
        tpu.wait_dma2 semaphore(%run_scoped3A : memref<!tpu.dma_semaphore, #tpu.memory_space<semaphore_mem>>) src(%dma_wait3A_31 : memref<128xi32, #tpu.memory_space<hbm>>) dst(%arg11 : memref<128xi32, #tpu.memory_space<vmem>>)
        tpu.yield
      }) : () -> ()
      %mul3A_22 = arith.constant 9 : i32
      %mul3A_23 = arith.muli %mul3A_21, %mul3A_22 : i32
      "tpu.region"() ({
        %run_scoped3A = tpu.sem_alloc : memref<!tpu.dma_semaphore, #tpu.memory_space<semaphore_mem>>
        %dma_start3A_29 = arith.constant 0 : i32
        %dma_start3A_30 = tpu.memref_slice %arg13[%dma_start3A_29] : memref<1168xf32, #tpu.memory_space<vmem>> -> memref<1152xf32, #tpu.memory_space<vmem>>
        %dma_start3A_31 = tpu.memref_slice %arg3[%mul3A_23] : memref<2880000xf32, #tpu.memory_space<hbm>> -> memref<1152xf32, #tpu.memory_space<hbm>>
        %dma_start3A_32 = arith.constant 0 : i32
        %dma_start3A_33 = tpu.memref_slice %arg13[%dma_start3A_32] : memref<1168xf32, #tpu.memory_space<vmem>> -> memref<1152xf32, #tpu.memory_space<vmem>>
        %dma_start3A_34 = tpu.memref_slice %arg3[%mul3A_23] : memref<2880000xf32, #tpu.memory_space<hbm>> -> memref<1152xf32, #tpu.memory_space<hbm>>
        tpu.enqueue_dma source(%dma_start3A_34 : memref<1152xf32, #tpu.memory_space<hbm>>) target(%dma_start3A_33 : memref<1152xf32, #tpu.memory_space<vmem>>) target_semaphore(%run_scoped3A : memref<!tpu.dma_semaphore, #tpu.memory_space<semaphore_mem>>)
        %dma_wait3A = arith.constant 0 : i32
        %dma_wait3A_35 = tpu.memref_slice %arg13[%dma_wait3A] : memref<1168xf32, #tpu.memory_space<vmem>> -> memref<1152xf32, #tpu.memory_space<vmem>>
        %dma_wait3A_36 = tpu.memref_slice %arg3[%mul3A_23] : memref<2880000xf32, #tpu.memory_space<hbm>> -> memref<1152xf32, #tpu.memory_space<hbm>>
        %dma_wait3A_37 = arith.constant 0 : i32
        %dma_wait3A_38 = tpu.memref_slice %arg13[%dma_wait3A_37] : memref<1168xf32, #tpu.memory_space<vmem>> -> memref<1152xf32, #tpu.memory_space<vmem>>
        %dma_wait3A_39 = tpu.memref_slice %arg3[%mul3A_23] : memref<2880000xf32, #tpu.memory_space<hbm>> -> memref<1152xf32, #tpu.memory_space<hbm>>
        tpu.wait_dma2 semaphore(%run_scoped3A : memref<!tpu.dma_semaphore, #tpu.memory_space<semaphore_mem>>) src(%dma_wait3A_39 : memref<1152xf32, #tpu.memory_space<hbm>>) dst(%dma_wait3A_38 : memref<1152xf32, #tpu.memory_space<vmem>>)
        tpu.yield
      }) : () -> ()
      %dma_start3A = arith.constant 0 : i32
      %dma_start3A_24 = arith.constant 0 : i32
      %dma_start3A_25 = tpu.memref_slice %arg2[%dma_start3A, %dma_start3A_24] : memref<160000x384xf32, #tpu.memory_space<hbm>> -> memref<160000x384xf32, #tpu.memory_space<hbm>>
      tpu.enqueue_indirect_dma source(%dma_start3A_25 : memref<160000x384xf32, #tpu.memory_space<hbm>>) target(%arg15 : memref<128x384xf32, #tpu.memory_space<vmem>>) offsets(%arg9 : memref<128xi32, #tpu.memory_space<vmem>>) semaphore(%arg20 : memref<!tpu.dma_semaphore, #tpu.memory_space<semaphore_mem>>)
      %dma_start3A_26 = arith.constant 0 : i32
      %dma_start3A_27 = arith.constant 0 : i32
      %dma_start3A_28 = tpu.memref_slice %arg4[%dma_start3A_26, %dma_start3A_27] : memref<10000x32xf32, #tpu.memory_space<hbm>> -> memref<10000x32xf32, #tpu.memory_space<hbm>>
      tpu.enqueue_indirect_dma source(%dma_start3A_28 : memref<10000x32xf32, #tpu.memory_space<hbm>>) target(%arg17 : memref<128x32xf32, #tpu.memory_space<vmem>>) offsets(%arg11 : memref<128xi32, #tpu.memory_space<vmem>>) semaphore(%arg22 : memref<!tpu.dma_semaphore, #tpu.memory_space<semaphore_mem>>)
    } else {
    }
    %scan3A = arith.constant 0 : i32
    %scan3A_12 = arith.constant 0 : i32
    %scan3A_13 = arith.constant 40 : i32
    %scan3A_14 = arith.addi %scan3A_12, %scan3A_13 : i32
    %scan3A_15 = arith.constant 1 : i32
    %scan3A_16 = scf.for %scan3A_18 = %scan3A_12 to %scan3A_14 step %scan3A_15 iter_args(%scan3A_19 = %scan3A) -> (i32)  : i32 {
      %mul3A_20 = arith.constant 2 : i32
      %mul3A_21 = arith.muli %mul3A_20, %scan3A_18 : i32
      %add3A_22 = arith.constant 0 : i32
      %add3A_23 = arith.addi %mul3A_21, %add3A_22 : i32
      %lt3A_24 = arith.cmpi slt, %add3A_23, %add3A_4 : i32
      %convert_element_type3A_25 = arith.extui %lt3A_24 : i1 to i32
      %cond3A_26 = arith.constant 0 : i32
      %cond3A_27 = arith.cmpi ne, %convert_element_type3A_25, %cond3A_26 : i32
      scf.if %cond3A_27 {
        %dma_wait3A = arith.constant 0 : i32
        %dma_wait3A_37 = arith.constant 0 : i32
        %dma_wait3A_38 = tpu.memref_slice %arg2[%dma_wait3A, %dma_wait3A_37] : memref<160000x384xf32, #tpu.memory_space<hbm>> -> memref<160000x384xf32, #tpu.memory_space<hbm>>
        tpu.wait_indirect_dma semaphore(%arg19 : memref<!tpu.dma_semaphore, #tpu.memory_space<semaphore_mem>>) src(%dma_wait3A_38 : memref<160000x384xf32, #tpu.memory_space<hbm>>) dst(%arg14 : memref<128x384xf32, #tpu.memory_space<vmem>>)
        %dma_wait3A_39 = arith.constant 0 : i32
        %dma_wait3A_40 = arith.constant 0 : i32
        %dma_wait3A_41 = tpu.memref_slice %arg4[%dma_wait3A_39, %dma_wait3A_40] : memref<10000x32xf32, #tpu.memory_space<hbm>> -> memref<10000x32xf32, #tpu.memory_space<hbm>>
        tpu.wait_indirect_dma semaphore(%arg21 : memref<!tpu.dma_semaphore, #tpu.memory_space<semaphore_mem>>) src(%dma_wait3A_41 : memref<10000x32xf32, #tpu.memory_space<hbm>>) dst(%arg16 : memref<128x32xf32, #tpu.memory_space<vmem>>)
        %parallel_loop3A = arith.constant 0 : i32
        %parallel_loop3A_42 = arith.constant 128 : i32
        %parallel_loop3A_43 = arith.constant 1 : i32
        scf.for %parallel_loop3A_55 = %parallel_loop3A to %parallel_loop3A_42 step %parallel_loop3A_43  : i32 {
          %parallel_loop3A_56 = arith.constant 9 : i32
          %parallel_loop3A_57 = arith.muli %parallel_loop3A_55, %parallel_loop3A_56 : i32
          %parallel_loop3A_58 = arith.index_cast %parallel_loop3A_57 : i32 to index
          %parallel_loop3A_59 = tpu.vector_load %arg12[%parallel_loop3A_58] {strides = array<i32>} : memref<1168xf32, #tpu.memory_space<vmem>>, vector<16xf32>,
          %parallel_loop3A_60 = arith.index_cast %parallel_loop3A_55 : i32 to index
          %parallel_loop3A_61 = arith.constant 0 : index
          %parallel_loop3A_62 = tpu.vector_load %arg14[%parallel_loop3A_60, %parallel_loop3A_61] {strides = array<i32>} : memref<128x384xf32, #tpu.memory_space<vmem>>, vector<16xf32>,
          %parallel_loop3A_63 = vector.extract_strided_slice %parallel_loop3A_59 {offsets = [0], sizes = [1], strides = [1]} : vector<16xf32> to vector<1xf32>
          %parallel_loop3A_64 = vector.extract %parallel_loop3A_63[0] : f32 from vector<1xf32>
          %parallel_loop3A_65 = vector.broadcast %parallel_loop3A_64 : f32 to vector<16xf32>
          %parallel_loop3A_66 = arith.mulf %parallel_loop3A_62, %parallel_loop3A_65 : vector<16xf32>
          %parallel_loop3A_67 = arith.index_cast %parallel_loop3A_55 : i32 to index
          %parallel_loop3A_68 = arith.constant 16 : index
          %parallel_loop3A_69 = tpu.vector_load %arg14[%parallel_loop3A_67, %parallel_loop3A_68] {strides = array<i32>} : memref<128x384xf32, #tpu.memory_space<vmem>>, vector<16xf32>,
          %parallel_loop3A_70 = vector.extract_strided_slice %parallel_loop3A_59 {offsets = [0], sizes = [1], strides = [1]} : vector<16xf32> to vector<1xf32>
          %parallel_loop3A_71 = vector.extract %parallel_loop3A_70[0] : f32 from vector<1xf32>
          %parallel_loop3A_72 = vector.broadcast %parallel_loop3A_71 : f32 to vector<16xf32>
          %parallel_loop3A_73 = arith.mulf %parallel_loop3A_69, %parallel_loop3A_72 : vector<16xf32>
          %parallel_loop3A_74 = vector.extract_strided_slice %parallel_loop3A_59 {offsets = [1], sizes = [1], strides = [1]} : vector<16xf32> to vector<1xf32>
          %parallel_loop3A_75 = vector.extract %parallel_loop3A_74[0] : f32 from vector<1xf32>
          %parallel_loop3A_76 = arith.index_cast %parallel_loop3A_55 : i32 to index
          %parallel_loop3A_77 = arith.constant 32 : index
          %parallel_loop3A_78 = tpu.vector_load %arg14[%parallel_loop3A_76, %parallel_loop3A_77] {strides = array<i32>} : memref<128x384xf32, #tpu.memory_space<vmem>>, vector<16xf32>,
          %parallel_loop3A_79 = vector.broadcast %parallel_loop3A_75 : f32 to vector<16xf32>
          %parallel_loop3A_80 = arith.mulf %parallel_loop3A_78, %parallel_loop3A_79 : vector<16xf32>
          %parallel_loop3A_81 = arith.addf %parallel_loop3A_66, %parallel_loop3A_80 : vector<16xf32>
          %parallel_loop3A_82 = arith.index_cast %parallel_loop3A_55 : i32 to index
          %parallel_loop3A_83 = arith.constant 48 : index
          %parallel_loop3A_84 = tpu.vector_load %arg14[%parallel_loop3A_82, %parallel_loop3A_83] {strides = array<i32>} : memref<128x384xf32, #tpu.memory_space<vmem>>, vector<16xf32>,
          %parallel_loop3A_85 = vector.broadcast %parallel_loop3A_75 : f32 to vector<16xf32>
          %parallel_loop3A_86 = arith.mulf %parallel_loop3A_84, %parallel_loop3A_85 : vector<16xf32>
          %parallel_loop3A_87 = arith.addf %parallel_loop3A_73, %parallel_loop3A_86 : vector<16xf32>
          %parallel_loop3A_88 = vector.extract_strided_slice %parallel_loop3A_59 {offsets = [2], sizes = [1], strides = [1]} : vector<16xf32> to vector<1xf32>
          %parallel_loop3A_89 = vector.extract %parallel_loop3A_88[0] : f32 from vector<1xf32>
          %parallel_loop3A_90 = arith.index_cast %parallel_loop3A_55 : i32 to index
          %parallel_loop3A_91 = arith.constant 64 : index
          %parallel_loop3A_92 = tpu.vector_load %arg14[%parallel_loop3A_90, %parallel_loop3A_91] {strides = array<i32>} : memref<128x384xf32, #tpu.memory_space<vmem>>, vector<16xf32>,
          %parallel_loop3A_93 = vector.broadcast %parallel_loop3A_89 : f32 to vector<16xf32>
          %parallel_loop3A_94 = arith.mulf %parallel_loop3A_92, %parallel_loop3A_93 : vector<16xf32>
          %parallel_loop3A_95 = arith.addf %parallel_loop3A_81, %parallel_loop3A_94 : vector<16xf32>
          %parallel_loop3A_96 = arith.index_cast %parallel_loop3A_55 : i32 to index
          %parallel_loop3A_97 = arith.constant 80 : index
          %parallel_loop3A_98 = tpu.vector_load %arg14[%parallel_loop3A_96, %parallel_loop3A_97] {strides = array<i32>} : memref<128x384xf32, #tpu.memory_space<vmem>>, vector<16xf32>,
          %parallel_loop3A_99 = vector.broadcast %parallel_loop3A_89 : f32 to vector<16xf32>
          %parallel_loop3A_100 = arith.mulf %parallel_loop3A_98, %parallel_loop3A_99 : vector<16xf32>
          %parallel_loop3A_101 = arith.addf %parallel_loop3A_87, %parallel_loop3A_100 : vector<16xf32>
          %parallel_loop3A_102 = vector.extract_strided_slice %parallel_loop3A_59 {offsets = [3], sizes = [1], strides = [1]} : vector<16xf32> to vector<1xf32>
          %parallel_loop3A_103 = vector.extract %parallel_loop3A_102[0] : f32 from vector<1xf32>
          %parallel_loop3A_104 = arith.index_cast %parallel_loop3A_55 : i32 to index
          %parallel_loop3A_105 = arith.constant 96 : index
          %parallel_loop3A_106 = tpu.vector_load %arg14[%parallel_loop3A_104, %parallel_loop3A_105] {strides = array<i32>} : memref<128x384xf32, #tpu.memory_space<vmem>>, vector<16xf32>,
          %parallel_loop3A_107 = vector.broadcast %parallel_loop3A_103 : f32 to vector<16xf32>
          %parallel_loop3A_108 = arith.mulf %parallel_loop3A_106, %parallel_loop3A_107 : vector<16xf32>
          %parallel_loop3A_109 = arith.addf %parallel_loop3A_95, %parallel_loop3A_108 : vector<16xf32>
          %parallel_loop3A_110 = arith.index_cast %parallel_loop3A_55 : i32 to index
          %parallel_loop3A_111 = arith.constant 112 : index
          %parallel_loop3A_112 = tpu.vector_load %arg14[%parallel_loop3A_110, %parallel_loop3A_111] {strides = array<i32>} : memref<128x384xf32, #tpu.memory_space<vmem>>, vector<16xf32>,
          %parallel_loop3A_113 = vector.broadcast %parallel_loop3A_103 : f32 to vector<16xf32>
          %parallel_loop3A_114 = arith.mulf %parallel_loop3A_112, %parallel_loop3A_113 : vector<16xf32>
          %parallel_loop3A_115 = arith.addf %parallel_loop3A_101, %parallel_loop3A_114 : vector<16xf32>
          %parallel_loop3A_116 = vector.extract_strided_slice %parallel_loop3A_59 {offsets = [4], sizes = [1], strides = [1]} : vector<16xf32> to vector<1xf32>
          %parallel_loop3A_117 = vector.extract %parallel_loop3A_116[0] : f32 from vector<1xf32>
          %parallel_loop3A_118 = arith.index_cast %parallel_loop3A_55 : i32 to index
          %parallel_loop3A_119 = arith.constant 128 : index
          %parallel_loop3A_120 = tpu.vector_load %arg14[%parallel_loop3A_118, %parallel_loop3A_119] {strides = array<i32>} : memref<128x384xf32, #tpu.memory_space<vmem>>, vector<16xf32>,
          %parallel_loop3A_121 = vector.broadcast %parallel_loop3A_117 : f32 to vector<16xf32>
          %parallel_loop3A_122 = arith.mulf %parallel_loop3A_120, %parallel_loop3A_121 : vector<16xf32>
          %parallel_loop3A_123 = arith.addf %parallel_loop3A_109, %parallel_loop3A_122 : vector<16xf32>
          %parallel_loop3A_124 = arith.index_cast %parallel_loop3A_55 : i32 to index
          %parallel_loop3A_125 = arith.constant 144 : index
          %parallel_loop3A_126 = tpu.vector_load %arg14[%parallel_loop3A_124, %parallel_loop3A_125] {strides = array<i32>} : memref<128x384xf32, #tpu.memory_space<vmem>>, vector<16xf32>,
          %parallel_loop3A_127 = vector.broadcast %parallel_loop3A_117 : f32 to vector<16xf32>
          %parallel_loop3A_128 = arith.mulf %parallel_loop3A_126, %parallel_loop3A_127 : vector<16xf32>
          %parallel_loop3A_129 = arith.addf %parallel_loop3A_115, %parallel_loop3A_128 : vector<16xf32>
          %parallel_loop3A_130 = vector.extract_strided_slice %parallel_loop3A_59 {offsets = [5], sizes = [1], strides = [1]} : vector<16xf32> to vector<1xf32>
          %parallel_loop3A_131 = vector.extract %parallel_loop3A_130[0] : f32 from vector<1xf32>
          %parallel_loop3A_132 = arith.index_cast %parallel_loop3A_55 : i32 to index
          %parallel_loop3A_133 = arith.constant 160 : index
          %parallel_loop3A_134 = tpu.vector_load %arg14[%parallel_loop3A_132, %parallel_loop3A_133] {strides = array<i32>} : memref<128x384xf32, #tpu.memory_space<vmem>>, vector<16xf32>,
          %parallel_loop3A_135 = vector.broadcast %parallel_loop3A_131 : f32 to vector<16xf32>
          %parallel_loop3A_136 = arith.mulf %parallel_loop3A_134, %parallel_loop3A_135 : vector<16xf32>
          %parallel_loop3A_137 = arith.addf %parallel_loop3A_123, %parallel_loop3A_136 : vector<16xf32>
          %parallel_loop3A_138 = arith.index_cast %parallel_loop3A_55 : i32 to index
          %parallel_loop3A_139 = arith.constant 176 : index
          %parallel_loop3A_140 = tpu.vector_load %arg14[%parallel_loop3A_138, %parallel_loop3A_139] {strides = array<i32>} : memref<128x384xf32, #tpu.memory_space<vmem>>, vector<16xf32>,
          %parallel_loop3A_141 = vector.broadcast %parallel_loop3A_131 : f32 to vector<16xf32>
          %parallel_loop3A_142 = arith.mulf %parallel_loop3A_140, %parallel_loop3A_141 : vector<16xf32>
          %parallel_loop3A_143 = arith.addf %parallel_loop3A_129, %parallel_loop3A_142 : vector<16xf32>
          %parallel_loop3A_144 = vector.extract_strided_slice %parallel_loop3A_59 {offsets = [6], sizes = [1], strides = [1]} : vector<16xf32> to vector<1xf32>
          %parallel_loop3A_145 = vector.extract %parallel_loop3A_144[0] : f32 from vector<1xf32>
          %parallel_loop3A_146 = arith.index_cast %parallel_loop3A_55 : i32 to index
          %parallel_loop3A_147 = arith.constant 192 : index
          %parallel_loop3A_148 = tpu.vector_load %arg14[%parallel_loop3A_146, %parallel_loop3A_147] {strides = array<i32>} : memref<128x384xf32, #tpu.memory_space<vmem>>, vector<16xf32>,
          %parallel_loop3A_149 = vector.broadcast %parallel_loop3A_145 : f32 to vector<16xf32>
          %parallel_loop3A_150 = arith.mulf %parallel_loop3A_148, %parallel_loop3A_149 : vector<16xf32>
          %parallel_loop3A_151 = arith.addf %parallel_loop3A_137, %parallel_loop3A_150 : vector<16xf32>
          %parallel_loop3A_152 = arith.index_cast %parallel_loop3A_55 : i32 to index
          %parallel_loop3A_153 = arith.constant 208 : index
          %parallel_loop3A_154 = tpu.vector_load %arg14[%parallel_loop3A_152, %parallel_loop3A_153] {strides = array<i32>} : memref<128x384xf32, #tpu.memory_space<vmem>>, vector<16xf32>,
          %parallel_loop3A_155 = vector.broadcast %parallel_loop3A_145 : f32 to vector<16xf32>
          %parallel_loop3A_156 = arith.mulf %parallel_loop3A_154, %parallel_loop3A_155 : vector<16xf32>
          %parallel_loop3A_157 = arith.addf %parallel_loop3A_143, %parallel_loop3A_156 : vector<16xf32>
          %parallel_loop3A_158 = vector.extract_strided_slice %parallel_loop3A_59 {offsets = [7], sizes = [1], strides = [1]} : vector<16xf32> to vector<1xf32>
          %parallel_loop3A_159 = vector.extract %parallel_loop3A_158[0] : f32 from vector<1xf32>
          %parallel_loop3A_160 = arith.index_cast %parallel_loop3A_55 : i32 to index
          %parallel_loop3A_161 = arith.constant 224 : index
          %parallel_loop3A_162 = tpu.vector_load %arg14[%parallel_loop3A_160, %parallel_loop3A_161] {strides = array<i32>} : memref<128x384xf32, #tpu.memory_space<vmem>>, vector<16xf32>,
          %parallel_loop3A_163 = vector.broadcast %parallel_loop3A_159 : f32 to vector<16xf32>
          %parallel_loop3A_164 = arith.mulf %parallel_loop3A_162, %parallel_loop3A_163 : vector<16xf32>
          %parallel_loop3A_165 = arith.addf %parallel_loop3A_151, %parallel_loop3A_164 : vector<16xf32>
          %parallel_loop3A_166 = arith.index_cast %parallel_loop3A_55 : i32 to index
          %parallel_loop3A_167 = arith.constant 240 : index
          %parallel_loop3A_168 = tpu.vector_load %arg14[%parallel_loop3A_166, %parallel_loop3A_167] {strides = array<i32>} : memref<128x384xf32, #tpu.memory_space<vmem>>, vector<16xf32>,
          %parallel_loop3A_169 = vector.broadcast %parallel_loop3A_159 : f32 to vector<16xf32>
          %parallel_loop3A_170 = arith.mulf %parallel_loop3A_168, %parallel_loop3A_169 : vector<16xf32>
          %parallel_loop3A_171 = arith.addf %parallel_loop3A_157, %parallel_loop3A_170 : vector<16xf32>
          %parallel_loop3A_172 = vector.extract_strided_slice %parallel_loop3A_59 {offsets = [8], sizes = [1], strides = [1]} : vector<16xf32> to vector<1xf32>
          %parallel_loop3A_173 = vector.extract %parallel_loop3A_172[0] : f32 from vector<1xf32>
          %parallel_loop3A_174 = arith.index_cast %parallel_loop3A_55 : i32 to index
          %parallel_loop3A_175 = arith.constant 256 : index
          %parallel_loop3A_176 = tpu.vector_load %arg14[%parallel_loop3A_174, %parallel_loop3A_175] {strides = array<i32>} : memref<128x384xf32, #tpu.memory_space<vmem>>, vector<16xf32>,
          %parallel_loop3A_177 = vector.broadcast %parallel_loop3A_173 : f32 to vector<16xf32>
          %parallel_loop3A_178 = arith.mulf %parallel_loop3A_176, %parallel_loop3A_177 : vector<16xf32>
          %parallel_loop3A_179 = arith.addf %parallel_loop3A_165, %parallel_loop3A_178 : vector<16xf32>
          %parallel_loop3A_180 = arith.index_cast %parallel_loop3A_55 : i32 to index
          %parallel_loop3A_181 = arith.constant 272 : index
          %parallel_loop3A_182 = tpu.vector_load %arg14[%parallel_loop3A_180, %parallel_loop3A_181] {strides = array<i32>} : memref<128x384xf32, #tpu.memory_space<vmem>>, vector<16xf32>,
          %parallel_loop3A_183 = vector.broadcast %parallel_loop3A_173 : f32 to vector<16xf32>
          %parallel_loop3A_184 = arith.mulf %parallel_loop3A_182, %parallel_loop3A_183 : vector<16xf32>
          %parallel_loop3A_185 = arith.addf %parallel_loop3A_171, %parallel_loop3A_184 : vector<16xf32>
          %parallel_loop3A_186 = arith.mulf %parallel_loop3A_179, %parallel_loop3A_179 : vector<16xf32>
          %parallel_loop3A_187 = arith.mulf %parallel_loop3A_185, %parallel_loop3A_185 : vector<16xf32>
          %parallel_loop3A_188 = arith.addf %parallel_loop3A_186, %parallel_loop3A_187 : vector<16xf32>
          %parallel_loop3A_189 = arith.constant true
          %parallel_loop3A_190 = vector.broadcast %parallel_loop3A_189 : i1 to vector<16xi1>
          %parallel_loop3A_191 = tpu.scan <sum>, %parallel_loop3A_188 masked %parallel_loop3A_190 : vector<16xf32>, vector<16xi1> -> vector<16xf32>
          %parallel_loop3A_192 = vector.extract %parallel_loop3A_191[15] : f32 from vector<16xf32>
          %parallel_loop3A_193 = arith.constant 1.000000e-24 : f32
          %parallel_loop3A_194 = arith.maximumf %parallel_loop3A_192, %parallel_loop3A_193 : f32
          %parallel_loop3A_195 = vector.broadcast %parallel_loop3A_194 : f32 to vector<16xf32>
          %parallel_loop3A_196 = vector.bitcast %parallel_loop3A_195 : vector<16xf32> to vector<16xi32>
          %parallel_loop3A_197 = arith.constant 1 : i32
          %parallel_loop3A_198 = vector.broadcast %parallel_loop3A_197 : i32 to vector<16xi32>
          %parallel_loop3A_199 = arith.shrsi %parallel_loop3A_196, %parallel_loop3A_198 : vector<16xi32>
          %parallel_loop3A_200 = arith.constant 1597463007 : i32
          %parallel_loop3A_201 = vector.broadcast %parallel_loop3A_200 : i32 to vector<16xi32>
          %parallel_loop3A_202 = arith.subi %parallel_loop3A_201, %parallel_loop3A_199 : vector<16xi32>
          %parallel_loop3A_203 = vector.bitcast %parallel_loop3A_202 : vector<16xi32> to vector<16xf32>
          %parallel_loop3A_204 = arith.constant 5.000000e-01 : f32
          %parallel_loop3A_205 = vector.broadcast %parallel_loop3A_204 : f32 to vector<16xf32>
          %parallel_loop3A_206 = arith.mulf %parallel_loop3A_205, %parallel_loop3A_195 : vector<16xf32>
          %parallel_loop3A_207 = arith.mulf %parallel_loop3A_206, %parallel_loop3A_203 : vector<16xf32>
          %parallel_loop3A_208 = arith.mulf %parallel_loop3A_207, %parallel_loop3A_203 : vector<16xf32>
          %parallel_loop3A_209 = arith.constant 1.500000e+00 : f32
          %parallel_loop3A_210 = vector.broadcast %parallel_loop3A_209 : f32 to vector<16xf32>
          %parallel_loop3A_211 = arith.subf %parallel_loop3A_210, %parallel_loop3A_208 : vector<16xf32>
          %parallel_loop3A_212 = arith.mulf %parallel_loop3A_203, %parallel_loop3A_211 : vector<16xf32>
          %parallel_loop3A_213 = arith.constant 5.000000e-01 : f32
          %parallel_loop3A_214 = vector.broadcast %parallel_loop3A_213 : f32 to vector<16xf32>
          %parallel_loop3A_215 = arith.mulf %parallel_loop3A_214, %parallel_loop3A_195 : vector<16xf32>
          %parallel_loop3A_216 = arith.mulf %parallel_loop3A_215, %parallel_loop3A_212 : vector<16xf32>
          %parallel_loop3A_217 = arith.mulf %parallel_loop3A_216, %parallel_loop3A_212 : vector<16xf32>
          %parallel_loop3A_218 = arith.constant 1.500000e+00 : f32
          %parallel_loop3A_219 = vector.broadcast %parallel_loop3A_218 : f32 to vector<16xf32>
          %parallel_loop3A_220 = arith.subf %parallel_loop3A_219, %parallel_loop3A_217 : vector<16xf32>
          %parallel_loop3A_221 = arith.mulf %parallel_loop3A_212, %parallel_loop3A_220 : vector<16xf32>
          %parallel_loop3A_222 = arith.constant 5.000000e-01 : f32
          %parallel_loop3A_223 = vector.broadcast %parallel_loop3A_222 : f32 to vector<16xf32>
          %parallel_loop3A_224 = arith.mulf %parallel_loop3A_223, %parallel_loop3A_195 : vector<16xf32>
          %parallel_loop3A_225 = arith.mulf %parallel_loop3A_224, %parallel_loop3A_221 : vector<16xf32>
          %parallel_loop3A_226 = arith.mulf %parallel_loop3A_225, %parallel_loop3A_221 : vector<16xf32>
          %parallel_loop3A_227 = arith.constant 1.500000e+00 : f32
          %parallel_loop3A_228 = vector.broadcast %parallel_loop3A_227 : f32 to vector<16xf32>
          %parallel_loop3A_229 = arith.subf %parallel_loop3A_228, %parallel_loop3A_226 : vector<16xf32>
          %parallel_loop3A_230 = arith.mulf %parallel_loop3A_221, %parallel_loop3A_229 : vector<16xf32>
          %parallel_loop3A_231 = arith.mulf %parallel_loop3A_179, %parallel_loop3A_230 : vector<16xf32>
          %parallel_loop3A_232 = arith.index_cast %parallel_loop3A_55 : i32 to index
          %parallel_loop3A_233 = arith.constant 0 : index
          %parallel_loop3A_234 = tpu.vector_load %arg16[%parallel_loop3A_232, %parallel_loop3A_233] {strides = array<i32>} : memref<128x32xf32, #tpu.memory_space<vmem>>, vector<16xf32>,
          %parallel_loop3A_235 = arith.mulf %parallel_loop3A_231, %parallel_loop3A_234 : vector<16xf32>
          %parallel_loop3A_236 = arith.index_cast %parallel_loop3A_55 : i32 to index
          %parallel_loop3A_237 = arith.constant 0 : index
          %parallel_loop3A_238 = tpu.vector_load %arg18[%parallel_loop3A_236, %parallel_loop3A_237] {strides = array<i32>} : memref<128x32xf32, #tpu.memory_space<vmem>>, vector<16xf32>,
          tpu.vector_store %arg18[%parallel_loop3A_236, %parallel_loop3A_237], %parallel_loop3A_235 {strides = array<i32>} : memref<128x32xf32, #tpu.memory_space<vmem>>, vector<16xf32>,
          %parallel_loop3A_239 = arith.mulf %parallel_loop3A_185, %parallel_loop3A_230 : vector<16xf32>
          %parallel_loop3A_240 = arith.index_cast %parallel_loop3A_55 : i32 to index
          %parallel_loop3A_241 = arith.constant 16 : index
          %parallel_loop3A_242 = tpu.vector_load %arg16[%parallel_loop3A_240, %parallel_loop3A_241] {strides = array<i32>} : memref<128x32xf32, #tpu.memory_space<vmem>>, vector<16xf32>,
          %parallel_loop3A_243 = arith.mulf %parallel_loop3A_239, %parallel_loop3A_242 : vector<16xf32>
          %parallel_loop3A_244 = arith.index_cast %parallel_loop3A_55 : i32 to index
          %parallel_loop3A_245 = arith.constant 16 : index
          %parallel_loop3A_246 = tpu.vector_load %arg18[%parallel_loop3A_244, %parallel_loop3A_245] {strides = array<i32>} : memref<128x32xf32, #tpu.memory_space<vmem>>, vector<16xf32>,
          tpu.vector_store %arg18[%parallel_loop3A_244, %parallel_loop3A_245], %parallel_loop3A_243 {strides = array<i32>} : memref<128x32xf32, #tpu.memory_space<vmem>>, vector<16xf32>,
        } {sc.loop_unroll_factor = 4 : i64, sc.parallel_access}
        %mul3A_44 = arith.constant 32 : i32
        %mul3A_45 = arith.muli %add3A_23, %mul3A_44 : i32
        %add3A_46 = arith.addi %add3A, %mul3A_45 : i32
        %mul3A_47 = arith.constant 128 : i32
        %mul3A_48 = arith.muli %add3A_46, %mul3A_47 : i32
        "tpu.region"() ({
          %run_scoped3A = tpu.sem_alloc : memref<!tpu.dma_semaphore, #tpu.memory_space<semaphore_mem>>
          %dma_start3A = arith.constant 0 : i32
          %dma_start3A_55 = tpu.memref_slice %arg7[%mul3A_48, %dma_start3A] : memref<320000x32xf32, #tpu.memory_space<hbm>> -> memref<128x32xf32, #tpu.memory_space<hbm>>
          %dma_start3A_56 = arith.constant 0 : i32
          %dma_start3A_57 = tpu.memref_slice %arg7[%mul3A_48, %dma_start3A_56] : memref<320000x32xf32, #tpu.memory_space<hbm>> -> memref<128x32xf32, #tpu.memory_space<hbm>>
          tpu.enqueue_dma source(%arg18 : memref<128x32xf32, #tpu.memory_space<vmem>>) target(%dma_start3A_57 : memref<128x32xf32, #tpu.memory_space<hbm>>) target_semaphore(%run_scoped3A : memref<!tpu.dma_semaphore, #tpu.memory_space<semaphore_mem>>)
          %dma_wait3A_58 = arith.constant 0 : i32
          %dma_wait3A_59 = tpu.memref_slice %arg7[%mul3A_48, %dma_wait3A_58] : memref<320000x32xf32, #tpu.memory_space<hbm>> -> memref<128x32xf32, #tpu.memory_space<hbm>>
          %dma_wait3A_60 = arith.constant 0 : i32
          %dma_wait3A_61 = tpu.memref_slice %arg7[%mul3A_48, %dma_wait3A_60] : memref<320000x32xf32, #tpu.memory_space<hbm>> -> memref<128x32xf32, #tpu.memory_space<hbm>>
          tpu.wait_dma2 semaphore(%run_scoped3A : memref<!tpu.dma_semaphore, #tpu.memory_space<semaphore_mem>>) src(%arg18 : memref<128x32xf32, #tpu.memory_space<vmem>>) dst(%dma_wait3A_61 : memref<128x32xf32, #tpu.memory_space<hbm>>)
          tpu.yield
        }) : () -> ()
        %add3A_49 = arith.constant 2 : i32
        %add3A_50 = arith.addi %add3A_23, %add3A_49 : i32
        %lt3A_51 = arith.cmpi slt, %add3A_50, %add3A_4 : i32
        %convert_element_type3A_52 = arith.extui %lt3A_51 : i1 to i32
        %cond3A_53 = arith.constant 0 : i32
        %cond3A_54 = arith.cmpi ne, %convert_element_type3A_52, %cond3A_53 : i32
        scf.if %cond3A_54 {
          %add3A_55 = arith.constant 2 : i32
          %add3A_56 = arith.addi %add3A_23, %add3A_55 : i32
          %mul3A_57 = arith.constant 32 : i32
          %mul3A_58 = arith.muli %add3A_56, %mul3A_57 : i32
          %add3A_59 = arith.addi %add3A, %mul3A_58 : i32
          %mul3A_60 = arith.constant 128 : i32
          %mul3A_61 = arith.muli %add3A_59, %mul3A_60 : i32
          "tpu.region"() ({
            %run_scoped3A = tpu.sem_alloc : memref<!tpu.dma_semaphore, #tpu.memory_space<semaphore_mem>>
            %dma_start3A_69 = tpu.memref_slice %arg5[%mul3A_61] : memref<320000xi32, #tpu.memory_space<hbm>> -> memref<128xi32, #tpu.memory_space<hbm>>
            %dma_start3A_70 = tpu.memref_slice %arg5[%mul3A_61] : memref<320000xi32, #tpu.memory_space<hbm>> -> memref<128xi32, #tpu.memory_space<hbm>>
            tpu.enqueue_dma source(%dma_start3A_70 : memref<128xi32, #tpu.memory_space<hbm>>) target(%arg8 : memref<128xi32, #tpu.memory_space<vmem>>) target_semaphore(%run_scoped3A : memref<!tpu.dma_semaphore, #tpu.memory_space<semaphore_mem>>)
            %dma_wait3A_71 = tpu.memref_slice %arg5[%mul3A_61] : memref<320000xi32, #tpu.memory_space<hbm>> -> memref<128xi32, #tpu.memory_space<hbm>>
            %dma_wait3A_72 = tpu.memref_slice %arg5[%mul3A_61] : memref<320000xi32, #tpu.memory_space<hbm>> -> memref<128xi32, #tpu.memory_space<hbm>>
            tpu.wait_dma2 semaphore(%run_scoped3A : memref<!tpu.dma_semaphore, #tpu.memory_space<semaphore_mem>>) src(%dma_wait3A_72 : memref<128xi32, #tpu.memory_space<hbm>>) dst(%arg8 : memref<128xi32, #tpu.memory_space<vmem>>)
            tpu.yield
          }) : () -> ()
          "tpu.region"() ({
            %run_scoped3A = tpu.sem_alloc : memref<!tpu.dma_semaphore, #tpu.memory_space<semaphore_mem>>
            %dma_start3A_69 = tpu.memref_slice %arg6[%mul3A_61] : memref<320000xi32, #tpu.memory_space<hbm>> -> memref<128xi32, #tpu.memory_space<hbm>>
            %dma_start3A_70 = tpu.memref_slice %arg6[%mul3A_61] : memref<320000xi32, #tpu.memory_space<hbm>> -> memref<128xi32, #tpu.memory_space<hbm>>
            tpu.enqueue_dma source(%dma_start3A_70 : memref<128xi32, #tpu.memory_space<hbm>>) target(%arg10 : memref<128xi32, #tpu.memory_space<vmem>>) target_semaphore(%run_scoped3A : memref<!tpu.dma_semaphore, #tpu.memory_space<semaphore_mem>>)
            %dma_wait3A_71 = tpu.memref_slice %arg6[%mul3A_61] : memref<320000xi32, #tpu.memory_space<hbm>> -> memref<128xi32, #tpu.memory_space<hbm>>
            %dma_wait3A_72 = tpu.memref_slice %arg6[%mul3A_61] : memref<320000xi32, #tpu.memory_space<hbm>> -> memref<128xi32, #tpu.memory_space<hbm>>
            tpu.wait_dma2 semaphore(%run_scoped3A : memref<!tpu.dma_semaphore, #tpu.memory_space<semaphore_mem>>) src(%dma_wait3A_72 : memref<128xi32, #tpu.memory_space<hbm>>) dst(%arg10 : memref<128xi32, #tpu.memory_space<vmem>>)
            tpu.yield
          }) : () -> ()
          %mul3A_62 = arith.constant 9 : i32
          %mul3A_63 = arith.muli %mul3A_61, %mul3A_62 : i32
          "tpu.region"() ({
            %run_scoped3A = tpu.sem_alloc : memref<!tpu.dma_semaphore, #tpu.memory_space<semaphore_mem>>
            %dma_start3A_69 = arith.constant 0 : i32
            %dma_start3A_70 = tpu.memref_slice %arg12[%dma_start3A_69] : memref<1168xf32, #tpu.memory_space<vmem>> -> memref<1152xf32, #tpu.memory_space<vmem>>
            %dma_start3A_71 = tpu.memref_slice %arg3[%mul3A_63] : memref<2880000xf32, #tpu.memory_space<hbm>> -> memref<1152xf32, #tpu.memory_space<hbm>>
            %dma_start3A_72 = arith.constant 0 : i32
            %dma_start3A_73 = tpu.memref_slice %arg12[%dma_start3A_72] : memref<1168xf32, #tpu.memory_space<vmem>> -> memref<1152xf32, #tpu.memory_space<vmem>>
            %dma_start3A_74 = tpu.memref_slice %arg3[%mul3A_63] : memref<2880000xf32, #tpu.memory_space<hbm>> -> memref<1152xf32, #tpu.memory_space<hbm>>
            tpu.enqueue_dma source(%dma_start3A_74 : memref<1152xf32, #tpu.memory_space<hbm>>) target(%dma_start3A_73 : memref<1152xf32, #tpu.memory_space<vmem>>) target_semaphore(%run_scoped3A : memref<!tpu.dma_semaphore, #tpu.memory_space<semaphore_mem>>)
            %dma_wait3A_75 = arith.constant 0 : i32
            %dma_wait3A_76 = tpu.memref_slice %arg12[%dma_wait3A_75] : memref<1168xf32, #tpu.memory_space<vmem>> -> memref<1152xf32, #tpu.memory_space<vmem>>
            %dma_wait3A_77 = tpu.memref_slice %arg3[%mul3A_63] : memref<2880000xf32, #tpu.memory_space<hbm>> -> memref<1152xf32, #tpu.memory_space<hbm>>
            %dma_wait3A_78 = arith.constant 0 : i32
            %dma_wait3A_79 = tpu.memref_slice %arg12[%dma_wait3A_78] : memref<1168xf32, #tpu.memory_space<vmem>> -> memref<1152xf32, #tpu.memory_space<vmem>>
            %dma_wait3A_80 = tpu.memref_slice %arg3[%mul3A_63] : memref<2880000xf32, #tpu.memory_space<hbm>> -> memref<1152xf32, #tpu.memory_space<hbm>>
            tpu.wait_dma2 semaphore(%run_scoped3A : memref<!tpu.dma_semaphore, #tpu.memory_space<semaphore_mem>>) src(%dma_wait3A_80 : memref<1152xf32, #tpu.memory_space<hbm>>) dst(%dma_wait3A_79 : memref<1152xf32, #tpu.memory_space<vmem>>)
            tpu.yield
          }) : () -> ()
          %dma_start3A = arith.constant 0 : i32
          %dma_start3A_64 = arith.constant 0 : i32
          %dma_start3A_65 = tpu.memref_slice %arg2[%dma_start3A, %dma_start3A_64] : memref<160000x384xf32, #tpu.memory_space<hbm>> -> memref<160000x384xf32, #tpu.memory_space<hbm>>
          tpu.enqueue_indirect_dma source(%dma_start3A_65 : memref<160000x384xf32, #tpu.memory_space<hbm>>) target(%arg14 : memref<128x384xf32, #tpu.memory_space<vmem>>) offsets(%arg8 : memref<128xi32, #tpu.memory_space<vmem>>) semaphore(%arg19 : memref<!tpu.dma_semaphore, #tpu.memory_space<semaphore_mem>>)
          %dma_start3A_66 = arith.constant 0 : i32
          %dma_start3A_67 = arith.constant 0 : i32
          %dma_start3A_68 = tpu.memref_slice %arg4[%dma_start3A_66, %dma_start3A_67] : memref<10000x32xf32, #tpu.memory_space<hbm>> -> memref<10000x32xf32, #tpu.memory_space<hbm>>
          tpu.enqueue_indirect_dma source(%dma_start3A_68 : memref<10000x32xf32, #tpu.memory_space<hbm>>) target(%arg16 : memref<128x32xf32, #tpu.memory_space<vmem>>) offsets(%arg10 : memref<128xi32, #tpu.memory_space<vmem>>) semaphore(%arg21 : memref<!tpu.dma_semaphore, #tpu.memory_space<semaphore_mem>>)
        } else {
        }
      } else {
      }
      %mul3A_28 = arith.constant 2 : i32
      %mul3A_29 = arith.muli %mul3A_28, %scan3A_18 : i32
      %add3A_30 = arith.constant 1 : i32
      %add3A_31 = arith.addi %mul3A_29, %add3A_30 : i32
      %lt3A_32 = arith.cmpi slt, %add3A_31, %add3A_4 : i32
      %convert_element_type3A_33 = arith.extui %lt3A_32 : i1 to i32
      %cond3A_34 = arith.constant 0 : i32
      %cond3A_35 = arith.cmpi ne, %convert_element_type3A_33, %cond3A_34 : i32
      scf.if %cond3A_35 {
        %dma_wait3A = arith.constant 0 : i32
        %dma_wait3A_37 = arith.constant 0 : i32
        %dma_wait3A_38 = tpu.memref_slice %arg2[%dma_wait3A, %dma_wait3A_37] : memref<160000x384xf32, #tpu.memory_space<hbm>> -> memref<160000x384xf32, #tpu.memory_space<hbm>>
        tpu.wait_indirect_dma semaphore(%arg20 : memref<!tpu.dma_semaphore, #tpu.memory_space<semaphore_mem>>) src(%dma_wait3A_38 : memref<160000x384xf32, #tpu.memory_space<hbm>>) dst(%arg15 : memref<128x384xf32, #tpu.memory_space<vmem>>)
        %dma_wait3A_39 = arith.constant 0 : i32
        %dma_wait3A_40 = arith.constant 0 : i32
        %dma_wait3A_41 = tpu.memref_slice %arg4[%dma_wait3A_39, %dma_wait3A_40] : memref<10000x32xf32, #tpu.memory_space<hbm>> -> memref<10000x32xf32, #tpu.memory_space<hbm>>
        tpu.wait_indirect_dma semaphore(%arg22 : memref<!tpu.dma_semaphore, #tpu.memory_space<semaphore_mem>>) src(%dma_wait3A_41 : memref<10000x32xf32, #tpu.memory_space<hbm>>) dst(%arg17 : memref<128x32xf32, #tpu.memory_space<vmem>>)
        %parallel_loop3A = arith.constant 0 : i32
        %parallel_loop3A_42 = arith.constant 128 : i32
        %parallel_loop3A_43 = arith.constant 1 : i32
        scf.for %parallel_loop3A_55 = %parallel_loop3A to %parallel_loop3A_42 step %parallel_loop3A_43  : i32 {
          %parallel_loop3A_56 = arith.constant 9 : i32
          %parallel_loop3A_57 = arith.muli %parallel_loop3A_55, %parallel_loop3A_56 : i32
          %parallel_loop3A_58 = arith.index_cast %parallel_loop3A_57 : i32 to index
          %parallel_loop3A_59 = tpu.vector_load %arg13[%parallel_loop3A_58] {strides = array<i32>} : memref<1168xf32, #tpu.memory_space<vmem>>, vector<16xf32>,
          %parallel_loop3A_60 = arith.index_cast %parallel_loop3A_55 : i32 to index
          %parallel_loop3A_61 = arith.constant 0 : index
          %parallel_loop3A_62 = tpu.vector_load %arg15[%parallel_loop3A_60, %parallel_loop3A_61] {strides = array<i32>} : memref<128x384xf32, #tpu.memory_space<vmem>>, vector<16xf32>,
          %parallel_loop3A_63 = vector.extract_strided_slice %parallel_loop3A_59 {offsets = [0], sizes = [1], strides = [1]} : vector<16xf32> to vector<1xf32>
          %parallel_loop3A_64 = vector.extract %parallel_loop3A_63[0] : f32 from vector<1xf32>
          %parallel_loop3A_65 = vector.broadcast %parallel_loop3A_64 : f32 to vector<16xf32>
          %parallel_loop3A_66 = arith.mulf %parallel_loop3A_62, %parallel_loop3A_65 : vector<16xf32>
          %parallel_loop3A_67 = arith.index_cast %parallel_loop3A_55 : i32 to index
          %parallel_loop3A_68 = arith.constant 16 : index
          %parallel_loop3A_69 = tpu.vector_load %arg15[%parallel_loop3A_67, %parallel_loop3A_68] {strides = array<i32>} : memref<128x384xf32, #tpu.memory_space<vmem>>, vector<16xf32>,
          %parallel_loop3A_70 = vector.extract_strided_slice %parallel_loop3A_59 {offsets = [0], sizes = [1], strides = [1]} : vector<16xf32> to vector<1xf32>
          %parallel_loop3A_71 = vector.extract %parallel_loop3A_70[0] : f32 from vector<1xf32>
          %parallel_loop3A_72 = vector.broadcast %parallel_loop3A_71 : f32 to vector<16xf32>
          %parallel_loop3A_73 = arith.mulf %parallel_loop3A_69, %parallel_loop3A_72 : vector<16xf32>
          %parallel_loop3A_74 = vector.extract_strided_slice %parallel_loop3A_59 {offsets = [1], sizes = [1], strides = [1]} : vector<16xf32> to vector<1xf32>
          %parallel_loop3A_75 = vector.extract %parallel_loop3A_74[0] : f32 from vector<1xf32>
          %parallel_loop3A_76 = arith.index_cast %parallel_loop3A_55 : i32 to index
          %parallel_loop3A_77 = arith.constant 32 : index
          %parallel_loop3A_78 = tpu.vector_load %arg15[%parallel_loop3A_76, %parallel_loop3A_77] {strides = array<i32>} : memref<128x384xf32, #tpu.memory_space<vmem>>, vector<16xf32>,
          %parallel_loop3A_79 = vector.broadcast %parallel_loop3A_75 : f32 to vector<16xf32>
          %parallel_loop3A_80 = arith.mulf %parallel_loop3A_78, %parallel_loop3A_79 : vector<16xf32>
          %parallel_loop3A_81 = arith.addf %parallel_loop3A_66, %parallel_loop3A_80 : vector<16xf32>
          %parallel_loop3A_82 = arith.index_cast %parallel_loop3A_55 : i32 to index
          %parallel_loop3A_83 = arith.constant 48 : index
          %parallel_loop3A_84 = tpu.vector_load %arg15[%parallel_loop3A_82, %parallel_loop3A_83] {strides = array<i32>} : memref<128x384xf32, #tpu.memory_space<vmem>>, vector<16xf32>,
          %parallel_loop3A_85 = vector.broadcast %parallel_loop3A_75 : f32 to vector<16xf32>
          %parallel_loop3A_86 = arith.mulf %parallel_loop3A_84, %parallel_loop3A_85 : vector<16xf32>
          %parallel_loop3A_87 = arith.addf %parallel_loop3A_73, %parallel_loop3A_86 : vector<16xf32>
          %parallel_loop3A_88 = vector.extract_strided_slice %parallel_loop3A_59 {offsets = [2], sizes = [1], strides = [1]} : vector<16xf32> to vector<1xf32>
          %parallel_loop3A_89 = vector.extract %parallel_loop3A_88[0] : f32 from vector<1xf32>
          %parallel_loop3A_90 = arith.index_cast %parallel_loop3A_55 : i32 to index
          %parallel_loop3A_91 = arith.constant 64 : index
          %parallel_loop3A_92 = tpu.vector_load %arg15[%parallel_loop3A_90, %parallel_loop3A_91] {strides = array<i32>} : memref<128x384xf32, #tpu.memory_space<vmem>>, vector<16xf32>,
          %parallel_loop3A_93 = vector.broadcast %parallel_loop3A_89 : f32 to vector<16xf32>
          %parallel_loop3A_94 = arith.mulf %parallel_loop3A_92, %parallel_loop3A_93 : vector<16xf32>
          %parallel_loop3A_95 = arith.addf %parallel_loop3A_81, %parallel_loop3A_94 : vector<16xf32>
          %parallel_loop3A_96 = arith.index_cast %parallel_loop3A_55 : i32 to index
          %parallel_loop3A_97 = arith.constant 80 : index
          %parallel_loop3A_98 = tpu.vector_load %arg15[%parallel_loop3A_96, %parallel_loop3A_97] {strides = array<i32>} : memref<128x384xf32, #tpu.memory_space<vmem>>, vector<16xf32>,
          %parallel_loop3A_99 = vector.broadcast %parallel_loop3A_89 : f32 to vector<16xf32>
          %parallel_loop3A_100 = arith.mulf %parallel_loop3A_98, %parallel_loop3A_99 : vector<16xf32>
          %parallel_loop3A_101 = arith.addf %parallel_loop3A_87, %parallel_loop3A_100 : vector<16xf32>
          %parallel_loop3A_102 = vector.extract_strided_slice %parallel_loop3A_59 {offsets = [3], sizes = [1], strides = [1]} : vector<16xf32> to vector<1xf32>
          %parallel_loop3A_103 = vector.extract %parallel_loop3A_102[0] : f32 from vector<1xf32>
          %parallel_loop3A_104 = arith.index_cast %parallel_loop3A_55 : i32 to index
          %parallel_loop3A_105 = arith.constant 96 : index
          %parallel_loop3A_106 = tpu.vector_load %arg15[%parallel_loop3A_104, %parallel_loop3A_105] {strides = array<i32>} : memref<128x384xf32, #tpu.memory_space<vmem>>, vector<16xf32>,
          %parallel_loop3A_107 = vector.broadcast %parallel_loop3A_103 : f32 to vector<16xf32>
          %parallel_loop3A_108 = arith.mulf %parallel_loop3A_106, %parallel_loop3A_107 : vector<16xf32>
          %parallel_loop3A_109 = arith.addf %parallel_loop3A_95, %parallel_loop3A_108 : vector<16xf32>
          %parallel_loop3A_110 = arith.index_cast %parallel_loop3A_55 : i32 to index
          %parallel_loop3A_111 = arith.constant 112 : index
          %parallel_loop3A_112 = tpu.vector_load %arg15[%parallel_loop3A_110, %parallel_loop3A_111] {strides = array<i32>} : memref<128x384xf32, #tpu.memory_space<vmem>>, vector<16xf32>,
          %parallel_loop3A_113 = vector.broadcast %parallel_loop3A_103 : f32 to vector<16xf32>
          %parallel_loop3A_114 = arith.mulf %parallel_loop3A_112, %parallel_loop3A_113 : vector<16xf32>
          %parallel_loop3A_115 = arith.addf %parallel_loop3A_101, %parallel_loop3A_114 : vector<16xf32>
          %parallel_loop3A_116 = vector.extract_strided_slice %parallel_loop3A_59 {offsets = [4], sizes = [1], strides = [1]} : vector<16xf32> to vector<1xf32>
          %parallel_loop3A_117 = vector.extract %parallel_loop3A_116[0] : f32 from vector<1xf32>
          %parallel_loop3A_118 = arith.index_cast %parallel_loop3A_55 : i32 to index
          %parallel_loop3A_119 = arith.constant 128 : index
          %parallel_loop3A_120 = tpu.vector_load %arg15[%parallel_loop3A_118, %parallel_loop3A_119] {strides = array<i32>} : memref<128x384xf32, #tpu.memory_space<vmem>>, vector<16xf32>,
          %parallel_loop3A_121 = vector.broadcast %parallel_loop3A_117 : f32 to vector<16xf32>
          %parallel_loop3A_122 = arith.mulf %parallel_loop3A_120, %parallel_loop3A_121 : vector<16xf32>
          %parallel_loop3A_123 = arith.addf %parallel_loop3A_109, %parallel_loop3A_122 : vector<16xf32>
          %parallel_loop3A_124 = arith.index_cast %parallel_loop3A_55 : i32 to index
          %parallel_loop3A_125 = arith.constant 144 : index
          %parallel_loop3A_126 = tpu.vector_load %arg15[%parallel_loop3A_124, %parallel_loop3A_125] {strides = array<i32>} : memref<128x384xf32, #tpu.memory_space<vmem>>, vector<16xf32>,
          %parallel_loop3A_127 = vector.broadcast %parallel_loop3A_117 : f32 to vector<16xf32>
          %parallel_loop3A_128 = arith.mulf %parallel_loop3A_126, %parallel_loop3A_127 : vector<16xf32>
          %parallel_loop3A_129 = arith.addf %parallel_loop3A_115, %parallel_loop3A_128 : vector<16xf32>
          %parallel_loop3A_130 = vector.extract_strided_slice %parallel_loop3A_59 {offsets = [5], sizes = [1], strides = [1]} : vector<16xf32> to vector<1xf32>
          %parallel_loop3A_131 = vector.extract %parallel_loop3A_130[0] : f32 from vector<1xf32>
          %parallel_loop3A_132 = arith.index_cast %parallel_loop3A_55 : i32 to index
          %parallel_loop3A_133 = arith.constant 160 : index
          %parallel_loop3A_134 = tpu.vector_load %arg15[%parallel_loop3A_132, %parallel_loop3A_133] {strides = array<i32>} : memref<128x384xf32, #tpu.memory_space<vmem>>, vector<16xf32>,
          %parallel_loop3A_135 = vector.broadcast %parallel_loop3A_131 : f32 to vector<16xf32>
          %parallel_loop3A_136 = arith.mulf %parallel_loop3A_134, %parallel_loop3A_135 : vector<16xf32>
          %parallel_loop3A_137 = arith.addf %parallel_loop3A_123, %parallel_loop3A_136 : vector<16xf32>
          %parallel_loop3A_138 = arith.index_cast %parallel_loop3A_55 : i32 to index
          %parallel_loop3A_139 = arith.constant 176 : index
          %parallel_loop3A_140 = tpu.vector_load %arg15[%parallel_loop3A_138, %parallel_loop3A_139] {strides = array<i32>} : memref<128x384xf32, #tpu.memory_space<vmem>>, vector<16xf32>,
          %parallel_loop3A_141 = vector.broadcast %parallel_loop3A_131 : f32 to vector<16xf32>
          %parallel_loop3A_142 = arith.mulf %parallel_loop3A_140, %parallel_loop3A_141 : vector<16xf32>
          %parallel_loop3A_143 = arith.addf %parallel_loop3A_129, %parallel_loop3A_142 : vector<16xf32>
          %parallel_loop3A_144 = vector.extract_strided_slice %parallel_loop3A_59 {offsets = [6], sizes = [1], strides = [1]} : vector<16xf32> to vector<1xf32>
          %parallel_loop3A_145 = vector.extract %parallel_loop3A_144[0] : f32 from vector<1xf32>
          %parallel_loop3A_146 = arith.index_cast %parallel_loop3A_55 : i32 to index
          %parallel_loop3A_147 = arith.constant 192 : index
          %parallel_loop3A_148 = tpu.vector_load %arg15[%parallel_loop3A_146, %parallel_loop3A_147] {strides = array<i32>} : memref<128x384xf32, #tpu.memory_space<vmem>>, vector<16xf32>,
          %parallel_loop3A_149 = vector.broadcast %parallel_loop3A_145 : f32 to vector<16xf32>
          %parallel_loop3A_150 = arith.mulf %parallel_loop3A_148, %parallel_loop3A_149 : vector<16xf32>
          %parallel_loop3A_151 = arith.addf %parallel_loop3A_137, %parallel_loop3A_150 : vector<16xf32>
          %parallel_loop3A_152 = arith.index_cast %parallel_loop3A_55 : i32 to index
          %parallel_loop3A_153 = arith.constant 208 : index
          %parallel_loop3A_154 = tpu.vector_load %arg15[%parallel_loop3A_152, %parallel_loop3A_153] {strides = array<i32>} : memref<128x384xf32, #tpu.memory_space<vmem>>, vector<16xf32>,
          %parallel_loop3A_155 = vector.broadcast %parallel_loop3A_145 : f32 to vector<16xf32>
          %parallel_loop3A_156 = arith.mulf %parallel_loop3A_154, %parallel_loop3A_155 : vector<16xf32>
          %parallel_loop3A_157 = arith.addf %parallel_loop3A_143, %parallel_loop3A_156 : vector<16xf32>
          %parallel_loop3A_158 = vector.extract_strided_slice %parallel_loop3A_59 {offsets = [7], sizes = [1], strides = [1]} : vector<16xf32> to vector<1xf32>
          %parallel_loop3A_159 = vector.extract %parallel_loop3A_158[0] : f32 from vector<1xf32>
          %parallel_loop3A_160 = arith.index_cast %parallel_loop3A_55 : i32 to index
          %parallel_loop3A_161 = arith.constant 224 : index
          %parallel_loop3A_162 = tpu.vector_load %arg15[%parallel_loop3A_160, %parallel_loop3A_161] {strides = array<i32>} : memref<128x384xf32, #tpu.memory_space<vmem>>, vector<16xf32>,
          %parallel_loop3A_163 = vector.broadcast %parallel_loop3A_159 : f32 to vector<16xf32>
          %parallel_loop3A_164 = arith.mulf %parallel_loop3A_162, %parallel_loop3A_163 : vector<16xf32>
          %parallel_loop3A_165 = arith.addf %parallel_loop3A_151, %parallel_loop3A_164 : vector<16xf32>
          %parallel_loop3A_166 = arith.index_cast %parallel_loop3A_55 : i32 to index
          %parallel_loop3A_167 = arith.constant 240 : index
          %parallel_loop3A_168 = tpu.vector_load %arg15[%parallel_loop3A_166, %parallel_loop3A_167] {strides = array<i32>} : memref<128x384xf32, #tpu.memory_space<vmem>>, vector<16xf32>,
          %parallel_loop3A_169 = vector.broadcast %parallel_loop3A_159 : f32 to vector<16xf32>
          %parallel_loop3A_170 = arith.mulf %parallel_loop3A_168, %parallel_loop3A_169 : vector<16xf32>
          %parallel_loop3A_171 = arith.addf %parallel_loop3A_157, %parallel_loop3A_170 : vector<16xf32>
          %parallel_loop3A_172 = vector.extract_strided_slice %parallel_loop3A_59 {offsets = [8], sizes = [1], strides = [1]} : vector<16xf32> to vector<1xf32>
          %parallel_loop3A_173 = vector.extract %parallel_loop3A_172[0] : f32 from vector<1xf32>
          %parallel_loop3A_174 = arith.index_cast %parallel_loop3A_55 : i32 to index
          %parallel_loop3A_175 = arith.constant 256 : index
          %parallel_loop3A_176 = tpu.vector_load %arg15[%parallel_loop3A_174, %parallel_loop3A_175] {strides = array<i32>} : memref<128x384xf32, #tpu.memory_space<vmem>>, vector<16xf32>,
          %parallel_loop3A_177 = vector.broadcast %parallel_loop3A_173 : f32 to vector<16xf32>
          %parallel_loop3A_178 = arith.mulf %parallel_loop3A_176, %parallel_loop3A_177 : vector<16xf32>
          %parallel_loop3A_179 = arith.addf %parallel_loop3A_165, %parallel_loop3A_178 : vector<16xf32>
          %parallel_loop3A_180 = arith.index_cast %parallel_loop3A_55 : i32 to index
          %parallel_loop3A_181 = arith.constant 272 : index
          %parallel_loop3A_182 = tpu.vector_load %arg15[%parallel_loop3A_180, %parallel_loop3A_181] {strides = array<i32>} : memref<128x384xf32, #tpu.memory_space<vmem>>, vector<16xf32>,
          %parallel_loop3A_183 = vector.broadcast %parallel_loop3A_173 : f32 to vector<16xf32>
          %parallel_loop3A_184 = arith.mulf %parallel_loop3A_182, %parallel_loop3A_183 : vector<16xf32>
          %parallel_loop3A_185 = arith.addf %parallel_loop3A_171, %parallel_loop3A_184 : vector<16xf32>
          %parallel_loop3A_186 = arith.mulf %parallel_loop3A_179, %parallel_loop3A_179 : vector<16xf32>
          %parallel_loop3A_187 = arith.mulf %parallel_loop3A_185, %parallel_loop3A_185 : vector<16xf32>
          %parallel_loop3A_188 = arith.addf %parallel_loop3A_186, %parallel_loop3A_187 : vector<16xf32>
          %parallel_loop3A_189 = arith.constant true
          %parallel_loop3A_190 = vector.broadcast %parallel_loop3A_189 : i1 to vector<16xi1>
          %parallel_loop3A_191 = tpu.scan <sum>, %parallel_loop3A_188 masked %parallel_loop3A_190 : vector<16xf32>, vector<16xi1> -> vector<16xf32>
          %parallel_loop3A_192 = vector.extract %parallel_loop3A_191[15] : f32 from vector<16xf32>
          %parallel_loop3A_193 = arith.constant 1.000000e-24 : f32
          %parallel_loop3A_194 = arith.maximumf %parallel_loop3A_192, %parallel_loop3A_193 : f32
          %parallel_loop3A_195 = vector.broadcast %parallel_loop3A_194 : f32 to vector<16xf32>
          %parallel_loop3A_196 = vector.bitcast %parallel_loop3A_195 : vector<16xf32> to vector<16xi32>
          %parallel_loop3A_197 = arith.constant 1 : i32
          %parallel_loop3A_198 = vector.broadcast %parallel_loop3A_197 : i32 to vector<16xi32>
          %parallel_loop3A_199 = arith.shrsi %parallel_loop3A_196, %parallel_loop3A_198 : vector<16xi32>
          %parallel_loop3A_200 = arith.constant 1597463007 : i32
          %parallel_loop3A_201 = vector.broadcast %parallel_loop3A_200 : i32 to vector<16xi32>
          %parallel_loop3A_202 = arith.subi %parallel_loop3A_201, %parallel_loop3A_199 : vector<16xi32>
          %parallel_loop3A_203 = vector.bitcast %parallel_loop3A_202 : vector<16xi32> to vector<16xf32>
          %parallel_loop3A_204 = arith.constant 5.000000e-01 : f32
          %parallel_loop3A_205 = vector.broadcast %parallel_loop3A_204 : f32 to vector<16xf32>
          %parallel_loop3A_206 = arith.mulf %parallel_loop3A_205, %parallel_loop3A_195 : vector<16xf32>
          %parallel_loop3A_207 = arith.mulf %parallel_loop3A_206, %parallel_loop3A_203 : vector<16xf32>
          %parallel_loop3A_208 = arith.mulf %parallel_loop3A_207, %parallel_loop3A_203 : vector<16xf32>
          %parallel_loop3A_209 = arith.constant 1.500000e+00 : f32
          %parallel_loop3A_210 = vector.broadcast %parallel_loop3A_209 : f32 to vector<16xf32>
          %parallel_loop3A_211 = arith.subf %parallel_loop3A_210, %parallel_loop3A_208 : vector<16xf32>
          %parallel_loop3A_212 = arith.mulf %parallel_loop3A_203, %parallel_loop3A_211 : vector<16xf32>
          %parallel_loop3A_213 = arith.constant 5.000000e-01 : f32
          %parallel_loop3A_214 = vector.broadcast %parallel_loop3A_213 : f32 to vector<16xf32>
          %parallel_loop3A_215 = arith.mulf %parallel_loop3A_214, %parallel_loop3A_195 : vector<16xf32>
          %parallel_loop3A_216 = arith.mulf %parallel_loop3A_215, %parallel_loop3A_212 : vector<16xf32>
          %parallel_loop3A_217 = arith.mulf %parallel_loop3A_216, %parallel_loop3A_212 : vector<16xf32>
          %parallel_loop3A_218 = arith.constant 1.500000e+00 : f32
          %parallel_loop3A_219 = vector.broadcast %parallel_loop3A_218 : f32 to vector<16xf32>
          %parallel_loop3A_220 = arith.subf %parallel_loop3A_219, %parallel_loop3A_217 : vector<16xf32>
          %parallel_loop3A_221 = arith.mulf %parallel_loop3A_212, %parallel_loop3A_220 : vector<16xf32>
          %parallel_loop3A_222 = arith.constant 5.000000e-01 : f32
          %parallel_loop3A_223 = vector.broadcast %parallel_loop3A_222 : f32 to vector<16xf32>
          %parallel_loop3A_224 = arith.mulf %parallel_loop3A_223, %parallel_loop3A_195 : vector<16xf32>
          %parallel_loop3A_225 = arith.mulf %parallel_loop3A_224, %parallel_loop3A_221 : vector<16xf32>
          %parallel_loop3A_226 = arith.mulf %parallel_loop3A_225, %parallel_loop3A_221 : vector<16xf32>
          %parallel_loop3A_227 = arith.constant 1.500000e+00 : f32
          %parallel_loop3A_228 = vector.broadcast %parallel_loop3A_227 : f32 to vector<16xf32>
          %parallel_loop3A_229 = arith.subf %parallel_loop3A_228, %parallel_loop3A_226 : vector<16xf32>
          %parallel_loop3A_230 = arith.mulf %parallel_loop3A_221, %parallel_loop3A_229 : vector<16xf32>
          %parallel_loop3A_231 = arith.mulf %parallel_loop3A_179, %parallel_loop3A_230 : vector<16xf32>
          %parallel_loop3A_232 = arith.index_cast %parallel_loop3A_55 : i32 to index
          %parallel_loop3A_233 = arith.constant 0 : index
          %parallel_loop3A_234 = tpu.vector_load %arg17[%parallel_loop3A_232, %parallel_loop3A_233] {strides = array<i32>} : memref<128x32xf32, #tpu.memory_space<vmem>>, vector<16xf32>,
          %parallel_loop3A_235 = arith.mulf %parallel_loop3A_231, %parallel_loop3A_234 : vector<16xf32>
          %parallel_loop3A_236 = arith.index_cast %parallel_loop3A_55 : i32 to index
          %parallel_loop3A_237 = arith.constant 0 : index
          %parallel_loop3A_238 = tpu.vector_load %arg18[%parallel_loop3A_236, %parallel_loop3A_237] {strides = array<i32>} : memref<128x32xf32, #tpu.memory_space<vmem>>, vector<16xf32>,
          tpu.vector_store %arg18[%parallel_loop3A_236, %parallel_loop3A_237], %parallel_loop3A_235 {strides = array<i32>} : memref<128x32xf32, #tpu.memory_space<vmem>>, vector<16xf32>,
          %parallel_loop3A_239 = arith.mulf %parallel_loop3A_185, %parallel_loop3A_230 : vector<16xf32>
          %parallel_loop3A_240 = arith.index_cast %parallel_loop3A_55 : i32 to index
          %parallel_loop3A_241 = arith.constant 16 : index
          %parallel_loop3A_242 = tpu.vector_load %arg17[%parallel_loop3A_240, %parallel_loop3A_241] {strides = array<i32>} : memref<128x32xf32, #tpu.memory_space<vmem>>, vector<16xf32>,
          %parallel_loop3A_243 = arith.mulf %parallel_loop3A_239, %parallel_loop3A_242 : vector<16xf32>
          %parallel_loop3A_244 = arith.index_cast %parallel_loop3A_55 : i32 to index
          %parallel_loop3A_245 = arith.constant 16 : index
          %parallel_loop3A_246 = tpu.vector_load %arg18[%parallel_loop3A_244, %parallel_loop3A_245] {strides = array<i32>} : memref<128x32xf32, #tpu.memory_space<vmem>>, vector<16xf32>,
          tpu.vector_store %arg18[%parallel_loop3A_244, %parallel_loop3A_245], %parallel_loop3A_243 {strides = array<i32>} : memref<128x32xf32, #tpu.memory_space<vmem>>, vector<16xf32>,
        } {sc.loop_unroll_factor = 4 : i64, sc.parallel_access}
        %mul3A_44 = arith.constant 32 : i32
        %mul3A_45 = arith.muli %add3A_31, %mul3A_44 : i32
        %add3A_46 = arith.addi %add3A, %mul3A_45 : i32
        %mul3A_47 = arith.constant 128 : i32
        %mul3A_48 = arith.muli %add3A_46, %mul3A_47 : i32
        "tpu.region"() ({
          %run_scoped3A = tpu.sem_alloc : memref<!tpu.dma_semaphore, #tpu.memory_space<semaphore_mem>>
          %dma_start3A = arith.constant 0 : i32
          %dma_start3A_55 = tpu.memref_slice %arg7[%mul3A_48, %dma_start3A] : memref<320000x32xf32, #tpu.memory_space<hbm>> -> memref<128x32xf32, #tpu.memory_space<hbm>>
          %dma_start3A_56 = arith.constant 0 : i32
          %dma_start3A_57 = tpu.memref_slice %arg7[%mul3A_48, %dma_start3A_56] : memref<320000x32xf32, #tpu.memory_space<hbm>> -> memref<128x32xf32, #tpu.memory_space<hbm>>
          tpu.enqueue_dma source(%arg18 : memref<128x32xf32, #tpu.memory_space<vmem>>) target(%dma_start3A_57 : memref<128x32xf32, #tpu.memory_space<hbm>>) target_semaphore(%run_scoped3A : memref<!tpu.dma_semaphore, #tpu.memory_space<semaphore_mem>>)
          %dma_wait3A_58 = arith.constant 0 : i32
          %dma_wait3A_59 = tpu.memref_slice %arg7[%mul3A_48, %dma_wait3A_58] : memref<320000x32xf32, #tpu.memory_space<hbm>> -> memref<128x32xf32, #tpu.memory_space<hbm>>
          %dma_wait3A_60 = arith.constant 0 : i32
          %dma_wait3A_61 = tpu.memref_slice %arg7[%mul3A_48, %dma_wait3A_60] : memref<320000x32xf32, #tpu.memory_space<hbm>> -> memref<128x32xf32, #tpu.memory_space<hbm>>
          tpu.wait_dma2 semaphore(%run_scoped3A : memref<!tpu.dma_semaphore, #tpu.memory_space<semaphore_mem>>) src(%arg18 : memref<128x32xf32, #tpu.memory_space<vmem>>) dst(%dma_wait3A_61 : memref<128x32xf32, #tpu.memory_space<hbm>>)
          tpu.yield
        }) : () -> ()
        %add3A_49 = arith.constant 2 : i32
        %add3A_50 = arith.addi %add3A_31, %add3A_49 : i32
        %lt3A_51 = arith.cmpi slt, %add3A_50, %add3A_4 : i32
        %convert_element_type3A_52 = arith.extui %lt3A_51 : i1 to i32
        %cond3A_53 = arith.constant 0 : i32
        %cond3A_54 = arith.cmpi ne, %convert_element_type3A_52, %cond3A_53 : i32
        scf.if %cond3A_54 {
          %add3A_55 = arith.constant 2 : i32
          %add3A_56 = arith.addi %add3A_31, %add3A_55 : i32
          %mul3A_57 = arith.constant 32 : i32
          %mul3A_58 = arith.muli %add3A_56, %mul3A_57 : i32
          %add3A_59 = arith.addi %add3A, %mul3A_58 : i32
          %mul3A_60 = arith.constant 128 : i32
          %mul3A_61 = arith.muli %add3A_59, %mul3A_60 : i32
          "tpu.region"() ({
            %run_scoped3A = tpu.sem_alloc : memref<!tpu.dma_semaphore, #tpu.memory_space<semaphore_mem>>
            %dma_start3A_69 = tpu.memref_slice %arg5[%mul3A_61] : memref<320000xi32, #tpu.memory_space<hbm>> -> memref<128xi32, #tpu.memory_space<hbm>>
            %dma_start3A_70 = tpu.memref_slice %arg5[%mul3A_61] : memref<320000xi32, #tpu.memory_space<hbm>> -> memref<128xi32, #tpu.memory_space<hbm>>
            tpu.enqueue_dma source(%dma_start3A_70 : memref<128xi32, #tpu.memory_space<hbm>>) target(%arg9 : memref<128xi32, #tpu.memory_space<vmem>>) target_semaphore(%run_scoped3A : memref<!tpu.dma_semaphore, #tpu.memory_space<semaphore_mem>>)
            %dma_wait3A_71 = tpu.memref_slice %arg5[%mul3A_61] : memref<320000xi32, #tpu.memory_space<hbm>> -> memref<128xi32, #tpu.memory_space<hbm>>
            %dma_wait3A_72 = tpu.memref_slice %arg5[%mul3A_61] : memref<320000xi32, #tpu.memory_space<hbm>> -> memref<128xi32, #tpu.memory_space<hbm>>
            tpu.wait_dma2 semaphore(%run_scoped3A : memref<!tpu.dma_semaphore, #tpu.memory_space<semaphore_mem>>) src(%dma_wait3A_72 : memref<128xi32, #tpu.memory_space<hbm>>) dst(%arg9 : memref<128xi32, #tpu.memory_space<vmem>>)
            tpu.yield
          }) : () -> ()
          "tpu.region"() ({
            %run_scoped3A = tpu.sem_alloc : memref<!tpu.dma_semaphore, #tpu.memory_space<semaphore_mem>>
            %dma_start3A_69 = tpu.memref_slice %arg6[%mul3A_61] : memref<320000xi32, #tpu.memory_space<hbm>> -> memref<128xi32, #tpu.memory_space<hbm>>
            %dma_start3A_70 = tpu.memref_slice %arg6[%mul3A_61] : memref<320000xi32, #tpu.memory_space<hbm>> -> memref<128xi32, #tpu.memory_space<hbm>>
            tpu.enqueue_dma source(%dma_start3A_70 : memref<128xi32, #tpu.memory_space<hbm>>) target(%arg11 : memref<128xi32, #tpu.memory_space<vmem>>) target_semaphore(%run_scoped3A : memref<!tpu.dma_semaphore, #tpu.memory_space<semaphore_mem>>)
            %dma_wait3A_71 = tpu.memref_slice %arg6[%mul3A_61] : memref<320000xi32, #tpu.memory_space<hbm>> -> memref<128xi32, #tpu.memory_space<hbm>>
            %dma_wait3A_72 = tpu.memref_slice %arg6[%mul3A_61] : memref<320000xi32, #tpu.memory_space<hbm>> -> memref<128xi32, #tpu.memory_space<hbm>>
            tpu.wait_dma2 semaphore(%run_scoped3A : memref<!tpu.dma_semaphore, #tpu.memory_space<semaphore_mem>>) src(%dma_wait3A_72 : memref<128xi32, #tpu.memory_space<hbm>>) dst(%arg11 : memref<128xi32, #tpu.memory_space<vmem>>)
            tpu.yield
          }) : () -> ()
          %mul3A_62 = arith.constant 9 : i32
          %mul3A_63 = arith.muli %mul3A_61, %mul3A_62 : i32
          "tpu.region"() ({
            %run_scoped3A = tpu.sem_alloc : memref<!tpu.dma_semaphore, #tpu.memory_space<semaphore_mem>>
            %dma_start3A_69 = arith.constant 0 : i32
            %dma_start3A_70 = tpu.memref_slice %arg13[%dma_start3A_69] : memref<1168xf32, #tpu.memory_space<vmem>> -> memref<1152xf32, #tpu.memory_space<vmem>>
            %dma_start3A_71 = tpu.memref_slice %arg3[%mul3A_63] : memref<2880000xf32, #tpu.memory_space<hbm>> -> memref<1152xf32, #tpu.memory_space<hbm>>
            %dma_start3A_72 = arith.constant 0 : i32
            %dma_start3A_73 = tpu.memref_slice %arg13[%dma_start3A_72] : memref<1168xf32, #tpu.memory_space<vmem>> -> memref<1152xf32, #tpu.memory_space<vmem>>
            %dma_start3A_74 = tpu.memref_slice %arg3[%mul3A_63] : memref<2880000xf32, #tpu.memory_space<hbm>> -> memref<1152xf32, #tpu.memory_space<hbm>>
            tpu.enqueue_dma source(%dma_start3A_74 : memref<1152xf32, #tpu.memory_space<hbm>>) target(%dma_start3A_73 : memref<1152xf32, #tpu.memory_space<vmem>>) target_semaphore(%run_scoped3A : memref<!tpu.dma_semaphore, #tpu.memory_space<semaphore_mem>>)
            %dma_wait3A_75 = arith.constant 0 : i32
            %dma_wait3A_76 = tpu.memref_slice %arg13[%dma_wait3A_75] : memref<1168xf32, #tpu.memory_space<vmem>> -> memref<1152xf32, #tpu.memory_space<vmem>>
            %dma_wait3A_77 = tpu.memref_slice %arg3[%mul3A_63] : memref<2880000xf32, #tpu.memory_space<hbm>> -> memref<1152xf32, #tpu.memory_space<hbm>>
            %dma_wait3A_78 = arith.constant 0 : i32
            %dma_wait3A_79 = tpu.memref_slice %arg13[%dma_wait3A_78] : memref<1168xf32, #tpu.memory_space<vmem>> -> memref<1152xf32, #tpu.memory_space<vmem>>
            %dma_wait3A_80 = tpu.memref_slice %arg3[%mul3A_63] : memref<2880000xf32, #tpu.memory_space<hbm>> -> memref<1152xf32, #tpu.memory_space<hbm>>
            tpu.wait_dma2 semaphore(%run_scoped3A : memref<!tpu.dma_semaphore, #tpu.memory_space<semaphore_mem>>) src(%dma_wait3A_80 : memref<1152xf32, #tpu.memory_space<hbm>>) dst(%dma_wait3A_79 : memref<1152xf32, #tpu.memory_space<vmem>>)
            tpu.yield
          }) : () -> ()
          %dma_start3A = arith.constant 0 : i32
          %dma_start3A_64 = arith.constant 0 : i32
          %dma_start3A_65 = tpu.memref_slice %arg2[%dma_start3A, %dma_start3A_64] : memref<160000x384xf32, #tpu.memory_space<hbm>> -> memref<160000x384xf32, #tpu.memory_space<hbm>>
          tpu.enqueue_indirect_dma source(%dma_start3A_65 : memref<160000x384xf32, #tpu.memory_space<hbm>>) target(%arg15 : memref<128x384xf32, #tpu.memory_space<vmem>>) offsets(%arg9 : memref<128xi32, #tpu.memory_space<vmem>>) semaphore(%arg20 : memref<!tpu.dma_semaphore, #tpu.memory_space<semaphore_mem>>)
          %dma_start3A_66 = arith.constant 0 : i32
          %dma_start3A_67 = arith.constant 0 : i32
          %dma_start3A_68 = tpu.memref_slice %arg4[%dma_start3A_66, %dma_start3A_67] : memref<10000x32xf32, #tpu.memory_space<hbm>> -> memref<10000x32xf32, #tpu.memory_space<hbm>>
          tpu.enqueue_indirect_dma source(%dma_start3A_68 : memref<10000x32xf32, #tpu.memory_space<hbm>>) target(%arg17 : memref<128x32xf32, #tpu.memory_space<vmem>>) offsets(%arg11 : memref<128xi32, #tpu.memory_space<vmem>>) semaphore(%arg22 : memref<!tpu.dma_semaphore, #tpu.memory_space<semaphore_mem>>)
        } else {
        }
      } else {
      }
      %scan3A_36 = arith.constant 0 : i32
      scf.yield %scan3A_36 : i32
    }
    %scan3A_17 = arith.constant 40 : i32
    return
  }
}

module attributes {stable_mosaic.version = 14 : i64} {
  func.func @_tc2_body(%arg0: i32, %arg1: memref<640x144xf32, #tpu.memory_space<vmem>>, %arg2: memref<640x9xf32, #tpu.memory_space<vmem>>, %arg3: memref<144x288xf32, #tpu.memory_space<vmem>>, %arg4: memref<288x288xf32, #tpu.memory_space<vmem>>, %arg5: memref<288x288xf32, #tpu.memory_space<vmem>>, %arg6: memref<9x288xf32, #tpu.memory_space<vmem>>, %arg7: memref<640x384xf32, #tpu.memory_space<vmem>>) attributes {dimension_semantics = [#tpu.dimension_semantics<arbitrary>], iteration_bounds = array<i64: 250>, scalar_prefetch = 0 : i64, scratch_operands = 0 : i64, tpu.core_type = #tpu.core_type<tc>, window_params = [{transform_indices = @transform_0, window_bounds = array<i64: 640, 144>}, {transform_indices = @transform_1, window_bounds = array<i64: 640, 9>}, {pipeline_mode = #tpu.pipeline_mode<synchronous>, transform_indices = @transform_2, window_bounds = array<i64: 144, 288>}, {pipeline_mode = #tpu.pipeline_mode<synchronous>, transform_indices = @transform_3, window_bounds = array<i64: 288, 288>}, {pipeline_mode = #tpu.pipeline_mode<synchronous>, transform_indices = @transform_4, window_bounds = array<i64: 288, 288>}, {pipeline_mode = #tpu.pipeline_mode<synchronous>, transform_indices = @transform_5, window_bounds = array<i64: 9, 288>}, {transform_indices = @transform_6, window_bounds = array<i64: 640, 384>}]} {
    %get3A = arith.constant 0 : index
    %get3A_0 = arith.constant 0 : index
    %get3A_1 = vector.load %arg1[%get3A, %get3A_0] : memref<640x144xf32, #tpu.memory_space<vmem>>, vector<640x144xf32>
    %logistic3A = arith.negf %get3A_1 : vector<640x144xf32>
    %logistic3A_2 = math.exp %logistic3A : vector<640x144xf32>
    %logistic3A_3 = arith.constant 1.000000e+00 : f32
    %logistic3A_4 = vector.broadcast %logistic3A_3 : f32 to vector<640x144xf32>
    %logistic3A_5 = arith.addf %logistic3A_4, %logistic3A_2 : vector<640x144xf32>
    %logistic3A_6 = arith.divf %logistic3A_4, %logistic3A_5 : vector<640x144xf32>
    %mul3A = arith.mulf %get3A_1, %logistic3A_6 : vector<640x144xf32>
    %get3A_7 = arith.constant 0 : index
    %get3A_8 = arith.constant 0 : index
    %get3A_9 = vector.load %arg3[%get3A_7, %get3A_8] : memref<144x288xf32, #tpu.memory_space<vmem>>, vector<144x288xf32>
    %dot_general3A = arith.constant dense<0.000000e+00> : vector<640x288xf32>
    %dot_general3A_10 = tpu.matmul %mul3A, %get3A_9, %dot_general3A {dimension_numbers = #tpu.dot_dimension_numbers<[1], [0], [0], [1], [0, 0, 1, 1], [], []>, transpose_lhs_hint = false} : vector<640x144xf32>, vector<144x288xf32>, vector<640x288xf32> -> vector<640x288xf32>
    %logistic3A_11 = arith.negf %dot_general3A_10 : vector<640x288xf32>
    %logistic3A_12 = math.exp %logistic3A_11 : vector<640x288xf32>
    %logistic3A_13 = arith.constant 1.000000e+00 : f32
    %logistic3A_14 = vector.broadcast %logistic3A_13 : f32 to vector<640x288xf32>
    %logistic3A_15 = arith.addf %logistic3A_14, %logistic3A_12 : vector<640x288xf32>
    %logistic3A_16 = arith.divf %logistic3A_14, %logistic3A_15 : vector<640x288xf32>
    %mul3A_17 = arith.mulf %dot_general3A_10, %logistic3A_16 : vector<640x288xf32>
    %get3A_18 = arith.constant 0 : index
    %get3A_19 = arith.constant 0 : index
    %get3A_20 = vector.load %arg4[%get3A_18, %get3A_19] : memref<288x288xf32, #tpu.memory_space<vmem>>, vector<288x288xf32>
    %dot_general3A_21 = arith.constant dense<0.000000e+00> : vector<640x288xf32>
    %dot_general3A_22 = tpu.matmul %mul3A_17, %get3A_20, %dot_general3A_21 {dimension_numbers = #tpu.dot_dimension_numbers<[1], [0], [0], [1], [0, 0, 1, 1], [], []>, transpose_lhs_hint = false} : vector<640x288xf32>, vector<288x288xf32>, vector<640x288xf32> -> vector<640x288xf32>
    %mul3A_23 = arith.mulf %dot_general3A_22, %dot_general3A_22 : vector<640x288xf32>
    %get3A_24 = arith.constant 0 : index
    %get3A_25 = arith.constant 0 : index
    %get3A_26 = vector.load %arg5[%get3A_24, %get3A_25] : memref<288x288xf32, #tpu.memory_space<vmem>>, vector<288x288xf32>
    %dot_general3A_27 = arith.constant dense<0.000000e+00> : vector<640x288xf32>
    %dot_general3A_28 = tpu.matmul %mul3A_23, %get3A_26, %dot_general3A_27 {dimension_numbers = #tpu.dot_dimension_numbers<[1], [0], [0], [1], [0, 0, 1, 1], [], []>, transpose_lhs_hint = false} : vector<640x288xf32>, vector<288x288xf32>, vector<640x288xf32> -> vector<640x288xf32>
    %get3A_29 = arith.constant 0 : index
    %get3A_30 = arith.constant 0 : index
    %get3A_31 = vector.load %arg2[%get3A_29, %get3A_30] : memref<640x9xf32, #tpu.memory_space<vmem>>, vector<640x9xf32>
    %get3A_32 = arith.constant 0 : index
    %get3A_33 = arith.constant 0 : index
    %get3A_34 = vector.load %arg6[%get3A_32, %get3A_33] : memref<9x288xf32, #tpu.memory_space<vmem>>, vector<9x288xf32>
    %dot_general3A_35 = arith.constant dense<0.000000e+00> : vector<640x288xf32>
    %dot_general3A_36 = tpu.matmul %get3A_31, %get3A_34, %dot_general3A_35 {dimension_numbers = #tpu.dot_dimension_numbers<[1], [0], [0], [1], [0, 0, 1, 1], [], []>, transpose_lhs_hint = false} : vector<640x9xf32>, vector<9x288xf32>, vector<640x288xf32> -> vector<640x288xf32>
    %max3A = arith.constant 1.000000e-24 : f32
    %max3A_37 = vector.broadcast %max3A : f32 to vector<640x288xf32>
    %max3A_38 = arith.maximumf %dot_general3A_28, %max3A_37 : vector<640x288xf32>
    %rsqrt3A = math.rsqrt %max3A_38 : vector<640x288xf32>
    %mul3A_39 = arith.mulf %dot_general3A_22, %rsqrt3A : vector<640x288xf32>
    %mul3A_40 = arith.mulf %mul3A_39, %dot_general3A_36 : vector<640x288xf32>
    %broadcast_in_dim3A = arith.constant 0.000000e+00 : f32
    %broadcast_in_dim3A_41 = vector.broadcast %broadcast_in_dim3A : f32 to vector<640x96xf32>
    %concatenate3A = tpu.concatenate %mul3A_40, %broadcast_in_dim3A_41 in 1 : vector<640x288xf32>, vector<640x96xf32> -> vector<640x384xf32>
    %swap3A = arith.constant 0 : index
    %swap3A_42 = arith.constant 0 : index
    %swap3A_43 = vector.load %arg7[%swap3A, %swap3A_42] : memref<640x384xf32, #tpu.memory_space<vmem>>, vector<640x384xf32>
    tpu.vector_store %arg7[%swap3A, %swap3A_42], %concatenate3A {strides = array<i32>} : memref<640x384xf32, #tpu.memory_space<vmem>>, vector<640x384xf32>,
    return
  }
  func.func @transform_0(%arg0: i32) -> (i32, i32) {
    %c0_i32 = arith.constant 0 : i32
    %c0_i32_0 = arith.constant 0 : i32
    return %arg0, %c0_i32 : i32, i32
  }
  func.func @transform_1(%arg0: i32) -> (i32, i32) {
    %c0_i32 = arith.constant 0 : i32
    %c0_i32_0 = arith.constant 0 : i32
    return %arg0, %c0_i32 : i32, i32
  }
  func.func @transform_2(%arg0: i32) -> (i32, i32) {
    %c0_i32 = arith.constant 0 : i32
    %c0_i32_0 = arith.constant 0 : i32
    %c0_i32_1 = arith.constant 0 : i32
    return %c0_i32, %c0_i32_0 : i32, i32
  }
  func.func @transform_3(%arg0: i32) -> (i32, i32) {
    %c0_i32 = arith.constant 0 : i32
    %c0_i32_0 = arith.constant 0 : i32
    %c0_i32_1 = arith.constant 0 : i32
    return %c0_i32, %c0_i32_0 : i32, i32
  }
  func.func @transform_4(%arg0: i32) -> (i32, i32) {
    %c0_i32 = arith.constant 0 : i32
    %c0_i32_0 = arith.constant 0 : i32
    %c0_i32_1 = arith.constant 0 : i32
    return %c0_i32, %c0_i32_0 : i32, i32
  }
  func.func @transform_5(%arg0: i32) -> (i32, i32) {
    %c0_i32 = arith.constant 0 : i32
    %c0_i32_0 = arith.constant 0 : i32
    %c0_i32_1 = arith.constant 0 : i32
    return %c0_i32, %c0_i32_0 : i32, i32
  }
  func.func @transform_6(%arg0: i32) -> (i32, i32) {
    %c0_i32 = arith.constant 0 : i32
    %c0_i32_0 = arith.constant 0 : i32
    return %arg0, %c0_i32 : i32, i32
  }
}

module attributes {stable_mosaic.version = 14 : i64} {
  func.func @_tc1_body(%arg0: i32, %arg1: memref<1000x128xf32, #tpu.memory_space<vmem>>, %arg2: memref<128x32xf32, #tpu.memory_space<vmem>>, %arg3: memref<1x32xf32, #tpu.memory_space<vmem>>, %arg4: memref<128x32xf32, #tpu.memory_space<vmem>>, %arg5: memref<1x32xf32, #tpu.memory_space<vmem>>, %arg6: memref<32x32xf32, #tpu.memory_space<vmem>>, %arg7: memref<32x32xf32, #tpu.memory_space<vmem>>, %arg8: memref<1000x32xf32, #tpu.memory_space<vmem>>, %arg9: memref<1000x32xf32, #tpu.memory_space<vmem>>, %arg10: memref<1000x32xf32, #tpu.memory_space<vmem>>) attributes {dimension_semantics = [#tpu.dimension_semantics<arbitrary>], iteration_bounds = array<i64: 10>, scalar_prefetch = 0 : i64, scratch_operands = 0 : i64, tpu.core_type = #tpu.core_type<tc>, window_params = [{transform_indices = @transform_0, window_bounds = array<i64: 1000, 128>}, {pipeline_mode = #tpu.pipeline_mode<synchronous>, transform_indices = @transform_1, window_bounds = array<i64: 128, 32>}, {pipeline_mode = #tpu.pipeline_mode<synchronous>, transform_indices = @transform_2, window_bounds = array<i64: 1, 32>}, {pipeline_mode = #tpu.pipeline_mode<synchronous>, transform_indices = @transform_3, window_bounds = array<i64: 128, 32>}, {pipeline_mode = #tpu.pipeline_mode<synchronous>, transform_indices = @transform_4, window_bounds = array<i64: 1, 32>}, {pipeline_mode = #tpu.pipeline_mode<synchronous>, transform_indices = @transform_5, window_bounds = array<i64: 32, 32>}, {pipeline_mode = #tpu.pipeline_mode<synchronous>, transform_indices = @transform_6, window_bounds = array<i64: 32, 32>}, {transform_indices = @transform_7, window_bounds = array<i64: 1000, 32>}, {transform_indices = @transform_8, window_bounds = array<i64: 1000, 32>}, {transform_indices = @transform_9, window_bounds = array<i64: 1000, 32>}]} {
    %get3A = arith.constant 0 : index
    %get3A_0 = arith.constant 0 : index
    %get3A_1 = vector.load %arg1[%get3A, %get3A_0] : memref<1000x128xf32, #tpu.memory_space<vmem>>, vector<1000x128xf32>
    %get3A_2 = arith.constant 0 : index
    %get3A_3 = arith.constant 0 : index
    %get3A_4 = vector.load %arg2[%get3A_2, %get3A_3] : memref<128x32xf32, #tpu.memory_space<vmem>>, vector<128x32xf32>
    %dot_general3A = arith.constant dense<0.000000e+00> : vector<1000x32xf32>
    %dot_general3A_5 = tpu.matmul %get3A_1, %get3A_4, %dot_general3A {dimension_numbers = #tpu.dot_dimension_numbers<[1], [0], [0], [1], [0, 0, 1, 1], [], []>, transpose_lhs_hint = false} : vector<1000x128xf32>, vector<128x32xf32>, vector<1000x32xf32> -> vector<1000x32xf32>
    %get3A_6 = arith.constant 0 : index
    %get3A_7 = arith.constant 0 : index
    %get3A_8 = vector.load %arg3[%get3A_6, %get3A_7] : memref<1x32xf32, #tpu.memory_space<vmem>>, vector<1x32xf32>
    %add3A = vector.broadcast %get3A_8 : vector<1x32xf32> to vector<1000x32xf32>
    %add3A_9 = arith.addf %dot_general3A_5, %add3A : vector<1000x32xf32>
    %get3A_10 = arith.constant 0 : index
    %get3A_11 = arith.constant 0 : index
    %get3A_12 = vector.load %arg4[%get3A_10, %get3A_11] : memref<128x32xf32, #tpu.memory_space<vmem>>, vector<128x32xf32>
    %dot_general3A_13 = arith.constant dense<0.000000e+00> : vector<1000x32xf32>
    %dot_general3A_14 = tpu.matmul %get3A_1, %get3A_12, %dot_general3A_13 {dimension_numbers = #tpu.dot_dimension_numbers<[1], [0], [0], [1], [0, 0, 1, 1], [], []>, transpose_lhs_hint = false} : vector<1000x128xf32>, vector<128x32xf32>, vector<1000x32xf32> -> vector<1000x32xf32>
    %get3A_15 = arith.constant 0 : index
    %get3A_16 = arith.constant 0 : index
    %get3A_17 = vector.load %arg5[%get3A_15, %get3A_16] : memref<1x32xf32, #tpu.memory_space<vmem>>, vector<1x32xf32>
    %add3A_18 = vector.broadcast %get3A_17 : vector<1x32xf32> to vector<1000x32xf32>
    %add3A_19 = arith.addf %dot_general3A_14, %add3A_18 : vector<1000x32xf32>
    %mul3A = arith.constant 5.000000e-01 : f32
    %mul3A_20 = vector.broadcast %mul3A : f32 to vector<1000x32xf32>
    %mul3A_21 = arith.mulf %mul3A_20, %add3A_19 : vector<1000x32xf32>
    %tanh3A = math.tanh %mul3A_21 : vector<1000x32xf32>
    %mul3A_22 = arith.constant 5.000000e-01 : f32
    %mul3A_23 = vector.broadcast %mul3A_22 : f32 to vector<1000x32xf32>
    %mul3A_24 = arith.mulf %mul3A_23, %tanh3A : vector<1000x32xf32>
    %add3A_25 = arith.constant 5.000000e-01 : f32
    %add3A_26 = vector.broadcast %add3A_25 : f32 to vector<1000x32xf32>
    %add3A_27 = arith.addf %mul3A_24, %add3A_26 : vector<1000x32xf32>
    %swap3A = arith.constant 0 : index
    %swap3A_28 = arith.constant 0 : index
    %swap3A_29 = vector.load %arg8[%swap3A, %swap3A_28] : memref<1000x32xf32, #tpu.memory_space<vmem>>, vector<1000x32xf32>
    tpu.vector_store %arg8[%swap3A, %swap3A_28], %add3A_27 {strides = array<i32>} : memref<1000x32xf32, #tpu.memory_space<vmem>>, vector<1000x32xf32>,
    %logistic3A = arith.negf %add3A_9 : vector<1000x32xf32>
    %logistic3A_30 = math.exp %logistic3A : vector<1000x32xf32>
    %logistic3A_31 = arith.constant 1.000000e+00 : f32
    %logistic3A_32 = vector.broadcast %logistic3A_31 : f32 to vector<1000x32xf32>
    %logistic3A_33 = arith.addf %logistic3A_32, %logistic3A_30 : vector<1000x32xf32>
    %logistic3A_34 = arith.divf %logistic3A_32, %logistic3A_33 : vector<1000x32xf32>
    %mul3A_35 = arith.mulf %add3A_9, %logistic3A_34 : vector<1000x32xf32>
    %get3A_36 = arith.constant 0 : index
    %get3A_37 = arith.constant 0 : index
    %get3A_38 = vector.load %arg6[%get3A_36, %get3A_37] : memref<32x32xf32, #tpu.memory_space<vmem>>, vector<32x32xf32>
    %dot_general3A_39 = arith.constant dense<0.000000e+00> : vector<1000x32xf32>
    %dot_general3A_40 = tpu.matmul %mul3A_35, %get3A_38, %dot_general3A_39 {dimension_numbers = #tpu.dot_dimension_numbers<[1], [0], [0], [1], [0, 0, 1, 1], [], []>, transpose_lhs_hint = false} : vector<1000x32xf32>, vector<32x32xf32>, vector<1000x32xf32> -> vector<1000x32xf32>
    %swap3A_41 = arith.constant 0 : index
    %swap3A_42 = arith.constant 0 : index
    %swap3A_43 = vector.load %arg9[%swap3A_41, %swap3A_42] : memref<1000x32xf32, #tpu.memory_space<vmem>>, vector<1000x32xf32>
    tpu.vector_store %arg9[%swap3A_41, %swap3A_42], %dot_general3A_40 {strides = array<i32>} : memref<1000x32xf32, #tpu.memory_space<vmem>>, vector<1000x32xf32>,
    %get3A_44 = arith.constant 0 : index
    %get3A_45 = arith.constant 0 : index
    %get3A_46 = vector.load %arg7[%get3A_44, %get3A_45] : memref<32x32xf32, #tpu.memory_space<vmem>>, vector<32x32xf32>
    %dot_general3A_47 = arith.constant dense<0.000000e+00> : vector<1000x32xf32>
    %dot_general3A_48 = tpu.matmul %mul3A_35, %get3A_46, %dot_general3A_47 {dimension_numbers = #tpu.dot_dimension_numbers<[1], [0], [0], [1], [0, 0, 1, 1], [], []>, transpose_lhs_hint = false} : vector<1000x32xf32>, vector<32x32xf32>, vector<1000x32xf32> -> vector<1000x32xf32>
    %swap3A_49 = arith.constant 0 : index
    %swap3A_50 = arith.constant 0 : index
    %swap3A_51 = vector.load %arg10[%swap3A_49, %swap3A_50] : memref<1000x32xf32, #tpu.memory_space<vmem>>, vector<1000x32xf32>
    tpu.vector_store %arg10[%swap3A_49, %swap3A_50], %dot_general3A_48 {strides = array<i32>} : memref<1000x32xf32, #tpu.memory_space<vmem>>, vector<1000x32xf32>,
    return
  }
  func.func @transform_0(%arg0: i32) -> (i32, i32) {
    %c0_i32 = arith.constant 0 : i32
    %c0_i32_0 = arith.constant 0 : i32
    return %arg0, %c0_i32 : i32, i32
  }
  func.func @transform_1(%arg0: i32) -> (i32, i32) {
    %c0_i32 = arith.constant 0 : i32
    %c0_i32_0 = arith.constant 0 : i32
    %c0_i32_1 = arith.constant 0 : i32
    return %c0_i32, %c0_i32_0 : i32, i32
  }
  func.func @transform_2(%arg0: i32) -> (i32, i32) {
    %c0_i32 = arith.constant 0 : i32
    %c0_i32_0 = arith.constant 0 : i32
    %c0_i32_1 = arith.constant 0 : i32
    return %c0_i32, %c0_i32_0 : i32, i32
  }
  func.func @transform_3(%arg0: i32) -> (i32, i32) {
    %c0_i32 = arith.constant 0 : i32
    %c0_i32_0 = arith.constant 0 : i32
    %c0_i32_1 = arith.constant 0 : i32
    return %c0_i32, %c0_i32_0 : i32, i32
  }
  func.func @transform_4(%arg0: i32) -> (i32, i32) {
    %c0_i32 = arith.constant 0 : i32
    %c0_i32_0 = arith.constant 0 : i32
    %c0_i32_1 = arith.constant 0 : i32
    return %c0_i32, %c0_i32_0 : i32, i32
  }
  func.func @transform_5(%arg0: i32) -> (i32, i32) {
    %c0_i32 = arith.constant 0 : i32
    %c0_i32_0 = arith.constant 0 : i32
    %c0_i32_1 = arith.constant 0 : i32
    return %c0_i32, %c0_i32_0 : i32, i32
  }
  func.func @transform_6(%arg0: i32) -> (i32, i32) {
    %c0_i32 = arith.constant 0 : i32
    %c0_i32_0 = arith.constant 0 : i32
    %c0_i32_1 = arith.constant 0 : i32
    return %c0_i32, %c0_i32_0 : i32, i32
  }
  func.func @transform_7(%arg0: i32) -> (i32, i32) {
    %c0_i32 = arith.constant 0 : i32
    %c0_i32_0 = arith.constant 0 : i32
    return %arg0, %c0_i32 : i32, i32
  }
  func.func @transform_8(%arg0: i32) -> (i32, i32) {
    %c0_i32 = arith.constant 0 : i32
    %c0_i32_0 = arith.constant 0 : i32
    return %arg0, %c0_i32 : i32, i32
  }
  func.func @transform_9(%arg0: i32) -> (i32, i32) {
    %c0_i32 = arith.constant 0 : i32
    %c0_i32_0 = arith.constant 0 : i32
    return %arg0, %c0_i32 : i32, i32
  }
}

module attributes {stable_mosaic.version = 14 : i64} {
  func.func @_tc3_body(%arg0: i32, %arg1: memref<640x144xf32, #tpu.memory_space<vmem>>, %arg2: memref<640x9xf32, #tpu.memory_space<vmem>>, %arg3: memref<640x128xf32, #tpu.memory_space<vmem>>, %arg4: memref<640x128xf32, #tpu.memory_space<vmem>>, %arg5: memref<144x288xf32, #tpu.memory_space<vmem>>, %arg6: memref<288x288xf32, #tpu.memory_space<vmem>>, %arg7: memref<288x288xf32, #tpu.memory_space<vmem>>, %arg8: memref<9x288xf32, #tpu.memory_space<vmem>>, %arg9: memref<32x288xf32, #tpu.memory_space<vmem>>, %arg10: memref<32x32xf32, #tpu.memory_space<vmem>>, %arg11: memref<1x32xf32, #tpu.memory_space<vmem>>, %arg12: memref<1x32xf32, #tpu.memory_space<vmem>>, %arg13: memref<32x32xf32, #tpu.memory_space<vmem>>, %arg14: memref<1x32xf32, #tpu.memory_space<vmem>>, %arg15: memref<640x128xf32, #tpu.memory_space<vmem>>) attributes {dimension_semantics = [#tpu.dimension_semantics<arbitrary>], iteration_bounds = array<i64: 250>, scalar_prefetch = 0 : i64, scratch_operands = 0 : i64, tpu.core_type = #tpu.core_type<tc>, window_params = [{transform_indices = @transform_0, window_bounds = array<i64: 640, 144>}, {transform_indices = @transform_1, window_bounds = array<i64: 640, 9>}, {transform_indices = @transform_2, window_bounds = array<i64: 640, 128>}, {transform_indices = @transform_3, window_bounds = array<i64: 640, 128>}, {pipeline_mode = #tpu.pipeline_mode<synchronous>, transform_indices = @transform_4, window_bounds = array<i64: 144, 288>}, {pipeline_mode = #tpu.pipeline_mode<synchronous>, transform_indices = @transform_5, window_bounds = array<i64: 288, 288>}, {pipeline_mode = #tpu.pipeline_mode<synchronous>, transform_indices = @transform_6, window_bounds = array<i64: 288, 288>}, {pipeline_mode = #tpu.pipeline_mode<synchronous>, transform_indices = @transform_7, window_bounds = array<i64: 9, 288>}, {pipeline_mode = #tpu.pipeline_mode<synchronous>, transform_indices = @transform_8, window_bounds = array<i64: 32, 288>}, {pipeline_mode = #tpu.pipeline_mode<synchronous>, transform_indices = @transform_9, window_bounds = array<i64: 32, 32>}, {pipeline_mode = #tpu.pipeline_mode<synchronous>, transform_indices = @transform_10, window_bounds = array<i64: 1, 32>}, {pipeline_mode = #tpu.pipeline_mode<synchronous>, transform_indices = @transform_11, window_bounds = array<i64: 1, 32>}, {pipeline_mode = #tpu.pipeline_mode<synchronous>, transform_indices = @transform_12, window_bounds = array<i64: 32, 32>}, {pipeline_mode = #tpu.pipeline_mode<synchronous>, transform_indices = @transform_13, window_bounds = array<i64: 1, 32>}, {transform_indices = @transform_14, window_bounds = array<i64: 640, 128>}]} {
    %get3A = arith.constant 0 : index
    %get3A_0 = arith.constant 0 : index
    %get3A_1 = vector.load %arg3[%get3A, %get3A_0] : memref<640x128xf32, #tpu.memory_space<vmem>>, vector<640x32xf32>
    %logistic3A = arith.negf %get3A_1 : vector<640x32xf32>
    %logistic3A_2 = math.exp %logistic3A : vector<640x32xf32>
    %logistic3A_3 = arith.constant 1.000000e+00 : f32
    %logistic3A_4 = vector.broadcast %logistic3A_3 : f32 to vector<640x32xf32>
    %logistic3A_5 = arith.addf %logistic3A_4, %logistic3A_2 : vector<640x32xf32>
    %logistic3A_6 = arith.divf %logistic3A_4, %logistic3A_5 : vector<640x32xf32>
    %mul3A = arith.mulf %get3A_1, %logistic3A_6 : vector<640x32xf32>
    %get3A_7 = arith.constant 0 : index
    %get3A_8 = arith.constant 0 : index
    %get3A_9 = vector.load %arg10[%get3A_7, %get3A_8] : memref<32x32xf32, #tpu.memory_space<vmem>>, vector<32x32xf32>
    %dot_general3A = arith.constant dense<0.000000e+00> : vector<640x32xf32>
    %dot_general3A_10 = tpu.matmul %mul3A, %get3A_9, %dot_general3A {dimension_numbers = #tpu.dot_dimension_numbers<[1], [0], [0], [1], [0, 0, 1, 1], [], []>, transpose_lhs_hint = false} : vector<640x32xf32>, vector<32x32xf32>, vector<640x32xf32> -> vector<640x32xf32>
    %get3A_11 = arith.constant 0 : index
    %get3A_12 = arith.constant 0 : index
    %get3A_13 = vector.load %arg11[%get3A_11, %get3A_12] : memref<1x32xf32, #tpu.memory_space<vmem>>, vector<1x32xf32>
    %add3A = vector.broadcast %get3A_13 : vector<1x32xf32> to vector<640x32xf32>
    %add3A_14 = arith.addf %dot_general3A_10, %add3A : vector<640x32xf32>
    %get3A_15 = arith.constant 0 : index
    %get3A_16 = arith.constant 0 : index
    %get3A_17 = vector.load %arg9[%get3A_15, %get3A_16] : memref<32x288xf32, #tpu.memory_space<vmem>>, vector<32x288xf32>
    %dot_general3A_18 = arith.constant dense<0.000000e+00> : vector<640x288xf32>
    %dot_general3A_19 = tpu.matmul %add3A_14, %get3A_17, %dot_general3A_18 {dimension_numbers = #tpu.dot_dimension_numbers<[1], [0], [0], [1], [0, 0, 1, 1], [], []>, transpose_lhs_hint = false} : vector<640x32xf32>, vector<32x288xf32>, vector<640x288xf32> -> vector<640x288xf32>
    %add3A_20 = arith.constant 1.000000e+00 : f32
    %add3A_21 = vector.broadcast %add3A_20 : f32 to vector<640x288xf32>
    %add3A_22 = arith.addf %add3A_21, %dot_general3A_19 : vector<640x288xf32>
    %get3A_23 = arith.constant 0 : index
    %get3A_24 = arith.constant 0 : index
    %get3A_25 = vector.load %arg1[%get3A_23, %get3A_24] : memref<640x144xf32, #tpu.memory_space<vmem>>, vector<640x144xf32>
    %logistic3A_26 = arith.negf %get3A_25 : vector<640x144xf32>
    %logistic3A_27 = math.exp %logistic3A_26 : vector<640x144xf32>
    %logistic3A_28 = arith.constant 1.000000e+00 : f32
    %logistic3A_29 = vector.broadcast %logistic3A_28 : f32 to vector<640x144xf32>
    %logistic3A_30 = arith.addf %logistic3A_29, %logistic3A_27 : vector<640x144xf32>
    %logistic3A_31 = arith.divf %logistic3A_29, %logistic3A_30 : vector<640x144xf32>
    %mul3A_32 = arith.mulf %get3A_25, %logistic3A_31 : vector<640x144xf32>
    %get3A_33 = arith.constant 0 : index
    %get3A_34 = arith.constant 0 : index
    %get3A_35 = vector.load %arg5[%get3A_33, %get3A_34] : memref<144x288xf32, #tpu.memory_space<vmem>>, vector<144x288xf32>
    %dot_general3A_36 = arith.constant dense<0.000000e+00> : vector<640x288xf32>
    %dot_general3A_37 = tpu.matmul %mul3A_32, %get3A_35, %dot_general3A_36 {dimension_numbers = #tpu.dot_dimension_numbers<[1], [0], [0], [1], [0, 0, 1, 1], [], []>, transpose_lhs_hint = false} : vector<640x144xf32>, vector<144x288xf32>, vector<640x288xf32> -> vector<640x288xf32>
    %logistic3A_38 = arith.negf %dot_general3A_37 : vector<640x288xf32>
    %logistic3A_39 = math.exp %logistic3A_38 : vector<640x288xf32>
    %logistic3A_40 = arith.constant 1.000000e+00 : f32
    %logistic3A_41 = vector.broadcast %logistic3A_40 : f32 to vector<640x288xf32>
    %logistic3A_42 = arith.addf %logistic3A_41, %logistic3A_39 : vector<640x288xf32>
    %logistic3A_43 = arith.divf %logistic3A_41, %logistic3A_42 : vector<640x288xf32>
    %mul3A_44 = arith.mulf %dot_general3A_37, %logistic3A_43 : vector<640x288xf32>
    %get3A_45 = arith.constant 0 : index
    %get3A_46 = arith.constant 0 : index
    %get3A_47 = vector.load %arg6[%get3A_45, %get3A_46] : memref<288x288xf32, #tpu.memory_space<vmem>>, vector<288x288xf32>
    %dot_general3A_48 = arith.constant dense<0.000000e+00> : vector<640x288xf32>
    %dot_general3A_49 = tpu.matmul %mul3A_44, %get3A_47, %dot_general3A_48 {dimension_numbers = #tpu.dot_dimension_numbers<[1], [0], [0], [1], [0, 0, 1, 1], [], []>, transpose_lhs_hint = false} : vector<640x288xf32>, vector<288x288xf32>, vector<640x288xf32> -> vector<640x288xf32>
    %mul3A_50 = arith.mulf %dot_general3A_49, %add3A_22 : vector<640x288xf32>
    %mul3A_51 = arith.mulf %mul3A_50, %mul3A_50 : vector<640x288xf32>
    %get3A_52 = arith.constant 0 : index
    %get3A_53 = arith.constant 0 : index
    %get3A_54 = vector.load %arg7[%get3A_52, %get3A_53] : memref<288x288xf32, #tpu.memory_space<vmem>>, vector<288x288xf32>
    %dot_general3A_55 = arith.constant dense<0.000000e+00> : vector<640x288xf32>
    %dot_general3A_56 = tpu.matmul %mul3A_51, %get3A_54, %dot_general3A_55 {dimension_numbers = #tpu.dot_dimension_numbers<[1], [0], [0], [1], [0, 0, 1, 1], [], []>, transpose_lhs_hint = false} : vector<640x288xf32>, vector<288x288xf32>, vector<640x288xf32> -> vector<640x288xf32>
    %get3A_57 = arith.constant 0 : index
    %get3A_58 = arith.constant 0 : index
    %get3A_59 = vector.load %arg2[%get3A_57, %get3A_58] : memref<640x9xf32, #tpu.memory_space<vmem>>, vector<640x9xf32>
    %get3A_60 = arith.constant 0 : index
    %get3A_61 = arith.constant 0 : index
    %get3A_62 = vector.load %arg8[%get3A_60, %get3A_61] : memref<9x288xf32, #tpu.memory_space<vmem>>, vector<9x288xf32>
    %dot_general3A_63 = arith.constant dense<0.000000e+00> : vector<640x288xf32>
    %dot_general3A_64 = tpu.matmul %get3A_59, %get3A_62, %dot_general3A_63 {dimension_numbers = #tpu.dot_dimension_numbers<[1], [0], [0], [1], [0, 0, 1, 1], [], []>, transpose_lhs_hint = false} : vector<640x9xf32>, vector<9x288xf32>, vector<640x288xf32> -> vector<640x288xf32>
    %max3A = arith.constant 1.000000e-24 : f32
    %max3A_65 = vector.broadcast %max3A : f32 to vector<640x288xf32>
    %max3A_66 = arith.maximumf %dot_general3A_56, %max3A_65 : vector<640x288xf32>
    %rsqrt3A = math.rsqrt %max3A_66 : vector<640x288xf32>
    %mul3A_67 = arith.mulf %mul3A_50, %rsqrt3A : vector<640x288xf32>
    %mul3A_68 = arith.mulf %mul3A_67, %dot_general3A_64 : vector<640x288xf32>
    %get3A_69 = arith.constant 0 : index
    %get3A_70 = arith.constant 0 : index
    %get3A_71 = vector.load %arg9[%get3A_69, %get3A_70] : memref<32x288xf32, #tpu.memory_space<vmem>>, vector<32x288xf32>
    %dot_general3A_72 = arith.constant dense<0.000000e+00> : vector<640x32xf32>
    %dot_general3A_73 = tpu.matmul %mul3A_68, %get3A_71, %dot_general3A_72 {dimension_numbers = #tpu.dot_dimension_numbers<[1], [1], [0], [0], [0, 0, 1, 0], [], []>, transpose_lhs_hint = false} : vector<640x288xf32>, vector<32x288xf32>, vector<640x32xf32> -> vector<640x32xf32>
    %mul3A_74 = arith.mulf %dot_general3A_73, %dot_general3A_73 : vector<640x32xf32>
    %reduce_sum3A = arith.constant dense<0.000000e+00> : vector<640xf32>
    %reduce_sum3A_75 = vector.multi_reduction <add>, %mul3A_74, %reduce_sum3A [1] : vector<640x32xf32> to vector<640xf32>
    %broadcast_in_dim3A = vector.shape_cast %reduce_sum3A_75 : vector<640xf32> to vector<640x1xf32>
    %max3A_76 = arith.constant 1.000000e-24 : f32
    %max3A_77 = vector.broadcast %max3A_76 : f32 to vector<640x1xf32>
    %max3A_78 = arith.maximumf %broadcast_in_dim3A, %max3A_77 : vector<640x1xf32>
    %rsqrt3A_79 = math.rsqrt %max3A_78 : vector<640x1xf32>
    %mul3A_80 = vector.broadcast %rsqrt3A_79 : vector<640x1xf32> to vector<640x32xf32>
    %mul3A_81 = arith.mulf %dot_general3A_73, %mul3A_80 : vector<640x32xf32>
    %get3A_82 = arith.constant 0 : index
    %get3A_83 = arith.constant 0 : index
    %get3A_84 = vector.load %arg4[%get3A_82, %get3A_83] : memref<640x128xf32, #tpu.memory_space<vmem>>, vector<640x32xf32>
    %get3A_85 = arith.constant 0 : index
    %get3A_86 = arith.constant 0 : index
    %get3A_87 = vector.load %arg12[%get3A_85, %get3A_86] : memref<1x32xf32, #tpu.memory_space<vmem>>, vector<1x32xf32>
    %add3A_88 = vector.broadcast %get3A_87 : vector<1x32xf32> to vector<640x32xf32>
    %add3A_89 = arith.addf %get3A_84, %add3A_88 : vector<640x32xf32>
    %logistic3A_90 = arith.negf %add3A_89 : vector<640x32xf32>
    %logistic3A_91 = math.exp %logistic3A_90 : vector<640x32xf32>
    %logistic3A_92 = arith.constant 1.000000e+00 : f32
    %logistic3A_93 = vector.broadcast %logistic3A_92 : f32 to vector<640x32xf32>
    %logistic3A_94 = arith.addf %logistic3A_93, %logistic3A_91 : vector<640x32xf32>
    %logistic3A_95 = arith.divf %logistic3A_93, %logistic3A_94 : vector<640x32xf32>
    %mul3A_96 = arith.mulf %add3A_89, %logistic3A_95 : vector<640x32xf32>
    %get3A_97 = arith.constant 0 : index
    %get3A_98 = arith.constant 0 : index
    %get3A_99 = vector.load %arg13[%get3A_97, %get3A_98] : memref<32x32xf32, #tpu.memory_space<vmem>>, vector<32x32xf32>
    %dot_general3A_100 = arith.constant dense<0.000000e+00> : vector<640x32xf32>
    %dot_general3A_101 = tpu.matmul %mul3A_96, %get3A_99, %dot_general3A_100 {dimension_numbers = #tpu.dot_dimension_numbers<[1], [0], [0], [1], [0, 0, 1, 1], [], []>, transpose_lhs_hint = false} : vector<640x32xf32>, vector<32x32xf32>, vector<640x32xf32> -> vector<640x32xf32>
    %get3A_102 = arith.constant 0 : index
    %get3A_103 = arith.constant 0 : index
    %get3A_104 = vector.load %arg14[%get3A_102, %get3A_103] : memref<1x32xf32, #tpu.memory_space<vmem>>, vector<1x32xf32>
    %add3A_105 = vector.broadcast %get3A_104 : vector<1x32xf32> to vector<640x32xf32>
    %add3A_106 = arith.addf %dot_general3A_101, %add3A_105 : vector<640x32xf32>
    %mul3A_107 = arith.mulf %mul3A_81, %add3A_106 : vector<640x32xf32>
    %broadcast_in_dim3A_108 = arith.constant 0.000000e+00 : f32
    %broadcast_in_dim3A_109 = vector.broadcast %broadcast_in_dim3A_108 : f32 to vector<640x96xf32>
    %concatenate3A = tpu.concatenate %mul3A_107, %broadcast_in_dim3A_109 in 1 : vector<640x32xf32>, vector<640x96xf32> -> vector<640x128xf32>
    %swap3A = arith.constant 0 : index
    %swap3A_110 = arith.constant 0 : index
    %swap3A_111 = vector.load %arg15[%swap3A, %swap3A_110] : memref<640x128xf32, #tpu.memory_space<vmem>>, vector<640x128xf32>
    tpu.vector_store %arg15[%swap3A, %swap3A_110], %concatenate3A {strides = array<i32>} : memref<640x128xf32, #tpu.memory_space<vmem>>, vector<640x128xf32>,
    return
  }
  func.func @transform_0(%arg0: i32) -> (i32, i32) {
    %c0_i32 = arith.constant 0 : i32
    %c0_i32_0 = arith.constant 0 : i32
    return %arg0, %c0_i32 : i32, i32
  }
  func.func @transform_1(%arg0: i32) -> (i32, i32) {
    %c0_i32 = arith.constant 0 : i32
    %c0_i32_0 = arith.constant 0 : i32
    return %arg0, %c0_i32 : i32, i32
  }
  func.func @transform_2(%arg0: i32) -> (i32, i32) {
    %c0_i32 = arith.constant 0 : i32
    %c0_i32_0 = arith.constant 0 : i32
    return %arg0, %c0_i32 : i32, i32
  }
  func.func @transform_3(%arg0: i32) -> (i32, i32) {
    %c0_i32 = arith.constant 0 : i32
    %c0_i32_0 = arith.constant 0 : i32
    return %arg0, %c0_i32 : i32, i32
  }
  func.func @transform_4(%arg0: i32) -> (i32, i32) {
    %c0_i32 = arith.constant 0 : i32
    %c0_i32_0 = arith.constant 0 : i32
    %c0_i32_1 = arith.constant 0 : i32
    return %c0_i32, %c0_i32_0 : i32, i32
  }
  func.func @transform_5(%arg0: i32) -> (i32, i32) {
    %c0_i32 = arith.constant 0 : i32
    %c0_i32_0 = arith.constant 0 : i32
    %c0_i32_1 = arith.constant 0 : i32
    return %c0_i32, %c0_i32_0 : i32, i32
  }
  func.func @transform_6(%arg0: i32) -> (i32, i32) {
    %c0_i32 = arith.constant 0 : i32
    %c0_i32_0 = arith.constant 0 : i32
    %c0_i32_1 = arith.constant 0 : i32
    return %c0_i32, %c0_i32_0 : i32, i32
  }
  func.func @transform_7(%arg0: i32) -> (i32, i32) {
    %c0_i32 = arith.constant 0 : i32
    %c0_i32_0 = arith.constant 0 : i32
    %c0_i32_1 = arith.constant 0 : i32
    return %c0_i32, %c0_i32_0 : i32, i32
  }
  func.func @transform_8(%arg0: i32) -> (i32, i32) {
    %c0_i32 = arith.constant 0 : i32
    %c0_i32_0 = arith.constant 0 : i32
    %c0_i32_1 = arith.constant 0 : i32
    return %c0_i32, %c0_i32_0 : i32, i32
  }
  func.func @transform_9(%arg0: i32) -> (i32, i32) {
    %c0_i32 = arith.constant 0 : i32
    %c0_i32_0 = arith.constant 0 : i32
    %c0_i32_1 = arith.constant 0 : i32
    return %c0_i32, %c0_i32_0 : i32, i32
  }
  func.func @transform_10(%arg0: i32) -> (i32, i32) {
    %c0_i32 = arith.constant 0 : i32
    %c0_i32_0 = arith.constant 0 : i32
    %c0_i32_1 = arith.constant 0 : i32
    return %c0_i32, %c0_i32_0 : i32, i32
  }
  func.func @transform_11(%arg0: i32) -> (i32, i32) {
    %c0_i32 = arith.constant 0 : i32
    %c0_i32_0 = arith.constant 0 : i32
    %c0_i32_1 = arith.constant 0 : i32
    return %c0_i32, %c0_i32_0 : i32, i32
  }
  func.func @transform_12(%arg0: i32) -> (i32, i32) {
    %c0_i32 = arith.constant 0 : i32
    %c0_i32_0 = arith.constant 0 : i32
    %c0_i32_1 = arith.constant 0 : i32
    return %c0_i32, %c0_i32_0 : i32, i32
  }
  func.func @transform_13(%arg0: i32) -> (i32, i32) {
    %c0_i32 = arith.constant 0 : i32
    %c0_i32_0 = arith.constant 0 : i32
    %c0_i32_1 = arith.constant 0 : i32
    return %c0_i32, %c0_i32_0 : i32, i32
  }
  func.func @transform_14(%arg0: i32) -> (i32, i32) {
    %c0_i32 = arith.constant 0 : i32
    %c0_i32_0 = arith.constant 0 : i32
    return %arg0, %c0_i32 : i32, i32
  }
}

module attributes {stable_mosaic.version = 14 : i64} {
  func.func @_tc4_body(%arg0: i32, %arg1: memref<1000x128xf32, #tpu.memory_space<vmem>>, %arg2: memref<1000x128xf32, #tpu.memory_space<vmem>>, %arg3: memref<1000x128xf32, #tpu.memory_space<vmem>>, %arg4: memref<32x128xf32, #tpu.memory_space<vmem>>, %arg5: memref<1000x128xf32, #tpu.memory_space<vmem>>) attributes {dimension_semantics = [#tpu.dimension_semantics<arbitrary>], iteration_bounds = array<i64: 10>, scalar_prefetch = 0 : i64, scratch_operands = 0 : i64, tpu.core_type = #tpu.core_type<tc>, window_params = [{transform_indices = @transform_0, window_bounds = array<i64: 1000, 128>}, {transform_indices = @transform_1, window_bounds = array<i64: 1000, 128>}, {transform_indices = @transform_2, window_bounds = array<i64: 1000, 128>}, {pipeline_mode = #tpu.pipeline_mode<synchronous>, transform_indices = @transform_3, window_bounds = array<i64: 32, 128>}, {transform_indices = @transform_4, window_bounds = array<i64: 1000, 128>}]} {
    %get3A = arith.constant 0 : index
    %get3A_0 = arith.constant 0 : index
    %get3A_1 = vector.load %arg2[%get3A, %get3A_0] : memref<1000x128xf32, #tpu.memory_space<vmem>>, vector<1000x32xf32>
    %get3A_2 = arith.constant 0 : index
    %get3A_3 = arith.constant 0 : index
    %get3A_4 = vector.load %arg3[%get3A_2, %get3A_3] : memref<1000x128xf32, #tpu.memory_space<vmem>>, vector<1000x32xf32>
    %add3A = arith.addf %get3A_1, %get3A_4 : vector<1000x32xf32>
    %get3A_5 = arith.constant 0 : index
    %get3A_6 = arith.constant 0 : index
    %get3A_7 = vector.load %arg1[%get3A_5, %get3A_6] : memref<1000x128xf32, #tpu.memory_space<vmem>>, vector<1000x128xf32>
    %get3A_8 = arith.constant 0 : index
    %get3A_9 = arith.constant 0 : index
    %get3A_10 = vector.load %arg4[%get3A_8, %get3A_9] : memref<32x128xf32, #tpu.memory_space<vmem>>, vector<32x128xf32>
    %dot_general3A = arith.constant dense<0.000000e+00> : vector<1000x128xf32>
    %dot_general3A_11 = tpu.matmul %add3A, %get3A_10, %dot_general3A {dimension_numbers = #tpu.dot_dimension_numbers<[1], [0], [0], [1], [0, 0, 1, 1], [], []>, transpose_lhs_hint = false} : vector<1000x32xf32>, vector<32x128xf32>, vector<1000x128xf32> -> vector<1000x128xf32>
    %add3A_12 = arith.addf %get3A_7, %dot_general3A_11 : vector<1000x128xf32>
    %swap3A = arith.constant 0 : index
    %swap3A_13 = arith.constant 0 : index
    %swap3A_14 = vector.load %arg5[%swap3A, %swap3A_13] : memref<1000x128xf32, #tpu.memory_space<vmem>>, vector<1000x128xf32>
    tpu.vector_store %arg5[%swap3A, %swap3A_13], %add3A_12 {strides = array<i32>} : memref<1000x128xf32, #tpu.memory_space<vmem>>, vector<1000x128xf32>,
    return
  }
  func.func @transform_0(%arg0: i32) -> (i32, i32) {
    %c0_i32 = arith.constant 0 : i32
    %c0_i32_0 = arith.constant 0 : i32
    return %arg0, %c0_i32 : i32, i32
  }
  func.func @transform_1(%arg0: i32) -> (i32, i32) {
    %c0_i32 = arith.constant 0 : i32
    %c0_i32_0 = arith.constant 0 : i32
    return %arg0, %c0_i32 : i32, i32
  }
  func.func @transform_2(%arg0: i32) -> (i32, i32) {
    %add3A = arith.constant 10 : i32
    %add3A_0 = arith.addi %arg0, %add3A : i32
    %c0_i32 = arith.constant 0 : i32
    %c0_i32_1 = arith.constant 0 : i32
    return %add3A_0, %c0_i32 : i32, i32
  }
  func.func @transform_3(%arg0: i32) -> (i32, i32) {
    %c0_i32 = arith.constant 0 : i32
    %c0_i32_0 = arith.constant 0 : i32
    %c0_i32_1 = arith.constant 0 : i32
    return %c0_i32, %c0_i32_0 : i32, i32
  }
  func.func @transform_4(%arg0: i32) -> (i32, i32) {
    %c0_i32 = arith.constant 0 : i32
    %c0_i32_0 = arith.constant 0 : i32
    return %arg0, %c0_i32 : i32, i32
  }
}

</mosaic_0001>

<sc_bundles>
// kernel: kernel.10.cloned.1.call-start
scs
__scs_entry_jumppad:
0x0: {  	(pc) =	sbr.rel $0x88, $3  }
0x1: {  	(tag) =	ssettag $0x0;
	lr =	simm.s32 $0x1  }
0x2: {  	[smem:$0x3F8D] =	sst lr;
	_ =	strace $0xD0000000  }
0x3: {  	_ = 	snop  }
0x4: {  	_ = 	snop  }
0x5: {  	_ = 	snop  }
0x6: {  	_ = 	snop  }
0x7: {  	_ = 	snop  }
__scs_overlays_trampoline_lowered:
0x8: {  	[smem:$0x3F9C] =	sst s0  }
0x9: {  	[smem:$0x3F9D] =	sst s1  }
0xa: {  	[smem:$0x3F9E] =	sst s2  }
0xb: {  	[smem:$0x3F9F] =	sst s3  }
0xc: {  	[smem:$0x3FA0] =	sst s4  }
0xd: {  	[smem:$0x3FA1] =	sst s5  }
0xe: {  	[smem:$0x3FA2] =	sst s6  }
0xf: {  	[smem:$0x3FA3] =	sst s7  }
0x10: {  	[smem:$0x3FA4] =	sst s8  }
0x11: {  	[smem:$0x3FA5] =	sst s9;
	s0 =	simm.s32 @!p0 $0x0  }
0x12: {  	s1 =	sld [smem:$0x3F8B];
	s0 =	simm.s32 @p0 $0x1  }
0x13: {  	[smem:$0x3FA6] =	sst s0;
	s0 =	simm.s32 @!p1 $0x0  }
0x14: {  	s2 =	sld [smem:$0x3F8A];
	s0 =	simm.s32 @p1 $0x1  }
0x15: {  	[smem:$0x3FA7] =	sst s0;
	s0 =	simm.s32 @!p2 $0x0  }
0x16: {  	s3 =	sld [smem:$0x3FDB];
	s0 =	simm.s32 @p2 $0x1  }
0x17: {  	s4 =	simm.s32 $0x1BF5;
	[smem:$0x3FA9] =	sst s0  }
0x18: {  	s0 =	sld [smem:$0x3F8C];
	_ =	swait.ge [sflag:s4], $0x0  }
0x19: {  	s7 =	sld [smem:$0x3F8D]  }
0x1a: {  	s8 =	sadd.s32 $0xFFFFE003, lr  }
0x1b: {  	s9 =	sadd.s32 $0xFFFFFEF7, lr;
	s5 =	simm.s32 $0xFFFFFFFF;
	p2 =	slt.u32 s8, $0xFFFFF086  }
0x1c: {  	p1 =	slt.u32 s9, $0xF7A;
	s5 =	simm.s32 @!p2 $0x0  }
0x1d: {  	s5 =	simm.s32 @p1 $0x1;
	p0 =	seq.s32 s7, s2  }
0x1e: {  	s7 =	smul.u32 @!p0 $0xF7A, s2;
	p2 =	seq.s32 @!p0 s5, $0x0  }
0x1f: {  	s9 =	smul.u32 $0xF7A, s1;
	s8 =	simm.s32 @!p0 $0x1BF5;
	p2 =	por !p2, p0  }
0x20: {  	[sflag:s8] =	ssyncset.s32 @!p0 $0xFFFFF086;
	s6 =	sadd.s32 @!p0 s3, s7;
	s7 =	simm.s32 @!p0 $0x108  }
0x21: {  	s3 =	sadd.s32 s3, s9;
	s6 =	sadd.s32 @!p0 $0x88, s6;
	s7 =	simm.s32 @p2 $0x1082  }
0x22: {  	[simem:s7], [sflag:s8] =	dma.local @!p0 [hbm:s6], $0xF7A  }
0x23: {  	s9 =	sor.u32 $0xD0000000, s2;
	s6 =	simm.s32 $0x108;
	_ =	swait.ge @!p0 [sflag:s8], $0x0  }
0x24: {  	s3 =	sadd.s32 $0x88, s3;
	s6 =	simm.s32 @!p1 $0x1082;
	[sflag:s4] =	ssyncset.s32 $0xFFFFF086  }
0x25: {  	[simem:s6], [sflag:s4] =	dma.local [hbm:s3], $0xF7A  }
0x26: {  	[smem:$0x3F8D] =	sst s1;
	(tag) =	ssettag s2;
	_ =	strace s9  }
0x27: {  	s1 =	sld [smem:$0x3F9D]  }
0x28: {  	s2 =	sld [smem:$0x3F9E]  }
0x29: {  	s4 =	sld [smem:$0x3FA0]  }
0x2a: {  	p0 =	seq.s32 s5, $0x0;
	s5 =	sld [smem:$0x3FA1]  }
0x2b: {  	s6 =	sld [smem:$0x3FA2]  }
0x2c: {  	s7 =	sld [smem:$0x3FA3]  }
0x2d: {  	s3 =	simm.s32 $0x108;
	s8 =	sld [smem:$0x3FA4]  }
0x2e: {  	s3 =	simm.s32 @!p0 $0x1082;
	s9 =	sld [smem:$0x3FA5]  }
0x2f: {  	lr =	sadd.s32 s0, s3;
	s0 =	sld [smem:$0x3F9C]  }
0x30: {  	s3 =	sld [smem:$0x3F9F]  }
0x31: {  	[smem:$0x3FA8] =	sst s10  }
0x32: {  	s10 =	sld [smem:$0x3FA6];
	_ =	sdelay $0x3  }
0x33: {  	p0 =	seq.s32 s10, $0x1;
	s10 =	sld [smem:$0x3FA8];
	_ =	sdelay $0x3  }
0x34: {  	[smem:$0x3FA8] =	sst s10  }
0x35: {  	s10 =	sld [smem:$0x3FA7];
	_ =	sdelay $0x3  }
0x36: {  	p1 =	seq.s32 s10, $0x1;
	s10 =	sld [smem:$0x3FA8];
	_ =	sdelay $0x3  }
0x37: {  	[smem:$0x3FA8] =	sst s10  }
0x38: {  	s10 =	sld [smem:$0x3FA9]  }
0x39: {  	_ = 	snop;
	(pc) =	sbr.ind lr, $3  }
0x3a: {  	_ = 	snop  }
0x3b: {  	_ = 	snop  }
0x3c: {  	p2 =	seq.s32 s10, $0x1;
	s10 =	sld [smem:$0x3FA8]  }
0x3d: {  	_ =	shalt  }
0x3e: {  	_ =	shalt  }
0x3f: {  	_ =	shalt  }
0x40: {  	_ =	shalt  }
0x41: {  	_ =	shalt  }
0x42: {  	_ =	shalt  }
0x43: {  	_ =	shalt  }
0x44: {  	_ =	shalt  }
0x45: {  	_ =	shalt  }
0x46: {  	_ =	shalt  }
0x47: {  	_ =	shalt  }
0x48: {  	_ =	shalt  }
0x49: {  	_ =	shalt  }
0x4a: {  	_ =	shalt  }
0x4b: {  	_ =	shalt  }
0x4c: {  	_ =	shalt  }
0x4d: {  	_ =	shalt  }
0x4e: {  	_ =	shalt  }
0x4f: {  	_ =	shalt  }
0x50: {  	_ =	shalt  }
0x51: {  	_ =	shalt  }
0x52: {  	_ =	shalt  }
0x53: {  	_ =	shalt  }
0x54: {  	_ =	shalt  }
0x55: {  	_ =	shalt  }
0x56: {  	_ =	shalt  }
0x57: {  	_ =	shalt  }
0x58: {  	_ =	shalt  }
0x59: {  	_ =	shalt  }
0x5a: {  	_ =	shalt  }
0x5b: {  	_ =	shalt  }
0x5c: {  	_ =	shalt  }
0x5d: {  	_ =	shalt  }
0x5e: {  	_ =	shalt  }
0x5f: {  	_ =	shalt  }
0x60: {  	_ =	shalt  }
0x61: {  	_ =	shalt  }
0x62: {  	_ =	shalt  }
0x63: {  	_ =	shalt  }
0x64: {  	_ =	shalt  }
0x65: {  	_ =	shalt  }
0x66: {  	_ =	shalt  }
0x67: {  	_ =	shalt  }
0x68: {  	_ =	shalt  }
0x69: {  	_ =	shalt  }
0x6a: {  	_ =	shalt  }
0x6b: {  	_ =	shalt  }
0x6c: {  	_ =	shalt  }
0x6d: {  	_ =	shalt  }
0x6e: {  	_ =	shalt  }
0x6f: {  	_ =	shalt  }
0x70: {  	_ =	shalt  }
0x71: {  	_ =	shalt  }
0x72: {  	_ =	shalt  }
0x73: {  	_ =	shalt  }
0x74: {  	_ =	shalt  }
0x75: {  	_ =	shalt  }
0x76: {  	_ =	shalt  }
0x77: {  	_ =	shalt  }
0x78: {  	_ =	shalt  }
0x79: {  	_ =	shalt  }
0x7a: {  	_ =	shalt  }
0x7b: {  	_ =	shalt  }
0x7c: {  	_ =	shalt  }
0x7d: {  	_ =	shalt  }
0x7e: {  	_ =	shalt  }
0x7f: {  	_ =	shalt  }
0x80: {  	_ =	shalt  }
0x81: {  	_ =	shalt  }
0x82: {  	_ =	shalt  }
0x83: {  	_ =	shalt  }
0x84: {  	_ =	shalt  }
0x85: {  	_ =	shalt  }
0x86: {  	_ =	shalt  }
0x87: {  	_ =	shalt  }
.Lfunc_end0:
.L_simem_size_0:
called_computation_lowered:
.L_overlay_start_0:
0x88: {  	s2 =	sld [smem:$0x3FD9]  }
0x89: {  	s3 =	sld [smem:$0x3FFE];
	_ =	sdelay $0x1  }
0x8a: {  	s1 =	srdreg.scid  }
0x8b: {  	s0 =	sand.u32 $0x1, s1  }
0x8c: {  	s17 =	sshll.u32 s0, $0xA;
	s2 =	sadd.s32 s3, s2  }
0x8d: {  	s2 =	sadd.s32 s2, s17  }
0x8e: {  	[smem:$0x3FB4] =	sst s2  }
0x8f: {  	_ = 	snop  }
0x90: {  	s2 =	sld [smem:$0x3FC3]  }
0x91: {  	s18 =	sld [smem:$0x3FC2];
	(tm) =	ssettm $0x1  }
0x92: {  	s4 =	sld [smem:$0x3FFB];
	_ =	sdelay $0x3  }
0x93: {  	_ =	strace s4  }
0x94: {  	s4 =	sld [smem:$0x3FFC];
	_ =	sdelay $0x3  }
0x95: {  	_ =	strace s4  }
0x96: {  	s4 =	sld [smem:$0x3FFD];
	_ =	sdelay $0x3  }
0x97: {  	_ =	strace s4  }
0x98: {  	_ =	strace $0x8FFFFFFF  }
0x99: {  	s19 =	sld [smem:$0x3FDB];
	_ =	sdelay $0x1  }
0x9a: {  	s5 =	simm.s32 $_scs_section_size  }
0x9b: {  	s6 =	simm.s32 $_size__tile_overlayer_lowered;
	s7 =	simm.s32 $_tile_overlayer_lowered  }
0x9c: {  	s22 =	simm.s32 $0x1BFF;
	s21 =	sshll.u32 s7, $0x1;
	s4 =	sadd.s32 s5, s19  }
0x9d: {  	s8 =	simm.s32 $0x0;
	s20 =	sshll.u32 s6, $0x1;
	s6 =	sadd.s32 s21, s4  }
0x9e: {  	[timem:s8], [sflag:s22] =	dma.local [hbm:s6], s20  }
0x9f: {  	_ =	swait.ge [sflag:s22], s20  }
0xa0: {  	s5 =	ssub.s32 $0x0, s20;
	[sflag:s22] =	ssyncset.done $0x0  }
0xa1: {  	[sflag:s22] =	ssyncadd.s32 s5;
	_ =	sdelay $0x1  }
0xa2: {  	s23 =	simm.s32 $0x1B8B  }
0xa3: {  	_ =	swait.ge [sflag:s23], $0x1  }
0xa4: {  	[sflag:s23] =	ssyncset.done $0x0  }
0xa5: {  	s25 =	simm.s32 $0x1B8E;
	s24 =	sld [smem:$0x3FFE];
	[sflag:s23] =	ssyncadd.s32 $0xFFFFFFFF  }
0xa6: {  	s26 =	simm.s32 $execute0_lowered;
	[smem:$0x3FD2] =	sst s25  }
0xa7: {  	s6 =	sshll.u32 s26, $0x1;
	_ =	strace $0x80000046;
	[dreg:$0x1] =	wrdreg $0xFFFFFFFF  }
0xa8: {  	s28 =	simm.s32 $_size_execute0_lowered;
	s4 =	sadd.s32 s4, s6;
	[dreg:$0x0] =	wrdreg $0x0  }
0xa9: {  	s6 =	sshll.u32 s28, $0x1;
	[dreg:$0x2] =	wrdreg s4  }
0xaa: {  	[dreg:$0x3] =	wrdreg s6  }
0xab: {  	[dreg:$0x4] =	wrdreg $0xC0  }
0xac: {  	_ =	task [dreg:s8], $0x5FFFF  }
0xad: {  	[dreg:$0x1] =	wrdreg $0xFFFFFFFF  }
0xae: {  	[dreg:$0x0] =	wrdreg $0x60  }
0xaf: {  	[dreg:$0x2] =	wrdreg s24  }
0xb0: {  	[dreg:$0x3] =	wrdreg s18  }
0xb1: {  	[dreg:$0x4] =	wrdreg s2  }
0xb2: {  	[dreg:$0x5] =	wrdreg $0xA  }
0xb3: {  	_ =	task.clear_ibuf [dreg:s8], $0x6FFFF;
	_ =	strace $0x90000046  }
0xb4: {  	s29 =	simm.s32 $0xA;
	_ =	strace $0x80000048  }
0xb5: {  	_ =	swait.ge [sflag:s29], $0x1  }
0xb6: {  	[sflag:s29] =	ssyncadd.s32 $0xFFFFFFFF  }
0xb7: {  	_ =	strace $0x90000048  }
0xb8: {  	_ =	sfence  }
0xb9: {  	s30 =	sld [smem:$0x0];
	_ =	sdelay $0x2  }
0xba: {  	s31 =	sshll.u32 s1, $0xD;
	s1 =	sshrl.u32 s1, $0x2  }
0xbb: {  	s3 =	sand.u32 $0x4000, s31;
	s1 =	sadd.s32 s1, s30  }
0xbc: {  	s0 =	sor.u32 s3, s0;
	s1 =	sshll.u32 s1, $0x11  }
0xbd: {  	s0 =	sor.u32 s1, s0  }
0xbe: {  	s0 =	sadd.s32 $0x8F2B, s0  }
0xbf: {  	[sflag:s0] =	ssyncadd.remote.s32 $0x1  }
0xc0: {  	_ =	sfence.sel $0xFFFF  }
0xc1: {  	[dreg:$0x0] =	wrdreg $0xFFFFFFFF;
	(pc) =	sbr.abs _section_cstart, $3  }
0xc2: {  	[dreg:$0x1] =	wrdreg $0xFFFFFFFF  }
0xc3: {  	_ =	task.clear_ibuf [dreg:s8], $0x2FFFF;
	_ =	strace $0x9FFFFFFF  }
0xc4: {  	(tm) =	ssettm $0x7FFFFFFF  }
0xc5: {  	_ =	shalt  }
tec
execute0_lowered:
.L_overlay_start_1:
0x0: {  	(tag) =	ssettag $0x1  }
0x1: {  	s0 =	rddreg [dreg:$0x0]  }
0x2: {  	s1 =	rddreg [dreg:$0x1]  }
0x3: {  	s3 =	rddreg [dreg:$0x2];
	s4 =	simm.s32 $0x0;
	s2 =	srdreg.scid  }
0x4: {  	s10 =	stileid.u32;
	s18 =	simm.s32 $0x5;
	s29 =	simm.s32 $0x1  }
0x5: {  	s30 =	simm.s32 $0x3;
	s31 =	simm.s32 $0x1AB20;
	s20 =	simm.s32 $0x0  }
0x6: {  	[smem:$0x7FF] =	sst s4;
	s2 =	sand.u32 $0x1, s2;
	s5 =	sadd.s32 $0xEB3E00, s0  }
0x7: {  	s6 =	sshll.u32 s10, $0x1;
	s7 =	sadd.s32 $0xC72200, s0;
	s8 =	sadd.s32 $0x786400, s0  }
0x8: {  	p0 =	slt.u32 s10, $0x2;
	s6 =	sor.u32 s2, s6;
	s2 =	ssub.s32 $0x2, s2  }
0x9: {  	_ =	strace $0x80000047;
	s9 =	sshll.u32 s6, $0x9;
	s21 =	sshrl.u32 s2, $0x1  }
0xa: {  	s22 =	sshll.u32 s6, $0x4;
	s11 =	smul.u32 $0x90, s6;
	s12 =	sor.u32 $0x20, s6  }
0xb: {  	s0 =	sadd.s32 s9, s0;
	s2 =	ssub.s32 s2, s21;
	s9 =	simm.s32 $0x4F  }
0xc: {  	s13 =	sadd.s32 s1, s22;
	s23 =	smul.u32 $0x90, s12;
	s10 =	sadd.s32 s3, s22  }
0xd: {  	s25 =	sshll.u32 s12, $0x4;
	s21 =	simm.s32 $0x80;
	[dreg:$0x4] =	wrdreg s13  }
.Ltmp0:
0xe: {  	[dreg:$0x5] =	wrdreg s10;
	s24 =	sadd.s32 s7, s11;
	(pc) =	sbr.rel .LBB2_1-.Ltmp0, $4  }
0xf: {  	s9 =	simm.s32 @!p0 $0x4E;
	s26 =	sadd.s32 s1, s25;
	[dreg:$0x6] =	wrdreg s24  }
0x10: {  	s10 =	sadd.s32 s3, s25;
	s16 =	sadd.s32 $0xCCA200, s0;
	[dreg:$0x7] =	wrdreg s26  }
0x11: {  	s17 =	smax.u32 s2, $0x1;
	[dreg:$0x8] =	wrdreg s10;
	s28 =	sadd.s32 s7, s23  }
0x12: {  	s0 =	simm.s32 $0x2;
	s2 =	simm.s32 $0x4;
	[dreg:$0x9] =	wrdreg s28  }
.LBB2_11:
0x13: {  	s20 =	sadd.s32 $0x1, s20  }
0x14: {  	p0 =	sne.s32 s20, s17  }
.Ltmp1:
0x15: {  	_ = 	snop;
	(pc) =	sbr.rel @!p0 .LBB2_12-.Ltmp1, $1  }
0x16: {  	_ =	sdelay $0x3  }
.LBB2_1:
0x17: {  	s10 =	rddreg [dreg:$0x4]  }
0x18: {  	[tilespmem:s4], [sflag:$0x5] =	stream.linear.gather [hbm4b:s10+s4], $0x80, $0x38;
	[tilespmem:$0x1BB20] =	vst v63  }
0x19: {  	_ =	swait.ge [sflag:s18], $0x80  }
0x1a: {  	[sflag:s18] =	ssyncset.done $0x0  }
0x1b: {  	s11 =	simm.s32 $0x100;
	s12 =	rddreg [dreg:$0x5];
	[sflag:s18] =	ssyncadd.s32 $0xFFFFFF80  }
0x1c: {  	[tilespmem:s11], [sflag:$0x5] =	stream.linear.gather [hbm4b:s12+s4], $0x80, $0x38;
	[tilespmem:$0x1BB20] =	vst v63  }
0x1d: {  	_ =	swait.ge [sflag:s18], $0x80  }
0x1e: {  	[sflag:s18] =	ssyncset.done $0x0  }
0x1f: {  	s12 =	simm.s32 $0x200;
	s13 =	rddreg [dreg:$0x6];
	[sflag:s18] =	ssyncadd.s32 $0xFFFFFF80  }
0x20: {  	[tilespmem:s12], [sflag:$0x5] =	stream.linear.gather [hbm4b:s13+s4], $0x480, $0x38;
	[tilespmem:$0x1BB20] =	vst v63  }
0x21: {  	_ =	swait.ge [sflag:s18], $0x480  }
0x22: {  	[sflag:s18] =	ssyncset.done $0x0  }
0x23: {  	s14 =	simm.s32 $0xB20;
	[sflag:s18] =	ssyncadd.s32 $0xFFFFFB80  }
0x24: {  	[tilespmem:s14], [sflag:$0x1] =	stream.indirect.gather [hbm4b:s5+s21], $0x180, s4, s21, $0xb8;
	[tilespmem:$0x1BB20] =	vst v63  }
0x25: {  	s15 =	simm.s32 $0x18B20  }
0x26: {  	[tilespmem:s15], [sflag:$0x3] =	stream.indirect.gather [hbm4b:s8+s21], $0x20, s11, s21, $0xb8;
	[tilespmem:$0x1BB20] =	vst v63  }
0x27: {  	s19 =	rddreg [dreg:$0x7]  }
0x28: {  	[tilespmem:s21], [sflag:$0x5] =	stream.linear.gather [hbm4b:s19+s4], $0x80, $0x38;
	[tilespmem:$0x1BB20] =	vst v63  }
0x29: {  	_ =	swait.ge [sflag:s18], $0x80  }
0x2a: {  	[sflag:s18] =	ssyncset.done $0x0  }
0x2b: {  	s23 =	simm.s32 $0x180;
	s22 =	rddreg [dreg:$0x8];
	[sflag:s18] =	ssyncadd.s32 $0xFFFFFF80  }
0x2c: {  	[tilespmem:s23], [sflag:$0x5] =	stream.linear.gather [hbm4b:s22+s4], $0x80, $0x38;
	[tilespmem:$0x1BB20] =	vst v63  }
0x2d: {  	_ =	swait.ge [sflag:s18], $0x80  }
0x2e: {  	[sflag:s18] =	ssyncset.done $0x0  }
0x2f: {  	s25 =	simm.s32 $0x690;
	s24 =	rddreg [dreg:$0x9];
	[sflag:s18] =	ssyncadd.s32 $0xFFFFFF80  }
0x30: {  	[tilespmem:s25], [sflag:$0x5] =	stream.linear.gather [hbm4b:s24+s4], $0x480, $0x38;
	[tilespmem:$0x1BB20] =	vst v63  }
0x31: {  	_ =	swait.ge [sflag:s18], $0x480  }
.Ltmp2:
0x32: {  	[sflag:s18] =	ssyncset.done $0x0;
	(pc) =	sbr.rel .LBB2_2-.Ltmp2, $4  }
0x33: {  	s26 =	simm.s32 $0xCB20;
	[sflag:s18] =	ssyncadd.s32 $0xFFFFFB80  }
0x34: {  	[tilespmem:s26], [sflag:$0x2] =	stream.indirect.gather [hbm4b:s5+s21], $0x180, s21, s21, $0xb8;
	[tilespmem:$0x1BB20] =	vst v63  }
0x35: {  	s28 =	simm.s32 $0x19B20;
	s22 =	simm.s32 $0x0  }
0x36: {  	[tilespmem:s28], [sflag:$0x4] =	stream.indirect.gather [hbm4b:s8+s21], $0x20, s23, s21, $0xb8;
	[tilespmem:$0x1BB20] =	vst v63  }
.LBB2_10:
0x37: {  	s22 =	sadd.s32 $0x1, s22  }
0x38: {  	p0 =	sne.s32 s22, $0x28  }
.Ltmp3:
0x39: {  	_ = 	snop;
	(pc) =	sbr.rel @!p0 .LBB2_11-.Ltmp3, $1  }
0x3a: {  	_ =	sdelay $0x3  }
.LBB2_2:
0x3b: {  	s23 =	sshll.u32 s22, $0x1  }
0x3c: {  	p0 =	sge.u32 s23, s9  }
.Ltmp4:
0x3d: {  	_ = 	snop;
	(pc) =	sbr.rel @p0 .LBB2_6-.Ltmp4, $1  }
0x3e: {  	_ =	sdelay $0x3  }
0x3f: {  	_ =	swait.ge [sflag:s29], $0xC000  }
0x40: {  	[sflag:s29] =	ssyncset.done $0x0  }
0x41: {  	[sflag:s29] =	ssyncadd.s32 $0xFFFF4000  }
0x42: {  	_ =	swait.ge [sflag:s30], $0x1000  }
0x43: {  	[sflag:s30] =	ssyncset.done $0x0  }
0x44: {  	s10 =	simm.s32 $0xE20;
	[sflag:s30] =	ssyncadd.s32 $0xFFFFF000  }
0x45: {  	s11 =	simm.s32 $0x212;
	v0 =	vld [tilespmem:s10+$0x180]  }
0x46: {  	v2 =	vld [tilespmem:s11+$0x9]  }
0x47: {  	v1 =	vld [tilespmem:s10+$0x190]  }
0x48: {  	v3 =	vld [tilespmem:s10+$0x1A0]  }
0x49: {  	v4 =	vld [tilespmem:s10+$0x1B0]  }
0x4a: {  	v5 =	vld [tilespmem:s10+$0x1C0]  }
0x4b: {  	v6 =	vld [tilespmem:s10+$0x1D0]  }
0x4c: {  	v7 =	vld [tilespmem:s10+$0x1E0]  }
0x4d: {  	v8 =	vld [tilespmem:s10+$0x1F0]  }
0x4e: {  	v9 =	vld [tilespmem:s10+$0x200]  }
0x4f: {  	v11 =	vld [tilespmem:s10+$0x210];
	v10 =	vbroadcast v2, $0x0  }
0x50: {  	v14 =	vld [tilespmem:s10+$0x220];
	v12 =	vbroadcast v2, $0x1;
	v13 =	vbroadcast v2, $0x2  }
0x51: {  	v16 =	vld [tilespmem:s10+$0x250];
	v0 =	vmul.f32 v10, v0;
	v1 =	vmul.f32 v1, v10  }
0x52: {  	v19 =	vld [tilespmem:s10+$0x20];
	v3 =	vmul.f32 v3, v12;
	v4 =	vmul.f32 v4, v12  }
0x53: {  	v23 =	vld [tilespmem:s10+$0xFFFFFD40];
	v15 =	vbroadcast v2, $0x3;
	v5 =	vmul.f32 v5, v13  }
0x54: {  	v25 =	vld [tilespmem:s10+$0xFFFFFED0];
	v0 =	vadd.f32 v3, v0;
	v1 =	vadd.f32 v4, v1;
	v3 =	vmul.f32 v6, v13  }
0x55: {  	v10 =	vld [tilespmem:s10+$0x230];
	v6 =	vmul.f32 v7, v15;
	v7 =	vbroadcast v2, $0x4  }
0x56: {  	v12 =	vld [tilespmem:s10+$0x240];
	v0 =	vadd.f32 v5, v0;
	v1 =	vadd.f32 v3, v1;
	v3 =	vmul.f32 v8, v15  }
0x57: {  	v4 =	vld [tilespmem:s10+$0x260];
	v8 =	vmul.f32 v9, v7;
	v9 =	vbroadcast v2, $0x5  }
0x58: {  	v13 =	vld [tilespmem:s10+$0x270];
	v0 =	vadd.f32 v6, v0;
	v6 =	vmul.f32 v11, v7  }
0x59: {  	v5 =	vld [tilespmem:s10+$0x280];
	v3 =	vadd.f32 v3, v1;
	v7 =	vmul.f32 v14, v9;
	v14 =	vbroadcast v2, $0x6  }
0x5a: {  	v15 =	vld [tilespmem:s10+$0x290];
	v0 =	vadd.f32 v8, v0  }
0x5b: {  	v11 =	vld [tilespmem:s11+$0xFFFFFFF7];
	v3 =	vadd.f32 v6, v3;
	v6 =	vmul.f32 v10, v9;
	v9 =	vmul.f32 v12, v14  }
0x5c: {  	v29 =	vld [tilespmem:s10+$0x50];
	v10 =	vbroadcast v2, $0x7;
	v2 =	vbroadcast v2, $0x8  }
0x5d: {  	v1 =	vld [tilespmem:s11+$0x0];
	v0 =	vadd.f32 v7, v0;
	v3 =	vadd.f32 v6, v3;
	v6 =	vmul.f32 v16, v14  }
0x5e: {  	v31 =	vld [tilespmem:s10+$0xFFFFFD70];
	v4 =	vmul.f32 v4, v10;
	v5 =	vmul.f32 v5, v2  }
0x5f: {  	v33 =	vld [tilespmem:s10+$0xFFFFFEE0];
	v0 =	vadd.f32 v9, v0;
	v3 =	vadd.f32 v6, v3;
	v6 =	vmul.f32 v13, v10  }
0x60: {  	v8 =	vld [tilespmem:s11+$0xFFFFFFEE];
	v2 =	vmul.f32 v15, v2;
	v17 =	vbroadcast v11, $0x0  }
0x61: {  	v12 =	vld [tilespmem:s10+$0xFFFFFD00];
	v20 =	vbroadcast v11, $0x1;
	v0 =	vadd.f32 v4, v0;
	v3 =	vadd.f32 v6, v3  }
0x62: {  	v14 =	vld [tilespmem:s10+$0xFFFFFD10];
	v21 =	vbroadcast v1, $0x0;
	v24 =	vbroadcast v1, $0x1  }
0x63: {  	v16 =	vld [tilespmem:s10+$0xFFFFFD20];
	v26 =	vbroadcast v11, $0x2;
	v0 =	vadd.f32 v5, v0;
	v7 =	vadd.f32 v2, v3  }
0x64: {  	v27 =	vbroadcast v1, $0x2;
	v30 =	vbroadcast v11, $0x3;
	v9 =	vld [tilespmem:s10+$0xFFFFFD30]  }
0x65: {  	v10 =	vld [tilespmem:s10+$0xFFFFFE80];
	v5 =	vmul.f32 v0, v0;
	v13 =	vmul.f32 v7, v7  }
0x66: {  	v18 =	vbroadcast v8, $0x0;
	v22 =	vbroadcast v8, $0x1;
	v4 =	vld [tilespmem:s10+$0xFFFFFE90]  }
0x67: {  	v28 =	vbroadcast v8, $0x3;
	v32 =	vbroadcast v8, $0x4;
	v6 =	vld [tilespmem:s10+$0xFFFFFEA0];
	v5 =	vadd.f32 v13, v5  }
0x68: {  	v15 =	vld [tilespmem:s10+$0x10];
	v35 =	vbroadcast v8, $0x5;
	v12 =	vmul.f32 v18, v12  }
0x69: {  	v14 =	vmul.f32 v14, v18;
	v16 =	vmul.f32 v16, v22;
	v2 =	vld [tilespmem:s10+$0xFFFFFEB0];
	(xrf2) =	vadd.scan.msk.f32 $0xffff, v5  }
0x6a: {  	v3 =	vld [tilespmem:s10+$0x0];
	v9 =	vmul.f32 v9, v22;
	v22 =	vbroadcast v8, $0x2  }
0x6b: {  	v18 =	vld [tilespmem:s10+$0xFFFFFEC0];
	v10 =	vmul.f32 v17, v10;
	v12 =	vadd.f32 v16, v12;
	v16 =	vbroadcast v1, $0x3  }
0x6c: {  	v4 =	vmul.f32 v4, v17;
	v17 =	vld [tilespmem:s10+$0x40];
	v6 =	vmul.f32 v6, v20  }
0x6d: {  	v9 =	vadd.f32 v9, v14;
	v14 =	vmul.f32 v15, v21;
	v15 =	vbroadcast v11, $0x4;
	v13 =	vld [tilespmem:s10+$0x30]  }
0x6e: {  	v23 =	vmul.f32 v23, v22;
	v2 =	vmul.f32 v2, v20;
	v5 =	vld [tilespmem:s10+$0xFFFFFD50]  }
0x6f: {  	v20 =	vld [tilespmem:s10+$0xFFFFFD60];
	v3 =	vmul.f32 v21, v3;
	v6 =	vadd.f32 v6, v10;
	v10 =	vmul.f32 v19, v24  }
0x70: {  	v34 =	vld [tilespmem:s10+$0x70];
	v18 =	vmul.f32 v18, v26;
	v12 =	vadd.f32 v23, v12;
	v23 =	vbroadcast v1, $0x5  }
0x71: {  	v36 =	vld [tilespmem:s10+$0x80];
	v2 =	vadd.f32 v2, v4;
	v4 =	vbroadcast v1, $0x4;
	v3 =	vadd.f32 v10, v3  }
0x72: {  	v61 =	vld [tilespmem:s10+$0xFFFFFDB0];
	v6 =	vadd.f32 v18, v6;
	v18 =	vbroadcast v11, $0x6;
	v17 =	vmul.f32 v17, v27  }
0x73: {  	v21 =	vld [tilespmem:s10+$0xFFFFFEF0];
	v13 =	vmul.f32 v13, v24;
	v5 =	vmul.f32 v5, v22;
	v24, _, _ =	vpop (xrf2)  }
0x74: {  	v37 =	vld [tilespmem:s10+$0xFFFFFF30];
	v20 =	vmul.f32 v20, v28;
	v3 =	vadd.f32 v17, v3;
	(v2sf) =	vpush v24, $0xF  }
0x75: {  	v10 =	vld [tilespmem:s10+$0xFFFFFD80];
	v17 =	vbroadcast v1, $0x6;
	v5 =	vadd.f32 v5, v9;
	v9 =	vmul.f32 v25, v26  }
0x76: {  	v19 =	vld [tilespmem:s10+$0x60];
	v28 =	vmul.f32 v31, v28;
	v31 =	vbroadcast v8, $0x7  }
0x77: {  	v13 =	vadd.f32 v13, v14;
	v14 =	vld [tilespmem:s10+$0xFFFFFD90];
	v2 =	vadd.f32 v9, v2;
	v9 =	vmul.f32 v29, v27  }
0x78: {  	v21 =	vmul.f32 v21, v30;
	v22 =	vbroadcast v11, $0x5;
	v12 =	vadd.f32 v20, v12;
	v26 =	vld [tilespmem:s10+$0xFFFFFF10]  }
0x79: {  	v20 =	vbroadcast v11, $0x7;
	v24 =	vld [tilespmem:s10+$0xFFFFFF00];
	v9 =	vadd.f32 v9, v13;
	v13 =	vmul.f32 v33, v30  }
0x7a: {  	v11 =	vbroadcast v11, $0x8;
	v10 =	vmul.f32 v10, v32;
	v2 =	vadd.f32 v21, v2;
	v21 =	vld [tilespmem:s10+$0xB0]  }
0x7b: {  	v25 =	vbroadcast v8, $0x6;
	v27 =	vld [tilespmem:s10+$0x90];
	v6 =	vadd.f32 v13, v6;
	v13 =	vmul.f32 v19, v16  }
0x7c: {  	v8 =	vbroadcast v8, $0x8;
	v5 =	vadd.f32 v28, v5;
	v28 =	vbroadcast v1, $0x7;
	v30 =	vld [tilespmem:s10+$0xFFFFFF20]  }
0x7d: {  	v29 =	vld [tilespmem:s10+$0xFFFFFDA0];
	v1 =	vbroadcast v1, $0x8;
	v3 =	vadd.f32 v13, v3;
	v13 =	vmul.f32 v14, v32  }
0x7e: {  	v10 =	vadd.f32 v10, v12;
	v19 =	vld [tilespmem:s10+$0xA0];
	v16 =	vmul.f32 v34, v16;
	v12 =	vmul.f32 v24, v15  }
0x7f: {  	v14 =	vld [tilespmem:s10+$0xFFFFFDC0];
	v21 =	vmul.f32 v21, v23;
	v5 =	vadd.f32 v13, v5;
	v13 =	vmul.f32 v26, v15  }
0x80: {  	v9 =	vadd.f32 v16, v9;
	v16 =	vld [tilespmem:s10+$0xFFFFFDD0];
	v15 =	vmul.f32 v36, v4;
	v4 =	vmul.f32 v27, v4  }
0x81: {  	v62 =	vld [tilespmem:s10+$0xFFFFFF60];
	v27 =	vmul.f32 v30, v22;
	v22 =	vmul.f32 v37, v22  }
0x82: {  	v24 =	vld [tilespmem:s10+$0xFFFFFF40];
	v6 =	vadd.f32 v12, v6;
	v12 =	vmul.f32 v29, v35;
	v2 =	vadd.f32 v13, v2  }
0x83: {  	v26 =	vld [tilespmem:s10+$0xFFFFFF50];
	v19 =	vmul.f32 v19, v23;
	v3 =	vadd.f32 v15, v3;
	v4 =	vadd.f32 v4, v9;
	s24 =	spop (v2sf)  }
0x84: {  	v13 =	vmul.f32 v61, v35;
	v15 =	vld [tilespmem:s10+$0xC0];
	v9 =	vadd.f32 v12, v10;
	v6 =	vadd.f32 v27, v6;
	s11 =	smax.f32 s24, $1.000000020e-24  }
0x85: {  	v12 =	vld [tilespmem:s10+$0xD0];
	v14 =	vmul.f32 v14, v25;
	v16 =	vmul.f32 v16, v25;
	v10 =	vmov s11  }
0x86: {  	v5 =	vadd.f32 v13, v5;
	v29 =	vshra.s32 v10, $0x1;
	v30 =	vmul.f32 $5.000000000e-01, v10;
	v10 =	vld [tilespmem:s10+$0xFFFFFDE0]  }
0x87: {  	v2 =	vadd.f32 v22, v2;
	v3 =	vadd.f32 v19, v3;
	v13 =	vsub.s32 $0x5F3759DF, v29;
	v29 =	vld [tilespmem:s10+$0xFFFFFDF0]  }
0x88: {  	v23 =	vld [tilespmem:s10+$0xFFFFFE00];
	v4 =	vadd.f32 v21, v4;
	v9 =	vadd.f32 v14, v9;
	v14 =	vmul.f32 v24, v18  }
0x89: {  	v21 =	vld [tilespmem:s10+$0xFFFFFE10];
	v5 =	vadd.f32 v16, v5;
	v16 =	vmul.f32 v26, v18;
	v27 =	vmul.f32 v13, v30  }
0x8a: {  	v22 =	vld [tilespmem:s10+$0xFFFFFF70];
	v6 =	vadd.f32 v14, v6;
	v14 =	vmul.f32 v15, v17;
	v12 =	vmul.f32 v12, v17  }
0x8b: {  	v15 =	vld [tilespmem:s10+$0xF0];
	v2 =	vadd.f32 v16, v2;
	v19 =	vmul.f32 v13, v27;
	v10 =	vmul.f32 v10, v31  }
0x8c: {  	v17 =	vld [tilespmem:s10+$0xFFFFFF80];
	v3 =	vadd.f32 v14, v3;
	v4 =	vadd.f32 v12, v4;
	v16 =	vmul.f32 v29, v31  }
0x8d: {  	v14 =	vmul.f32 v23, v8;
	v18 =	vsub.f32 $1.500000000e+00, v19;
	v19 =	vld [tilespmem:s10+$0xE0];
	v9 =	vadd.f32 v10, v9  }
0x8e: {  	v12 =	vmul.f32 v62, v20;
	v10 =	vld [tilespmem:s10+$0xFFFFFF90];
	v5 =	vadd.f32 v16, v5;
	v16 =	vmul.f32 v21, v8  }
0x8f: {  	v13 =	vmul.f32 v13, v18;
	v18 =	vmul.f32 v22, v20;
	v20 =	vld [tilespmem:s10+$0x100];
	v8 =	vadd.f32 v14, v9  }
0x90: {  	v21 =	vld [tilespmem:s10+$0x110];
	v9 =	vadd.f32 v16, v5;
	v5 =	vadd.f32 v12, v6;
	v6 =	vmul.f32 v15, v28  }
0x91: {  	v12 =	vmul.f32 v17, v11;
	v16 =	vmul.f32 v13, v30  }
0x92: {  	v2 =	vadd.f32 v18, v2;
	v19 =	vmul.f32 v19, v28;
	v14 =	vmul.f32 v8, v8  }
0x93: {  	v15 =	vmul.f32 v9, v9;
	v4 =	vadd.f32 v6, v4;
	v6 =	vmul.f32 v10, v11  }
0x94: {  	v11 =	vadd.f32 v12, v5;
	v3 =	vadd.f32 v19, v3;
	v12 =	vmul.f32 v20, v1  }
0x95: {  	v1 =	vmul.f32 v21, v1;
	v5 =	vadd.f32 v15, v14;
	v10 =	vadd.f32 v6, v2  }
0x96: {  	v2 =	vmul.f32 v16, v13;
	v14 =	vmul.f32 v11, v11  }
0x97: {  	v12 =	vadd.f32 v12, v3;
	v6 =	vadd.f32 v1, v4;
	(xrf2) =	vadd.scan.msk.f32 $0xffff, v5;
	v3 =	vmul.f32 v10, v10  }
0x98: {  	v1 =	vsub.f32 $1.500000000e+00, v2  }
0x99: {  	v2 =	vmul.f32 v12, v12;
	v4 =	vmul.f32 v6, v6;
	v3 =	vadd.f32 v3, v14  }
0x9a: {  	s25 =	simm.s32 $0x1420;
	v1 =	vmul.f32 v1, v13  }
0x9b: {  	v24 =	vld [tilespmem:s25+$0x290];
	v2 =	vadd.f32 v4, v2;
	(xrf2) =	vadd.scan.msk.f32 $0xffff, v3  }
0x9c: {  	s26 =	simm.s32 $0x236;
	v15 =	vld [tilespmem:s25+$0x1A0];
	v3 =	vmul.f32 v1, v30  }
0x9d: {  	(xrf2) =	vadd.scan.msk.f32 $0xffff, v2;
	v2 =	vld [tilespmem:s26+$0x9]  }
0x9e: {  	v5 =	vld [tilespmem:s25+$0x190];
	v3 =	vmul.f32 v3, v1  }
0x9f: {  	v4 =	vld [tilespmem:s25+$0x180]  }
0xa0: {  	v16 =	vld [tilespmem:s25+$0x1B0];
	v3 =	vsub.f32 $1.500000000e+00, v3  }
0xa1: {  	v17 =	vld [tilespmem:s25+$0x1C0];
	v13, _, _ =	vpop (xrf2)  }
0xa2: {  	(v2sf) =	vpush v13, $0xF;
	v13 =	vmul.f32 v3, v1;
	v1 =	vbroadcast v2, $0x0;
	v3 =	vld [tilespmem:s25+$0x1D0]  }
0xa3: {  	v20 =	vld [tilespmem:s25+$0x1E0];
	v18 =	vbroadcast v2, $0x1;
	v19 =	vbroadcast v2, $0x2  }
0xa4: {  	v4 =	vmul.f32 v1, v4;
	v1 =	vmul.f32 v5, v1;
	v5 =	vld [tilespmem:s25+$0x1F0]  }
0xa5: {  	v15 =	vmul.f32 v15, v18;
	v16 =	vmul.f32 v16, v18;
	v18 =	vld [tilespmem:s25+$0x200];
	v21, _, _ =	vpop (xrf2)  }
0xa6: {  	v22 =	vld [tilespmem:s25+$0x210];
	v17 =	vmul.f32 v17, v19;
	(v2sf) =	vpush v21, $0xF;
	v21 =	vbroadcast v2, $0x3  }
0xa7: {  	v4 =	vadd.f32 v15, v4;
	v1 =	vadd.f32 v16, v1;
	v15 =	vld [tilespmem:s25+$0x220];
	v3 =	vmul.f32 v3, v19  }
0xa8: {  	v19 =	vbroadcast v2, $0x4;
	v16 =	vmul.f32 v20, v21;
	v20 =	vld [tilespmem:s25+$0x230]  }
0xa9: {  	v4 =	vadd.f32 v17, v4;
	v1 =	vadd.f32 v3, v1;
	v3 =	vmul.f32 v5, v21;
	v5 =	vld [tilespmem:s25+$0x240]  }
0xaa: {  	v17 =	vmul.f32 v18, v19;
	v18 =	vbroadcast v2, $0x5;
	v21 =	vld [tilespmem:s25+$0x250]  }
0xab: {  	v4 =	vadd.f32 v16, v4;
	v16 =	vld [tilespmem:s25+$0x260];
	v1 =	vadd.f32 v3, v1;
	v3 =	vmul.f32 v22, v19  }
0xac: {  	v19 =	vbroadcast v2, $0x6;
	v22 =	vld [tilespmem:s25+$0x270]  }
0xad: {  	s24 =	simm.s32 $0x18B60;
	v23, _, _ =	vpop (xrf2);
	v17 =	vadd.f32 v17, v4;
	v4 =	vld [tilespmem:s26+$0xFFFFFFF7];
	v1 =	vadd.f32 v3, v1;
	v3 =	vmul.f32 v20, v18  }
0xae: {  	v14 =	vld [tilespmem:s24+$0x20];
	v0 =	vmul.f32 v13, v0;
	(v2sf) =	vpush v23, $0xF;
	v15 =	vmul.f32 v15, v18  }
0xaf: {  	v23 =	vbroadcast v2, $0x7;
	v18 =	vld [tilespmem:s25+$0x280];
	v1 =	vadd.f32 v3, v1;
	v3 =	vmul.f32 v21, v19  }
0xb0: {  	v2 =	vbroadcast v2, $0x8;
	v20 =	vmul.f32 v5, v19;
	v15 =	vadd.f32 v15, v17;
	v5 =	vld [tilespmem:s26+$0x0]  }
0xb1: {  	v17 =	vld [tilespmem:s26+$0xFFFFFFEE];
	v16 =	vmul.f32 v16, v23;
	v1 =	vadd.f32 v3, v1;
	v3 =	vmul.f32 v22, v23  }
0xb2: {  	v63 =	vld [tilespmem:s25+$0xFFFFFEB0];
	v15 =	vadd.f32 v20, v15;
	v23 =	vbroadcast v4, $0x0;
	v48 =	vbroadcast v4, $0x2  }
0xb3: {  	v45 =	vld [tilespmem:s25+$0x0];
	v53 =	vbroadcast v4, $0x4;
	v32 =	vbroadcast v4, $0x5  }
0xb4: {  	v46 =	vld [tilespmem:s25+$0x10];
	v18 =	vmul.f32 v18, v2;
	v22 =	vadd.f32 v16, v15;
	v16 =	vmul.f32 v0, v14  }
0xb5: {  	v41 =	vld [tilespmem:s25+$0xFFFFFEC0];
	v1 =	vadd.f32 v3, v1;
	v3 =	vmul.f32 v24, v2;
	v28 =	vbroadcast v5, $0x0  }
0xb6: {  	v38 =	vld [tilespmem:s25+$0x20];
	v29 =	vbroadcast v17, $0x1;
	v31 =	vbroadcast v5, $0x1  }
0xb7: {  	v54 =	vld [tilespmem:s25+$0xFFFFFD60];
	v39 =	vbroadcast v17, $0x3;
	v2 =	vadd.f32 v18, v22;
	v14 =	vadd.f32 v3, v1  }
0xb8: {  	v30 =	vld [tilespmem:s25+$0xFFFFFEA0];
	s12 =	spop (v2sf);
	v51 =	vbroadcast v5, $0x3;
	v43 =	vbroadcast v17, $0x5  }
0xb9: {  	v21 =	vld [tilespmem:s25+$0xFFFFFD10];
	s12 =	smax.f32 s12, $1.000000020e-24;
	v25 =	vmul.f32 v2, v2;
	v26 =	vmul.f32 v14, v14  }
0xba: {  	v20 =	vld [tilespmem:s25+$0xFFFFFD00];
	v19 =	vmov s12;
	v55 =	vmul.f32 v41, v48;
	v37 =	vbroadcast v17, $0x6  }
0xbb: {  	v0 =	vld [tilespmem:s25+$0xFFFFFD20];
	v41 =	vbroadcast v4, $0x7;
	v15 =	vmul.f32 $5.000000000e-01, v19;
	v25 =	vadd.f32 v26, v25  }
0xbc: {  	v24 =	vld [tilespmem:s25+$0xFFFFFD30];
	v18 =	vbroadcast v4, $0x1;
	v1 =	vbroadcast v17, $0x0  }
0xbd: {  	v22 =	vld [tilespmem:s25+$0xFFFFFE90];
	v50 =	vmul.f32 v28, v45;
	v28 =	vmul.f32 v46, v28;
	(xrf2) =	vadd.scan.msk.f32 $0xffff, v25  }
0xbe: {  	s12 =	spop (v2sf);
	v3 =	vld [tilespmem:s25+$0xFFFFFE80];
	v38 =	vmul.f32 v38, v31;
	v30 =	vmul.f32 v30, v18  }
0xbf: {  	v19 =	vshra.s32 v19, $0x1;
	s11 =	smax.f32 s12, $1.000000020e-24;
	v18 =	vmul.f32 v63, v18;
	v20 =	vmul.f32 v1, v20  }
0xc0: {  	v40 =	vld [tilespmem:s25+$0xFFFFFD40];
	s13 =	spop (v2sf);
	v27 =	vmov s11;
	v21 =	vmul.f32 v21, v1;
	v44 =	vmul.f32 v0, v29  }
0xc1: {  	v49 =	vld [tilespmem:s25+$0xFFFFFD50];
	s11 =	smax.f32 s13, $1.000000020e-24;
	v33 =	vadd.f32 v38, v50;
	v38 =	vmul.f32 v54, v39;
	v0 =	vshra.s32 v27, $0x1  }
0xc2: {  	v52 =	vld [tilespmem:s25+$0xFFFFFED0];
	v24 =	vmul.f32 v24, v29;
	v29 =	vbroadcast v17, $0x2;
	v26 =	vmov s11  }
0xc3: {  	v47 =	vmul.f32 v23, v3;
	v3 =	vsub.s32 $0x5F3759DF, v19;
	v19 =	vmul.f32 v22, v23;
	v23 =	vld [tilespmem:s25+$0x30]  }
0xc4: {  	v42 =	vld [tilespmem:s25+$0x40];
	v1 =	vsub.s32 $0x5F3759DF, v0;
	v20 =	vadd.f32 v44, v20;
	v22 =	vbroadcast v5, $0x2  }
0xc5: {  	v56 =	vld [tilespmem:s25+$0xFFFFFEE0];
	v21 =	vadd.f32 v24, v21;
	v24 =	vbroadcast v17, $0x4;
	v25 =	vshra.s32 v26, $0x1  }
0xc6: {  	v45 =	vld [tilespmem:s25+$0xFFFFFD80];
	v40 =	vmul.f32 v40, v29;
	v29 =	vmul.f32 v49, v29;
	v0 =	vsub.s32 $0x5F3759DF, v25  }
0xc7: {  	v57 =	vld [tilespmem:s25+$0xFFFFFEF0];
	v25 =	vbroadcast v4, $0x3;
	v30 =	vadd.f32 v30, v47;
	v18 =	vadd.f32 v18, v19;
	v44, _, _ =	vpop (xrf2)  }
0xc8: {  	v20 =	vadd.f32 v40, v20;
	v19 =	vmul.f32 v23, v31;
	v31 =	vld [tilespmem:s25+$0x50];
	(v2sf) =	vpush v44, $0xF  }
0xc9: {  	v59 =	vld [tilespmem:s25+$0x60];
	v21 =	vadd.f32 v29, v21;
	v29 =	vmul.f32 v52, v48;
	v58 =	vmul.f32 v42, v22  }
0xca: {  	v40 =	vbroadcast v5, $0x6;
	v47 =	vbroadcast v17, $0x8;
	v19 =	vadd.f32 v19, v28;
	v28 =	vld [tilespmem:s25+$0xFFFFFD70]  }
0xcb: {  	v46 =	vld [tilespmem:s25+$0xFFFFFF00];
	v63 =	vmul.f32 v45, v24;
	v48 =	vmul.f32 v3, v15  }
0xcc: {  	v45 =	vld [tilespmem:s25+$0xFFFFFDA0];
	v18 =	vadd.f32 v29, v18;
	v29 =	vbroadcast v4, $0x6;
	v60 =	vmul.f32 v56, v25  }
0xcd: {  	v30 =	vadd.f32 v55, v30;
	v25 =	vmul.f32 v57, v25;
	v55 =	vld [tilespmem:s25+$0xFFFFFF40];
	v22 =	vmul.f32 v31, v22  }
0xce: {  	v33 =	vadd.f32 v58, v33;
	v4 =	vbroadcast v4, $0x8;
	v52 =	vmul.f32 v3, v48;
	v31 =	vld [tilespmem:s25+$0x70]  }
0xcf: {  	v23 =	vbroadcast v5, $0x4;
	v28 =	vmul.f32 v28, v39;
	v19 =	vadd.f32 v22, v19;
	v22 =	vld [tilespmem:s25+$0xFFFFFD90]  }
0xd0: {  	v62 =	vld [tilespmem:s25+$0x80];
	v20 =	vadd.f32 v38, v20;
	v39 =	vbroadcast v17, $0x7;
	v17 =	vmul.f32 v59, v51  }
0xd1: {  	v30 =	vadd.f32 v60, v30;
	v25 =	vadd.f32 v25, v18;
	v42 =	vmul.f32 v45, v43  }
0xd2: {  	v61 =	vld [tilespmem:s25+$0xFFFFFF10];
	v60 =	vmul.f32 v55, v29;
	v33 =	vadd.f32 v17, v33;
	v17 =	vmul.f32 $5.000000000e-01, v27  }
0xd3: {  	v20 =	vadd.f32 v63, v20;
	v27 =	vmul.f32 v46, v53;
	v18 =	vmul.f32 v31, v51;
	v31 =	vld [tilespmem:s25+$0x90]  }
0xd4: {  	v44 =	vbroadcast v5, $0x5;
	v21 =	vadd.f32 v28, v21;
	v22 =	vmul.f32 v22, v24;
	v24 =	vld [tilespmem:s25+$0xFFFFFDB0]  }
0xd5: {  	v49 =	vld [tilespmem:s25+$0xFFFFFF30];
	v27 =	vadd.f32 v27, v30;
	v30 =	vmul.f32 v62, v23;
	v50 =	vmul.f32 v1, v17  }
0xd6: {  	v28 =	vbroadcast v5, $0x7;
	v5 =	vbroadcast v5, $0x8;
	v51 =	vld [tilespmem:s25+$0xA0];
	v19 =	vadd.f32 v18, v19  }
0xd7: {  	v18 =	vmul.f32 $5.000000000e-01, v26;
	v26 =	vld [tilespmem:s25+$0xFFFFFF20];
	v30 =	vadd.f32 v30, v33;
	v36 =	vmul.f32 v1, v50;
	s14 =	spop (v2sf)  }
0xd8: {  	v57 =	vld [tilespmem:s25+$0xFFFFFF50];
	v33 =	vsub.f32 $1.500000000e+00, v52;
	v21 =	vadd.f32 v22, v21;
	v23 =	vmul.f32 v31, v23;
	s11 =	smax.f32 s14, $1.000000020e-24  }
0xd9: {  	v22 =	vmul.f32 v61, v53;
	v31 =	vld [tilespmem:s25+$0xB0];
	v24 =	vmul.f32 v24, v43;
	v54 =	vmov s11  }
0xda: {  	v19 =	vadd.f32 v23, v19;
	v23 =	vld [tilespmem:s25+$0xFFFFFDD0];
	v56 =	vshra.s32 v54, $0x1;
	v43 =	vmul.f32 $5.000000000e-01, v54  }
0xdb: {  	v59 =	vld [tilespmem:s25+$0xFFFFFDE0];
	v38 =	vmul.f32 v51, v44;
	v33 =	vmul.f32 v3, v33;
	v46 =	vsub.s32 $0x5F3759DF, v56  }
0xdc: {  	v20 =	vadd.f32 v42, v20;
	v53 =	vld [tilespmem:s25+$0xFFFFFDC0];
	v26 =	vmul.f32 v26, v32;
	v58 =	vmul.f32 v46, v43  }
0xdd: {  	v22 =	vadd.f32 v22, v25;
	v25 =	vmul.f32 v0, v18;
	v21 =	vadd.f32 v24, v21;
	v24 =	vld [tilespmem:s25+$0xC0]  }
0xde: {  	v26 =	vadd.f32 v26, v27;
	v27 =	vmul.f32 v31, v44;
	v31 =	vld [tilespmem:s25+$0xD0];
	v35 =	vmul.f32 v46, v58  }
0xdf: {  	v62 =	vld [tilespmem:s25+$0xE0];
	v36 =	vsub.f32 $1.500000000e+00, v36;
	v32 =	vmul.f32 v49, v32;
	v23 =	vmul.f32 v23, v37  }
0xe0: {  	v25 =	vmul.f32 v0, v25;
	v19 =	vadd.f32 v27, v19;
	v27 =	vld [tilespmem:s25+$0xFFFFFDF0];
	v35 =	vsub.f32 $1.500000000e+00, v35  }
0xe1: {  	v61 =	vld [tilespmem:s25+$0xFFFFFF60];
	v22 =	vadd.f32 v32, v22;
	v21 =	vadd.f32 v23, v21;
	v23 =	vmul.f32 v57, v29  }
0xe2: {  	v30 =	vadd.f32 v38, v30;
	v29 =	vld [tilespmem:s25+$0xFFFFFF70];
	v24 =	vmul.f32 v24, v40;
	v35 =	vmul.f32 v46, v35  }
0xe3: {  	v34 =	vmul.f32 v53, v37;
	v22 =	vadd.f32 v23, v22;
	v23 =	vmul.f32 v31, v40;
	v31 =	vld [tilespmem:s25+$0xF0]  }
0xe4: {  	v32 =	vmul.f32 v59, v39;
	v24 =	vadd.f32 v24, v30;
	v30 =	vld [tilespmem:s25+$0xFFFFFE00];
	v63 =	vmul.f32 v35, v43  }
0xe5: {  	v25 =	vsub.f32 $1.500000000e+00, v25;
	v27 =	vmul.f32 v27, v39;
	v19 =	vadd.f32 v23, v19;
	v23 =	vld [tilespmem:s25+$0xFFFFFE10]  }
0xe6: {  	v44 =	vmul.f32 v1, v36;
	v20 =	vadd.f32 v34, v20;
	v38 =	vmul.f32 v63, v35  }
0xe7: {  	v26 =	vadd.f32 v60, v26;
	v21 =	vadd.f32 v27, v21;
	v27 =	vmul.f32 v29, v41;
	v29 =	vld [tilespmem:s25+$0xFFFFFF90]  }
0xe8: {  	v42 =	vld [tilespmem:s25+$0xFFFFFF80];
	v34 =	vmul.f32 v62, v28;
	v40 =	vmul.f32 v61, v41;
	v3 =	vsub.f32 $1.500000000e+00, v38  }
0xe9: {  	v20 =	vadd.f32 v32, v20;
	v28 =	vmul.f32 v31, v28;
	v30 =	vmul.f32 v30, v47  }
0xea: {  	v26 =	vadd.f32 v40, v26;
	v31 =	vld [tilespmem:s25+$0x100];
	v1 =	vmul.f32 v23, v47;
	v35 =	vmul.f32 v3, v35  }
0xeb: {  	v22 =	vadd.f32 v27, v22;
	v27 =	vld [tilespmem:s25+$0x110];
	v23 =	vadd.f32 v34, v24;
	v24 =	vmul.f32 v0, v25  }
0xec: {  	v0 =	vadd.f32 v1, v21;
	v1 =	vmul.f32 v29, v4;
	v25 =	vmul.f32 v35, v43  }
0xed: {  	v29 =	vmul.f32 v33, v15;
	v3 =	vadd.f32 v30, v20;
	v20 =	vmul.f32 v42, v4  }
0xee: {  	v19 =	vadd.f32 v28, v19;
	v30 =	vmul.f32 v44, v17;
	v25 =	vmul.f32 v25, v35  }
0xef: {  	v21 =	vmul.f32 v3, v3;
	v4 =	vadd.f32 v20, v26;
	v20 =	vmul.f32 v31, v5  }
0xf0: {  	s25 =	simm.s32 $0x18BE0;
	v26 =	vmul.f32 v27, v5;
	v27 =	vmul.f32 v0, v0;
	v25 =	vsub.f32 $1.500000000e+00, v25  }
0xf1: {  	v1 =	vadd.f32 v1, v22;
	v22 =	vld [tilespmem:s25+$0x20];
	v31 =	vmul.f32 v24, v18;
	v28 =	vmul.f32 v4, v4  }
0xf2: {  	v5 =	vadd.f32 v20, v23;
	v23 =	vmul.f32 v29, v33;
	v20 =	vmul.f32 v25, v35  }
0xf3: {  	v21 =	vadd.f32 v27, v21;
	v27 =	vmul.f32 v31, v24;
	v25 =	vmul.f32 v30, v44  }
0xf4: {  	v29 =	vmul.f32 v1, v1;
	v23 =	vsub.f32 $1.500000000e+00, v23;
	v30 =	vmul.f32 v20, v2  }
0xf5: {  	v31 =	vmul.f32 v5, v5;
	(xrf2) =	vadd.scan.msk.f32 $0xffff, v21;
	v21 =	vsub.f32 $1.500000000e+00, v25;
	v25 =	vsub.f32 $1.500000000e+00, v27  }
0xf6: {  	s28 =	simm.s32 $0x1AB60;
	v2 =	vadd.f32 v26, v19;
	v19 =	vmul.f32 v30, v22;
	v22 =	vmul.f32 v23, v33  }
0xf7: {  	s26 =	simm.s32 $0x1ABE0;
	[tilespmem:s28+$0x20] =	vst v16;
	v16 =	vmul.f32 v21, v44;
	v21 =	vmul.f32 v25, v24  }
0xf8: {  	v23 =	vld [tilespmem:s24+$0x30];
	v24 =	vmul.f32 v2, v2;
	[tilespmem:s26+$0x20] =	vst v19;
	v15 =	vmul.f32 v22, v15  }
0xf9: {  	v19 =	vadd.f32 v29, v28;
	v17 =	vmul.f32 v16, v17;
	v18 =	vmul.f32 v21, v18;
	v25 =	vld [tilespmem:s25+$0x30]  }
0xfa: {  	v7 =	vmul.f32 v13, v7;
	v13 =	vadd.f32 v24, v31;
	v15 =	vmul.f32 v15, v22  }
0xfb: {  	v24 =	vld [tilespmem:s24+$0xFFFFFFC0];
	(xrf2) =	vadd.scan.msk.f32 $0xffff, v19;
	v17 =	vmul.f32 v17, v16;
	v18 =	vmul.f32 v18, v21  }
0xfc: {  	s19 =	simm.s32 $0x25A;
	v14 =	vmul.f32 v20, v14;
	v19 =	vld [tilespmem:s24+$0xFFFFFFE0];
	(xrf2) =	vadd.scan.msk.f32 $0xffff, v13;
	v15 =	vsub.f32 $1.500000000e+00, v15  }
0xfd: {  	s10 =	simm.s32 $0x1A20;
	v13 =	vmul.f32 v7, v23;
	v23 =	vld [tilespmem:s19+$0x9];
	v17 =	vsub.f32 $1.500000000e+00, v17;
	v18 =	vsub.f32 $1.500000000e+00, v18  }
0xfe: {  	v7 =	vld [tilespmem:s10+$0x180];
	v14 =	vmul.f32 v14, v25;
	v20 =	vmul.f32 v15, v22  }
0xff: {  	v25 =	vld [tilespmem:s10+$0x190];
	v17 =	vmul.f32 v17, v16;
	v15 =	vmul.f32 v18, v21  }
0x100: {  	v18 =	vld [tilespmem:s10+$0x1A0];
	v21 =	vmul.f32 v20, v8;
	v16 =	vmul.f32 v20, v9  }
0x101: {  	v22, _, _ =	vpop (xrf2);
	v20 =	vld [tilespmem:s10+$0x1B0];
	v9 =	vmul.f32 v17, v11;
	v8 =	vmul.f32 v15, v12  }
0x102: {  	(v2sf) =	vpush v22, $0xF;
	v12 =	vld [tilespmem:s10+$0x1C0];
	v10 =	vmul.f32 v17, v10;
	v17 =	vbroadcast v23, $0x0  }
0x103: {  	v22 =	vbroadcast v23, $0x2;
	v11 =	vmul.f32 v21, v24;
	v21 =	vld [tilespmem:s10+$0x1D0]  }
0x104: {  	v9 =	vmul.f32 v9, v19;
	v19 =	vbroadcast v23, $0x1;
	v24 =	vld [tilespmem:s10+$0x1E0]  }
0x105: {  	v27 =	vld [tilespmem:s10+$0x210];
	v7 =	vmul.f32 v17, v7;
	v17 =	vmul.f32 v25, v17;
	v26, _, _ =	vpop (xrf2)  }
0x106: {  	v25 =	vld [tilespmem:s10+$0x1F0];
	v18 =	vmul.f32 v18, v19;
	(v2sf) =	vpush v26, $0xF;
	v26, _, _ =	vpop (xrf2);
	v19 =	vmul.f32 v20, v19  }
0x107: {  	v20 =	vld [tilespmem:s10+$0x200];
	v12 =	vmul.f32 v12, v22;
	(v2sf) =	vpush v26, $0xF;
	v26 =	vbroadcast v23, $0x3  }
0x108: {  	v7 =	vadd.f32 v18, v7;
	v17 =	vadd.f32 v19, v17;
	v18 =	vmul.f32 v21, v22;
	v19 =	vld [tilespmem:s10+$0x220]  }
0x109: {  	v21 =	vmul.f32 v24, v26;
	v24 =	vld [tilespmem:s10+$0x230]  }
0x10a: {  	v22 =	vbroadcast v23, $0x4;
	v7 =	vadd.f32 v12, v7;
	v12 =	vadd.f32 v18, v17;
	v18 =	vld [tilespmem:s10+$0x240]  }
0x10b: {  	v17 =	vmul.f32 v25, v26;
	v26 =	vld [tilespmem:s10+$0x250]  }
0x10c: {  	v25 =	vbroadcast v23, $0x5;
	v20 =	vmul.f32 v20, v22;
	v7 =	vadd.f32 v21, v7;
	v21 =	vld [tilespmem:s19+$0xFFFFFFF7]  }
0x10d: {  	v55 =	vld [tilespmem:s10+$0x10];
	v12 =	vadd.f32 v17, v12;
	v17 =	vmul.f32 v27, v22  }
0x10e: {  	v22 =	vld [tilespmem:s10+$0x260];
	v27 =	vbroadcast v23, $0x6;
	v19 =	vmul.f32 v19, v25;
	v7 =	vadd.f32 v20, v7  }
0x10f: {  	v28 =	vld [tilespmem:s10+$0x270];
	v12 =	vadd.f32 v17, v12;
	v17 =	vmul.f32 v24, v25;
	v25 =	vbroadcast v23, $0x7  }
0x110: {  	v24 =	vld [tilespmem:s10+$0x280];
	v23 =	vbroadcast v23, $0x8;
	v18 =	vmul.f32 v18, v27;
	v7 =	vadd.f32 v19, v7  }
0x111: {  	v29 =	vld [tilespmem:s10+$0x290];
	s15 =	spop (v2sf);
	v12 =	vadd.f32 v17, v12;
	v17 =	vmul.f32 v26, v27;
	v54 =	vbroadcast v21, $0x2  }
0x112: {  	v20 =	vld [tilespmem:s19+$0x0];
	s11 =	smax.f32 s15, $1.000000020e-24;
	v39 =	vbroadcast v21, $0x3;
	v43 =	vbroadcast v21, $0x4  }
0x113: {  	v52 =	vld [tilespmem:s10+$0x0];
	v19 =	vmov s11;
	v22 =	vmul.f32 v22, v25;
	v7 =	vadd.f32 v18, v7  }
0x114: {  	v26 =	vld [tilespmem:s19+$0xFFFFFFEE];
	v18 =	vmul.f32 v28, v25;
	v28 =	vbroadcast v21, $0x0;
	v17 =	vadd.f32 v17, v12  }
0x115: {  	v62 =	vld [tilespmem:s10+$0x40];
	v12 =	vmul.f32 $5.000000000e-01, v19;
	v24 =	vmul.f32 v24, v23  }
0x116: {  	v27 =	vld [tilespmem:s10+$0xFFFFFD10];
	v7 =	vadd.f32 v22, v7;
	v17 =	vadd.f32 v18, v17;
	v18 =	vmul.f32 v29, v23  }
0x117: {  	v25 =	vld [tilespmem:s10+$0xFFFFFD00];
	v31 =	vbroadcast v20, $0x0;
	v49 =	vbroadcast v20, $0x1  }
0x118: {  	v56 =	vld [tilespmem:s10+$0x20];
	v57 =	vbroadcast v20, $0x2;
	v23 =	vadd.f32 v24, v7;
	v17 =	vadd.f32 v18, v17  }
0x119: {  	v48 =	vld [tilespmem:s10+$0xFFFFFEA0];
	v29 =	vbroadcast v21, $0x1;
	v18 =	vbroadcast v26, $0x0  }
0x11a: {  	v50 =	vld [tilespmem:s10+$0xFFFFFEB0];
	v46 =	vmul.f32 v23, v23;
	v47 =	vmul.f32 v17, v17  }
0x11b: {  	v59 =	vld [tilespmem:s10+$0xFFFFFD40];
	v40 =	vmul.f32 v31, v52;
	v31 =	vmul.f32 v55, v31  }
0x11c: {  	v63 =	vld [tilespmem:s10+$0x50];
	v25 =	vmul.f32 v18, v25;
	v27 =	vmul.f32 v27, v18;
	v18 =	vadd.f32 v47, v46  }
0x11d: {  	v30 =	vld [tilespmem:s10+$0xFFFFFD30];
	v33 =	vmul.f32 v56, v49;
	v38 =	vmul.f32 v62, v57  }
0x11e: {  	v22 =	vld [tilespmem:s10+$0xFFFFFD20];
	v7 =	vshra.s32 v19, $0x1;
	v19 =	vbroadcast v26, $0x1;
	v35 =	vbroadcast v26, $0x2;
	(xrf2) =	vadd.scan.msk.f32 $0xffff, v18  }
0x11f: {  	v45 =	vld [tilespmem:s10+$0xFFFFFE90];
	v34 =	vbroadcast v26, $0x3;
	v42 =	vbroadcast v26, $0x6  }
0x120: {  	s12 =	spop (v2sf);
	v24 =	vld [tilespmem:s10+$0xFFFFFE80];
	v37 =	vmul.f32 v48, v29;
	v29 =	vmul.f32 v50, v29  }
0x121: {  	s11 =	smax.f32 s12, $1.000000020e-24;
	s13 =	spop (v2sf);
	v48 =	vbroadcast v26, $0x5;
	v33 =	vadd.f32 v33, v40;
	v40 =	vmul.f32 v63, v57  }
0x122: {  	v58 =	vld [tilespmem:s10+$0x30];
	v32 =	vmov s11;
	s14 =	smax.f32 s13, $1.000000020e-24;
	v30 =	vmul.f32 v30, v19;
	v41 =	vmul.f32 v59, v35  }
0x123: {  	v60 =	vld [tilespmem:s10+$0xFFFFFEC0];
	v36 =	vmov s14;
	v22 =	vmul.f32 v22, v19;
	v51 =	vshra.s32 v32, $0x1  }
0x124: {  	v61 =	vld [tilespmem:s10+$0xFFFFFED0];
	v19 =	vsub.s32 $0x5F3759DF, v7;
	v33 =	vadd.f32 v38, v33;
	v53 =	vshra.s32 v36, $0x1  }
0x125: {  	v24 =	vmul.f32 v28, v24;
	v28 =	vmul.f32 v45, v28;
	v22 =	vadd.f32 v22, v25;
	v25 =	vld [tilespmem:s10+$0xFFFFFD50]  }
0x126: {  	v52 =	vld [tilespmem:s10+$0xFFFFFD60];
	v46 =	vbroadcast v20, $0x3;
	v27 =	vadd.f32 v30, v27;
	v30 =	vbroadcast v26, $0x4  }
0x127: {  	v55 =	vld [tilespmem:s10+$0xFFFFFEF0];
	v45 =	vbroadcast v20, $0x4;
	v28 =	vadd.f32 v29, v28;
	v29 =	vmul.f32 v58, v49  }
0x128: {  	v7 =	vsub.s32 $0x5F3759DF, v53;
	v53 =	vmul.f32 v60, v54;
	v47 =	vbroadcast v20, $0x5;
	v60 =	vld [tilespmem:s10+$0xFFFFFF00];
	v50, _, _ =	vpop (xrf2)  }
0x129: {  	v18 =	vsub.s32 $0x5F3759DF, v51;
	v29 =	vadd.f32 v29, v31;
	v31 =	vld [tilespmem:s10+$0xFFFFFD70];
	(v2sf) =	vpush v50, $0xF  }
0x12a: {  	v57 =	vld [tilespmem:s10+$0x70];
	v24 =	vadd.f32 v37, v24;
	v49 =	vbroadcast v21, $0x5;
	v25 =	vmul.f32 v25, v35  }
0x12b: {  	v22 =	vadd.f32 v41, v22;
	v58 =	vld [tilespmem:s10+$0xFFFFFD80];
	v51 =	vbroadcast v26, $0x7;
	v41 =	vbroadcast v20, $0x7  }
0x12c: {  	v26 =	vbroadcast v26, $0x8;
	v25 =	vadd.f32 v25, v27;
	v27 =	vmul.f32 v61, v54;
	v54 =	vld [tilespmem:s10+$0xFFFFFEE0]  }
0x12d: {  	v24 =	vadd.f32 v53, v24;
	v35 =	vmul.f32 v52, v34;
	v53 =	vmul.f32 v60, v43;
	v61 =	vld [tilespmem:s10+$0x80]  }
0x12e: {  	v56 =	vld [tilespmem:s10+$0x60];
	v29 =	vadd.f32 v40, v29;
	v40 =	vbroadcast v21, $0x7;
	v31 =	vmul.f32 v31, v34  }
0x12f: {  	v59 =	vld [tilespmem:s10+$0xFFFFFD90];
	v27 =	vadd.f32 v27, v28;
	v28 =	vbroadcast v21, $0x6;
	v21 =	vbroadcast v21, $0x8  }
0x130: {  	v63 =	vld [tilespmem:s10+$0xFFFFFDB0];
	v34 =	vmul.f32 v58, v30;
	v31 =	vadd.f32 v31, v25;
	v25 =	vmul.f32 v55, v39  }
0x131: {  	v52 =	vld [tilespmem:s10+$0xFFFFFF10];
	v22 =	vadd.f32 v35, v22;
	v55 =	vmul.f32 v19, v12;
	v37 =	vmul.f32 v54, v39  }
0x132: {  	v58 =	vld [tilespmem:s10+$0xA0];
	v38 =	vmul.f32 v61, v45;
	v27 =	vadd.f32 v25, v27;
	v25 =	vmul.f32 v57, v46  }
0x133: {  	v54 =	vld [tilespmem:s10+$0xFFFFFF20];
	v50 =	vbroadcast v20, $0x6;
	v37 =	vadd.f32 v37, v24;
	v24 =	vmul.f32 v56, v46  }
0x134: {  	v46 =	vbroadcast v20, $0x8;
	v20 =	vmul.f32 v59, v30;
	v29 =	vadd.f32 v25, v29  }
0x135: {  	v62 =	vld [tilespmem:s10+$0x90];
	v25 =	vmul.f32 $5.000000000e-01, v36;
	v36 =	vmul.f32 v19, v55;
	v33 =	vadd.f32 v24, v33  }
0x136: {  	v30 =	vld [tilespmem:s10+$0xFFFFFDA0];
	v24 =	vmul.f32 $5.000000000e-01, v32;
	v20 =	vadd.f32 v20, v31;
	v31 =	vmul.f32 v52, v43  }
0x137: {  	v22 =	vadd.f32 v34, v22;
	v56 =	vld [tilespmem:s10+$0xFFFFFF30];
	v32 =	vmul.f32 v63, v48;
	v43 =	vmul.f32 v58, v47  }
0x138: {  	v60 =	vld [tilespmem:s10+$0xFFFFFDC0];
	v34 =	vadd.f32 v53, v37;
	v44 =	vmul.f32 v7, v25;
	v35 =	vmul.f32 v54, v49;
	s15 =	spop (v2sf)  }
0x139: {  	v59 =	vld [tilespmem:s10+$0xB0];
	v36 =	vsub.f32 $1.500000000e+00, v36;
	v57 =	vmul.f32 v18, v24;
	v27 =	vadd.f32 v31, v27;
	s11 =	smax.f32 s15, $1.000000020e-24  }
0x13a: {  	v52 =	vld [tilespmem:s10+$0xFFFFFF50];
	v31 =	vmul.f32 v62, v45;
	v33 =	vadd.f32 v38, v33;
	v61 =	vmov s11  }
0x13b: {  	v62 =	vld [tilespmem:s10+$0xFFFFFF40];
	v20 =	vadd.f32 v32, v20;
	v63 =	vshra.s32 v61, $0x1;
	v39 =	vmul.f32 $5.000000000e-01, v61  }
0x13c: {  	v54 =	vld [tilespmem:s10+$0xC0];
	v30 =	vmul.f32 v30, v48;
	v37 =	vmul.f32 v56, v49;
	v49 =	vsub.s32 $0x5F3759DF, v63  }
0x13d: {  	v45 =	vmul.f32 v60, v42;
	v34 =	vadd.f32 v35, v34;
	v56 =	vld [tilespmem:s10+$0xD0];
	v55 =	vmul.f32 v49, v39  }
0x13e: {  	v53 =	vmul.f32 v59, v47;
	v44 =	vmul.f32 v7, v44;
	v22 =	vadd.f32 v30, v22;
	v30 =	vld [tilespmem:s10+$0xFFFFFDD0]  }
0x13f: {  	v59 =	vld [tilespmem:s10+$0xFFFFFDF0];
	v29 =	vadd.f32 v31, v29;
	v31 =	vmul.f32 v18, v57;
	v58 =	vmul.f32 v49, v55  }
0x140: {  	v27 =	vadd.f32 v37, v27;
	v60 =	vmul.f32 v62, v28;
	v28 =	vmul.f32 v52, v28  }
0x141: {  	v48 =	vld [tilespmem:s10+$0xF0];
	v36 =	vmul.f32 v19, v36;
	v38 =	vmul.f32 v54, v50;
	v61 =	vsub.f32 $1.500000000e+00, v58  }
0x142: {  	v31 =	vsub.f32 $1.500000000e+00, v31;
	v62 =	vld [tilespmem:s10+$0xFFFFFF70];
	v27 =	vadd.f32 v28, v27;
	v28 =	vmul.f32 v56, v50  }
0x143: {  	v57 =	vld [tilespmem:s10+$0xFFFFFDE0];
	v29 =	vadd.f32 v53, v29;
	v30 =	vmul.f32 v30, v42;
	v32 =	vmul.f32 v49, v61  }
0x144: {  	v33 =	vadd.f32 v43, v33;
	v43 =	vmul.f32 v59, v51;
	v31 =	vmul.f32 v18, v31;
	v50 =	vld [tilespmem:s10+$0xFFFFFE10]  }
0x145: {  	v28 =	vadd.f32 v28, v29;
	v20 =	vadd.f32 v30, v20;
	v30 =	vld [tilespmem:s10+$0xFFFFFF60];
	v29 =	vmul.f32 v32, v39  }
0x146: {  	[tilespmem:s28+$0xFFFFFFC0] =	vst v11;
	v44 =	vsub.f32 $1.500000000e+00, v44;
	v22 =	vadd.f32 v45, v22;
	v11 =	vmul.f32 v31, v24;
	v49 =	vld [tilespmem:s10+$0xFFFFFE00]  }
0x147: {  	v52 =	vld [tilespmem:s10+$0xFFFFFF90];
	v43 =	vadd.f32 v43, v20;
	v20 =	vmul.f32 v62, v40;
	v29 =	vmul.f32 v29, v32  }
0x148: {  	v33 =	vadd.f32 v38, v33;
	v19 =	vmul.f32 v48, v41;
	v42 =	vmul.f32 v57, v51;
	v63 =	vld [tilespmem:s10+$0xE0]  }
0x149: {  	v54 =	vld [tilespmem:s10+$0x110];
	v11 =	vmul.f32 v11, v31;
	v27 =	vadd.f32 v20, v27;
	v20 =	vsub.f32 $1.500000000e+00, v29  }
0x14a: {  	v51 =	vld [tilespmem:s10+$0xFFFFFF80];
	v22 =	vadd.f32 v42, v22;
	v18 =	vmul.f32 v50, v26;
	v30 =	vmul.f32 v30, v40  }
0x14b: {  	v29 =	vmul.f32 v49, v26;
	v26 =	vadd.f32 v19, v28;
	v28 =	vmul.f32 v20, v32  }
0x14c: {  	v34 =	vadd.f32 v60, v34;
	v55 =	vmul.f32 v7, v44;
	v7 =	vmul.f32 v52, v21  }
0x14d: {  	v37 =	vmul.f32 v63, v41;
	v20 =	vadd.f32 v29, v22;
	v29 =	vmul.f32 v28, v39  }
0x14e: {  	v19 =	vadd.f32 v18, v43;
	v18 =	vadd.f32 v7, v27;
	v7 =	vmul.f32 v54, v46  }
0x14f: {  	v53 =	vld [tilespmem:s10+$0x100];
	v30 =	vadd.f32 v30, v34;
	v22 =	vmul.f32 v51, v21;
	v27 =	vmul.f32 v29, v28  }
0x150: {  	v63 =	vsub.f32 $1.500000000e+00, v11;
	v56 =	vmul.f32 v20, v20;
	v29 =	vmul.f32 v19, v19  }
0x151: {  	s12 =	simm.s32 $0x18C60;
	v60 =	vmul.f32 v36, v12;
	v7 =	vadd.f32 v7, v26;
	v26 =	vsub.f32 $1.500000000e+00, v27  }
0x152: {  	v11 =	vmul.f32 v15, v6;
	v21 =	vadd.f32 v22, v30;
	v27 =	vadd.f32 v29, v56;
	v29 =	vld [tilespmem:s12+$0x20]  }
0x153: {  	v58 =	vmul.f32 v18, v18;
	v26 =	vmul.f32 v26, v28  }
0x154: {  	[tilespmem:s28+$0xFFFFFFE0] =	vst v9;
	v57 =	vld [tilespmem:s24+$0x0];
	v33 =	vadd.f32 v37, v33;
	v22 =	vmul.f32 v53, v46;
	v30 =	vmul.f32 v21, v21  }
0x155: {  	v62 =	vld [tilespmem:s24+$0xFFFFFFF0];
	v9 =	vmul.f32 v26, v23;
	v23 =	vmul.f32 v60, v36  }
0x156: {  	v61 =	vmul.f32 v7, v7;
	v22 =	vadd.f32 v22, v33;
	v28 =	vld [tilespmem:s24+$0xFFFFFFD0];
	(xrf2) =	vadd.scan.msk.f32 $0xffff, v27;
	v27 =	vmul.f32 v55, v25  }
0x157: {  	[tilespmem:s28+$0x30] =	vst v13;
	v13 =	vadd.f32 v58, v30;
	v29 =	vmul.f32 v9, v29;
	v23 =	vsub.f32 $1.500000000e+00, v23  }
0x158: {  	s10 =	simm.s32 $0x1AC60;
	v59 =	vmul.f32 v22, v22;
	v27 =	vmul.f32 v27, v55  }
0x159: {  	v33 =	vmul.f32 v8, v57;
	(xrf2) =	vadd.scan.msk.f32 $0xffff, v13;
	[tilespmem:s10+$0x20] =	vst v29;
	v29 =	vmul.f32 v23, v36  }
0x15a: {  	[tilespmem:s26+$0x30] =	vst v14;
	v6 =	vld [tilespmem:s25+$0x0];
	v30 =	vmul.f32 v10, v62;
	v14 =	vadd.f32 v61, v59;
	v27 =	vsub.f32 $1.500000000e+00, v27  }
0x15b: {  	v8 =	vld [tilespmem:s25+$0xFFFFFFE0];
	v15 =	vmul.f32 v16, v28;
	v12 =	vmul.f32 v29, v12  }
0x15c: {  	[tilespmem:s28+$0x0] =	vst v33;
	(xrf2) =	vadd.scan.msk.f32 $0xffff, v14;
	v28 =	vmul.f32 v63, v31;
	v27 =	vmul.f32 v27, v55;
	v16 =	vld [tilespmem:s12+$0x30]  }
0x15d: {  	v13 =	vmul.f32 v26, v17;
	v17 =	vmul.f32 v12, v29;
	v12 =	vld [tilespmem:s24+$0x10]  }
0x15e: {  	v10 =	vld [tilespmem:s12+$0x0];
	v31 =	vmul.f32 v28, v24;
	v25 =	vmul.f32 v27, v25  }
0x15f: {  	v9 =	vld [tilespmem:s25+$0xFFFFFFC0]  }
0x160: {  	v23 =	vld [tilespmem:s12+$0xFFFFFFC0];
	[tilespmem:s28+$0xFFFFFFD0] =	vst v15;
	v15 =	vmul.f32 v31, v28;
	v26, _, _ =	vpop (xrf2);
	v14 =	vmul.f32 v25, v27  }
0x161: {  	s13 =	simm.s32 $0x8;
	s11 =	simm.s32 $0x18C60;
	[tilespmem:s28+$0xFFFFFFF0] =	vst v30;
	v24 =	vld [tilespmem:s12+$0xFFFFFFE0];
	s24 =	simm.s32 $0x2020;
	(v2sf) =	vpush v26, $0xF;
	v13 =	vmul.f32 v13, v16;
	v16 =	vsub.f32 $1.500000000e+00, v17  }
.LBB2_4:
0x162: {  	v17 =	vld [tilespmem:s24+$0x180];
	s19 =	sadd.s32 $0x24, s19;
	v15 =	vsub.f32 $1.500000000e+00, v15;
	v14 =	vsub.f32 $1.500000000e+00, v14;
	v12 =	vmul.f32 v11, v12  }
0x163: {  	v25 =	vld [tilespmem:s19+$0x9];
	[tilespmem:s10+$0x30] =	vst v13;
	v11, _, _ =	vpop (xrf2);
	v29 =	vmul.f32 v16, v29  }
0x164: {  	s13 =	sadd.s32 $0x4, s13;
	v16 =	vld [tilespmem:s24+$0x190];
	(v2sf) =	vpush v11, $0xF;
	v15 =	vmul.f32 v15, v28;
	v11 =	vmul.f32 v14, v27;
	[tilespmem:s28+$0x10] =	vst v12;
	s28 =	smov.u32 s26;
	s26 =	smov.u32 s10  }
0x165: {  	p0 =	slt.u32 s13, $0x7C;
	v26 =	vld [tilespmem:s24+$0x1A0];
	v27 =	vmul.f32 v29, v3;
	v12 =	vmul.f32 v29, v0;
	v3 =	vmovc v20;
	v0 =	vmov v19  }
0x166: {  	v19 =	vld [tilespmem:s24+$0x1B0];
	v13, _, _ =	vpop (xrf2);
	v20 =	vmul.f32 v15, v4;
	v14 =	vmul.f32 v11, v5;
	v4 =	vmov v21  }
0x167: {  	v5 =	vmovc v22;
	v21 =	vld [tilespmem:s24+$0x1C0];
	(v2sf) =	vpush v13, $0xF;
	v27 =	vmul.f32 v27, v9;
	v13 =	vmul.f32 v15, v1;
	v1 =	vmovc v18  }
0x168: {  	v9 =	vmovc v23;
	v15 =	vbroadcast v25, $0x0;
	v18 =	vld [tilespmem:s24+$0x1D0];
	v20 =	vmul.f32 v20, v8;
	v8 =	vmov v24  }
0x169: {  	v22 =	vbroadcast v25, $0x1;
	v23 =	vbroadcast v25, $0x2;
	v24 =	vld [tilespmem:s24+$0x1E0];
	[tilespmem:s28+$0xFFFFFFC0] =	vst v27  }
0x16a: {  	v17 =	vmul.f32 v15, v17;
	v15 =	vmul.f32 v16, v15;
	v16 =	vld [tilespmem:s24+$0x1F0];
	[tilespmem:s28+$0xFFFFFFE0] =	vst v20  }
0x16b: {  	v20 =	vmul.f32 v26, v22;
	v19 =	vmul.f32 v19, v22;
	v22 =	vld [tilespmem:s24+$0x200]  }
0x16c: {  	v26 =	vbroadcast v25, $0x3;
	v21 =	vmul.f32 v21, v23;
	v27 =	vld [tilespmem:s24+$0x210]  }
0x16d: {  	v17 =	vadd.f32 v20, v17;
	v15 =	vadd.f32 v19, v15;
	v18 =	vmul.f32 v18, v23;
	v19 =	vld [tilespmem:s24+$0x220]  }
0x16e: {  	v23 =	vbroadcast v25, $0x4;
	v20 =	vmul.f32 v24, v26;
	v24 =	vld [tilespmem:s24+$0x230]  }
0x16f: {  	v17 =	vadd.f32 v21, v17;
	v15 =	vadd.f32 v18, v15;
	v16 =	vmul.f32 v16, v26;
	v18 =	vld [tilespmem:s24+$0x240]  }
0x170: {  	v21 =	vmul.f32 v22, v23;
	v22 =	vbroadcast v25, $0x5;
	v26 =	vld [tilespmem:s24+$0x250];
	s14 =	spop (v2sf)  }
0x171: {  	v17 =	vadd.f32 v20, v17;
	v15 =	vadd.f32 v16, v15;
	v16 =	vmul.f32 v27, v23;
	v20 =	vld [tilespmem:s24+$0x260];
	s14 =	smax.f32 s14, $1.000000020e-24  }
0x172: {  	v27 =	vbroadcast v25, $0x6;
	v19 =	vmul.f32 v19, v22;
	v28 =	vld [tilespmem:s24+$0x270];
	v29 =	vmov s14  }
0x173: {  	v17 =	vadd.f32 v21, v17;
	v15 =	vadd.f32 v16, v15;
	v16 =	vmul.f32 v24, v22;
	v24 =	vld [tilespmem:s24+$0x280];
	s14 =	spop (v2sf)  }
0x174: {  	v30 =	vbroadcast v25, $0x7;
	v32 =	vshra.s32 v29, $0x1;
	v18 =	vmul.f32 v18, v27;
	v31 =	vld [tilespmem:s24+$0x290];
	s14 =	smax.f32 s14, $1.000000020e-24  }
0x175: {  	v17 =	vadd.f32 v19, v17;
	v23 =	vld [tilespmem:s19+$0xFFFFFFF7];
	v15 =	vadd.f32 v16, v15;
	v16 =	vmul.f32 v26, v27  }
0x176: {  	v21 =	vmov s14;
	v22 =	vld [tilespmem:s19+$0x0];
	v19 =	vmul.f32 v20, v30;
	v20 =	vbroadcast v25, $0x8;
	s14 =	spop (v2sf)  }
0x177: {  	v17 =	vadd.f32 v18, v17;
	v25 =	vld [tilespmem:s19+$0xFFFFFFEE];
	v16 =	vadd.f32 v16, v15;
	v18 =	vmul.f32 v28, v30;
	s14 =	smax.f32 s14, $1.000000020e-24  }
0x178: {  	v15 =	vmul.f32 $5.000000000e-01, v29;
	v26 =	vld [tilespmem:s24+$0xFFFFFD00];
	v27 =	vmul.f32 v24, v20;
	v24 =	vmov s14  }
0x179: {  	v17 =	vadd.f32 v19, v17;
	v28 =	vld [tilespmem:s24+$0xFFFFFD10];
	v16 =	vadd.f32 v18, v16;
	v18 =	vmul.f32 v31, v20  }
0x17a: {  	v31 =	vshra.s32 v21, $0x1;
	v19 =	vld [tilespmem:s24+$0xFFFFFD20];
	v29 =	vbroadcast v23, $0x0;
	v30 =	vbroadcast v23, $0x1  }
0x17b: {  	v17 =	vadd.f32 v27, v17;
	v33 =	vld [tilespmem:s24+$0xFFFFFD30];
	v34 =	vbroadcast v22, $0x0;
	v16 =	vadd.f32 v18, v16  }
0x17c: {  	v37 =	vshra.s32 v24, $0x1;
	v27 =	vbroadcast v25, $0x0;
	v35 =	vbroadcast v25, $0x1;
	v36 =	vld [tilespmem:s24+$0xFFFFFE80]  }
0x17d: {  	v20 =	vsub.s32 $0x5F3759DF, v32;
	v39 =	vmul.f32 v17, v17;
	v38 =	vld [tilespmem:s24+$0xFFFFFE90];
	v40 =	vmul.f32 v16, v16  }
0x17e: {  	v41 =	vbroadcast v22, $0x1;
	v18 =	vsub.s32 $0x5F3759DF, v31;
	v26 =	vmul.f32 v27, v26;
	v32 =	vld [tilespmem:s24+$0xFFFFFEA0]  }
0x17f: {  	v27 =	vmul.f32 v28, v27;
	v28 =	vmul.f32 v19, v35;
	v31 =	vld [tilespmem:s24+$0xFFFFFEB0];
	v39 =	vadd.f32 v40, v39  }
0x180: {  	v19 =	vsub.s32 $0x5F3759DF, v37;
	v33 =	vmul.f32 v33, v35;
	v35 =	vbroadcast v25, $0x2;
	v40 =	vld [tilespmem:s24+$0x0]  }
0x181: {  	v26 =	vadd.f32 v28, v26;
	v28 =	vmul.f32 v29, v36;
	v36 =	vbroadcast v23, $0x2;
	v37 =	vld [tilespmem:s24+$0x10];
	(xrf2) =	vadd.scan.msk.f32 $0xffff, v39  }
0x182: {  	v27 =	vadd.f32 v33, v27;
	v29 =	vmul.f32 v38, v29;
	v33 =	vld [tilespmem:s24+$0x20];
	v38 =	vbroadcast v22, $0x2  }
0x183: {  	v39 =	vbroadcast v25, $0x3;
	v32 =	vmul.f32 v32, v30;
	v42 =	vld [tilespmem:s24+$0x30]  }
0x184: {  	v43 =	vld [tilespmem:s24+$0xFFFFFD40];
	v30 =	vmul.f32 v31, v30;
	v31 =	vbroadcast v23, $0x3  }
0x185: {  	v44 =	vld [tilespmem:s24+$0xFFFFFD50];
	v28 =	vadd.f32 v32, v28;
	v32 =	vmul.f32 v34, v40;
	v40 =	vbroadcast v22, $0x3  }
0x186: {  	v45 =	vbroadcast v25, $0x4;
	v29 =	vadd.f32 v30, v29;
	v30 =	vld [tilespmem:s24+$0xFFFFFEC0];
	v34 =	vmul.f32 v37, v34  }
0x187: {  	v46 =	vbroadcast v23, $0x4;
	v37 =	vld [tilespmem:s24+$0xFFFFFED0];
	v33 =	vmul.f32 v33, v41  }
0x188: {  	v47 =	vbroadcast v22, $0x4;
	v41 =	vmul.f32 v42, v41;
	v42 =	vld [tilespmem:s24+$0x40]  }
0x189: {  	v48 =	vbroadcast v25, $0x5;
	v43 =	vmul.f32 v43, v35;
	v32 =	vadd.f32 v33, v32;
	v33 =	vld [tilespmem:s24+$0x50]  }
0x18a: {  	v49 =	vbroadcast v23, $0x5;
	v35 =	vmul.f32 v44, v35;
	v44 =	vld [tilespmem:s24+$0xFFFFFD60];
	v34 =	vadd.f32 v41, v34  }
0x18b: {  	v26 =	vadd.f32 v43, v26;
	v41 =	vld [tilespmem:s24+$0xFFFFFD70];
	v30 =	vmul.f32 v30, v36;
	v43 =	vbroadcast v22, $0x5;
	v50, _, _ =	vpop (xrf2)  }
0x18c: {  	v27 =	vadd.f32 v35, v27;
	v35 =	vmul.f32 v37, v36;
	v36 =	vld [tilespmem:s24+$0xFFFFFEE0];
	(v2sf) =	vpush v50, $0xF  }
0x18d: {  	v37 =	vbroadcast v25, $0x6;
	v30 =	vadd.f32 v30, v28;
	v28 =	vld [tilespmem:s24+$0xFFFFFEF0];
	v42 =	vmul.f32 v42, v38  }
0x18e: {  	v29 =	vadd.f32 v35, v29;
	v35 =	vbroadcast v23, $0x6;
	v33 =	vmul.f32 v33, v38;
	v38 =	vld [tilespmem:s24+$0x60]  }
0x18f: {  	v50 =	vbroadcast v22, $0x6;
	v44 =	vmul.f32 v44, v39;
	v32 =	vadd.f32 v42, v32;
	v42 =	vld [tilespmem:s24+$0x70]  }
0x190: {  	v51 =	vbroadcast v25, $0x7;
	v39 =	vmul.f32 v41, v39;
	v41 =	vld [tilespmem:s24+$0xFFFFFD80];
	v33 =	vadd.f32 v33, v34  }
0x191: {  	v26 =	vadd.f32 v44, v26;
	v34 =	vld [tilespmem:s24+$0xFFFFFD90];
	v36 =	vmul.f32 v36, v31;
	v44 =	vbroadcast v23, $0x7  }
0x192: {  	v39 =	vadd.f32 v39, v27;
	v31 =	vmul.f32 v28, v31;
	v52 =	vld [tilespmem:s24+$0xFFFFFF00];
	v28 =	vbroadcast v22, $0x7  }
0x193: {  	v27 =	vbroadcast v25, $0x8;
	v30 =	vadd.f32 v36, v30;
	v36 =	vld [tilespmem:s24+$0xFFFFFF10];
	v25 =	vmul.f32 v38, v40  }
0x194: {  	v23 =	vbroadcast v23, $0x8;
	v29 =	vadd.f32 v31, v29;
	v31 =	vmul.f32 v42, v40;
	v38 =	vld [tilespmem:s24+$0x80]  }
0x195: {  	v22 =	vbroadcast v22, $0x8;
	v40 =	vmul.f32 v41, v45;
	v32 =	vadd.f32 v25, v32;
	v41 =	vld [tilespmem:s24+$0x90]  }
0x196: {  	v25 =	vmul.f32 $5.000000000e-01, v21;
	v34 =	vmul.f32 v34, v45;
	v42 =	vld [tilespmem:s24+$0xFFFFFDA0];
	v31 =	vadd.f32 v31, v33  }
0x197: {  	v21 =	vadd.f32 v40, v26;
	v33 =	vld [tilespmem:s24+$0xFFFFFDB0];
	v40 =	vmul.f32 v52, v46;
	v26 =	vmul.f32 $5.000000000e-01, v24  }
0x198: {  	v24 =	vadd.f32 v34, v39;
	v34 =	vmul.f32 v36, v46;
	v36 =	vld [tilespmem:s24+$0xFFFFFF20];
	v39 =	vmul.f32 v20, v15  }
0x199: {  	v45 =	vmul.f32 v18, v25;
	v30 =	vadd.f32 v40, v30;
	v40 =	vld [tilespmem:s24+$0xFFFFFF30];
	v38 =	vmul.f32 v38, v47  }
0x19a: {  	v46 =	vmul.f32 v19, v26;
	v29 =	vadd.f32 v34, v29;
	v34 =	vmul.f32 v41, v47;
	v41 =	vld [tilespmem:s24+$0xA0]  }
0x19b: {  	v39 =	vmul.f32 v20, v39;
	v42 =	vmul.f32 v42, v48;
	v32 =	vadd.f32 v38, v32;
	v38 =	vld [tilespmem:s24+$0xB0];
	s14 =	spop (v2sf)  }
0x19c: {  	v33 =	vmul.f32 v33, v48;
	v47 =	vld [tilespmem:s24+$0xFFFFFDC0];
	v31 =	vadd.f32 v34, v31;
	s14 =	smax.f32 s14, $1.000000020e-24;
	v34 =	vmul.f32 v18, v45  }
0x19d: {  	v21 =	vadd.f32 v42, v21;
	v42 =	vld [tilespmem:s24+$0xFFFFFDD0];
	v36 =	vmul.f32 v36, v49;
	v45 =	vmov s14  }
0x19e: {  	v40 =	vmul.f32 v40, v49;
	v48 =	vld [tilespmem:s24+$0xFFFFFF40];
	v49 =	vshra.s32 v45, $0x1;
	v45 =	vmul.f32 $5.000000000e-01, v45  }
0x19f: {  	v24 =	vadd.f32 v33, v24;
	v33 =	vld [tilespmem:s24+$0xFFFFFF50];
	v41 =	vmul.f32 v41, v43;
	v49 =	vsub.s32 $0x5F3759DF, v49  }
0x1a0: {  	v30 =	vadd.f32 v36, v30;
	v36 =	vmul.f32 v38, v43;
	v38 =	vld [tilespmem:s24+$0xC0];
	v43 =	vmul.f32 v49, v45  }
0x1a1: {  	v29 =	vadd.f32 v40, v29;
	v47 =	vmul.f32 v47, v37;
	v32 =	vadd.f32 v41, v32;
	v40 =	vld [tilespmem:s24+$0xD0]  }
0x1a2: {  	v37 =	vmul.f32 v42, v37;
	v41 =	vld [tilespmem:s24+$0xFFFFFDE0];
	v31 =	vadd.f32 v36, v31;
	v36 =	vmul.f32 v49, v43  }
0x1a3: {  	v46 =	vmul.f32 v19, v46;
	v21 =	vadd.f32 v47, v21;
	v42 =	vld [tilespmem:s24+$0xFFFFFDF0];
	v43 =	vmul.f32 v48, v35  }
0x1a4: {  	v24 =	vadd.f32 v37, v24;
	v33 =	vmul.f32 v33, v35;
	v35 =	vld [tilespmem:s24+$0xFFFFFF60];
	v36 =	vsub.f32 $1.500000000e+00, v36  }
0x1a5: {  	v39 =	vsub.f32 $1.500000000e+00, v39;
	v30 =	vadd.f32 v43, v30;
	v37 =	vld [tilespmem:s24+$0xFFFFFF70];
	v38 =	vmul.f32 v38, v50  }
0x1a6: {  	v29 =	vadd.f32 v33, v29;
	v33 =	vmul.f32 v40, v50;
	v40 =	vld [tilespmem:s24+$0xE0];
	v36 =	vmul.f32 v49, v36  }
0x1a7: {  	v34 =	vsub.f32 $1.500000000e+00, v34;
	v41 =	vmul.f32 v41, v51;
	v32 =	vadd.f32 v38, v32;
	v38 =	vld [tilespmem:s24+$0xF0]  }
0x1a8: {  	v42 =	vmul.f32 v42, v51;
	v43 =	vld [tilespmem:s24+$0xFFFFFE00];
	v31 =	vadd.f32 v33, v31;
	v33 =	vmul.f32 v36, v45  }
0x1a9: {  	v46 =	vsub.f32 $1.500000000e+00, v46;
	v21 =	vadd.f32 v41, v21;
	v41 =	vld [tilespmem:s24+$0xFFFFFE10];
	v35 =	vmul.f32 v35, v44  }
0x1aa: {  	v24 =	vadd.f32 v42, v24;
	v37 =	vmul.f32 v37, v44;
	v42 =	vld [tilespmem:s24+$0xFFFFFF80];
	v33 =	vmul.f32 v33, v36  }
0x1ab: {  	v39 =	vmul.f32 v20, v39;
	v30 =	vadd.f32 v35, v30;
	v35 =	vld [tilespmem:s24+$0xFFFFFF90];
	v40 =	vmul.f32 v40, v28  }
0x1ac: {  	v29 =	vadd.f32 v37, v29;
	v20 =	vmul.f32 v38, v28;
	v28 =	vld [tilespmem:s24+$0x100];
	v33 =	vsub.f32 $1.500000000e+00, v33  }
0x1ad: {  	v34 =	vmul.f32 v18, v34;
	v37 =	vmul.f32 v43, v27;
	v32 =	vadd.f32 v40, v32;
	v38 =	vld [tilespmem:s24+$0x110]  }
0x1ae: {  	v18 =	vmul.f32 v41, v27;
	v27 =	vadd.f32 v20, v31;
	v31 =	vmul.f32 v33, v36;
	v33 =	vld [tilespmem:s25+$0xFFFFFFD0]  }
0x1af: {  	v36 =	vmul.f32 v19, v46;
	v20 =	vadd.f32 v37, v21;
	v21 =	vmul.f32 v42, v23;
	v37 =	vld [tilespmem:s25+$0xFFFFFFF0]  }
0x1b0: {  	v19 =	vadd.f32 v18, v24;
	v18 =	vmul.f32 v35, v23;
	v23 =	vmul.f32 v31, v45  }
0x1b1: {  	v24 =	vmul.f32 v20, v20;
	v21 =	vadd.f32 v21, v30;
	v28 =	vmul.f32 v28, v22  }
0x1b2: {  	v18 =	vadd.f32 v18, v29;
	v29 =	vmul.f32 v38, v22;
	v23 =	vmul.f32 v23, v31  }
0x1b3: {  	v30 =	vmul.f32 v19, v19;
	v35 =	vmul.f32 v21, v21;
	v22 =	vadd.f32 v28, v32  }
0x1b4: {  	s12 =	sadd.s32 $0x80, s12;
	v28 =	vmul.f32 v18, v18;
	v27 =	vadd.f32 v29, v27;
	v29 =	vsub.f32 $1.500000000e+00, v23  }
0x1b5: {  	v40 =	vmul.f32 v39, v15;
	v30 =	vadd.f32 v30, v24;
	v32 =	vmul.f32 v22, v22;
	v38 =	vld [tilespmem:s12+$0x20]  }
0x1b6: {  	v23 =	vld [tilespmem:s12+$0xFFFFFFC0];
	v28 =	vadd.f32 v28, v35;
	v35 =	vmul.f32 v27, v27;
	v31 =	vmul.f32 v29, v31  }
0x1b7: {  	v29 =	vmul.f32 v34, v25;
	v24 =	vld [tilespmem:s12+$0xFFFFFFE0];
	(xrf2) =	vadd.scan.msk.f32 $0xffff, v30;
	v30 =	vmul.f32 v36, v26  }
0x1b8: {  	v40 =	vmul.f32 v40, v39;
	v32 =	vadd.f32 v35, v32;
	v35 =	vld [tilespmem:s12+$0x0];
	v17 =	vmul.f32 v31, v17  }
0x1b9: {  	v29 =	vmul.f32 v29, v34;
	v30 =	vmul.f32 v30, v36  }
0x1ba: {  	v14 =	vmul.f32 v14, v6;
	v6 =	vmovc v10;
	v17 =	vmul.f32 v17, v38;
	(xrf2) =	vadd.scan.msk.f32 $0xffff, v28;
	v28 =	vsub.f32 $1.500000000e+00, v40  }
0x1bb: {  	s10 =	sadd.s32 $0x80, s10;
	v11 =	vmul.f32 v11, v2;
	v2 =	vmovc v7;
	v7 =	vmovc v27;
	v38 =	vsub.f32 $1.500000000e+00, v29;
	v30 =	vsub.f32 $1.500000000e+00, v30  }
0x1bc: {  	v12 =	vmul.f32 v12, v33;
	[tilespmem:s10+$0x20] =	vst v17;
	v29 =	vmul.f32 v28, v39  }
0x1bd: {  	v28 =	vmul.f32 v38, v34;
	v17 =	vld [tilespmem:s12+$0x30];
	(xrf2) =	vadd.scan.msk.f32 $0xffff, v32;
	v27 =	vmul.f32 v30, v36;
	[tilespmem:s28+$0x0] =	vst v14;
	v10 =	vmovc v35  }
.Ltmp5:
0x1be: {  	v13 =	vmul.f32 v13, v37;
	v14 =	vmul.f32 v29, v15;
	[tilespmem:s28+$0xFFFFFFD0] =	vst v12;
	v12 =	vld [tilespmem:s25+$0x10];
	s25 =	smov.u32 s11;
	s11 =	smov.u32 s12;
	(pc) =	sbr.rel @p0 .LBB2_4-.Ltmp5, $4  }
0x1bf: {  	v15 =	vmul.f32 v28, v25;
	v25 =	vmul.f32 v27, v26  }
0x1c0: {  	v16 =	vmul.f32 v31, v16;
	v26 =	vmul.f32 v14, v29;
	[tilespmem:s28+$0xFFFFFFF0] =	vst v13  }
0x1c1: {  	v15 =	vmul.f32 v15, v28;
	v30, _, _ =	vpop (xrf2);
	v14 =	vmul.f32 v25, v27  }
0x1c2: {  	s24 =	sadd.s32 $0x600, s24;
	v13 =	vmul.f32 v16, v17;
	(v2sf) =	vpush v30, $0xF;
	v16 =	vsub.f32 $1.500000000e+00, v26  }
0x1c3: {  	_ =	sdelay $0x2  }
0x1c4: {  	v17, _, _ =	vpop (xrf2)  }
0x1c5: {  	(v2sf) =	vpush v17, $0xF;
	v40, _, _ =	vpop (xrf2)  }
0x1c6: {  	(v2sf) =	vpush v40, $0xF;
	_ =	sdelay $0xa  }
0x1c7: {  	s12 =	spop (v2sf)  }
0x1c8: {  	s12 =	smax.f32 s12, $1.000000020e-24  }
0x1c9: {  	v41 =	vmov s12  }
0x1ca: {  	s13 =	spop (v2sf);
	v30 =	vshra.s32 v41, $0x1;
	v17 =	vmul.f32 $5.000000000e-01, v41  }
0x1cb: {  	s13 =	smax.f32 s13, $1.000000020e-24;
	v30 =	vsub.s32 $0x5F3759DF, v30;
	s14 =	spop (v2sf)  }
0x1cc: {  	v25 =	vmov s13;
	v33 =	vmul.f32 v30, v17;
	s14 =	smax.f32 s14, $1.000000020e-24  }
0x1cd: {  	v31 =	vshra.s32 v25, $0x1;
	v25 =	vmul.f32 $5.000000000e-01, v25;
	v26 =	vmov s14  }
0x1ce: {  	v31 =	vsub.s32 $0x5F3759DF, v31;
	v32 =	vshra.s32 v26, $0x1;
	v26 =	vmul.f32 $5.000000000e-01, v26  }
0x1cf: {  	v34 =	vmul.f32 v31, v25;
	v32 =	vsub.s32 $0x5F3759DF, v32  }
0x1d0: {  	v33 =	vmul.f32 v30, v33;
	v35 =	vmul.f32 v32, v26  }
0x1d1: {  	v34 =	vmul.f32 v31, v34  }
0x1d2: {  	v33 =	vsub.f32 $1.500000000e+00, v33;
	v35 =	vmul.f32 v32, v35  }
0x1d3: {  	v34 =	vsub.f32 $1.500000000e+00, v34  }
0x1d4: {  	v30 =	vmul.f32 v30, v33;
	v35 =	vsub.f32 $1.500000000e+00, v35  }
0x1d5: {  	v31 =	vmul.f32 v31, v34  }
0x1d6: {  	v33 =	vmul.f32 v30, v17;
	v32 =	vmul.f32 v32, v35  }
0x1d7: {  	v34 =	vmul.f32 v31, v25  }
0x1d8: {  	v33 =	vmul.f32 v33, v30;
	v35 =	vmul.f32 v32, v26  }
0x1d9: {  	v34 =	vmul.f32 v34, v31  }
0x1da: {  	v33 =	vsub.f32 $1.500000000e+00, v33;
	v35 =	vmul.f32 v35, v32  }
0x1db: {  	v34 =	vsub.f32 $1.500000000e+00, v34  }
0x1dc: {  	v30 =	vmul.f32 v33, v30;
	v42 =	vsub.f32 $1.500000000e+00, v35  }
0x1dd: {  	v15 =	vsub.f32 $1.500000000e+00, v15;
	v16 =	vmul.f32 v16, v29;
	v43 =	vmul.f32 v34, v31  }
0x1de: {  	v17 =	vmul.f32 v30, v17;
	v44 =	vmul.f32 v42, v32  }
0x1df: {  	v14 =	vsub.f32 $1.500000000e+00, v14;
	v15 =	vmul.f32 v15, v28;
	v25 =	vmul.f32 v43, v25  }
0x1e0: {  	v17 =	vmul.f32 v17, v30;
	v26 =	vmul.f32 v44, v26  }
0x1e1: {  	v14 =	vmul.f32 v14, v27;
	v25 =	vmul.f32 v25, v43  }
0x1e2: {  	v3 =	vmul.f32 v16, v3;
	v17 =	vsub.f32 $1.500000000e+00, v17;
	v26 =	vmul.f32 v26, v44  }
0x1e3: {  	v4 =	vmul.f32 v15, v4;
	v5 =	vmul.f32 v14, v5;
	v45 =	vsub.f32 $1.500000000e+00, v25  }
0x1e4: {  	v3 =	vmul.f32 v3, v9;
	v46 =	vmul.f32 v17, v30;
	v47 =	vsub.f32 $1.500000000e+00, v26  }
0x1e5: {  	v4 =	vmul.f32 v4, v8;
	v9 =	vmul.f32 v45, v43  }
0x1e6: {  	v20 =	vmul.f32 v46, v20;
	v17 =	vmul.f32 v47, v44  }
0x1e7: {  	v48 =	vmul.f32 v5, v6;
	[tilespmem:s26+$0xFFFFFFC0] =	vst v3;
	v49 =	vmul.f32 v9, v21  }
0x1e8: {  	[tilespmem:s26+$0xFFFFFFE0] =	vst v4;
	v50 =	vld [tilespmem:s25+$0xFFFFFFD0];
	v20 =	vmul.f32 v20, v23;
	v51 =	vmul.f32 v17, v22  }
0x1e9: {  	[tilespmem:s26+$0x0] =	vst v48;
	v52 =	vld [tilespmem:s25+$0xFFFFFFF0];
	v53 =	vmul.f32 v49, v24  }
0x1ea: {  	v54 =	vld [tilespmem:s25+$0x10];
	[tilespmem:s10+$0xFFFFFFC0] =	vst v20;
	v6 =	vmul.f32 v51, v10  }
0x1eb: {  	v0 =	vmul.f32 v16, v0;
	v55 =	vld [tilespmem:s11+$0xFFFFFFD0];
	[tilespmem:s10+$0xFFFFFFE0] =	vst v53  }
0x1ec: {  	v56 =	vmul.f32 v11, v12;
	v1 =	vmul.f32 v15, v1;
	v57 =	vld [tilespmem:s11+$0xFFFFFFF0];
	[tilespmem:s10+$0x0] =	vst v6  }
0x1ed: {  	[tilespmem:s10+$0x30] =	vst v13;
	v2 =	vmul.f32 v14, v2;
	v0 =	vmul.f32 v0, v50;
	v58 =	vld [tilespmem:s11+$0x10]  }
0x1ee: {  	[tilespmem:s28+$0x10] =	vst v56;
	v1 =	vmul.f32 v1, v52;
	v59 =	vmul.f32 v46, v19  }
0x1ef: {  	v60 =	vmul.f32 v2, v54;
	[tilespmem:s26+$0xFFFFFFD0] =	vst v0;
	v61 =	vmul.f32 v9, v18  }
0x1f0: {  	[tilespmem:s26+$0xFFFFFFF0] =	vst v1;
	v62 =	vmul.f32 v17, v7;
	v3 =	vmul.f32 v59, v55  }
0x1f1: {  	[tilespmem:s26+$0x10] =	vst v60;
	v63 =	vmul.f32 v61, v57  }
0x1f2: {  	[tilespmem:s10+$0xFFFFFFD0] =	vst v3;
	v1 =	vmul.f32 v62, v58  }
0x1f3: {  	s26 =	sshll.u32 s22, $0xF;
	[tilespmem:s10+$0xFFFFFFF0] =	vst v63  }
0x1f4: {  	s28 =	sadd.s32 s26, s16;
	[tilespmem:s10+$0x10] =	vst v1;
	s10 =	sadd.s32 $0x2, s23  }
0x1f5: {  	[hbm4b:s28+s4] =	stream.linear.scatter [tilespmem:s31], [sflag:$0x5], $0x1000, $0x38;
	[tilespmem:$0x1BB20] =	vst v63  }
0x1f6: {  	p0 =	sge.u32 s10, s9  }
0x1f7: {  	s10 =	sshll.u32 @!p0 s10, $0x5  }
0x1f8: {  	s10 =	sor.u32 @!p0 s6, s10  }
0x1f9: {  	_ =	swait.ge [sflag:s18], $0x1000;
	s11 =	sshll.u32 @!p0 s10, $0x4  }
0x1fa: {  	[sflag:s18] =	ssyncset.done $0x0;
	s11 =	sand.u32 @!p0 $0x1FFFFDF0, s11  }
0x1fb: {  	s13 =	simm.s32 @!p0 $0x0;
	[sflag:s18] =	ssyncadd.s32 $0xFFFFF000;
	s12 =	sadd.s32 @!p0 s1, s11  }
0x1fc: {  	[tilespmem:s13], [sflag:$0x5] =	stream.linear.gather @!p0 [hbm4b:s12+s13], $0x80, $0x38;
	[tilespmem:$0x1BB20] =	vst v63  }
0x1fd: {  	s12 =	simm.s32 @!p0 $0x5  }
0x1fe: {  	_ =	swait.ge @!p0 [sflag:s12], $0x80  }
0x1ff: {  	[sflag:s12] =	ssyncset.done @!p0 $0x0  }
0x200: {  	s14 =	simm.s32 @!p0 $0x100;
	s11 =	sadd.s32 @!p0 s3, s11;
	[sflag:s12] =	ssyncadd.s32 @!p0 $0xFFFFFF80  }
0x201: {  	[tilespmem:s14], [sflag:$0x5] =	stream.linear.gather @!p0 [hbm4b:s11+s13], $0x80, $0x38;
	[tilespmem:$0x1BB20] =	vst v63  }
0x202: {  	s10 =	smul.u32 @!p0 $0x90, s10;
	_ =	swait.ge @!p0 [sflag:s12], $0x80  }
0x203: {  	[sflag:s12] =	ssyncset.done @!p0 $0x0  }
0x204: {  	s10 =	sadd.s32 @!p0 s7, s10;
	s11 =	simm.s32 @!p0 $0x200;
	[sflag:s12] =	ssyncadd.s32 @!p0 $0xFFFFFF80  }
0x205: {  	[tilespmem:s11], [sflag:$0x5] =	stream.linear.gather @!p0 [hbm4b:s10+s13], $0x480, $0x38;
	[tilespmem:$0x1BB20] =	vst v63  }
0x206: {  	_ =	swait.ge @!p0 [sflag:s12], $0x480  }
0x207: {  	[sflag:s12] =	ssyncset.done @!p0 $0x0  }
0x208: {  	s10 =	simm.s32 @!p0 $0x80;
	s11 =	simm.s32 @!p0 $0xB20;
	[sflag:s12] =	ssyncadd.s32 @!p0 $0xFFFFFB80  }
0x209: {  	[tilespmem:s11], [sflag:$0x1] =	stream.indirect.gather @!p0 [hbm4b:s5+s10], $0x180, s13, s10, $0xb8;
	[tilespmem:$0x1BB20] =	vst v63  }
0x20a: {  	s11 =	simm.s32 @!p0 $0x18B20  }
0x20b: {  	[tilespmem:s11], [sflag:$0x3] =	stream.indirect.gather @!p0 [hbm4b:s8+s10], $0x20, s14, s10, $0xb8;
	[tilespmem:$0x1BB20] =	vst v63  }
.LBB2_6:
0x20c: {  	s25 =	sor.u32 $0x1, s23  }
0x20d: {  	p0 =	sge.u32 s25, s9  }
.Ltmp6:
0x20e: {  	_ = 	snop;
	(pc) =	sbr.rel @p0 .LBB2_10-.Ltmp6, $1  }
0x20f: {  	_ =	sdelay $0x3  }
0x210: {  	_ =	swait.ge [sflag:s0], $0xC000  }
0x211: {  	[sflag:s0] =	ssyncset.done $0x0  }
0x212: {  	[sflag:s0] =	ssyncadd.s32 $0xFFFF4000  }
0x213: {  	_ =	swait.ge [sflag:s2], $0x1000  }
0x214: {  	[sflag:s2] =	ssyncset.done $0x0  }
0x215: {  	s10 =	simm.s32 $0xCE20;
	[sflag:s2] =	ssyncadd.s32 $0xFFFFF000  }
0x216: {  	s11 =	simm.s32 $0x6A2;
	v0 =	vld [tilespmem:s10+$0x180]  }
0x217: {  	v2 =	vld [tilespmem:s11+$0x9]  }
0x218: {  	v1 =	vld [tilespmem:s10+$0x190]  }
0x219: {  	v3 =	vld [tilespmem:s10+$0x1A0]  }
0x21a: {  	v4 =	vld [tilespmem:s10+$0x1B0]  }
0x21b: {  	v5 =	vld [tilespmem:s10+$0x1C0]  }
0x21c: {  	v6 =	vld [tilespmem:s10+$0x1D0]  }
0x21d: {  	v7 =	vld [tilespmem:s10+$0x1E0]  }
0x21e: {  	v8 =	vld [tilespmem:s10+$0x1F0]  }
0x21f: {  	v9 =	vld [tilespmem:s10+$0x200]  }
0x220: {  	v11 =	vld [tilespmem:s10+$0x210];
	v10 =	vbroadcast v2, $0x0  }
0x221: {  	v14 =	vld [tilespmem:s10+$0x220];
	v12 =	vbroadcast v2, $0x1;
	v13 =	vbroadcast v2, $0x2  }
0x222: {  	v16 =	vld [tilespmem:s10+$0x250];
	v0 =	vmul.f32 v10, v0;
	v1 =	vmul.f32 v1, v10  }
0x223: {  	v19 =	vld [tilespmem:s10+$0x20];
	v3 =	vmul.f32 v3, v12;
	v4 =	vmul.f32 v4, v12  }
0x224: {  	v23 =	vld [tilespmem:s10+$0xFFFFFD40];
	v15 =	vbroadcast v2, $0x3;
	v5 =	vmul.f32 v5, v13  }
0x225: {  	v25 =	vld [tilespmem:s10+$0xFFFFFED0];
	v0 =	vadd.f32 v3, v0;
	v1 =	vadd.f32 v4, v1;
	v3 =	vmul.f32 v6, v13  }
0x226: {  	v10 =	vld [tilespmem:s10+$0x230];
	v6 =	vmul.f32 v7, v15;
	v7 =	vbroadcast v2, $0x4  }
0x227: {  	v12 =	vld [tilespmem:s10+$0x240];
	v0 =	vadd.f32 v5, v0;
	v1 =	vadd.f32 v3, v1;
	v3 =	vmul.f32 v8, v15  }
0x228: {  	v4 =	vld [tilespmem:s10+$0x260];
	v8 =	vmul.f32 v9, v7;
	v9 =	vbroadcast v2, $0x5  }
0x229: {  	v13 =	vld [tilespmem:s10+$0x270];
	v0 =	vadd.f32 v6, v0;
	v6 =	vmul.f32 v11, v7  }
0x22a: {  	v5 =	vld [tilespmem:s10+$0x280];
	v3 =	vadd.f32 v3, v1;
	v7 =	vmul.f32 v14, v9;
	v14 =	vbroadcast v2, $0x6  }
0x22b: {  	v15 =	vld [tilespmem:s10+$0x290];
	v0 =	vadd.f32 v8, v0  }
0x22c: {  	v11 =	vld [tilespmem:s11+$0xFFFFFFF7];
	v3 =	vadd.f32 v6, v3;
	v6 =	vmul.f32 v10, v9;
	v9 =	vmul.f32 v12, v14  }
0x22d: {  	v29 =	vld [tilespmem:s10+$0x50];
	v10 =	vbroadcast v2, $0x7;
	v2 =	vbroadcast v2, $0x8  }
0x22e: {  	v1 =	vld [tilespmem:s11+$0x0];
	v0 =	vadd.f32 v7, v0;
	v3 =	vadd.f32 v6, v3;
	v6 =	vmul.f32 v16, v14  }
0x22f: {  	v31 =	vld [tilespmem:s10+$0xFFFFFD70];
	v4 =	vmul.f32 v4, v10;
	v5 =	vmul.f32 v5, v2  }
0x230: {  	v33 =	vld [tilespmem:s10+$0xFFFFFEE0];
	v0 =	vadd.f32 v9, v0;
	v3 =	vadd.f32 v6, v3;
	v6 =	vmul.f32 v13, v10  }
0x231: {  	v8 =	vld [tilespmem:s11+$0xFFFFFFEE];
	v2 =	vmul.f32 v15, v2;
	v17 =	vbroadcast v11, $0x0  }
0x232: {  	v12 =	vld [tilespmem:s10+$0xFFFFFD00];
	v20 =	vbroadcast v11, $0x1;
	v0 =	vadd.f32 v4, v0;
	v3 =	vadd.f32 v6, v3  }
0x233: {  	v14 =	vld [tilespmem:s10+$0xFFFFFD10];
	v21 =	vbroadcast v1, $0x0;
	v24 =	vbroadcast v1, $0x1  }
0x234: {  	v16 =	vld [tilespmem:s10+$0xFFFFFD20];
	v26 =	vbroadcast v11, $0x2;
	v0 =	vadd.f32 v5, v0;
	v7 =	vadd.f32 v2, v3  }
0x235: {  	v27 =	vbroadcast v1, $0x2;
	v30 =	vbroadcast v11, $0x3;
	v9 =	vld [tilespmem:s10+$0xFFFFFD30]  }
0x236: {  	v10 =	vld [tilespmem:s10+$0xFFFFFE80];
	v5 =	vmul.f32 v0, v0;
	v13 =	vmul.f32 v7, v7  }
0x237: {  	v18 =	vbroadcast v8, $0x0;
	v22 =	vbroadcast v8, $0x1;
	v4 =	vld [tilespmem:s10+$0xFFFFFE90]  }
0x238: {  	v28 =	vbroadcast v8, $0x3;
	v32 =	vbroadcast v8, $0x4;
	v6 =	vld [tilespmem:s10+$0xFFFFFEA0];
	v5 =	vadd.f32 v13, v5  }
0x239: {  	v15 =	vld [tilespmem:s10+$0x10];
	v35 =	vbroadcast v8, $0x5;
	v12 =	vmul.f32 v18, v12  }
0x23a: {  	v14 =	vmul.f32 v14, v18;
	v16 =	vmul.f32 v16, v22;
	v2 =	vld [tilespmem:s10+$0xFFFFFEB0];
	(xrf2) =	vadd.scan.msk.f32 $0xffff, v5  }
0x23b: {  	v3 =	vld [tilespmem:s10+$0x0];
	v9 =	vmul.f32 v9, v22;
	v22 =	vbroadcast v8, $0x2  }
0x23c: {  	v18 =	vld [tilespmem:s10+$0xFFFFFEC0];
	v10 =	vmul.f32 v17, v10;
	v12 =	vadd.f32 v16, v12;
	v16 =	vbroadcast v1, $0x3  }
0x23d: {  	v4 =	vmul.f32 v4, v17;
	v17 =	vld [tilespmem:s10+$0x40];
	v6 =	vmul.f32 v6, v20  }
0x23e: {  	v9 =	vadd.f32 v9, v14;
	v14 =	vmul.f32 v15, v21;
	v15 =	vbroadcast v11, $0x4;
	v13 =	vld [tilespmem:s10+$0x30]  }
0x23f: {  	v23 =	vmul.f32 v23, v22;
	v2 =	vmul.f32 v2, v20;
	v5 =	vld [tilespmem:s10+$0xFFFFFD50]  }
0x240: {  	v20 =	vld [tilespmem:s10+$0xFFFFFD60];
	v3 =	vmul.f32 v21, v3;
	v6 =	vadd.f32 v6, v10;
	v10 =	vmul.f32 v19, v24  }
0x241: {  	v34 =	vld [tilespmem:s10+$0x70];
	v18 =	vmul.f32 v18, v26;
	v12 =	vadd.f32 v23, v12;
	v23 =	vbroadcast v1, $0x5  }
0x242: {  	v36 =	vld [tilespmem:s10+$0x80];
	v2 =	vadd.f32 v2, v4;
	v4 =	vbroadcast v1, $0x4;
	v3 =	vadd.f32 v10, v3  }
0x243: {  	v61 =	vld [tilespmem:s10+$0xFFFFFDB0];
	v6 =	vadd.f32 v18, v6;
	v18 =	vbroadcast v11, $0x6;
	v17 =	vmul.f32 v17, v27  }
0x244: {  	v21 =	vld [tilespmem:s10+$0xFFFFFEF0];
	v13 =	vmul.f32 v13, v24;
	v5 =	vmul.f32 v5, v22;
	v24, _, _ =	vpop (xrf2)  }
0x245: {  	v37 =	vld [tilespmem:s10+$0xFFFFFF30];
	v20 =	vmul.f32 v20, v28;
	v3 =	vadd.f32 v17, v3;
	(v2sf) =	vpush v24, $0xF  }
0x246: {  	v10 =	vld [tilespmem:s10+$0xFFFFFD80];
	v17 =	vbroadcast v1, $0x6;
	v5 =	vadd.f32 v5, v9;
	v9 =	vmul.f32 v25, v26  }
0x247: {  	v19 =	vld [tilespmem:s10+$0x60];
	v28 =	vmul.f32 v31, v28;
	v31 =	vbroadcast v8, $0x7  }
0x248: {  	v13 =	vadd.f32 v13, v14;
	v14 =	vld [tilespmem:s10+$0xFFFFFD90];
	v2 =	vadd.f32 v9, v2;
	v9 =	vmul.f32 v29, v27  }
0x249: {  	v21 =	vmul.f32 v21, v30;
	v22 =	vbroadcast v11, $0x5;
	v12 =	vadd.f32 v20, v12;
	v26 =	vld [tilespmem:s10+$0xFFFFFF10]  }
0x24a: {  	v20 =	vbroadcast v11, $0x7;
	v24 =	vld [tilespmem:s10+$0xFFFFFF00];
	v9 =	vadd.f32 v9, v13;
	v13 =	vmul.f32 v33, v30  }
0x24b: {  	v11 =	vbroadcast v11, $0x8;
	v10 =	vmul.f32 v10, v32;
	v2 =	vadd.f32 v21, v2;
	v21 =	vld [tilespmem:s10+$0xB0]  }
0x24c: {  	v25 =	vbroadcast v8, $0x6;
	v27 =	vld [tilespmem:s10+$0x90];
	v6 =	vadd.f32 v13, v6;
	v13 =	vmul.f32 v19, v16  }
0x24d: {  	v8 =	vbroadcast v8, $0x8;
	v5 =	vadd.f32 v28, v5;
	v28 =	vbroadcast v1, $0x7;
	v30 =	vld [tilespmem:s10+$0xFFFFFF20]  }
0x24e: {  	v29 =	vld [tilespmem:s10+$0xFFFFFDA0];
	v1 =	vbroadcast v1, $0x8;
	v3 =	vadd.f32 v13, v3;
	v13 =	vmul.f32 v14, v32  }
0x24f: {  	v10 =	vadd.f32 v10, v12;
	v19 =	vld [tilespmem:s10+$0xA0];
	v16 =	vmul.f32 v34, v16;
	v12 =	vmul.f32 v24, v15  }
0x250: {  	v14 =	vld [tilespmem:s10+$0xFFFFFDC0];
	v21 =	vmul.f32 v21, v23;
	v5 =	vadd.f32 v13, v5;
	v13 =	vmul.f32 v26, v15  }
0x251: {  	v9 =	vadd.f32 v16, v9;
	v16 =	vld [tilespmem:s10+$0xFFFFFDD0];
	v15 =	vmul.f32 v36, v4;
	v4 =	vmul.f32 v27, v4  }
0x252: {  	v62 =	vld [tilespmem:s10+$0xFFFFFF60];
	v27 =	vmul.f32 v30, v22;
	v22 =	vmul.f32 v37, v22  }
0x253: {  	v24 =	vld [tilespmem:s10+$0xFFFFFF40];
	v6 =	vadd.f32 v12, v6;
	v12 =	vmul.f32 v29, v35;
	v2 =	vadd.f32 v13, v2  }
0x254: {  	v26 =	vld [tilespmem:s10+$0xFFFFFF50];
	v19 =	vmul.f32 v19, v23;
	v3 =	vadd.f32 v15, v3;
	v4 =	vadd.f32 v4, v9;
	s14 =	spop (v2sf)  }
0x255: {  	v13 =	vmul.f32 v61, v35;
	v15 =	vld [tilespmem:s10+$0xC0];
	v9 =	vadd.f32 v12, v10;
	v6 =	vadd.f32 v27, v6;
	s11 =	smax.f32 s14, $1.000000020e-24  }
0x256: {  	v12 =	vld [tilespmem:s10+$0xD0];
	v14 =	vmul.f32 v14, v25;
	v16 =	vmul.f32 v16, v25;
	v10 =	vmov s11  }
0x257: {  	v5 =	vadd.f32 v13, v5;
	v29 =	vshra.s32 v10, $0x1;
	v30 =	vmul.f32 $5.000000000e-01, v10;
	v10 =	vld [tilespmem:s10+$0xFFFFFDE0]  }
0x258: {  	v2 =	vadd.f32 v22, v2;
	v3 =	vadd.f32 v19, v3;
	v13 =	vsub.s32 $0x5F3759DF, v29;
	v29 =	vld [tilespmem:s10+$0xFFFFFDF0]  }
0x259: {  	v23 =	vld [tilespmem:s10+$0xFFFFFE00];
	v4 =	vadd.f32 v21, v4;
	v9 =	vadd.f32 v14, v9;
	v14 =	vmul.f32 v24, v18  }
0x25a: {  	v21 =	vld [tilespmem:s10+$0xFFFFFE10];
	v5 =	vadd.f32 v16, v5;
	v16 =	vmul.f32 v26, v18;
	v27 =	vmul.f32 v13, v30  }
0x25b: {  	v22 =	vld [tilespmem:s10+$0xFFFFFF70];
	v6 =	vadd.f32 v14, v6;
	v14 =	vmul.f32 v15, v17;
	v12 =	vmul.f32 v12, v17  }
0x25c: {  	v15 =	vld [tilespmem:s10+$0xF0];
	v2 =	vadd.f32 v16, v2;
	v19 =	vmul.f32 v13, v27;
	v10 =	vmul.f32 v10, v31  }
0x25d: {  	v17 =	vld [tilespmem:s10+$0xFFFFFF80];
	v3 =	vadd.f32 v14, v3;
	v4 =	vadd.f32 v12, v4;
	v16 =	vmul.f32 v29, v31  }
0x25e: {  	v14 =	vmul.f32 v23, v8;
	v18 =	vsub.f32 $1.500000000e+00, v19;
	v19 =	vld [tilespmem:s10+$0xE0];
	v9 =	vadd.f32 v10, v9  }
0x25f: {  	v12 =	vmul.f32 v62, v20;
	v10 =	vld [tilespmem:s10+$0xFFFFFF90];
	v5 =	vadd.f32 v16, v5;
	v16 =	vmul.f32 v21, v8  }
0x260: {  	v13 =	vmul.f32 v13, v18;
	v18 =	vmul.f32 v22, v20;
	v20 =	vld [tilespmem:s10+$0x100];
	v8 =	vadd.f32 v14, v9  }
0x261: {  	v21 =	vld [tilespmem:s10+$0x110];
	v9 =	vadd.f32 v16, v5;
	v5 =	vadd.f32 v12, v6;
	v6 =	vmul.f32 v15, v28  }
0x262: {  	v12 =	vmul.f32 v17, v11;
	v16 =	vmul.f32 v13, v30  }
0x263: {  	v2 =	vadd.f32 v18, v2;
	v19 =	vmul.f32 v19, v28;
	v14 =	vmul.f32 v8, v8  }
0x264: {  	v15 =	vmul.f32 v9, v9;
	v4 =	vadd.f32 v6, v4;
	v6 =	vmul.f32 v10, v11  }
0x265: {  	v11 =	vadd.f32 v12, v5;
	v3 =	vadd.f32 v19, v3;
	v12 =	vmul.f32 v20, v1  }
0x266: {  	v1 =	vmul.f32 v21, v1;
	v5 =	vadd.f32 v15, v14;
	v10 =	vadd.f32 v6, v2  }
0x267: {  	v2 =	vmul.f32 v16, v13;
	v14 =	vmul.f32 v11, v11  }
0x268: {  	v12 =	vadd.f32 v12, v3;
	v6 =	vadd.f32 v1, v4;
	(xrf2) =	vadd.scan.msk.f32 $0xffff, v5;
	v3 =	vmul.f32 v10, v10  }
0x269: {  	v1 =	vsub.f32 $1.500000000e+00, v2  }
0x26a: {  	v2 =	vmul.f32 v12, v12;
	v4 =	vmul.f32 v6, v6;
	v3 =	vadd.f32 v3, v14  }
0x26b: {  	s15 =	simm.s32 $0xD420;
	v1 =	vmul.f32 v1, v13  }
0x26c: {  	v24 =	vld [tilespmem:s15+$0x290];
	v2 =	vadd.f32 v4, v2;
	(xrf2) =	vadd.scan.msk.f32 $0xffff, v3  }
0x26d: {  	s12 =	simm.s32 $0x6C6;
	v15 =	vld [tilespmem:s15+$0x1A0];
	v3 =	vmul.f32 v1, v30  }
0x26e: {  	(xrf2) =	vadd.scan.msk.f32 $0xffff, v2;
	v2 =	vld [tilespmem:s12+$0x9]  }
0x26f: {  	v5 =	vld [tilespmem:s15+$0x190];
	v3 =	vmul.f32 v3, v1  }
0x270: {  	v4 =	vld [tilespmem:s15+$0x180]  }
0x271: {  	v16 =	vld [tilespmem:s15+$0x1B0];
	v3 =	vsub.f32 $1.500000000e+00, v3  }
0x272: {  	v17 =	vld [tilespmem:s15+$0x1C0];
	v13, _, _ =	vpop (xrf2)  }
0x273: {  	(v2sf) =	vpush v13, $0xF;
	v13 =	vmul.f32 v3, v1;
	v1 =	vbroadcast v2, $0x0;
	v3 =	vld [tilespmem:s15+$0x1D0]  }
0x274: {  	v20 =	vld [tilespmem:s15+$0x1E0];
	v18 =	vbroadcast v2, $0x1;
	v19 =	vbroadcast v2, $0x2  }
0x275: {  	v4 =	vmul.f32 v1, v4;
	v1 =	vmul.f32 v5, v1;
	v5 =	vld [tilespmem:s15+$0x1F0]  }
0x276: {  	v15 =	vmul.f32 v15, v18;
	v16 =	vmul.f32 v16, v18;
	v18 =	vld [tilespmem:s15+$0x200];
	v21, _, _ =	vpop (xrf2)  }
0x277: {  	v22 =	vld [tilespmem:s15+$0x210];
	v17 =	vmul.f32 v17, v19;
	(v2sf) =	vpush v21, $0xF;
	v21 =	vbroadcast v2, $0x3  }
0x278: {  	v4 =	vadd.f32 v15, v4;
	v1 =	vadd.f32 v16, v1;
	v15 =	vld [tilespmem:s15+$0x220];
	v3 =	vmul.f32 v3, v19  }
0x279: {  	v19 =	vbroadcast v2, $0x4;
	v16 =	vmul.f32 v20, v21;
	v20 =	vld [tilespmem:s15+$0x230]  }
0x27a: {  	v4 =	vadd.f32 v17, v4;
	v1 =	vadd.f32 v3, v1;
	v3 =	vmul.f32 v5, v21;
	v5 =	vld [tilespmem:s15+$0x240]  }
0x27b: {  	v17 =	vmul.f32 v18, v19;
	v18 =	vbroadcast v2, $0x5;
	v21 =	vld [tilespmem:s15+$0x250]  }
0x27c: {  	v4 =	vadd.f32 v16, v4;
	v16 =	vld [tilespmem:s15+$0x260];
	v1 =	vadd.f32 v3, v1;
	v3 =	vmul.f32 v22, v19  }
0x27d: {  	v19 =	vbroadcast v2, $0x6;
	v22 =	vld [tilespmem:s15+$0x270]  }
0x27e: {  	s10 =	simm.s32 $0x19B60;
	v23, _, _ =	vpop (xrf2);
	v17 =	vadd.f32 v17, v4;
	v4 =	vld [tilespmem:s12+$0xFFFFFFF7];
	v1 =	vadd.f32 v3, v1;
	v3 =	vmul.f32 v20, v18  }
0x27f: {  	v14 =	vld [tilespmem:s10+$0x20];
	v0 =	vmul.f32 v13, v0;
	(v2sf) =	vpush v23, $0xF;
	v15 =	vmul.f32 v15, v18  }
0x280: {  	v23 =	vbroadcast v2, $0x7;
	v18 =	vld [tilespmem:s15+$0x280];
	v1 =	vadd.f32 v3, v1;
	v3 =	vmul.f32 v21, v19  }
0x281: {  	v2 =	vbroadcast v2, $0x8;
	v20 =	vmul.f32 v5, v19;
	v15 =	vadd.f32 v15, v17;
	v5 =	vld [tilespmem:s12+$0x0]  }
0x282: {  	v17 =	vld [tilespmem:s12+$0xFFFFFFEE];
	v16 =	vmul.f32 v16, v23;
	v1 =	vadd.f32 v3, v1;
	v3 =	vmul.f32 v22, v23  }
0x283: {  	v63 =	vld [tilespmem:s15+$0xFFFFFEB0];
	v15 =	vadd.f32 v20, v15;
	v23 =	vbroadcast v4, $0x0;
	v48 =	vbroadcast v4, $0x2  }
0x284: {  	v45 =	vld [tilespmem:s15+$0x0];
	v53 =	vbroadcast v4, $0x4;
	v32 =	vbroadcast v4, $0x5  }
0x285: {  	v46 =	vld [tilespmem:s15+$0x10];
	v18 =	vmul.f32 v18, v2;
	v22 =	vadd.f32 v16, v15;
	v16 =	vmul.f32 v0, v14  }
0x286: {  	v41 =	vld [tilespmem:s15+$0xFFFFFEC0];
	v1 =	vadd.f32 v3, v1;
	v3 =	vmul.f32 v24, v2;
	v28 =	vbroadcast v5, $0x0  }
0x287: {  	v38 =	vld [tilespmem:s15+$0x20];
	v29 =	vbroadcast v17, $0x1;
	v31 =	vbroadcast v5, $0x1  }
0x288: {  	v54 =	vld [tilespmem:s15+$0xFFFFFD60];
	v39 =	vbroadcast v17, $0x3;
	v2 =	vadd.f32 v18, v22;
	v14 =	vadd.f32 v3, v1  }
0x289: {  	v30 =	vld [tilespmem:s15+$0xFFFFFEA0];
	s13 =	spop (v2sf);
	v51 =	vbroadcast v5, $0x3;
	v43 =	vbroadcast v17, $0x5  }
0x28a: {  	v21 =	vld [tilespmem:s15+$0xFFFFFD10];
	s13 =	smax.f32 s13, $1.000000020e-24;
	v25 =	vmul.f32 v2, v2;
	v26 =	vmul.f32 v14, v14  }
0x28b: {  	v20 =	vld [tilespmem:s15+$0xFFFFFD00];
	v19 =	vmov s13;
	v55 =	vmul.f32 v41, v48;
	v37 =	vbroadcast v17, $0x6  }
0x28c: {  	v0 =	vld [tilespmem:s15+$0xFFFFFD20];
	v41 =	vbroadcast v4, $0x7;
	v15 =	vmul.f32 $5.000000000e-01, v19;
	v25 =	vadd.f32 v26, v25  }
0x28d: {  	v24 =	vld [tilespmem:s15+$0xFFFFFD30];
	v18 =	vbroadcast v4, $0x1;
	v1 =	vbroadcast v17, $0x0  }
0x28e: {  	v22 =	vld [tilespmem:s15+$0xFFFFFE90];
	v50 =	vmul.f32 v28, v45;
	v28 =	vmul.f32 v46, v28;
	(xrf2) =	vadd.scan.msk.f32 $0xffff, v25  }
0x28f: {  	s19 =	spop (v2sf);
	v3 =	vld [tilespmem:s15+$0xFFFFFE80];
	v38 =	vmul.f32 v38, v31;
	v30 =	vmul.f32 v30, v18  }
0x290: {  	v19 =	vshra.s32 v19, $0x1;
	s12 =	smax.f32 s19, $1.000000020e-24;
	v18 =	vmul.f32 v63, v18;
	v20 =	vmul.f32 v1, v20  }
0x291: {  	v40 =	vld [tilespmem:s15+$0xFFFFFD40];
	s24 =	spop (v2sf);
	v27 =	vmov s12;
	v21 =	vmul.f32 v21, v1;
	v44 =	vmul.f32 v0, v29  }
0x292: {  	v49 =	vld [tilespmem:s15+$0xFFFFFD50];
	s12 =	smax.f32 s24, $1.000000020e-24;
	v33 =	vadd.f32 v38, v50;
	v38 =	vmul.f32 v54, v39;
	v0 =	vshra.s32 v27, $0x1  }
0x293: {  	v52 =	vld [tilespmem:s15+$0xFFFFFED0];
	v24 =	vmul.f32 v24, v29;
	v29 =	vbroadcast v17, $0x2;
	v26 =	vmov s12  }
0x294: {  	v47 =	vmul.f32 v23, v3;
	v3 =	vsub.s32 $0x5F3759DF, v19;
	v19 =	vmul.f32 v22, v23;
	v23 =	vld [tilespmem:s15+$0x30]  }
0x295: {  	v42 =	vld [tilespmem:s15+$0x40];
	v1 =	vsub.s32 $0x5F3759DF, v0;
	v20 =	vadd.f32 v44, v20;
	v22 =	vbroadcast v5, $0x2  }
0x296: {  	v56 =	vld [tilespmem:s15+$0xFFFFFEE0];
	v21 =	vadd.f32 v24, v21;
	v24 =	vbroadcast v17, $0x4;
	v25 =	vshra.s32 v26, $0x1  }
0x297: {  	v45 =	vld [tilespmem:s15+$0xFFFFFD80];
	v40 =	vmul.f32 v40, v29;
	v29 =	vmul.f32 v49, v29;
	v0 =	vsub.s32 $0x5F3759DF, v25  }
0x298: {  	v57 =	vld [tilespmem:s15+$0xFFFFFEF0];
	v25 =	vbroadcast v4, $0x3;
	v30 =	vadd.f32 v30, v47;
	v18 =	vadd.f32 v18, v19;
	v44, _, _ =	vpop (xrf2)  }
0x299: {  	v20 =	vadd.f32 v40, v20;
	v19 =	vmul.f32 v23, v31;
	v31 =	vld [tilespmem:s15+$0x50];
	(v2sf) =	vpush v44, $0xF  }
0x29a: {  	v59 =	vld [tilespmem:s15+$0x60];
	v21 =	vadd.f32 v29, v21;
	v29 =	vmul.f32 v52, v48;
	v58 =	vmul.f32 v42, v22  }
0x29b: {  	v40 =	vbroadcast v5, $0x6;
	v47 =	vbroadcast v17, $0x8;
	v19 =	vadd.f32 v19, v28;
	v28 =	vld [tilespmem:s15+$0xFFFFFD70]  }
0x29c: {  	v46 =	vld [tilespmem:s15+$0xFFFFFF00];
	v63 =	vmul.f32 v45, v24;
	v48 =	vmul.f32 v3, v15  }
0x29d: {  	v45 =	vld [tilespmem:s15+$0xFFFFFDA0];
	v18 =	vadd.f32 v29, v18;
	v29 =	vbroadcast v4, $0x6;
	v60 =	vmul.f32 v56, v25  }
0x29e: {  	v30 =	vadd.f32 v55, v30;
	v25 =	vmul.f32 v57, v25;
	v55 =	vld [tilespmem:s15+$0xFFFFFF40];
	v22 =	vmul.f32 v31, v22  }
0x29f: {  	v33 =	vadd.f32 v58, v33;
	v4 =	vbroadcast v4, $0x8;
	v52 =	vmul.f32 v3, v48;
	v31 =	vld [tilespmem:s15+$0x70]  }
0x2a0: {  	v23 =	vbroadcast v5, $0x4;
	v28 =	vmul.f32 v28, v39;
	v19 =	vadd.f32 v22, v19;
	v22 =	vld [tilespmem:s15+$0xFFFFFD90]  }
0x2a1: {  	v62 =	vld [tilespmem:s15+$0x80];
	v20 =	vadd.f32 v38, v20;
	v39 =	vbroadcast v17, $0x7;
	v17 =	vmul.f32 v59, v51  }
0x2a2: {  	v30 =	vadd.f32 v60, v30;
	v25 =	vadd.f32 v25, v18;
	v42 =	vmul.f32 v45, v43  }
0x2a3: {  	v61 =	vld [tilespmem:s15+$0xFFFFFF10];
	v60 =	vmul.f32 v55, v29;
	v33 =	vadd.f32 v17, v33;
	v17 =	vmul.f32 $5.000000000e-01, v27  }
0x2a4: {  	v20 =	vadd.f32 v63, v20;
	v27 =	vmul.f32 v46, v53;
	v18 =	vmul.f32 v31, v51;
	v31 =	vld [tilespmem:s15+$0x90]  }
0x2a5: {  	v44 =	vbroadcast v5, $0x5;
	v21 =	vadd.f32 v28, v21;
	v22 =	vmul.f32 v22, v24;
	v24 =	vld [tilespmem:s15+$0xFFFFFDB0]  }
0x2a6: {  	v49 =	vld [tilespmem:s15+$0xFFFFFF30];
	v27 =	vadd.f32 v27, v30;
	v30 =	vmul.f32 v62, v23;
	v50 =	vmul.f32 v1, v17  }
0x2a7: {  	v28 =	vbroadcast v5, $0x7;
	v5 =	vbroadcast v5, $0x8;
	v51 =	vld [tilespmem:s15+$0xA0];
	v19 =	vadd.f32 v18, v19  }
0x2a8: {  	v18 =	vmul.f32 $5.000000000e-01, v26;
	v26 =	vld [tilespmem:s15+$0xFFFFFF20];
	v30 =	vadd.f32 v30, v33;
	v36 =	vmul.f32 v1, v50;
	s26 =	spop (v2sf)  }
0x2a9: {  	v57 =	vld [tilespmem:s15+$0xFFFFFF50];
	v33 =	vsub.f32 $1.500000000e+00, v52;
	v21 =	vadd.f32 v22, v21;
	v23 =	vmul.f32 v31, v23;
	s12 =	smax.f32 s26, $1.000000020e-24  }
0x2aa: {  	v22 =	vmul.f32 v61, v53;
	v31 =	vld [tilespmem:s15+$0xB0];
	v24 =	vmul.f32 v24, v43;
	v54 =	vmov s12  }
0x2ab: {  	v19 =	vadd.f32 v23, v19;
	v23 =	vld [tilespmem:s15+$0xFFFFFDD0];
	v56 =	vshra.s32 v54, $0x1;
	v43 =	vmul.f32 $5.000000000e-01, v54  }
0x2ac: {  	v59 =	vld [tilespmem:s15+$0xFFFFFDE0];
	v38 =	vmul.f32 v51, v44;
	v33 =	vmul.f32 v3, v33;
	v46 =	vsub.s32 $0x5F3759DF, v56  }
0x2ad: {  	v20 =	vadd.f32 v42, v20;
	v53 =	vld [tilespmem:s15+$0xFFFFFDC0];
	v26 =	vmul.f32 v26, v32;
	v58 =	vmul.f32 v46, v43  }
0x2ae: {  	v22 =	vadd.f32 v22, v25;
	v25 =	vmul.f32 v0, v18;
	v21 =	vadd.f32 v24, v21;
	v24 =	vld [tilespmem:s15+$0xC0]  }
0x2af: {  	v26 =	vadd.f32 v26, v27;
	v27 =	vmul.f32 v31, v44;
	v31 =	vld [tilespmem:s15+$0xD0];
	v35 =	vmul.f32 v46, v58  }
0x2b0: {  	v62 =	vld [tilespmem:s15+$0xE0];
	v36 =	vsub.f32 $1.500000000e+00, v36;
	v32 =	vmul.f32 v49, v32;
	v23 =	vmul.f32 v23, v37  }
0x2b1: {  	v25 =	vmul.f32 v0, v25;
	v19 =	vadd.f32 v27, v19;
	v27 =	vld [tilespmem:s15+$0xFFFFFDF0];
	v35 =	vsub.f32 $1.500000000e+00, v35  }
0x2b2: {  	v61 =	vld [tilespmem:s15+$0xFFFFFF60];
	v22 =	vadd.f32 v32, v22;
	v21 =	vadd.f32 v23, v21;
	v23 =	vmul.f32 v57, v29  }
0x2b3: {  	v30 =	vadd.f32 v38, v30;
	v29 =	vld [tilespmem:s15+$0xFFFFFF70];
	v24 =	vmul.f32 v24, v40;
	v35 =	vmul.f32 v46, v35  }
0x2b4: {  	v34 =	vmul.f32 v53, v37;
	v22 =	vadd.f32 v23, v22;
	v23 =	vmul.f32 v31, v40;
	v31 =	vld [tilespmem:s15+$0xF0]  }
0x2b5: {  	v32 =	vmul.f32 v59, v39;
	v24 =	vadd.f32 v24, v30;
	v30 =	vld [tilespmem:s15+$0xFFFFFE00];
	v63 =	vmul.f32 v35, v43  }
0x2b6: {  	v25 =	vsub.f32 $1.500000000e+00, v25;
	v27 =	vmul.f32 v27, v39;
	v19 =	vadd.f32 v23, v19;
	v23 =	vld [tilespmem:s15+$0xFFFFFE10]  }
0x2b7: {  	v44 =	vmul.f32 v1, v36;
	v20 =	vadd.f32 v34, v20;
	v38 =	vmul.f32 v63, v35  }
0x2b8: {  	v26 =	vadd.f32 v60, v26;
	v21 =	vadd.f32 v27, v21;
	v27 =	vmul.f32 v29, v41;
	v29 =	vld [tilespmem:s15+$0xFFFFFF90]  }
0x2b9: {  	v42 =	vld [tilespmem:s15+$0xFFFFFF80];
	v34 =	vmul.f32 v62, v28;
	v40 =	vmul.f32 v61, v41;
	v3 =	vsub.f32 $1.500000000e+00, v38  }
0x2ba: {  	v20 =	vadd.f32 v32, v20;
	v28 =	vmul.f32 v31, v28;
	v30 =	vmul.f32 v30, v47  }
0x2bb: {  	v26 =	vadd.f32 v40, v26;
	v31 =	vld [tilespmem:s15+$0x100];
	v1 =	vmul.f32 v23, v47;
	v35 =	vmul.f32 v3, v35  }
0x2bc: {  	v22 =	vadd.f32 v27, v22;
	v27 =	vld [tilespmem:s15+$0x110];
	v23 =	vadd.f32 v34, v24;
	v24 =	vmul.f32 v0, v25  }
0x2bd: {  	v0 =	vadd.f32 v1, v21;
	v1 =	vmul.f32 v29, v4;
	v25 =	vmul.f32 v35, v43  }
0x2be: {  	v29 =	vmul.f32 v33, v15;
	v3 =	vadd.f32 v30, v20;
	v20 =	vmul.f32 v42, v4  }
0x2bf: {  	v19 =	vadd.f32 v28, v19;
	v30 =	vmul.f32 v44, v17;
	v25 =	vmul.f32 v25, v35  }
0x2c0: {  	v21 =	vmul.f32 v3, v3;
	v4 =	vadd.f32 v20, v26;
	v20 =	vmul.f32 v31, v5  }
0x2c1: {  	s26 =	simm.s32 $0x19BE0;
	v26 =	vmul.f32 v27, v5;
	v27 =	vmul.f32 v0, v0;
	v25 =	vsub.f32 $1.500000000e+00, v25  }
0x2c2: {  	v1 =	vadd.f32 v1, v22;
	v22 =	vld [tilespmem:s26+$0x20];
	v31 =	vmul.f32 v24, v18;
	v28 =	vmul.f32 v4, v4  }
0x2c3: {  	v5 =	vadd.f32 v20, v23;
	v23 =	vmul.f32 v29, v33;
	v20 =	vmul.f32 v25, v35  }
0x2c4: {  	v21 =	vadd.f32 v27, v21;
	v27 =	vmul.f32 v31, v24;
	v25 =	vmul.f32 v30, v44  }
0x2c5: {  	v29 =	vmul.f32 v1, v1;
	v23 =	vsub.f32 $1.500000000e+00, v23;
	v30 =	vmul.f32 v20, v2  }
0x2c6: {  	v31 =	vmul.f32 v5, v5;
	(xrf2) =	vadd.scan.msk.f32 $0xffff, v21;
	v21 =	vsub.f32 $1.500000000e+00, v25;
	v25 =	vsub.f32 $1.500000000e+00, v27  }
0x2c7: {  	s19 =	simm.s32 $0x1AB60;
	v2 =	vadd.f32 v26, v19;
	v19 =	vmul.f32 v30, v22;
	v22 =	vmul.f32 v23, v33  }
0x2c8: {  	s28 =	simm.s32 $0x1ABE0;
	[tilespmem:s19+$0x20] =	vst v16;
	v16 =	vmul.f32 v21, v44;
	v21 =	vmul.f32 v25, v24  }
0x2c9: {  	v23 =	vld [tilespmem:s10+$0x30];
	v24 =	vmul.f32 v2, v2;
	[tilespmem:s28+$0x20] =	vst v19;
	v15 =	vmul.f32 v22, v15  }
0x2ca: {  	v19 =	vadd.f32 v29, v28;
	v17 =	vmul.f32 v16, v17;
	v18 =	vmul.f32 v21, v18;
	v25 =	vld [tilespmem:s26+$0x30]  }
0x2cb: {  	v7 =	vmul.f32 v13, v7;
	v13 =	vadd.f32 v24, v31;
	v15 =	vmul.f32 v15, v22  }
0x2cc: {  	v24 =	vld [tilespmem:s10+$0xFFFFFFC0];
	(xrf2) =	vadd.scan.msk.f32 $0xffff, v19;
	v17 =	vmul.f32 v17, v16;
	v18 =	vmul.f32 v18, v21  }
0x2cd: {  	s24 =	simm.s32 $0x6EA;
	v14 =	vmul.f32 v20, v14;
	v19 =	vld [tilespmem:s10+$0xFFFFFFE0];
	(xrf2) =	vadd.scan.msk.f32 $0xffff, v13;
	v15 =	vsub.f32 $1.500000000e+00, v15  }
0x2ce: {  	s11 =	simm.s32 $0xDA20;
	v13 =	vmul.f32 v7, v23;
	v23 =	vld [tilespmem:s24+$0x9];
	v17 =	vsub.f32 $1.500000000e+00, v17;
	v18 =	vsub.f32 $1.500000000e+00, v18  }
0x2cf: {  	v7 =	vld [tilespmem:s11+$0x180];
	v14 =	vmul.f32 v14, v25;
	v20 =	vmul.f32 v15, v22  }
0x2d0: {  	v25 =	vld [tilespmem:s11+$0x190];
	v17 =	vmul.f32 v17, v16;
	v15 =	vmul.f32 v18, v21  }
0x2d1: {  	v18 =	vld [tilespmem:s11+$0x1A0];
	v21 =	vmul.f32 v20, v8;
	v16 =	vmul.f32 v20, v9  }
0x2d2: {  	v22, _, _ =	vpop (xrf2);
	v20 =	vld [tilespmem:s11+$0x1B0];
	v9 =	vmul.f32 v17, v11;
	v8 =	vmul.f32 v15, v12  }
0x2d3: {  	(v2sf) =	vpush v22, $0xF;
	v12 =	vld [tilespmem:s11+$0x1C0];
	v10 =	vmul.f32 v17, v10;
	v17 =	vbroadcast v23, $0x0  }
0x2d4: {  	v22 =	vbroadcast v23, $0x2;
	v11 =	vmul.f32 v21, v24;
	v21 =	vld [tilespmem:s11+$0x1D0]  }
0x2d5: {  	v9 =	vmul.f32 v9, v19;
	v19 =	vbroadcast v23, $0x1;
	v24 =	vld [tilespmem:s11+$0x1E0]  }
0x2d6: {  	v27 =	vld [tilespmem:s11+$0x210];
	v7 =	vmul.f32 v17, v7;
	v17 =	vmul.f32 v25, v17;
	v26, _, _ =	vpop (xrf2)  }
0x2d7: {  	v25 =	vld [tilespmem:s11+$0x1F0];
	v18 =	vmul.f32 v18, v19;
	(v2sf) =	vpush v26, $0xF;
	v26, _, _ =	vpop (xrf2);
	v19 =	vmul.f32 v20, v19  }
0x2d8: {  	v20 =	vld [tilespmem:s11+$0x200];
	v12 =	vmul.f32 v12, v22;
	(v2sf) =	vpush v26, $0xF;
	v26 =	vbroadcast v23, $0x3  }
0x2d9: {  	v7 =	vadd.f32 v18, v7;
	v17 =	vadd.f32 v19, v17;
	v18 =	vmul.f32 v21, v22;
	v19 =	vld [tilespmem:s11+$0x220]  }
0x2da: {  	v21 =	vmul.f32 v24, v26;
	v24 =	vld [tilespmem:s11+$0x230]  }
0x2db: {  	v22 =	vbroadcast v23, $0x4;
	v7 =	vadd.f32 v12, v7;
	v12 =	vadd.f32 v18, v17;
	v18 =	vld [tilespmem:s11+$0x240]  }
0x2dc: {  	v17 =	vmul.f32 v25, v26;
	v26 =	vld [tilespmem:s11+$0x250]  }
0x2dd: {  	v25 =	vbroadcast v23, $0x5;
	v20 =	vmul.f32 v20, v22;
	v7 =	vadd.f32 v21, v7;
	v21 =	vld [tilespmem:s24+$0xFFFFFFF7]  }
0x2de: {  	v55 =	vld [tilespmem:s11+$0x10];
	v12 =	vadd.f32 v17, v12;
	v17 =	vmul.f32 v27, v22  }
0x2df: {  	v22 =	vld [tilespmem:s11+$0x260];
	v27 =	vbroadcast v23, $0x6;
	v19 =	vmul.f32 v19, v25;
	v7 =	vadd.f32 v20, v7  }
0x2e0: {  	v28 =	vld [tilespmem:s11+$0x270];
	v12 =	vadd.f32 v17, v12;
	v17 =	vmul.f32 v24, v25;
	v25 =	vbroadcast v23, $0x7  }
0x2e1: {  	v24 =	vld [tilespmem:s11+$0x280];
	v23 =	vbroadcast v23, $0x8;
	v18 =	vmul.f32 v18, v27;
	v7 =	vadd.f32 v19, v7  }
0x2e2: {  	v29 =	vld [tilespmem:s11+$0x290];
	s13 =	spop (v2sf);
	v12 =	vadd.f32 v17, v12;
	v17 =	vmul.f32 v26, v27;
	v54 =	vbroadcast v21, $0x2  }
0x2e3: {  	v20 =	vld [tilespmem:s24+$0x0];
	s12 =	smax.f32 s13, $1.000000020e-24;
	v39 =	vbroadcast v21, $0x3;
	v43 =	vbroadcast v21, $0x4  }
0x2e4: {  	v52 =	vld [tilespmem:s11+$0x0];
	v19 =	vmov s12;
	v22 =	vmul.f32 v22, v25;
	v7 =	vadd.f32 v18, v7  }
0x2e5: {  	v26 =	vld [tilespmem:s24+$0xFFFFFFEE];
	v18 =	vmul.f32 v28, v25;
	v28 =	vbroadcast v21, $0x0;
	v17 =	vadd.f32 v17, v12  }
0x2e6: {  	v62 =	vld [tilespmem:s11+$0x40];
	v12 =	vmul.f32 $5.000000000e-01, v19;
	v24 =	vmul.f32 v24, v23  }
0x2e7: {  	v27 =	vld [tilespmem:s11+$0xFFFFFD10];
	v7 =	vadd.f32 v22, v7;
	v17 =	vadd.f32 v18, v17;
	v18 =	vmul.f32 v29, v23  }
0x2e8: {  	v25 =	vld [tilespmem:s11+$0xFFFFFD00];
	v31 =	vbroadcast v20, $0x0;
	v49 =	vbroadcast v20, $0x1  }
0x2e9: {  	v56 =	vld [tilespmem:s11+$0x20];
	v57 =	vbroadcast v20, $0x2;
	v23 =	vadd.f32 v24, v7;
	v17 =	vadd.f32 v18, v17  }
0x2ea: {  	v48 =	vld [tilespmem:s11+$0xFFFFFEA0];
	v29 =	vbroadcast v21, $0x1;
	v18 =	vbroadcast v26, $0x0  }
0x2eb: {  	v50 =	vld [tilespmem:s11+$0xFFFFFEB0];
	v46 =	vmul.f32 v23, v23;
	v47 =	vmul.f32 v17, v17  }
0x2ec: {  	v59 =	vld [tilespmem:s11+$0xFFFFFD40];
	v40 =	vmul.f32 v31, v52;
	v31 =	vmul.f32 v55, v31  }
0x2ed: {  	v63 =	vld [tilespmem:s11+$0x50];
	v25 =	vmul.f32 v18, v25;
	v27 =	vmul.f32 v27, v18;
	v18 =	vadd.f32 v47, v46  }
0x2ee: {  	v30 =	vld [tilespmem:s11+$0xFFFFFD30];
	v33 =	vmul.f32 v56, v49;
	v38 =	vmul.f32 v62, v57  }
0x2ef: {  	v22 =	vld [tilespmem:s11+$0xFFFFFD20];
	v7 =	vshra.s32 v19, $0x1;
	v19 =	vbroadcast v26, $0x1;
	v35 =	vbroadcast v26, $0x2;
	(xrf2) =	vadd.scan.msk.f32 $0xffff, v18  }
0x2f0: {  	v45 =	vld [tilespmem:s11+$0xFFFFFE90];
	v34 =	vbroadcast v26, $0x3;
	v42 =	vbroadcast v26, $0x6  }
0x2f1: {  	s14 =	spop (v2sf);
	v24 =	vld [tilespmem:s11+$0xFFFFFE80];
	v37 =	vmul.f32 v48, v29;
	v29 =	vmul.f32 v50, v29  }
0x2f2: {  	s12 =	smax.f32 s14, $1.000000020e-24;
	s15 =	spop (v2sf);
	v48 =	vbroadcast v26, $0x5;
	v33 =	vadd.f32 v33, v40;
	v40 =	vmul.f32 v63, v57  }
0x2f3: {  	v58 =	vld [tilespmem:s11+$0x30];
	v32 =	vmov s12;
	s14 =	smax.f32 s15, $1.000000020e-24;
	v30 =	vmul.f32 v30, v19;
	v41 =	vmul.f32 v59, v35  }
0x2f4: {  	v60 =	vld [tilespmem:s11+$0xFFFFFEC0];
	v36 =	vmov s14;
	v22 =	vmul.f32 v22, v19;
	v51 =	vshra.s32 v32, $0x1  }
0x2f5: {  	v61 =	vld [tilespmem:s11+$0xFFFFFED0];
	v19 =	vsub.s32 $0x5F3759DF, v7;
	v33 =	vadd.f32 v38, v33;
	v53 =	vshra.s32 v36, $0x1  }
0x2f6: {  	v24 =	vmul.f32 v28, v24;
	v28 =	vmul.f32 v45, v28;
	v22 =	vadd.f32 v22, v25;
	v25 =	vld [tilespmem:s11+$0xFFFFFD50]  }
0x2f7: {  	v52 =	vld [tilespmem:s11+$0xFFFFFD60];
	v46 =	vbroadcast v20, $0x3;
	v27 =	vadd.f32 v30, v27;
	v30 =	vbroadcast v26, $0x4  }
0x2f8: {  	v55 =	vld [tilespmem:s11+$0xFFFFFEF0];
	v45 =	vbroadcast v20, $0x4;
	v28 =	vadd.f32 v29, v28;
	v29 =	vmul.f32 v58, v49  }
0x2f9: {  	v7 =	vsub.s32 $0x5F3759DF, v53;
	v53 =	vmul.f32 v60, v54;
	v47 =	vbroadcast v20, $0x5;
	v60 =	vld [tilespmem:s11+$0xFFFFFF00];
	v50, _, _ =	vpop (xrf2)  }
0x2fa: {  	v18 =	vsub.s32 $0x5F3759DF, v51;
	v29 =	vadd.f32 v29, v31;
	v31 =	vld [tilespmem:s11+$0xFFFFFD70];
	(v2sf) =	vpush v50, $0xF  }
0x2fb: {  	v57 =	vld [tilespmem:s11+$0x70];
	v24 =	vadd.f32 v37, v24;
	v49 =	vbroadcast v21, $0x5;
	v25 =	vmul.f32 v25, v35  }
0x2fc: {  	v22 =	vadd.f32 v41, v22;
	v58 =	vld [tilespmem:s11+$0xFFFFFD80];
	v51 =	vbroadcast v26, $0x7;
	v41 =	vbroadcast v20, $0x7  }
0x2fd: {  	v26 =	vbroadcast v26, $0x8;
	v25 =	vadd.f32 v25, v27;
	v27 =	vmul.f32 v61, v54;
	v54 =	vld [tilespmem:s11+$0xFFFFFEE0]  }
0x2fe: {  	v24 =	vadd.f32 v53, v24;
	v35 =	vmul.f32 v52, v34;
	v53 =	vmul.f32 v60, v43;
	v61 =	vld [tilespmem:s11+$0x80]  }
0x2ff: {  	v56 =	vld [tilespmem:s11+$0x60];
	v29 =	vadd.f32 v40, v29;
	v40 =	vbroadcast v21, $0x7;
	v31 =	vmul.f32 v31, v34  }
0x300: {  	v59 =	vld [tilespmem:s11+$0xFFFFFD90];
	v27 =	vadd.f32 v27, v28;
	v28 =	vbroadcast v21, $0x6;
	v21 =	vbroadcast v21, $0x8  }
0x301: {  	v63 =	vld [tilespmem:s11+$0xFFFFFDB0];
	v34 =	vmul.f32 v58, v30;
	v31 =	vadd.f32 v31, v25;
	v25 =	vmul.f32 v55, v39  }
0x302: {  	v52 =	vld [tilespmem:s11+$0xFFFFFF10];
	v22 =	vadd.f32 v35, v22;
	v55 =	vmul.f32 v19, v12;
	v37 =	vmul.f32 v54, v39  }
0x303: {  	v58 =	vld [tilespmem:s11+$0xA0];
	v38 =	vmul.f32 v61, v45;
	v27 =	vadd.f32 v25, v27;
	v25 =	vmul.f32 v57, v46  }
0x304: {  	v54 =	vld [tilespmem:s11+$0xFFFFFF20];
	v50 =	vbroadcast v20, $0x6;
	v37 =	vadd.f32 v37, v24;
	v24 =	vmul.f32 v56, v46  }
0x305: {  	v46 =	vbroadcast v20, $0x8;
	v20 =	vmul.f32 v59, v30;
	v29 =	vadd.f32 v25, v29  }
0x306: {  	v62 =	vld [tilespmem:s11+$0x90];
	v25 =	vmul.f32 $5.000000000e-01, v36;
	v36 =	vmul.f32 v19, v55;
	v33 =	vadd.f32 v24, v33  }
0x307: {  	v30 =	vld [tilespmem:s11+$0xFFFFFDA0];
	v24 =	vmul.f32 $5.000000000e-01, v32;
	v20 =	vadd.f32 v20, v31;
	v31 =	vmul.f32 v52, v43  }
0x308: {  	v22 =	vadd.f32 v34, v22;
	v56 =	vld [tilespmem:s11+$0xFFFFFF30];
	v32 =	vmul.f32 v63, v48;
	v43 =	vmul.f32 v58, v47  }
0x309: {  	v60 =	vld [tilespmem:s11+$0xFFFFFDC0];
	v34 =	vadd.f32 v53, v37;
	v44 =	vmul.f32 v7, v25;
	v35 =	vmul.f32 v54, v49;
	s15 =	spop (v2sf)  }
0x30a: {  	v59 =	vld [tilespmem:s11+$0xB0];
	v36 =	vsub.f32 $1.500000000e+00, v36;
	v57 =	vmul.f32 v18, v24;
	v27 =	vadd.f32 v31, v27;
	s12 =	smax.f32 s15, $1.000000020e-24  }
0x30b: {  	v52 =	vld [tilespmem:s11+$0xFFFFFF50];
	v31 =	vmul.f32 v62, v45;
	v33 =	vadd.f32 v38, v33;
	v61 =	vmov s12  }
0x30c: {  	v62 =	vld [tilespmem:s11+$0xFFFFFF40];
	v20 =	vadd.f32 v32, v20;
	v63 =	vshra.s32 v61, $0x1;
	v39 =	vmul.f32 $5.000000000e-01, v61  }
0x30d: {  	v54 =	vld [tilespmem:s11+$0xC0];
	v30 =	vmul.f32 v30, v48;
	v37 =	vmul.f32 v56, v49;
	v49 =	vsub.s32 $0x5F3759DF, v63  }
0x30e: {  	v45 =	vmul.f32 v60, v42;
	v34 =	vadd.f32 v35, v34;
	v56 =	vld [tilespmem:s11+$0xD0];
	v55 =	vmul.f32 v49, v39  }
0x30f: {  	v53 =	vmul.f32 v59, v47;
	v44 =	vmul.f32 v7, v44;
	v22 =	vadd.f32 v30, v22;
	v30 =	vld [tilespmem:s11+$0xFFFFFDD0]  }
0x310: {  	v59 =	vld [tilespmem:s11+$0xFFFFFDF0];
	v29 =	vadd.f32 v31, v29;
	v31 =	vmul.f32 v18, v57;
	v58 =	vmul.f32 v49, v55  }
0x311: {  	v27 =	vadd.f32 v37, v27;
	v60 =	vmul.f32 v62, v28;
	v28 =	vmul.f32 v52, v28  }
0x312: {  	v48 =	vld [tilespmem:s11+$0xF0];
	v36 =	vmul.f32 v19, v36;
	v38 =	vmul.f32 v54, v50;
	v61 =	vsub.f32 $1.500000000e+00, v58  }
0x313: {  	v31 =	vsub.f32 $1.500000000e+00, v31;
	v62 =	vld [tilespmem:s11+$0xFFFFFF70];
	v27 =	vadd.f32 v28, v27;
	v28 =	vmul.f32 v56, v50  }
0x314: {  	v57 =	vld [tilespmem:s11+$0xFFFFFDE0];
	v29 =	vadd.f32 v53, v29;
	v30 =	vmul.f32 v30, v42;
	v32 =	vmul.f32 v49, v61  }
0x315: {  	v33 =	vadd.f32 v43, v33;
	v43 =	vmul.f32 v59, v51;
	v31 =	vmul.f32 v18, v31;
	v50 =	vld [tilespmem:s11+$0xFFFFFE10]  }
0x316: {  	v28 =	vadd.f32 v28, v29;
	v20 =	vadd.f32 v30, v20;
	v30 =	vld [tilespmem:s11+$0xFFFFFF60];
	v29 =	vmul.f32 v32, v39  }
0x317: {  	[tilespmem:s19+$0xFFFFFFC0] =	vst v11;
	v44 =	vsub.f32 $1.500000000e+00, v44;
	v22 =	vadd.f32 v45, v22;
	v11 =	vmul.f32 v31, v24;
	v49 =	vld [tilespmem:s11+$0xFFFFFE00]  }
0x318: {  	v52 =	vld [tilespmem:s11+$0xFFFFFF90];
	v43 =	vadd.f32 v43, v20;
	v20 =	vmul.f32 v62, v40;
	v29 =	vmul.f32 v29, v32  }
0x319: {  	v33 =	vadd.f32 v38, v33;
	v19 =	vmul.f32 v48, v41;
	v42 =	vmul.f32 v57, v51;
	v63 =	vld [tilespmem:s11+$0xE0]  }
0x31a: {  	v54 =	vld [tilespmem:s11+$0x110];
	v11 =	vmul.f32 v11, v31;
	v27 =	vadd.f32 v20, v27;
	v20 =	vsub.f32 $1.500000000e+00, v29  }
0x31b: {  	v51 =	vld [tilespmem:s11+$0xFFFFFF80];
	v22 =	vadd.f32 v42, v22;
	v18 =	vmul.f32 v50, v26;
	v30 =	vmul.f32 v30, v40  }
0x31c: {  	v29 =	vmul.f32 v49, v26;
	v26 =	vadd.f32 v19, v28;
	v28 =	vmul.f32 v20, v32  }
0x31d: {  	v34 =	vadd.f32 v60, v34;
	v55 =	vmul.f32 v7, v44;
	v7 =	vmul.f32 v52, v21  }
0x31e: {  	v37 =	vmul.f32 v63, v41;
	v20 =	vadd.f32 v29, v22;
	v29 =	vmul.f32 v28, v39  }
0x31f: {  	v19 =	vadd.f32 v18, v43;
	v18 =	vadd.f32 v7, v27;
	v7 =	vmul.f32 v54, v46  }
0x320: {  	v53 =	vld [tilespmem:s11+$0x100];
	v30 =	vadd.f32 v30, v34;
	v22 =	vmul.f32 v51, v21;
	v27 =	vmul.f32 v29, v28  }
0x321: {  	v63 =	vsub.f32 $1.500000000e+00, v11;
	v56 =	vmul.f32 v20, v20;
	v29 =	vmul.f32 v19, v19  }
0x322: {  	v60 =	vmul.f32 v36, v12;
	s12 =	simm.s32 $0x19C60;
	v7 =	vadd.f32 v7, v26;
	v26 =	vsub.f32 $1.500000000e+00, v27  }
0x323: {  	v11 =	vmul.f32 v15, v6;
	v21 =	vadd.f32 v22, v30;
	v27 =	vadd.f32 v29, v56;
	v29 =	vld [tilespmem:s12+$0x20]  }
0x324: {  	v58 =	vmul.f32 v18, v18;
	v26 =	vmul.f32 v26, v28  }
0x325: {  	[tilespmem:s19+$0xFFFFFFE0] =	vst v9;
	v57 =	vld [tilespmem:s10+$0x0];
	v33 =	vadd.f32 v37, v33;
	v22 =	vmul.f32 v53, v46;
	v30 =	vmul.f32 v21, v21  }
0x326: {  	v62 =	vld [tilespmem:s10+$0xFFFFFFF0];
	v9 =	vmul.f32 v26, v23;
	v23 =	vmul.f32 v60, v36  }
0x327: {  	v61 =	vmul.f32 v7, v7;
	v22 =	vadd.f32 v22, v33;
	v28 =	vld [tilespmem:s10+$0xFFFFFFD0];
	(xrf2) =	vadd.scan.msk.f32 $0xffff, v27;
	v27 =	vmul.f32 v55, v25  }
0x328: {  	[tilespmem:s19+$0x30] =	vst v13;
	v13 =	vadd.f32 v58, v30;
	v29 =	vmul.f32 v9, v29;
	v23 =	vsub.f32 $1.500000000e+00, v23  }
0x329: {  	s11 =	simm.s32 $0x1AC60;
	v59 =	vmul.f32 v22, v22;
	v27 =	vmul.f32 v27, v55  }
0x32a: {  	v33 =	vmul.f32 v8, v57;
	(xrf2) =	vadd.scan.msk.f32 $0xffff, v13;
	[tilespmem:s11+$0x20] =	vst v29;
	v29 =	vmul.f32 v23, v36  }
0x32b: {  	[tilespmem:s28+$0x30] =	vst v14;
	v6 =	vld [tilespmem:s26+$0x0];
	v30 =	vmul.f32 v10, v62;
	v14 =	vadd.f32 v61, v59;
	v27 =	vsub.f32 $1.500000000e+00, v27  }
0x32c: {  	v8 =	vld [tilespmem:s26+$0xFFFFFFE0];
	v15 =	vmul.f32 v16, v28;
	v12 =	vmul.f32 v29, v12  }
0x32d: {  	[tilespmem:s19+$0x0] =	vst v33;
	(xrf2) =	vadd.scan.msk.f32 $0xffff, v14;
	v28 =	vmul.f32 v63, v31;
	v27 =	vmul.f32 v27, v55;
	v16 =	vld [tilespmem:s12+$0x30]  }
0x32e: {  	v13 =	vmul.f32 v26, v17;
	v17 =	vmul.f32 v12, v29;
	v12 =	vld [tilespmem:s10+$0x10]  }
0x32f: {  	v10 =	vld [tilespmem:s12+$0x0];
	v31 =	vmul.f32 v28, v24;
	v25 =	vmul.f32 v27, v25  }
0x330: {  	v9 =	vld [tilespmem:s26+$0xFFFFFFC0]  }
0x331: {  	v23 =	vld [tilespmem:s12+$0xFFFFFFC0];
	[tilespmem:s19+$0xFFFFFFD0] =	vst v15;
	v15 =	vmul.f32 v31, v28;
	v26, _, _ =	vpop (xrf2);
	v14 =	vmul.f32 v25, v27  }
0x332: {  	s13 =	simm.s32 $0x8;
	s14 =	simm.s32 $0xE020;
	[tilespmem:s19+$0xFFFFFFF0] =	vst v30;
	v24 =	vld [tilespmem:s12+$0xFFFFFFE0];
	s10 =	simm.s32 $0x19C60;
	(v2sf) =	vpush v26, $0xF;
	v13 =	vmul.f32 v13, v16;
	v16 =	vsub.f32 $1.500000000e+00, v17  }
.LBB2_8:
0x333: {  	v17 =	vld [tilespmem:s14+$0x180];
	s24 =	sadd.s32 $0x24, s24;
	v15 =	vsub.f32 $1.500000000e+00, v15;
	v14 =	vsub.f32 $1.500000000e+00, v14;
	v12 =	vmul.f32 v11, v12  }
0x334: {  	v25 =	vld [tilespmem:s24+$0x9];
	[tilespmem:s11+$0x30] =	vst v13;
	v11, _, _ =	vpop (xrf2);
	v29 =	vmul.f32 v16, v29  }
0x335: {  	s13 =	sadd.s32 $0x4, s13;
	v16 =	vld [tilespmem:s14+$0x190];
	(v2sf) =	vpush v11, $0xF;
	v15 =	vmul.f32 v15, v28;
	v11 =	vmul.f32 v14, v27;
	[tilespmem:s19+$0x10] =	vst v12;
	s19 =	smov.u32 s28;
	s28 =	smov.u32 s11  }
0x336: {  	p0 =	slt.u32 s13, $0x7C;
	v26 =	vld [tilespmem:s14+$0x1A0];
	v27 =	vmul.f32 v29, v3;
	v12 =	vmul.f32 v29, v0;
	v3 =	vmovc v20;
	v0 =	vmov v19  }
0x337: {  	v19 =	vld [tilespmem:s14+$0x1B0];
	v13, _, _ =	vpop (xrf2);
	v20 =	vmul.f32 v15, v4;
	v14 =	vmul.f32 v11, v5;
	v4 =	vmov v21  }
0x338: {  	v5 =	vmovc v22;
	v21 =	vld [tilespmem:s14+$0x1C0];
	(v2sf) =	vpush v13, $0xF;
	v27 =	vmul.f32 v27, v9;
	v13 =	vmul.f32 v15, v1;
	v1 =	vmovc v18  }
0x339: {  	v9 =	vmovc v23;
	v15 =	vbroadcast v25, $0x0;
	v18 =	vld [tilespmem:s14+$0x1D0];
	v20 =	vmul.f32 v20, v8;
	v8 =	vmov v24  }
0x33a: {  	v22 =	vbroadcast v25, $0x1;
	v23 =	vbroadcast v25, $0x2;
	v24 =	vld [tilespmem:s14+$0x1E0];
	[tilespmem:s19+$0xFFFFFFC0] =	vst v27  }
0x33b: {  	v17 =	vmul.f32 v15, v17;
	v15 =	vmul.f32 v16, v15;
	v16 =	vld [tilespmem:s14+$0x1F0];
	[tilespmem:s19+$0xFFFFFFE0] =	vst v20  }
0x33c: {  	v20 =	vmul.f32 v26, v22;
	v19 =	vmul.f32 v19, v22;
	v22 =	vld [tilespmem:s14+$0x200]  }
0x33d: {  	v26 =	vbroadcast v25, $0x3;
	v21 =	vmul.f32 v21, v23;
	v27 =	vld [tilespmem:s14+$0x210]  }
0x33e: {  	v17 =	vadd.f32 v20, v17;
	v15 =	vadd.f32 v19, v15;
	v18 =	vmul.f32 v18, v23;
	v19 =	vld [tilespmem:s14+$0x220]  }
0x33f: {  	v23 =	vbroadcast v25, $0x4;
	v20 =	vmul.f32 v24, v26;
	v24 =	vld [tilespmem:s14+$0x230]  }
0x340: {  	v17 =	vadd.f32 v21, v17;
	v15 =	vadd.f32 v18, v15;
	v16 =	vmul.f32 v16, v26;
	v18 =	vld [tilespmem:s14+$0x240]  }
0x341: {  	v21 =	vmul.f32 v22, v23;
	v22 =	vbroadcast v25, $0x5;
	v26 =	vld [tilespmem:s14+$0x250];
	s15 =	spop (v2sf)  }
0x342: {  	v17 =	vadd.f32 v20, v17;
	v15 =	vadd.f32 v16, v15;
	v16 =	vmul.f32 v27, v23;
	v20 =	vld [tilespmem:s14+$0x260];
	s15 =	smax.f32 s15, $1.000000020e-24  }
0x343: {  	v27 =	vbroadcast v25, $0x6;
	v19 =	vmul.f32 v19, v22;
	v28 =	vld [tilespmem:s14+$0x270];
	v29 =	vmov s15  }
0x344: {  	v17 =	vadd.f32 v21, v17;
	v15 =	vadd.f32 v16, v15;
	v16 =	vmul.f32 v24, v22;
	v24 =	vld [tilespmem:s14+$0x280];
	s15 =	spop (v2sf)  }
0x345: {  	v30 =	vbroadcast v25, $0x7;
	v32 =	vshra.s32 v29, $0x1;
	v18 =	vmul.f32 v18, v27;
	v31 =	vld [tilespmem:s14+$0x290];
	s15 =	smax.f32 s15, $1.000000020e-24  }
0x346: {  	v17 =	vadd.f32 v19, v17;
	v23 =	vld [tilespmem:s24+$0xFFFFFFF7];
	v15 =	vadd.f32 v16, v15;
	v16 =	vmul.f32 v26, v27  }
0x347: {  	v21 =	vmov s15;
	v22 =	vld [tilespmem:s24+$0x0];
	v19 =	vmul.f32 v20, v30;
	v20 =	vbroadcast v25, $0x8;
	s15 =	spop (v2sf)  }
0x348: {  	v17 =	vadd.f32 v18, v17;
	v25 =	vld [tilespmem:s24+$0xFFFFFFEE];
	v16 =	vadd.f32 v16, v15;
	v18 =	vmul.f32 v28, v30;
	s15 =	smax.f32 s15, $1.000000020e-24  }
0x349: {  	v15 =	vmul.f32 $5.000000000e-01, v29;
	v26 =	vld [tilespmem:s14+$0xFFFFFD00];
	v27 =	vmul.f32 v24, v20;
	v24 =	vmov s15  }
0x34a: {  	v17 =	vadd.f32 v19, v17;
	v28 =	vld [tilespmem:s14+$0xFFFFFD10];
	v16 =	vadd.f32 v18, v16;
	v18 =	vmul.f32 v31, v20  }
0x34b: {  	v31 =	vshra.s32 v21, $0x1;
	v19 =	vld [tilespmem:s14+$0xFFFFFD20];
	v29 =	vbroadcast v23, $0x0;
	v30 =	vbroadcast v23, $0x1  }
0x34c: {  	v17 =	vadd.f32 v27, v17;
	v33 =	vld [tilespmem:s14+$0xFFFFFD30];
	v34 =	vbroadcast v22, $0x0;
	v16 =	vadd.f32 v18, v16  }
0x34d: {  	v37 =	vshra.s32 v24, $0x1;
	v27 =	vbroadcast v25, $0x0;
	v35 =	vbroadcast v25, $0x1;
	v36 =	vld [tilespmem:s14+$0xFFFFFE80]  }
0x34e: {  	v20 =	vsub.s32 $0x5F3759DF, v32;
	v39 =	vmul.f32 v17, v17;
	v38 =	vld [tilespmem:s14+$0xFFFFFE90];
	v40 =	vmul.f32 v16, v16  }
0x34f: {  	v41 =	vbroadcast v22, $0x1;
	v18 =	vsub.s32 $0x5F3759DF, v31;
	v26 =	vmul.f32 v27, v26;
	v32 =	vld [tilespmem:s14+$0xFFFFFEA0]  }
0x350: {  	v27 =	vmul.f32 v28, v27;
	v28 =	vmul.f32 v19, v35;
	v31 =	vld [tilespmem:s14+$0xFFFFFEB0];
	v39 =	vadd.f32 v40, v39  }
0x351: {  	v19 =	vsub.s32 $0x5F3759DF, v37;
	v33 =	vmul.f32 v33, v35;
	v35 =	vbroadcast v25, $0x2;
	v40 =	vld [tilespmem:s14+$0x0]  }
0x352: {  	v26 =	vadd.f32 v28, v26;
	v28 =	vmul.f32 v29, v36;
	v36 =	vbroadcast v23, $0x2;
	v37 =	vld [tilespmem:s14+$0x10];
	(xrf2) =	vadd.scan.msk.f32 $0xffff, v39  }
0x353: {  	v27 =	vadd.f32 v33, v27;
	v29 =	vmul.f32 v38, v29;
	v33 =	vld [tilespmem:s14+$0x20];
	v38 =	vbroadcast v22, $0x2  }
0x354: {  	v39 =	vbroadcast v25, $0x3;
	v32 =	vmul.f32 v32, v30;
	v42 =	vld [tilespmem:s14+$0x30]  }
0x355: {  	v43 =	vld [tilespmem:s14+$0xFFFFFD40];
	v30 =	vmul.f32 v31, v30;
	v31 =	vbroadcast v23, $0x3  }
0x356: {  	v44 =	vld [tilespmem:s14+$0xFFFFFD50];
	v28 =	vadd.f32 v32, v28;
	v32 =	vmul.f32 v34, v40;
	v40 =	vbroadcast v22, $0x3  }
0x357: {  	v45 =	vbroadcast v25, $0x4;
	v29 =	vadd.f32 v30, v29;
	v30 =	vld [tilespmem:s14+$0xFFFFFEC0];
	v34 =	vmul.f32 v37, v34  }
0x358: {  	v46 =	vbroadcast v23, $0x4;
	v37 =	vld [tilespmem:s14+$0xFFFFFED0];
	v33 =	vmul.f32 v33, v41  }
0x359: {  	v47 =	vbroadcast v22, $0x4;
	v41 =	vmul.f32 v42, v41;
	v42 =	vld [tilespmem:s14+$0x40]  }
0x35a: {  	v48 =	vbroadcast v25, $0x5;
	v43 =	vmul.f32 v43, v35;
	v32 =	vadd.f32 v33, v32;
	v33 =	vld [tilespmem:s14+$0x50]  }
0x35b: {  	v49 =	vbroadcast v23, $0x5;
	v35 =	vmul.f32 v44, v35;
	v44 =	vld [tilespmem:s14+$0xFFFFFD60];
	v34 =	vadd.f32 v41, v34  }
0x35c: {  	v26 =	vadd.f32 v43, v26;
	v41 =	vld [tilespmem:s14+$0xFFFFFD70];
	v30 =	vmul.f32 v30, v36;
	v43 =	vbroadcast v22, $0x5;
	v50, _, _ =	vpop (xrf2)  }
0x35d: {  	v27 =	vadd.f32 v35, v27;
	v35 =	vmul.f32 v37, v36;
	v36 =	vld [tilespmem:s14+$0xFFFFFEE0];
	(v2sf) =	vpush v50, $0xF  }
0x35e: {  	v37 =	vbroadcast v25, $0x6;
	v30 =	vadd.f32 v30, v28;
	v28 =	vld [tilespmem:s14+$0xFFFFFEF0];
	v42 =	vmul.f32 v42, v38  }
0x35f: {  	v29 =	vadd.f32 v35, v29;
	v35 =	vbroadcast v23, $0x6;
	v33 =	vmul.f32 v33, v38;
	v38 =	vld [tilespmem:s14+$0x60]  }
0x360: {  	v50 =	vbroadcast v22, $0x6;
	v44 =	vmul.f32 v44, v39;
	v32 =	vadd.f32 v42, v32;
	v42 =	vld [tilespmem:s14+$0x70]  }
0x361: {  	v51 =	vbroadcast v25, $0x7;
	v39 =	vmul.f32 v41, v39;
	v41 =	vld [tilespmem:s14+$0xFFFFFD80];
	v33 =	vadd.f32 v33, v34  }
0x362: {  	v26 =	vadd.f32 v44, v26;
	v34 =	vld [tilespmem:s14+$0xFFFFFD90];
	v36 =	vmul.f32 v36, v31;
	v44 =	vbroadcast v23, $0x7  }
0x363: {  	v39 =	vadd.f32 v39, v27;
	v31 =	vmul.f32 v28, v31;
	v52 =	vld [tilespmem:s14+$0xFFFFFF00];
	v28 =	vbroadcast v22, $0x7  }
0x364: {  	v27 =	vbroadcast v25, $0x8;
	v30 =	vadd.f32 v36, v30;
	v36 =	vld [tilespmem:s14+$0xFFFFFF10];
	v25 =	vmul.f32 v38, v40  }
0x365: {  	v23 =	vbroadcast v23, $0x8;
	v29 =	vadd.f32 v31, v29;
	v31 =	vmul.f32 v42, v40;
	v38 =	vld [tilespmem:s14+$0x80]  }
0x366: {  	v22 =	vbroadcast v22, $0x8;
	v40 =	vmul.f32 v41, v45;
	v32 =	vadd.f32 v25, v32;
	v41 =	vld [tilespmem:s14+$0x90]  }
0x367: {  	v25 =	vmul.f32 $5.000000000e-01, v21;
	v34 =	vmul.f32 v34, v45;
	v42 =	vld [tilespmem:s14+$0xFFFFFDA0];
	v31 =	vadd.f32 v31, v33  }
0x368: {  	v21 =	vadd.f32 v40, v26;
	v33 =	vld [tilespmem:s14+$0xFFFFFDB0];
	v40 =	vmul.f32 v52, v46;
	v26 =	vmul.f32 $5.000000000e-01, v24  }
0x369: {  	v24 =	vadd.f32 v34, v39;
	v34 =	vmul.f32 v36, v46;
	v36 =	vld [tilespmem:s14+$0xFFFFFF20];
	v39 =	vmul.f32 v20, v15  }
0x36a: {  	v45 =	vmul.f32 v18, v25;
	v30 =	vadd.f32 v40, v30;
	v40 =	vld [tilespmem:s14+$0xFFFFFF30];
	v38 =	vmul.f32 v38, v47  }
0x36b: {  	v46 =	vmul.f32 v19, v26;
	v29 =	vadd.f32 v34, v29;
	v34 =	vmul.f32 v41, v47;
	v41 =	vld [tilespmem:s14+$0xA0]  }
0x36c: {  	v39 =	vmul.f32 v20, v39;
	v42 =	vmul.f32 v42, v48;
	v32 =	vadd.f32 v38, v32;
	v38 =	vld [tilespmem:s14+$0xB0];
	s15 =	spop (v2sf)  }
0x36d: {  	v33 =	vmul.f32 v33, v48;
	v47 =	vld [tilespmem:s14+$0xFFFFFDC0];
	v31 =	vadd.f32 v34, v31;
	s15 =	smax.f32 s15, $1.000000020e-24;
	v34 =	vmul.f32 v18, v45  }
0x36e: {  	v21 =	vadd.f32 v42, v21;
	v42 =	vld [tilespmem:s14+$0xFFFFFDD0];
	v36 =	vmul.f32 v36, v49;
	v45 =	vmov s15  }
0x36f: {  	v40 =	vmul.f32 v40, v49;
	v48 =	vld [tilespmem:s14+$0xFFFFFF40];
	v49 =	vshra.s32 v45, $0x1;
	v45 =	vmul.f32 $5.000000000e-01, v45  }
0x370: {  	v24 =	vadd.f32 v33, v24;
	v33 =	vld [tilespmem:s14+$0xFFFFFF50];
	v41 =	vmul.f32 v41, v43;
	v49 =	vsub.s32 $0x5F3759DF, v49  }
0x371: {  	v30 =	vadd.f32 v36, v30;
	v36 =	vmul.f32 v38, v43;
	v38 =	vld [tilespmem:s14+$0xC0];
	v43 =	vmul.f32 v49, v45  }
0x372: {  	v29 =	vadd.f32 v40, v29;
	v47 =	vmul.f32 v47, v37;
	v32 =	vadd.f32 v41, v32;
	v40 =	vld [tilespmem:s14+$0xD0]  }
0x373: {  	v37 =	vmul.f32 v42, v37;
	v41 =	vld [tilespmem:s14+$0xFFFFFDE0];
	v31 =	vadd.f32 v36, v31;
	v36 =	vmul.f32 v49, v43  }
0x374: {  	v46 =	vmul.f32 v19, v46;
	v21 =	vadd.f32 v47, v21;
	v42 =	vld [tilespmem:s14+$0xFFFFFDF0];
	v43 =	vmul.f32 v48, v35  }
0x375: {  	v24 =	vadd.f32 v37, v24;
	v33 =	vmul.f32 v33, v35;
	v35 =	vld [tilespmem:s14+$0xFFFFFF60];
	v36 =	vsub.f32 $1.500000000e+00, v36  }
0x376: {  	v39 =	vsub.f32 $1.500000000e+00, v39;
	v30 =	vadd.f32 v43, v30;
	v37 =	vld [tilespmem:s14+$0xFFFFFF70];
	v38 =	vmul.f32 v38, v50  }
0x377: {  	v29 =	vadd.f32 v33, v29;
	v33 =	vmul.f32 v40, v50;
	v40 =	vld [tilespmem:s14+$0xE0];
	v36 =	vmul.f32 v49, v36  }
0x378: {  	v34 =	vsub.f32 $1.500000000e+00, v34;
	v41 =	vmul.f32 v41, v51;
	v32 =	vadd.f32 v38, v32;
	v38 =	vld [tilespmem:s14+$0xF0]  }
0x379: {  	v42 =	vmul.f32 v42, v51;
	v43 =	vld [tilespmem:s14+$0xFFFFFE00];
	v31 =	vadd.f32 v33, v31;
	v33 =	vmul.f32 v36, v45  }
0x37a: {  	v46 =	vsub.f32 $1.500000000e+00, v46;
	v21 =	vadd.f32 v41, v21;
	v41 =	vld [tilespmem:s14+$0xFFFFFE10];
	v35 =	vmul.f32 v35, v44  }
0x37b: {  	v24 =	vadd.f32 v42, v24;
	v37 =	vmul.f32 v37, v44;
	v42 =	vld [tilespmem:s14+$0xFFFFFF80];
	v33 =	vmul.f32 v33, v36  }
0x37c: {  	v39 =	vmul.f32 v20, v39;
	v30 =	vadd.f32 v35, v30;
	v35 =	vld [tilespmem:s14+$0xFFFFFF90];
	v40 =	vmul.f32 v40, v28  }
0x37d: {  	v29 =	vadd.f32 v37, v29;
	v20 =	vmul.f32 v38, v28;
	v28 =	vld [tilespmem:s14+$0x100];
	v33 =	vsub.f32 $1.500000000e+00, v33  }
0x37e: {  	v34 =	vmul.f32 v18, v34;
	v37 =	vmul.f32 v43, v27;
	v32 =	vadd.f32 v40, v32;
	v38 =	vld [tilespmem:s14+$0x110]  }
0x37f: {  	v18 =	vmul.f32 v41, v27;
	v27 =	vadd.f32 v20, v31;
	v31 =	vmul.f32 v33, v36;
	v33 =	vld [tilespmem:s26+$0xFFFFFFD0]  }
0x380: {  	v36 =	vmul.f32 v19, v46;
	v20 =	vadd.f32 v37, v21;
	v21 =	vmul.f32 v42, v23;
	v37 =	vld [tilespmem:s26+$0xFFFFFFF0]  }
0x381: {  	v19 =	vadd.f32 v18, v24;
	v18 =	vmul.f32 v35, v23;
	v23 =	vmul.f32 v31, v45  }
0x382: {  	v24 =	vmul.f32 v20, v20;
	v21 =	vadd.f32 v21, v30;
	v28 =	vmul.f32 v28, v22  }
0x383: {  	v18 =	vadd.f32 v18, v29;
	v29 =	vmul.f32 v38, v22;
	v23 =	vmul.f32 v23, v31  }
0x384: {  	v30 =	vmul.f32 v19, v19;
	v35 =	vmul.f32 v21, v21;
	v22 =	vadd.f32 v28, v32  }
0x385: {  	s12 =	sadd.s32 $0x80, s12;
	v28 =	vmul.f32 v18, v18;
	v27 =	vadd.f32 v29, v27;
	v29 =	vsub.f32 $1.500000000e+00, v23  }
0x386: {  	v40 =	vmul.f32 v39, v15;
	v30 =	vadd.f32 v30, v24;
	v32 =	vmul.f32 v22, v22;
	v38 =	vld [tilespmem:s12+$0x20]  }
0x387: {  	v23 =	vld [tilespmem:s12+$0xFFFFFFC0];
	v28 =	vadd.f32 v28, v35;
	v35 =	vmul.f32 v27, v27;
	v31 =	vmul.f32 v29, v31  }
0x388: {  	v29 =	vmul.f32 v34, v25;
	v24 =	vld [tilespmem:s12+$0xFFFFFFE0];
	(xrf2) =	vadd.scan.msk.f32 $0xffff, v30;
	v30 =	vmul.f32 v36, v26  }
0x389: {  	v40 =	vmul.f32 v40, v39;
	v32 =	vadd.f32 v35, v32;
	v35 =	vld [tilespmem:s12+$0x0];
	v17 =	vmul.f32 v31, v17  }
0x38a: {  	v29 =	vmul.f32 v29, v34;
	v30 =	vmul.f32 v30, v36  }
0x38b: {  	v14 =	vmul.f32 v14, v6;
	v6 =	vmovc v10;
	v17 =	vmul.f32 v17, v38;
	(xrf2) =	vadd.scan.msk.f32 $0xffff, v28;
	v28 =	vsub.f32 $1.500000000e+00, v40  }
0x38c: {  	s11 =	sadd.s32 $0x80, s11;
	v11 =	vmul.f32 v11, v2;
	v2 =	vmovc v7;
	v7 =	vmovc v27;
	v38 =	vsub.f32 $1.500000000e+00, v29;
	v30 =	vsub.f32 $1.500000000e+00, v30  }
0x38d: {  	v12 =	vmul.f32 v12, v33;
	[tilespmem:s11+$0x20] =	vst v17;
	v29 =	vmul.f32 v28, v39  }
0x38e: {  	v28 =	vmul.f32 v38, v34;
	v17 =	vld [tilespmem:s12+$0x30];
	(xrf2) =	vadd.scan.msk.f32 $0xffff, v32;
	v27 =	vmul.f32 v30, v36;
	[tilespmem:s19+$0x0] =	vst v14;
	v10 =	vmovc v35  }
.Ltmp7:
0x38f: {  	v13 =	vmul.f32 v13, v37;
	v14 =	vmul.f32 v29, v15;
	[tilespmem:s19+$0xFFFFFFD0] =	vst v12;
	v12 =	vld [tilespmem:s26+$0x10];
	s26 =	smov.u32 s10;
	s10 =	smov.u32 s12;
	(pc) =	sbr.rel @p0 .LBB2_8-.Ltmp7, $4  }
0x390: {  	v15 =	vmul.f32 v28, v25;
	v25 =	vmul.f32 v27, v26  }
0x391: {  	v16 =	vmul.f32 v31, v16;
	v26 =	vmul.f32 v14, v29;
	[tilespmem:s19+$0xFFFFFFF0] =	vst v13  }
0x392: {  	v15 =	vmul.f32 v15, v28;
	v30, _, _ =	vpop (xrf2);
	v14 =	vmul.f32 v25, v27  }
0x393: {  	s14 =	sadd.s32 $0x600, s14;
	v13 =	vmul.f32 v16, v17;
	(v2sf) =	vpush v30, $0xF;
	v16 =	vsub.f32 $1.500000000e+00, v26  }
0x394: {  	_ =	sdelay $0x2  }
0x395: {  	v17, _, _ =	vpop (xrf2)  }
0x396: {  	(v2sf) =	vpush v17, $0xF;
	v40, _, _ =	vpop (xrf2)  }
0x397: {  	(v2sf) =	vpush v40, $0xF;
	_ =	sdelay $0xa  }
0x398: {  	s12 =	spop (v2sf)  }
0x399: {  	s12 =	smax.f32 s12, $1.000000020e-24  }
0x39a: {  	v41 =	vmov s12  }
0x39b: {  	s13 =	spop (v2sf);
	v30 =	vshra.s32 v41, $0x1;
	v17 =	vmul.f32 $5.000000000e-01, v41  }
0x39c: {  	s13 =	smax.f32 s13, $1.000000020e-24;
	v30 =	vsub.s32 $0x5F3759DF, v30;
	s14 =	spop (v2sf)  }
0x39d: {  	v25 =	vmov s13;
	v33 =	vmul.f32 v30, v17;
	s14 =	smax.f32 s14, $1.000000020e-24  }
0x39e: {  	v31 =	vshra.s32 v25, $0x1;
	v25 =	vmul.f32 $5.000000000e-01, v25;
	v26 =	vmov s14  }
0x39f: {  	v31 =	vsub.s32 $0x5F3759DF, v31;
	v32 =	vshra.s32 v26, $0x1;
	v26 =	vmul.f32 $5.000000000e-01, v26  }
0x3a0: {  	v34 =	vmul.f32 v31, v25;
	v32 =	vsub.s32 $0x5F3759DF, v32  }
0x3a1: {  	v33 =	vmul.f32 v30, v33;
	v35 =	vmul.f32 v32, v26  }
0x3a2: {  	v34 =	vmul.f32 v31, v34  }
0x3a3: {  	v33 =	vsub.f32 $1.500000000e+00, v33;
	v35 =	vmul.f32 v32, v35  }
0x3a4: {  	v34 =	vsub.f32 $1.500000000e+00, v34  }
0x3a5: {  	v30 =	vmul.f32 v30, v33;
	v35 =	vsub.f32 $1.500000000e+00, v35  }
0x3a6: {  	v31 =	vmul.f32 v31, v34  }
0x3a7: {  	v33 =	vmul.f32 v30, v17;
	v32 =	vmul.f32 v32, v35  }
0x3a8: {  	v34 =	vmul.f32 v31, v25  }
0x3a9: {  	v33 =	vmul.f32 v33, v30;
	v35 =	vmul.f32 v32, v26  }
0x3aa: {  	v34 =	vmul.f32 v34, v31  }
0x3ab: {  	v33 =	vsub.f32 $1.500000000e+00, v33;
	v35 =	vmul.f32 v35, v32  }
0x3ac: {  	v34 =	vsub.f32 $1.500000000e+00, v34  }
0x3ad: {  	v30 =	vmul.f32 v33, v30;
	v42 =	vsub.f32 $1.500000000e+00, v35  }
0x3ae: {  	v15 =	vsub.f32 $1.500000000e+00, v15;
	v16 =	vmul.f32 v16, v29;
	v43 =	vmul.f32 v34, v31  }
0x3af: {  	v17 =	vmul.f32 v30, v17;
	v44 =	vmul.f32 v42, v32  }
0x3b0: {  	v14 =	vsub.f32 $1.500000000e+00, v14;
	v15 =	vmul.f32 v15, v28;
	v25 =	vmul.f32 v43, v25  }
0x3b1: {  	v17 =	vmul.f32 v17, v30;
	v26 =	vmul.f32 v44, v26  }
0x3b2: {  	v14 =	vmul.f32 v14, v27;
	v25 =	vmul.f32 v25, v43  }
0x3b3: {  	v3 =	vmul.f32 v16, v3;
	v17 =	vsub.f32 $1.500000000e+00, v17;
	v26 =	vmul.f32 v26, v44  }
0x3b4: {  	v4 =	vmul.f32 v15, v4;
	v5 =	vmul.f32 v14, v5;
	v45 =	vsub.f32 $1.500000000e+00, v25  }
0x3b5: {  	v3 =	vmul.f32 v3, v9;
	v46 =	vmul.f32 v17, v30;
	v47 =	vsub.f32 $1.500000000e+00, v26  }
0x3b6: {  	v4 =	vmul.f32 v4, v8;
	v9 =	vmul.f32 v45, v43  }
0x3b7: {  	v20 =	vmul.f32 v46, v20;
	v17 =	vmul.f32 v47, v44  }
0x3b8: {  	v48 =	vmul.f32 v5, v6;
	[tilespmem:s28+$0xFFFFFFC0] =	vst v3;
	v49 =	vmul.f32 v9, v21  }
0x3b9: {  	[tilespmem:s28+$0xFFFFFFE0] =	vst v4;
	v50 =	vld [tilespmem:s26+$0xFFFFFFD0];
	v20 =	vmul.f32 v20, v23;
	v51 =	vmul.f32 v17, v22  }
0x3ba: {  	[tilespmem:s28+$0x0] =	vst v48;
	v52 =	vld [tilespmem:s26+$0xFFFFFFF0];
	v53 =	vmul.f32 v49, v24  }
0x3bb: {  	v54 =	vld [tilespmem:s26+$0x10];
	[tilespmem:s11+$0xFFFFFFC0] =	vst v20;
	v6 =	vmul.f32 v51, v10  }
0x3bc: {  	v0 =	vmul.f32 v16, v0;
	v55 =	vld [tilespmem:s10+$0xFFFFFFD0];
	[tilespmem:s11+$0xFFFFFFE0] =	vst v53  }
0x3bd: {  	v56 =	vmul.f32 v11, v12;
	v1 =	vmul.f32 v15, v1;
	v57 =	vld [tilespmem:s10+$0xFFFFFFF0];
	[tilespmem:s11+$0x0] =	vst v6  }
0x3be: {  	[tilespmem:s11+$0x30] =	vst v13;
	v2 =	vmul.f32 v14, v2;
	v0 =	vmul.f32 v0, v50;
	v58 =	vld [tilespmem:s10+$0x10]  }
0x3bf: {  	[tilespmem:s19+$0x10] =	vst v56;
	v1 =	vmul.f32 v1, v52;
	v59 =	vmul.f32 v46, v19  }
0x3c0: {  	v60 =	vmul.f32 v2, v54;
	[tilespmem:s28+$0xFFFFFFD0] =	vst v0;
	v61 =	vmul.f32 v9, v18  }
0x3c1: {  	[tilespmem:s28+$0xFFFFFFF0] =	vst v1;
	v62 =	vmul.f32 v17, v7;
	v3 =	vmul.f32 v59, v55  }
0x3c2: {  	[tilespmem:s28+$0x10] =	vst v60;
	v63 =	vmul.f32 v61, v57  }
0x3c3: {  	[tilespmem:s11+$0xFFFFFFD0] =	vst v3;
	v1 =	vmul.f32 v62, v58  }
0x3c4: {  	s28 =	sshll.u32 s25, $0xE;
	[tilespmem:s11+$0xFFFFFFF0] =	vst v63  }
0x3c5: {  	s10 =	sadd.s32 s28, s16;
	[tilespmem:s11+$0x10] =	vst v1  }
0x3c6: {  	[hbm4b:s10+s4] =	stream.linear.scatter [tilespmem:s31], [sflag:$0x5], $0x1000, $0x38;
	[tilespmem:$0x1BB20] =	vst v63  }
0x3c7: {  	s10 =	sadd.s32 $0x3, s23  }
0x3c8: {  	p0 =	sge.u32 s10, s9  }
0x3c9: {  	s10 =	sshll.u32 @!p0 s10, $0x5  }
0x3ca: {  	s10 =	sor.u32 @!p0 s6, s10  }
0x3cb: {  	_ =	swait.ge [sflag:s18], $0x1000;
	s11 =	sshll.u32 @!p0 s10, $0x4  }
0x3cc: {  	[sflag:s18] =	ssyncset.done $0x0;
	s13 =	simm.s32 @!p0 $0x0;
	s11 =	sand.u32 @!p0 $0x1FFFFFF0, s11  }
0x3cd: {  	s14 =	simm.s32 @!p0 $0x80;
	[sflag:s18] =	ssyncadd.s32 $0xFFFFF000;
	s12 =	sadd.s32 @!p0 s1, s11  }
0x3ce: {  	[tilespmem:s14], [sflag:$0x5] =	stream.linear.gather @!p0 [hbm4b:s12+s13], $0x80, $0x38;
	[tilespmem:$0x1BB20] =	vst v63  }
0x3cf: {  	s12 =	simm.s32 @!p0 $0x5  }
0x3d0: {  	_ =	swait.ge @!p0 [sflag:s12], $0x80  }
0x3d1: {  	[sflag:s12] =	ssyncset.done @!p0 $0x0  }
0x3d2: {  	s15 =	simm.s32 @!p0 $0x180;
	s11 =	sadd.s32 @!p0 s3, s11;
	[sflag:s12] =	ssyncadd.s32 @!p0 $0xFFFFFF80  }
0x3d3: {  	[tilespmem:s15], [sflag:$0x5] =	stream.linear.gather @!p0 [hbm4b:s11+s13], $0x80, $0x38;
	[tilespmem:$0x1BB20] =	vst v63  }
0x3d4: {  	s10 =	smul.u32 @!p0 $0x90, s10;
	_ =	swait.ge @!p0 [sflag:s12], $0x80  }
0x3d5: {  	[sflag:s12] =	ssyncset.done @!p0 $0x0  }
0x3d6: {  	s10 =	sadd.s32 @!p0 s7, s10;
	s11 =	simm.s32 @!p0 $0x690;
	[sflag:s12] =	ssyncadd.s32 @!p0 $0xFFFFFF80  }
0x3d7: {  	[tilespmem:s11], [sflag:$0x5] =	stream.linear.gather @!p0 [hbm4b:s10+s13], $0x480, $0x38;
	[tilespmem:$0x1BB20] =	vst v63  }
0x3d8: {  	_ =	swait.ge @!p0 [sflag:s12], $0x480  }
.Ltmp8:
0x3d9: {  	[sflag:s12] =	ssyncset.done @!p0 $0x0;
	(pc) =	sbr.rel .LBB2_10-.Ltmp8, $4  }
0x3da: {  	s10 =	simm.s32 @!p0 $0xCB20;
	[sflag:s12] =	ssyncadd.s32 @!p0 $0xFFFFFB80  }
0x3db: {  	[tilespmem:s10], [sflag:$0x2] =	stream.indirect.gather @!p0 [hbm4b:s5+s14], $0x180, s14, s14, $0xb8;
	[tilespmem:$0x1BB20] =	vst v63  }
0x3dc: {  	s10 =	simm.s32 @!p0 $0x19B20  }
0x3dd: {  	[tilespmem:s10], [sflag:$0x4] =	stream.indirect.gather @!p0 [hbm4b:s8+s14], $0x20, s15, s14, $0xb8;
	[tilespmem:$0x1BB20] =	vst v63  }
.LBB2_12:
0x3de: {  	_ =	sfence.sel $0x180000  }
0x3df: {  	[bflag:$0x0] =	sbarrier.arrive $0xFFFF  }
0x3e0: {  	_ =	strace $0x90000047  }
0x3e1: {  	s0 =	stileid.u32;
	[bflag:$0x2] =	sbarrier.arrive $0xFFFF  }
0x3e2: {  	p0 =	sne.s32 s0, $0x0;
	s0 =	rddreg [dreg:$0x3]  }
0x3e3: {  	s0 =	sadd.s32 @!p0 $0x100000, s0  }
0x3e4: {  	[sflag:s0] =	ssyncadd.tile.s32 @!p0 $0x1;
	_ =	shalt  }
.Lfunc_end2:
_tile_overlayer_lowered:
.L_overlay_start_2:
0x3e5: {  	(tag) =	ssettag $0x2  }
0x3e6: {  	s0 =	rddreg [dreg:$0x0];
	s2 =	stileid.u32  }
0x3e7: {  	s1 =	rddreg [dreg:$0x1];
	p0 =	sne.s32 s2, $0x0  }
0x3e8: {  	s3 =	rddreg [dreg:$0x2];
	[bflag:$0x3] =	sbarrier.arrive $0xFFFF;
	s2 =	simm.s32 @!p0 $0x1C05  }
0x3e9: {  	[timem:s3], [sflag:s2] =	dma.local @!p0 [hbm:s0], s1  }
0x3ea: {  	s0 =	simm.s32 @!p0 $0x5  }
0x3eb: {  	_ =	swait.ge @!p0 [sflag:s0], s1  }
0x3ec: {  	s1 =	ssub.s32 @!p0 $0x0, s1;
	[sflag:s0] =	ssyncset.done @!p0 $0x0  }
0x3ed: {  	[sflag:s0] =	ssyncadd.s32 @!p0 s1  }
0x3ee: {  	[bflag:$0x3] =	sbarrier.arrive $0xFFFF  }
0x3ef: {  	_ =	shalt  }

// kernel: kernel.13.cloned.1.call-start
scs
__scs_entry_jumppad:
0x0: {  	(pc) =	sbr.rel $0x88, $3  }
0x1: {  	(tag) =	ssettag $0x0;
	lr =	simm.s32 $0x1  }
0x2: {  	[smem:$0x3F8D] =	sst lr;
	_ =	strace $0xD0000000  }
0x3: {  	_ = 	snop  }
0x4: {  	_ = 	snop  }
0x5: {  	_ = 	snop  }
0x6: {  	_ = 	snop  }
0x7: {  	_ = 	snop  }
__scs_overlays_trampoline_lowered:
0x8: {  	[smem:$0x3F9C] =	sst s0  }
0x9: {  	[smem:$0x3F9D] =	sst s1  }
0xa: {  	[smem:$0x3F9E] =	sst s2  }
0xb: {  	[smem:$0x3F9F] =	sst s3  }
0xc: {  	[smem:$0x3FA0] =	sst s4  }
0xd: {  	[smem:$0x3FA1] =	sst s5  }
0xe: {  	[smem:$0x3FA2] =	sst s6  }
0xf: {  	[smem:$0x3FA3] =	sst s7  }
0x10: {  	[smem:$0x3FA4] =	sst s8  }
0x11: {  	[smem:$0x3FA5] =	sst s9;
	s0 =	simm.s32 @!p0 $0x0  }
0x12: {  	s1 =	sld [smem:$0x3F8B];
	s0 =	simm.s32 @p0 $0x1  }
0x13: {  	[smem:$0x3FA6] =	sst s0;
	s0 =	simm.s32 @!p1 $0x0  }
0x14: {  	s2 =	sld [smem:$0x3F8A];
	s0 =	simm.s32 @p1 $0x1  }
0x15: {  	[smem:$0x3FA7] =	sst s0;
	s0 =	simm.s32 @!p2 $0x0  }
0x16: {  	s3 =	sld [smem:$0x3FDB];
	s0 =	simm.s32 @p2 $0x1  }
0x17: {  	s4 =	simm.s32 $0x1BF5;
	[smem:$0x3FA9] =	sst s0  }
0x18: {  	s0 =	sld [smem:$0x3F8C];
	_ =	swait.ge [sflag:s4], $0x0  }
0x19: {  	s7 =	sld [smem:$0x3F8D]  }
0x1a: {  	s8 =	sadd.s32 $0xFFFFE003, lr  }
0x1b: {  	s9 =	sadd.s32 $0xFFFFFEF7, lr;
	s5 =	simm.s32 $0xFFFFFFFF;
	p2 =	slt.u32 s8, $0xFFFFF086  }
0x1c: {  	p1 =	slt.u32 s9, $0xF7A;
	s5 =	simm.s32 @!p2 $0x0  }
0x1d: {  	s5 =	simm.s32 @p1 $0x1;
	p0 =	seq.s32 s7, s2  }
0x1e: {  	s7 =	smul.u32 @!p0 $0xF7A, s2;
	p2 =	seq.s32 @!p0 s5, $0x0  }
0x1f: {  	s9 =	smul.u32 $0xF7A, s1;
	s8 =	simm.s32 @!p0 $0x1BF5;
	p2 =	por !p2, p0  }
0x20: {  	[sflag:s8] =	ssyncset.s32 @!p0 $0xFFFFF086;
	s6 =	sadd.s32 @!p0 s3, s7;
	s7 =	simm.s32 @!p0 $0x108  }
0x21: {  	s3 =	sadd.s32 s3, s9;
	s6 =	sadd.s32 @!p0 $0x88, s6;
	s7 =	simm.s32 @p2 $0x1082  }
0x22: {  	[simem:s7], [sflag:s8] =	dma.local @!p0 [hbm:s6], $0xF7A  }
0x23: {  	s9 =	sor.u32 $0xD0000000, s2;
	s6 =	simm.s32 $0x108;
	_ =	swait.ge @!p0 [sflag:s8], $0x0  }
0x24: {  	s3 =	sadd.s32 $0x88, s3;
	s6 =	simm.s32 @!p1 $0x1082;
	[sflag:s4] =	ssyncset.s32 $0xFFFFF086  }
0x25: {  	[simem:s6], [sflag:s4] =	dma.local [hbm:s3], $0xF7A  }
0x26: {  	[smem:$0x3F8D] =	sst s1;
	(tag) =	ssettag s2;
	_ =	strace s9  }
0x27: {  	s1 =	sld [smem:$0x3F9D]  }
0x28: {  	s2 =	sld [smem:$0x3F9E]  }
0x29: {  	s4 =	sld [smem:$0x3FA0]  }
0x2a: {  	p0 =	seq.s32 s5, $0x0;
	s5 =	sld [smem:$0x3FA1]  }
0x2b: {  	s6 =	sld [smem:$0x3FA2]  }
0x2c: {  	s7 =	sld [smem:$0x3FA3]  }
0x2d: {  	s3 =	simm.s32 $0x108;
	s8 =	sld [smem:$0x3FA4]  }
0x2e: {  	s3 =	simm.s32 @!p0 $0x1082;
	s9 =	sld [smem:$0x3FA5]  }
0x2f: {  	lr =	sadd.s32 s0, s3;
	s0 =	sld [smem:$0x3F9C]  }
0x30: {  	s3 =	sld [smem:$0x3F9F]  }
0x31: {  	[smem:$0x3FA8] =	sst s10  }
0x32: {  	s10 =	sld [smem:$0x3FA6];
	_ =	sdelay $0x3  }
0x33: {  	p0 =	seq.s32 s10, $0x1;
	s10 =	sld [smem:$0x3FA8];
	_ =	sdelay $0x3  }
0x34: {  	[smem:$0x3FA8] =	sst s10  }
0x35: {  	s10 =	sld [smem:$0x3FA7];
	_ =	sdelay $0x3  }
0x36: {  	p1 =	seq.s32 s10, $0x1;
	s10 =	sld [smem:$0x3FA8];
	_ =	sdelay $0x3  }
0x37: {  	[smem:$0x3FA8] =	sst s10  }
0x38: {  	s10 =	sld [smem:$0x3FA9]  }
0x39: {  	_ = 	snop;
	(pc) =	sbr.ind lr, $3  }
0x3a: {  	_ = 	snop  }
0x3b: {  	_ = 	snop  }
0x3c: {  	p2 =	seq.s32 s10, $0x1;
	s10 =	sld [smem:$0x3FA8]  }
0x3d: {  	_ =	shalt  }
0x3e: {  	_ =	shalt  }
0x3f: {  	_ =	shalt  }
0x40: {  	_ =	shalt  }
0x41: {  	_ =	shalt  }
0x42: {  	_ =	shalt  }
0x43: {  	_ =	shalt  }
0x44: {  	_ =	shalt  }
0x45: {  	_ =	shalt  }
0x46: {  	_ =	shalt  }
0x47: {  	_ =	shalt  }
0x48: {  	_ =	shalt  }
0x49: {  	_ =	shalt  }
0x4a: {  	_ =	shalt  }
0x4b: {  	_ =	shalt  }
0x4c: {  	_ =	shalt  }
0x4d: {  	_ =	shalt  }
0x4e: {  	_ =	shalt  }
0x4f: {  	_ =	shalt  }
0x50: {  	_ =	shalt  }
0x51: {  	_ =	shalt  }
0x52: {  	_ =	shalt  }
0x53: {  	_ =	shalt  }
0x54: {  	_ =	shalt  }
0x55: {  	_ =	shalt  }
0x56: {  	_ =	shalt  }
0x57: {  	_ =	shalt  }
0x58: {  	_ =	shalt  }
0x59: {  	_ =	shalt  }
0x5a: {  	_ =	shalt  }
0x5b: {  	_ =	shalt  }
0x5c: {  	_ =	shalt  }
0x5d: {  	_ =	shalt  }
0x5e: {  	_ =	shalt  }
0x5f: {  	_ =	shalt  }
0x60: {  	_ =	shalt  }
0x61: {  	_ =	shalt  }
0x62: {  	_ =	shalt  }
0x63: {  	_ =	shalt  }
0x64: {  	_ =	shalt  }
0x65: {  	_ =	shalt  }
0x66: {  	_ =	shalt  }
0x67: {  	_ =	shalt  }
0x68: {  	_ =	shalt  }
0x69: {  	_ =	shalt  }
0x6a: {  	_ =	shalt  }
0x6b: {  	_ =	shalt  }
0x6c: {  	_ =	shalt  }
0x6d: {  	_ =	shalt  }
0x6e: {  	_ =	shalt  }
0x6f: {  	_ =	shalt  }
0x70: {  	_ =	shalt  }
0x71: {  	_ =	shalt  }
0x72: {  	_ =	shalt  }
0x73: {  	_ =	shalt  }
0x74: {  	_ =	shalt  }
0x75: {  	_ =	shalt  }
0x76: {  	_ =	shalt  }
0x77: {  	_ =	shalt  }
0x78: {  	_ =	shalt  }
0x79: {  	_ =	shalt  }
0x7a: {  	_ =	shalt  }
0x7b: {  	_ =	shalt  }
0x7c: {  	_ =	shalt  }
0x7d: {  	_ =	shalt  }
0x7e: {  	_ =	shalt  }
0x7f: {  	_ =	shalt  }
0x80: {  	_ =	shalt  }
0x81: {  	_ =	shalt  }
0x82: {  	_ =	shalt  }
0x83: {  	_ =	shalt  }
0x84: {  	_ =	shalt  }
0x85: {  	_ =	shalt  }
0x86: {  	_ =	shalt  }
0x87: {  	_ =	shalt  }
.Lfunc_end0:
.L_simem_size_0:
called_computation.1_lowered:
.L_overlay_start_0:
0x88: {  	s2 =	sld [smem:$0x3FD9]  }
0x89: {  	s3 =	sld [smem:$0x3FFE];
	_ =	sdelay $0x1  }
0x8a: {  	s1 =	srdreg.scid  }
0x8b: {  	s0 =	sand.u32 $0x1, s1  }
0x8c: {  	s17 =	sshll.u32 s0, $0xA;
	s2 =	sadd.s32 s3, s2  }
0x8d: {  	s2 =	sadd.s32 s2, s17  }
0x8e: {  	[smem:$0x3FB4] =	sst s2  }
0x8f: {  	_ = 	snop  }
0x90: {  	s18 =	sld [smem:$0x3FC5]  }
0x91: {  	s4 =	sld [smem:$0x3FC4]  }
0x92: {  	s5 =	sld [smem:$0x3FD0];
	(tm) =	ssettm $0x1  }
0x93: {  	s19 =	sld [smem:$0x3FFB];
	_ =	sdelay $0x3  }
0x94: {  	_ =	strace s19  }
0x95: {  	s2 =	sld [smem:$0x3FFC];
	_ =	sdelay $0x3  }
0x96: {  	_ =	strace s2  }
0x97: {  	s2 =	sld [smem:$0x3FFD];
	_ =	sdelay $0x3  }
0x98: {  	_ =	strace s2  }
0x99: {  	_ =	strace $0x8FFFFFFF  }
0x9a: {  	s20 =	sld [smem:$0x3FDB];
	_ =	sdelay $0x1  }
0x9b: {  	s6 =	simm.s32 $_scs_section_size  }
0x9c: {  	s7 =	simm.s32 $_size__tile_overlayer_lowered;
	s8 =	simm.s32 $_tile_overlayer_lowered  }
0x9d: {  	s9 =	simm.s32 $0x1BFF;
	s21 =	sshll.u32 s8, $0x1;
	s6 =	sadd.s32 s6, s20  }
0x9e: {  	s22 =	simm.s32 $0x0;
	s7 =	sshll.u32 s7, $0x1;
	s8 =	sadd.s32 s21, s6  }
0x9f: {  	[timem:s22], [sflag:s9] =	dma.local [hbm:s8], s7  }
0xa0: {  	_ =	swait.ge [sflag:s9], s7  }
0xa1: {  	s7 =	ssub.s32 $0x0, s7;
	[sflag:s9] =	ssyncset.done $0x0  }
0xa2: {  	[sflag:s9] =	ssyncadd.s32 s7;
	_ =	sdelay $0x1  }
0xa3: {  	s23 =	simm.s32 $0x1B8B  }
0xa4: {  	_ =	swait.ge [sflag:s23], $0x1  }
0xa5: {  	[sflag:s23] =	ssyncset.done $0x0  }
0xa6: {  	[sflag:s23] =	ssyncadd.s32 $0xFFFFFFFF  }
0xa7: {  	s7 =	sld [smem:$0x0]  }
0xa8: {  	s8 =	sand.u32 $0xFFFFFFFE, s1  }
0xa9: {  	p0 =	sne.s32 s1, s8  }
0xaa: {  	s8 =	sshll.u32 @p0 s8, $0xE  }
0xab: {  	s8 =	sadd.s32 @p0 $0x11B8D, s8;
	s9 =	sshll.u32 @p0 s7, $0x11  }
0xac: {  	s8 =	sor.u32 @p0 s9, s8  }
0xad: {  	[sflag:s8] =	ssyncadd.remote.s32 @p0 $0x1;
	_ =	sdelay $0x1  }
0xae: {  	s8 =	simm.s32 @p0 $0x1B8D  }
0xaf: {  	_ =	swait.eq @p0 [sflag:s8], $0x1  }
0xb0: {  	[sflag:s8] =	ssyncadd.s32 @p0 $0xFFFFFFFF  }
0xb1: {  	s9 =	sshll.u32 @!p0 s1, $0xE  }
0xb2: {  	s9 =	sor.u32 @!p0 $0x4000, s9;
	s8 =	simm.s32 @!p0 $0x1B8D  }
0xb3: {  	s7 =	sshll.u32 @!p0 s7, $0x11;
	s9 =	sadd.s32 @!p0 $0x11B8D, s9;
	_ =	swait.eq @!p0 [sflag:s8], $0x1  }
0xb4: {  	s7 =	sor.u32 @!p0 s7, s9;
	[sflag:s8] =	ssyncadd.s32 @!p0 $0xFFFFFFFF  }
0xb5: {  	s25 =	simm.s32 $0x1B8E;
	s24 =	sld [smem:$0x3FFE];
	[sflag:s7] =	ssyncadd.remote.s32 @!p0 $0x1  }
0xb6: {  	s26 =	simm.s32 $execute0_lowered;
	[smem:$0x3FD2] =	sst s25  }
0xb7: {  	s8 =	sshll.u32 s26, $0x1;
	_ =	strace $0x80000049;
	[dreg:$0x1] =	wrdreg $0xFFFFFFFF  }
0xb8: {  	s28 =	simm.s32 $_size_execute0_lowered;
	s6 =	sadd.s32 s6, s8;
	[dreg:$0x0] =	wrdreg $0x0  }
0xb9: {  	s8 =	sshll.u32 s28, $0x1;
	[dreg:$0x2] =	wrdreg s6  }
0xba: {  	[dreg:$0x3] =	wrdreg s8  }
0xbb: {  	[dreg:$0x4] =	wrdreg $0xC0  }
0xbc: {  	_ =	task [dreg:s22], $0x5FFFF  }
0xbd: {  	[dreg:$0x1] =	wrdreg $0xFFFFFFFF  }
0xbe: {  	[dreg:$0x0] =	wrdreg $0x60  }
0xbf: {  	[dreg:$0x2] =	wrdreg s5  }
0xc0: {  	[dreg:$0x3] =	wrdreg s24  }
0xc1: {  	[dreg:$0x4] =	wrdreg s18  }
0xc2: {  	[dreg:$0x5] =	wrdreg s4  }
0xc3: {  	[dreg:$0x6] =	wrdreg $0x9  }
0xc4: {  	_ =	task.clear_ibuf [dreg:s22], $0x7FFFF;
	_ =	strace $0x90000049  }
0xc5: {  	s29 =	simm.s32 $0x9;
	_ =	strace $0x8000004B  }
0xc6: {  	_ =	swait.ge [sflag:s29], $0x1  }
0xc7: {  	[sflag:s29] =	ssyncadd.s32 $0xFFFFFFFF  }
0xc8: {  	_ =	strace $0x9000004B  }
0xc9: {  	_ =	sfence  }
0xca: {  	s30 =	sld [smem:$0x0];
	_ =	sdelay $0x2  }
0xcb: {  	s31 =	sshll.u32 s1, $0xD;
	s1 =	sshrl.u32 s1, $0x2  }
0xcc: {  	s4 =	sand.u32 $0x4000, s31;
	s1 =	sadd.s32 s1, s30  }
0xcd: {  	s0 =	sor.u32 s4, s0;
	s1 =	sshll.u32 s1, $0x11  }
0xce: {  	s0 =	sor.u32 s1, s0  }
0xcf: {  	s0 =	sadd.s32 $0x8F2B, s0  }
0xd0: {  	[sflag:s0] =	ssyncadd.remote.s32 $0x1  }
0xd1: {  	_ =	sfence.sel $0xFFFF  }
0xd2: {  	[dreg:$0x0] =	wrdreg $0xFFFFFFFF;
	(pc) =	sbr.abs _section_cstart, $3  }
0xd3: {  	[dreg:$0x1] =	wrdreg $0xFFFFFFFF  }
0xd4: {  	_ =	task.clear_ibuf [dreg:s22], $0x2FFFF;
	_ =	strace $0x9FFFFFFF  }
0xd5: {  	(tm) =	ssettm $0x7FFFFFFF  }
tec
execute0_lowered:
.L_overlay_start_1:
0x0: {  	(tag) =	ssettag $0x1  }
0x1: {  	s1 =	rddreg [dreg:$0x0]  }
0x2: {  	s7 =	rddreg [dreg:$0x1]  }
0x3: {  	s2 =	rddreg [dreg:$0x2]  }
0x4: {  	s3 =	rddreg [dreg:$0x3]  }
0x5: {  	s0 =	rddreg [dreg:$0x4];
	s4 =	simm.s32 $0x0;
	s5 =	srdreg.scid  }
0x6: {  	s8 =	simm.s32 $0x28;
	s13 =	simm.s32 $0x100;
	s14 =	simm.s32 $0x1100  }
0x7: {  	s15 =	simm.s32 $0x1;
	s16 =	simm.s32 $0x2;
	s17 =	simm.s32 $0x20  }
0x8: {  	s18 =	simm.s32 $0x0;
	[smem:$0x7FF] =	sst s4;
	s9 =	sand.u32 $0x1, s5  }
0x9: {  	s6 =	sadd.s32 $0x75F200, s7;
	s5 =	stileid.u32;
	s7 =	sadd.s32 $0x790200, s7  }
0xa: {  	_ =	strace $0x8000004A;
	s10 =	ssub.s32 $0x2, s9;
	p0 =	seq.s32 s5, $0x0  }
0xb: {  	s12 =	sshll.u32 s5, $0x8;
	s9 =	sshll.u32 s9, $0x7;
	s11 =	sshrl.u32 s10, $0x1  }
0xc: {  	s8 =	simm.s32 @!p0 $0x27;
	s9 =	sor.u32 s9, s12;
	s10 =	ssub.s32 s10, s11  }
0xd: {  	s12 =	simm.s32 $0x80;
	s11 =	simm.s32 $0x3;
	s10 =	smax.u32 s10, $0x1  }
.LBB2_1:
0xe: {  	s19 =	simm.s32 $0x0  }
.LBB2_2:
0xf: {  	s20 =	sshll.u32 s19, $0xC  }
0x10: {  	s20 =	sor.u32 s9, s20  }
0x11: {  	s21 =	sshrl.u32 s20, $0x3  }
0x12: {  	s22 =	sadd.s32 s2, s21  }
0x13: {  	[tilespmem:s4], [sflag:$0x3] =	stream.linear.gather [hbm4b:s22+s4], $0x80, $0x38;
	[tilespmem:$0x2100] =	vst v63  }
0x14: {  	_ =	swait.ge [sflag:s11], $0x80  }
0x15: {  	[sflag:s11] =	ssyncset.done $0x0  }
0x16: {  	s21 =	sadd.s32 s3, s21;
	[sflag:s11] =	ssyncadd.s32 $0xFFFFFF80  }
0x17: {  	[tilespmem:s12], [sflag:$0x3] =	stream.linear.gather [hbm4b:s21+s4], $0x80, $0x38;
	[tilespmem:$0x2100] =	vst v63  }
0x18: {  	_ =	swait.ge [sflag:s11], $0x80  }
0x19: {  	[sflag:s11] =	ssyncset.done $0x0  }
0x1a: {  	[sflag:s11] =	ssyncadd.s32 $0xFFFFFF80  }
0x1b: {  	[tilespmem:s13], [sflag:$0x1] =	stream.indirect.gather [hbm4b:s1+s12], $0x20, s4, s12, $0xb8;
	[tilespmem:$0x2100] =	vst v63  }
0x1c: {  	_ = 	snop  }
0x1d: {  	[tilespmem:s14], [sflag:$0x2] =	stream.indirect.gather [hbm4b:s6+s12], $0x20, s12, s12, $0xb8;
	[tilespmem:$0x2100] =	vst v63  }
0x1e: {  	_ =	swait.ge [sflag:s15], $0x1000  }
0x1f: {  	[sflag:s15] =	ssyncset.done $0x0  }
0x20: {  	[sflag:s15] =	ssyncadd.s32 $0xFFFFF000  }
0x21: {  	_ =	swait.ge [sflag:s16], $0x1000  }
0x22: {  	[sflag:s16] =	ssyncset.done $0x0  }
0x23: {  	s21 =	simm.s32 $0x140;
	[sflag:s16] =	ssyncadd.s32 $0xFFFFF000  }
0x24: {  	s22 =	simm.s32 $0x1140;
	v0 =	vld [tilespmem:s21+$0x20]  }
0x25: {  	v1 =	vld [tilespmem:s22+$0x20]  }
0x26: {  	v2 =	vld [tilespmem:s21+$0xFFFFFFE0]  }
0x27: {  	v3 =	vld [tilespmem:s22+$0xFFFFFFE0]  }
0x28: {  	v4 =	vld [tilespmem:s21+$0x0]  }
0x29: {  	v5 =	vld [tilespmem:s22+$0x0]  }
0x2a: {  	v6 =	vld [tilespmem:s22+$0xFFFFFFC0];
	v0 =	vadd.f32 v1, v0  }
0x2b: {  	v7 =	vld [tilespmem:s21+$0xFFFFFFC0]  }
0x2c: {  	v8 =	vld [tilespmem:s21+$0x30];
	[tilespmem:s21+$0x20] =	vst v0  }
0x2d: {  	v1 =	vadd.f32 v3, v2;
	v9 =	vld [tilespmem:s22+$0x30]  }
0x2e: {  	v0 =	vld [tilespmem:s21+$0xFFFFFFD0]  }
0x2f: {  	v2 =	vadd.f32 v5, v4;
	[tilespmem:s21+$0xFFFFFFE0] =	vst v1;
	v1 =	vld [tilespmem:s21+$0xFFFFFFF0]  }
0x30: {  	v4 =	vadd.f32 v6, v7;
	v3 =	vld [tilespmem:s22+$0xFFFFFFF0]  }
0x31: {  	[tilespmem:s21+$0x0] =	vst v2;
	v2 =	vld [tilespmem:s21+$0x10]  }
0x32: {  	[tilespmem:s21+$0xFFFFFFC0] =	vst v4;
	v4 =	vld [tilespmem:s22+$0x10];
	v6 =	vadd.f32 v9, v8  }
0x33: {  	s23 =	simm.s32 $0x0;
	s24 =	simm.s32 $0x1C0;
	v5 =	vld [tilespmem:s22+$0xFFFFFFD0]  }
.LBB2_3:
0x34: {  	v7 =	vld [tilespmem:s24+$0x20];
	[tilespmem:s21+$0x30] =	vst v6;
	s22 =	sadd.s32 $0x80, s22  }
0x35: {  	s23 =	sadd.s32 $0x4, s23;
	v6 =	vld [tilespmem:s22+$0x20];
	v1 =	vadd.f32 v3, v1  }
0x36: {  	p0 =	slt.u32 s23, $0x7C;
	v3 =	vld [tilespmem:s22+$0xFFFFFFC0]  }
0x37: {  	v8 =	vld [tilespmem:s24+$0xFFFFFFE0];
	[tilespmem:s21+$0xFFFFFFF0] =	vst v1;
	v1 =	vadd.f32 v4, v2  }
0x38: {  	v2 =	vld [tilespmem:s22+$0xFFFFFFE0];
	v0 =	vadd.f32 v5, v0  }
0x39: {  	v4 =	vld [tilespmem:s24+$0x0];
	[tilespmem:s21+$0x10] =	vst v1  }
0x3a: {  	v5 =	vld [tilespmem:s22+$0x0];
	v1 =	vadd.f32 v6, v7;
	[tilespmem:s21+$0xFFFFFFD0] =	vst v0;
	s21 =	smov.u32 s24  }
0x3b: {  	v6 =	vld [tilespmem:s24+$0xFFFFFFC0]  }
0x3c: {  	[tilespmem:s24+$0x20] =	vst v1;
	v7 =	vld [tilespmem:s24+$0x30]  }
0x3d: {  	v1 =	vadd.f32 v2, v8;
	v8 =	vld [tilespmem:s22+$0x30]  }
0x3e: {  	v0 =	vld [tilespmem:s24+$0xFFFFFFD0]  }
.Ltmp0:
0x3f: {  	[tilespmem:s24+$0xFFFFFFE0] =	vst v1;
	v1 =	vld [tilespmem:s24+$0xFFFFFFF0];
	v2 =	vadd.f32 v5, v4;
	(pc) =	sbr.rel @p0 .LBB2_3-.Ltmp0, $4  }
0x40: {  	v4 =	vadd.f32 v3, v6;
	v3 =	vld [tilespmem:s22+$0xFFFFFFF0]  }
0x41: {  	[tilespmem:s24+$0x0] =	vst v2;
	v2 =	vld [tilespmem:s24+$0x10]  }
0x42: {  	[tilespmem:s24+$0xFFFFFFC0] =	vst v4;
	v4 =	vld [tilespmem:s22+$0x10];
	v6 =	vadd.f32 v8, v7  }
0x43: {  	s24 =	sadd.s32 $0x80, s24;
	v5 =	vld [tilespmem:s22+$0xFFFFFFD0]  }
0x44: {  	_ =	sdelay $0x1  }
0x45: {  	v1 =	vadd.f32 v3, v1  }
0x46: {  	[tilespmem:s21+$0x30] =	vst v6;
	v2 =	vadd.f32 v4, v2  }
0x47: {  	s19 =	sadd.s32 $0x1, s19;
	[tilespmem:s21+$0xFFFFFFF0] =	vst v1;
	v0 =	vadd.f32 v5, v0  }
0x48: {  	s20 =	sshll.u32 s20, $0x4;
	p0 =	sne.s32 s19, s8;
	[tilespmem:s21+$0x10] =	vst v2  }
.Ltmp1:
0x49: {  	s20 =	sadd.s32 s7, s20;
	[tilespmem:s21+$0xFFFFFFD0] =	vst v0;
	(pc) =	sbr.rel @p0 .LBB2_2-.Ltmp1, $4  }
0x4a: {  	[hbm4b:s20+s17] =	stream.strided.scatter [tilespmem:s13], [sflag:$0x3], $0x1000, s12, s17, $0x38;
	[tilespmem:$0x2100] =	vst v63  }
0x4b: {  	_ =	swait.ge [sflag:s11], $0x1000  }
0x4c: {  	[sflag:s11] =	ssyncset.done $0x0  }
0x4d: {  	[sflag:s11] =	ssyncadd.s32 $0xFFFFF000  }
0x4e: {  	s18 =	sadd.s32 $0x1, s18  }
0x4f: {  	p0 =	sne.s32 s18, s10  }
.Ltmp2:
0x50: {  	_ = 	snop;
	(pc) =	sbr.rel @p0 .LBB2_1-.Ltmp2, $1  }
0x51: {  	_ =	sdelay $0x3  }
0x52: {  	_ =	sfence.sel $0x180000  }
0x53: {  	[bflag:$0x0] =	sbarrier.arrive $0xFFFF  }
0x54: {  	p0 =	sne.s32 s5, $0x0;
	_ =	strace $0x9000004A  }
0x55: {  	s0 =	sadd.s32 @!p0 $0x100000, s0;
	[bflag:$0x2] =	sbarrier.arrive $0xFFFF  }
0x56: {  	[sflag:s0] =	ssyncadd.tile.s32 @!p0 $0x1;
	_ =	shalt  }
.Lfunc_end2:
_tile_overlayer_lowered:
.L_overlay_start_2:
0x57: {  	(tag) =	ssettag $0x2  }
0x58: {  	s0 =	rddreg [dreg:$0x0];
	s2 =	stileid.u32  }
0x59: {  	s1 =	rddreg [dreg:$0x1];
	p0 =	sne.s32 s2, $0x0  }
0x5a: {  	s3 =	rddreg [dreg:$0x2];
	[bflag:$0x3] =	sbarrier.arrive $0xFFFF;
	s2 =	simm.s32 @!p0 $0x1C03  }
0x5b: {  	[timem:s3], [sflag:s2] =	dma.local @!p0 [hbm:s0], s1  }
0x5c: {  	s0 =	simm.s32 @!p0 $0x3  }
0x5d: {  	_ =	swait.ge @!p0 [sflag:s0], s1  }
0x5e: {  	s1 =	ssub.s32 @!p0 $0x0, s1;
	[sflag:s0] =	ssyncset.done @!p0 $0x0  }
0x5f: {  	[sflag:s0] =	ssyncadd.s32 @!p0 s1  }
0x60: {  	[bflag:$0x3] =	sbarrier.arrive $0xFFFF  }
0x61: {  	_ =	shalt  }

// kernel: kernel.16.cloned.1.call-start
scs
__scs_entry_jumppad:
0x0: {  	(pc) =	sbr.rel $0x88, $3  }
0x1: {  	(tag) =	ssettag $0x0;
	lr =	simm.s32 $0x1  }
0x2: {  	[smem:$0x3F8D] =	sst lr;
	_ =	strace $0xD0000000  }
0x3: {  	_ = 	snop  }
0x4: {  	_ = 	snop  }
0x5: {  	_ = 	snop  }
0x6: {  	_ = 	snop  }
0x7: {  	_ = 	snop  }
__scs_overlays_trampoline_lowered:
0x8: {  	[smem:$0x3F9C] =	sst s0  }
0x9: {  	[smem:$0x3F9D] =	sst s1  }
0xa: {  	[smem:$0x3F9E] =	sst s2  }
0xb: {  	[smem:$0x3F9F] =	sst s3  }
0xc: {  	[smem:$0x3FA0] =	sst s4  }
0xd: {  	[smem:$0x3FA1] =	sst s5  }
0xe: {  	[smem:$0x3FA2] =	sst s6  }
0xf: {  	[smem:$0x3FA3] =	sst s7  }
0x10: {  	[smem:$0x3FA4] =	sst s8  }
0x11: {  	[smem:$0x3FA5] =	sst s9;
	s0 =	simm.s32 @!p0 $0x0  }
0x12: {  	s1 =	sld [smem:$0x3F8B];
	s0 =	simm.s32 @p0 $0x1  }
0x13: {  	[smem:$0x3FA6] =	sst s0;
	s0 =	simm.s32 @!p1 $0x0  }
0x14: {  	s2 =	sld [smem:$0x3F8A];
	s0 =	simm.s32 @p1 $0x1  }
0x15: {  	[smem:$0x3FA7] =	sst s0;
	s0 =	simm.s32 @!p2 $0x0  }
0x16: {  	s3 =	sld [smem:$0x3FDB];
	s0 =	simm.s32 @p2 $0x1  }
0x17: {  	s4 =	simm.s32 $0x1BF5;
	[smem:$0x3FA9] =	sst s0  }
0x18: {  	s0 =	sld [smem:$0x3F8C];
	_ =	swait.ge [sflag:s4], $0x0  }
0x19: {  	s7 =	sld [smem:$0x3F8D]  }
0x1a: {  	s8 =	sadd.s32 $0xFFFFE003, lr  }
0x1b: {  	s9 =	sadd.s32 $0xFFFFFEF7, lr;
	s5 =	simm.s32 $0xFFFFFFFF;
	p2 =	slt.u32 s8, $0xFFFFF086  }
0x1c: {  	p1 =	slt.u32 s9, $0xF7A;
	s5 =	simm.s32 @!p2 $0x0  }
0x1d: {  	s5 =	simm.s32 @p1 $0x1;
	p0 =	seq.s32 s7, s2  }
0x1e: {  	s7 =	smul.u32 @!p0 $0xF7A, s2;
	p2 =	seq.s32 @!p0 s5, $0x0  }
0x1f: {  	s9 =	smul.u32 $0xF7A, s1;
	s8 =	simm.s32 @!p0 $0x1BF5;
	p2 =	por !p2, p0  }
0x20: {  	[sflag:s8] =	ssyncset.s32 @!p0 $0xFFFFF086;
	s6 =	sadd.s32 @!p0 s3, s7;
	s7 =	simm.s32 @!p0 $0x108  }
0x21: {  	s3 =	sadd.s32 s3, s9;
	s6 =	sadd.s32 @!p0 $0x88, s6;
	s7 =	simm.s32 @p2 $0x1082  }
0x22: {  	[simem:s7], [sflag:s8] =	dma.local @!p0 [hbm:s6], $0xF7A  }
0x23: {  	s9 =	sor.u32 $0xD0000000, s2;
	s6 =	simm.s32 $0x108;
	_ =	swait.ge @!p0 [sflag:s8], $0x0  }
0x24: {  	s3 =	sadd.s32 $0x88, s3;
	s6 =	simm.s32 @!p1 $0x1082;
	[sflag:s4] =	ssyncset.s32 $0xFFFFF086  }
0x25: {  	[simem:s6], [sflag:s4] =	dma.local [hbm:s3], $0xF7A  }
0x26: {  	[smem:$0x3F8D] =	sst s1;
	(tag) =	ssettag s2;
	_ =	strace s9  }
0x27: {  	s1 =	sld [smem:$0x3F9D]  }
0x28: {  	s2 =	sld [smem:$0x3F9E]  }
0x29: {  	s4 =	sld [smem:$0x3FA0]  }
0x2a: {  	p0 =	seq.s32 s5, $0x0;
	s5 =	sld [smem:$0x3FA1]  }
0x2b: {  	s6 =	sld [smem:$0x3FA2]  }
0x2c: {  	s7 =	sld [smem:$0x3FA3]  }
0x2d: {  	s3 =	simm.s32 $0x108;
	s8 =	sld [smem:$0x3FA4]  }
0x2e: {  	s3 =	simm.s32 @!p0 $0x1082;
	s9 =	sld [smem:$0x3FA5]  }
0x2f: {  	lr =	sadd.s32 s0, s3;
	s0 =	sld [smem:$0x3F9C]  }
0x30: {  	s3 =	sld [smem:$0x3F9F]  }
0x31: {  	[smem:$0x3FA8] =	sst s10  }
0x32: {  	s10 =	sld [smem:$0x3FA6];
	_ =	sdelay $0x3  }
0x33: {  	p0 =	seq.s32 s10, $0x1;
	s10 =	sld [smem:$0x3FA8];
	_ =	sdelay $0x3  }
0x34: {  	[smem:$0x3FA8] =	sst s10  }
0x35: {  	s10 =	sld [smem:$0x3FA7];
	_ =	sdelay $0x3  }
0x36: {  	p1 =	seq.s32 s10, $0x1;
	s10 =	sld [smem:$0x3FA8];
	_ =	sdelay $0x3  }
0x37: {  	[smem:$0x3FA8] =	sst s10  }
0x38: {  	s10 =	sld [smem:$0x3FA9]  }
0x39: {  	_ = 	snop;
	(pc) =	sbr.ind lr, $3  }
0x3a: {  	_ = 	snop  }
0x3b: {  	_ = 	snop  }
0x3c: {  	p2 =	seq.s32 s10, $0x1;
	s10 =	sld [smem:$0x3FA8]  }
0x3d: {  	_ =	shalt  }
0x3e: {  	_ =	shalt  }
0x3f: {  	_ =	shalt  }
0x40: {  	_ =	shalt  }
0x41: {  	_ =	shalt  }
0x42: {  	_ =	shalt  }
0x43: {  	_ =	shalt  }
0x44: {  	_ =	shalt  }
0x45: {  	_ =	shalt  }
0x46: {  	_ =	shalt  }
0x47: {  	_ =	shalt  }
0x48: {  	_ =	shalt  }
0x49: {  	_ =	shalt  }
0x4a: {  	_ =	shalt  }
0x4b: {  	_ =	shalt  }
0x4c: {  	_ =	shalt  }
0x4d: {  	_ =	shalt  }
0x4e: {  	_ =	shalt  }
0x4f: {  	_ =	shalt  }
0x50: {  	_ =	shalt  }
0x51: {  	_ =	shalt  }
0x52: {  	_ =	shalt  }
0x53: {  	_ =	shalt  }
0x54: {  	_ =	shalt  }
0x55: {  	_ =	shalt  }
0x56: {  	_ =	shalt  }
0x57: {  	_ =	shalt  }
0x58: {  	_ =	shalt  }
0x59: {  	_ =	shalt  }
0x5a: {  	_ =	shalt  }
0x5b: {  	_ =	shalt  }
0x5c: {  	_ =	shalt  }
0x5d: {  	_ =	shalt  }
0x5e: {  	_ =	shalt  }
0x5f: {  	_ =	shalt  }
0x60: {  	_ =	shalt  }
0x61: {  	_ =	shalt  }
0x62: {  	_ =	shalt  }
0x63: {  	_ =	shalt  }
0x64: {  	_ =	shalt  }
0x65: {  	_ =	shalt  }
0x66: {  	_ =	shalt  }
0x67: {  	_ =	shalt  }
0x68: {  	_ =	shalt  }
0x69: {  	_ =	shalt  }
0x6a: {  	_ =	shalt  }
0x6b: {  	_ =	shalt  }
0x6c: {  	_ =	shalt  }
0x6d: {  	_ =	shalt  }
0x6e: {  	_ =	shalt  }
0x6f: {  	_ =	shalt  }
0x70: {  	_ =	shalt  }
0x71: {  	_ =	shalt  }
0x72: {  	_ =	shalt  }
0x73: {  	_ =	shalt  }
0x74: {  	_ =	shalt  }
0x75: {  	_ =	shalt  }
0x76: {  	_ =	shalt  }
0x77: {  	_ =	shalt  }
0x78: {  	_ =	shalt  }
0x79: {  	_ =	shalt  }
0x7a: {  	_ =	shalt  }
0x7b: {  	_ =	shalt  }
0x7c: {  	_ =	shalt  }
0x7d: {  	_ =	shalt  }
0x7e: {  	_ =	shalt  }
0x7f: {  	_ =	shalt  }
0x80: {  	_ =	shalt  }
0x81: {  	_ =	shalt  }
0x82: {  	_ =	shalt  }
0x83: {  	_ =	shalt  }
0x84: {  	_ =	shalt  }
0x85: {  	_ =	shalt  }
0x86: {  	_ =	shalt  }
0x87: {  	_ =	shalt  }
.Lfunc_end0:
.L_simem_size_0:
called_computation.2_lowered:
.L_overlay_start_0:
0x88: {  	s2 =	sld [smem:$0x3FD9]  }
0x89: {  	s3 =	sld [smem:$0x3FFE];
	_ =	sdelay $0x1  }
0x8a: {  	s1 =	srdreg.scid  }
0x8b: {  	s0 =	sand.u32 $0x1, s1  }
0x8c: {  	s17 =	sshll.u32 s0, $0xA;
	s2 =	sadd.s32 s3, s2  }
0x8d: {  	s2 =	sadd.s32 s2, s17  }
0x8e: {  	[smem:$0x3FB4] =	sst s2  }
0x8f: {  	_ = 	snop  }
0x90: {  	s18 =	sld [smem:$0x3FC1];
	(tm) =	ssettm $0x1  }
0x91: {  	s19 =	sld [smem:$0x3FFB];
	_ =	sdelay $0x3  }
0x92: {  	_ =	strace s19  }
0x93: {  	s2 =	sld [smem:$0x3FFC];
	_ =	sdelay $0x3  }
0x94: {  	_ =	strace s2  }
0x95: {  	s2 =	sld [smem:$0x3FFD];
	_ =	sdelay $0x3  }
0x96: {  	_ =	strace s2  }
0x97: {  	_ =	strace $0x8FFFFFFF  }
0x98: {  	s20 =	sld [smem:$0x3FDB];
	_ =	sdelay $0x1  }
0x99: {  	s4 =	simm.s32 $_scs_section_size  }
0x9a: {  	s5 =	simm.s32 $_size__tile_overlayer_lowered;
	s6 =	simm.s32 $_tile_overlayer_lowered  }
0x9b: {  	s7 =	simm.s32 $0x1BFF;
	s21 =	sshll.u32 s6, $0x1;
	s4 =	sadd.s32 s4, s20  }
0x9c: {  	s22 =	simm.s32 $0x0;
	s5 =	sshll.u32 s5, $0x1;
	s6 =	sadd.s32 s21, s4  }
0x9d: {  	[timem:s22], [sflag:s7] =	dma.local [hbm:s6], s5  }
0x9e: {  	_ =	swait.ge [sflag:s7], s5  }
0x9f: {  	s5 =	ssub.s32 $0x0, s5;
	[sflag:s7] =	ssyncset.done $0x0  }
0xa0: {  	[sflag:s7] =	ssyncadd.s32 s5;
	_ =	sdelay $0x1  }
0xa1: {  	s23 =	simm.s32 $0x1B8B  }
0xa2: {  	_ =	swait.ge [sflag:s23], $0x1  }
0xa3: {  	[sflag:s23] =	ssyncset.done $0x0  }
0xa4: {  	[sflag:s23] =	ssyncadd.s32 $0xFFFFFFFF  }
0xa5: {  	s5 =	sld [smem:$0x0]  }
0xa6: {  	s6 =	sand.u32 $0xFFFFFFFE, s1  }
0xa7: {  	p0 =	sne.s32 s1, s6  }
0xa8: {  	s6 =	sshll.u32 @p0 s6, $0xE  }
0xa9: {  	s6 =	sadd.s32 @p0 $0x11B8D, s6;
	s7 =	sshll.u32 @p0 s5, $0x11  }
0xaa: {  	s6 =	sor.u32 @p0 s7, s6  }
0xab: {  	[sflag:s6] =	ssyncadd.remote.s32 @p0 $0x1;
	_ =	sdelay $0x1  }
0xac: {  	s6 =	simm.s32 @p0 $0x1B8D  }
0xad: {  	_ =	swait.eq @p0 [sflag:s6], $0x1  }
0xae: {  	[sflag:s6] =	ssyncadd.s32 @p0 $0xFFFFFFFF  }
0xaf: {  	s7 =	sshll.u32 @!p0 s1, $0xE  }
0xb0: {  	s7 =	sor.u32 @!p0 $0x4000, s7;
	s6 =	simm.s32 @!p0 $0x1B8D  }
0xb1: {  	s5 =	sshll.u32 @!p0 s5, $0x11;
	s7 =	sadd.s32 @!p0 $0x11B8D, s7;
	_ =	swait.eq @!p0 [sflag:s6], $0x1  }
0xb2: {  	s5 =	sor.u32 @!p0 s5, s7;
	[sflag:s6] =	ssyncadd.s32 @!p0 $0xFFFFFFFF  }
0xb3: {  	s25 =	simm.s32 $0x1B8E;
	s24 =	sld [smem:$0x3FFE];
	[sflag:s5] =	ssyncadd.remote.s32 @!p0 $0x1  }
0xb4: {  	s26 =	simm.s32 $execute0_lowered;
	[smem:$0x3FD2] =	sst s25  }
0xb5: {  	s6 =	sshll.u32 s26, $0x1;
	_ =	strace $0x8000004C;
	[dreg:$0x1] =	wrdreg $0xFFFFFFFF  }
0xb6: {  	s28 =	simm.s32 $_size_execute0_lowered;
	s4 =	sadd.s32 s4, s6;
	[dreg:$0x0] =	wrdreg $0x0  }
0xb7: {  	s6 =	sshll.u32 s28, $0x1;
	[dreg:$0x2] =	wrdreg s4  }
0xb8: {  	[dreg:$0x3] =	wrdreg s6  }
0xb9: {  	[dreg:$0x4] =	wrdreg $0xC0  }
0xba: {  	_ =	task [dreg:s22], $0x5FFFF  }
0xbb: {  	[dreg:$0x1] =	wrdreg $0xFFFFFFFF  }
0xbc: {  	[dreg:$0x0] =	wrdreg $0x60  }
0xbd: {  	[dreg:$0x2] =	wrdreg s24  }
0xbe: {  	[dreg:$0x3] =	wrdreg s18  }
0xbf: {  	[dreg:$0x4] =	wrdreg $0x2E000  }
0xc0: {  	[dreg:$0x5] =	wrdreg $0xA  }
0xc1: {  	_ =	task.clear_ibuf [dreg:s22], $0x6FFFF;
	_ =	strace $0x9000004C  }
0xc2: {  	s29 =	simm.s32 $0xA;
	_ =	strace $0x8000004E  }
0xc3: {  	_ =	swait.ge [sflag:s29], $0x1  }
0xc4: {  	[sflag:s29] =	ssyncadd.s32 $0xFFFFFFFF  }
0xc5: {  	_ =	strace $0x9000004E  }
0xc6: {  	_ =	sfence  }
0xc7: {  	s30 =	sld [smem:$0x0];
	_ =	sdelay $0x2  }
0xc8: {  	s31 =	sshll.u32 s1, $0xD;
	s1 =	sshrl.u32 s1, $0x2  }
0xc9: {  	s4 =	sand.u32 $0x4000, s31;
	s1 =	sadd.s32 s1, s30  }
0xca: {  	s0 =	sor.u32 s4, s0;
	s1 =	sshll.u32 s1, $0x11  }
0xcb: {  	s0 =	sor.u32 s1, s0  }
0xcc: {  	s0 =	sadd.s32 $0x8F2B, s0  }
0xcd: {  	[sflag:s0] =	ssyncadd.remote.s32 $0x1  }
0xce: {  	_ =	sfence.sel $0xFFFF  }
0xcf: {  	[dreg:$0x0] =	wrdreg $0xFFFFFFFF;
	(pc) =	sbr.abs _section_cstart, $3  }
0xd0: {  	[dreg:$0x1] =	wrdreg $0xFFFFFFFF  }
0xd1: {  	_ =	task.clear_ibuf [dreg:s22], $0x2FFFF;
	_ =	strace $0x9FFFFFFF  }
0xd2: {  	(tm) =	ssettm $0x7FFFFFFF  }
0xd3: {  	_ =	shalt  }
tec
execute0_lowered:
.L_overlay_start_1:
0x0: {  	(tag) =	ssettag $0x1  }
0x1: {  	s0 =	rddreg [dreg:$0x0]  }
0x2: {  	s4 =	rddreg [dreg:$0x1]  }
0x3: {  	s1 =	rddreg [dreg:$0x2]  }
0x4: {  	s3 =	srdreg.scid;
	s30 =	simm.s32 $0x0;
	s10 =	stileid.u32  }
0x5: {  	s16 =	simm.s32 $0x2180;
	s17 =	simm.s32 $0x5;
	s18 =	simm.s32 $0x180  }
0x6: {  	s19 =	simm.s32 $0x80;
	s5 =	sand.u32 $0x1, s3;
	[smem:$0x7FF] =	sst s30  }
0x7: {  	s7 =	sadd.s32 $0xCCA200, s0;
	p0 =	slt.u32 s10, $0x4;
	s12 =	smul.u32 $0x4E200, s10  }
0x8: {  	s31 =	sadd.s32 $0x138800, s1;
	s21 =	sshll.u32 s10, $0x4;
	s25 =	smul.u32 $0x9C40, s10  }
0x9: {  	s22 =	sshll.u32 s10, $0x9;
	s8 =	sshll.u32 s10, $0x7;
	s3 =	smul.u32 $0x138800, s5  }
0xa: {  	_ =	strace $0x8000004D;
	s6 =	ssub.s32 $0x2, s5;
	s13 =	smul.u32 $0x13880, s5  }
0xb: {  	s2 =	sadd.s32 s4, s21;
	s23 =	sadd.s32 s7, s22;
	s8 =	sor.u32 $0x800, s8  }
0xc: {  	s21 =	simm.s32 $0x20;
	s22 =	simm.s32 $0x0;
	[dreg:$0x4] =	wrdreg s31  }
0xd: {  	s20 =	sshrl.u32 s6, $0x1;
	s9 =	sshrl.u32 s8, $0x3;
	s8 =	sshll.u32 s8, $0x2  }
0xe: {  	s12 =	sshrl.u32 s12, $0x2;
	[dreg:$0x5] =	wrdreg s2;
	s2 =	sadd.s32 $0x300, s2  }
0xf: {  	[dreg:$0x6] =	wrdreg s23;
	s29 =	sadd.s32 $0x6000, s23;
	s0 =	sadd.s32 s3, s0  }
0x10: {  	s11 =	ssub.s32 s6, s20;
	s3 =	simm.s32 $0x9D;
	[dreg:$0xa] =	wrdreg s2  }
0x11: {  	s4 =	sadd.s32 s4, s9;
	s24 =	sadd.s32 s7, s8;
	[dreg:$0xb] =	wrdreg s29  }
0x12: {  	s26 =	sadd.s32 $0x9C40, s13;
	s3 =	simm.s32 @!p0 $0x9C;
	[dreg:$0x7] =	wrdreg s4  }
0x13: {  	[dreg:$0x8] =	wrdreg s24;
	s28 =	smax.u32 s11, $0x1;
	s11 =	sadd.s32 s12, s1  }
0x14: {  	s0 =	sadd.s32 s25, s0;
	p0 =	sne.s32 s10, $0x0;
	s9 =	sadd.s32 $0xFFFFFFFF, s3  }
0x15: {  	v2 =	vimm.f32 $0.0e+00;
	v0 =	vmov s13;
	v1 =	vmov s26;
	[dreg:$0x9] =	wrdreg s28;
	s14 =	sadd.s32 $0xA01200, s0;
	s15 =	sadd.s32 $0xA9D600, s0  }
.LBB2_1:
0x16: {  	s0 =	simm.s32 $0x0  }
.LBB2_2:
0x17: {  	p1 =	sne.s32 s0, $0x3180  }
.Ltmp0:
0x18: {  	_ = 	snop;
	(pc) =	sbr.rel @p1 .LBB2_2-.Ltmp0, $4  }
0x19: {  	_ = 	snop  }
0x1a: {  	s4 =	sshra.s32 s0, $0x2  }
0x1b: {  	[tilespmem:s4+$0x2180] =	vst v2  }
0x1c: {  	s0 =	sadd.s32 $0x80, s0;
	[tilespmem:s4+$0x2190] =	vst v2  }
0x1d: {  	s0 =	sadd.s32 $0x0, s11  }
0x1e: {  	[spmem:s0] =	stream.linear.scatter [tilespmem:s16], [sflag:$0x5], $0xC80, $0x38;
	[tilespmem:$0x16690] =	vst v63  }
0x1f: {  	s0 =	simm.s32 $0x3200;
	_ =	swait.ge [sflag:s17], $0xC80  }
.LBB2_4:
0x20: {  	s4 =	sshra.s32 s0, $0x2;
	[sflag:s17] =	ssyncset.done $0x0;
	p1 =	sne.s32 s0, $0x4B000  }
.Ltmp1:
0x21: {  	s4 =	sadd.s32 s4, s11;
	[sflag:s17] =	ssyncadd.s32 $0xFFFFF380;
	(pc) =	sbr.rel @p1 .LBB2_4-.Ltmp1, $3  }
0x22: {  	[spmem:s4] =	stream.linear.scatter [tilespmem:s16], [sflag:$0x5], $0xC80, $0x38;
	[tilespmem:$0x16690] =	vst v63  }
0x23: {  	s0 =	sadd.s32 $0x3200, s0;
	_ =	sdelay $0x1  }
0x24: {  	_ =	swait.ge [sflag:s17], $0xC80  }
0x25: {  	[sflag:s17] =	ssyncset.done $0x0  }
0x26: {  	s0 =	simm.s32 @!p0 $0x2180;
	[sflag:s17] =	ssyncadd.s32 $0xFFFFF380  }
0x27: {  	[spmem:s31] =	stream.linear.scatter @!p0 [tilespmem:s0], [sflag:$0x5], $0x100, $0x38;
	[tilespmem:$0x16690] =	vst v63  }
0x28: {  	s0 =	simm.s32 @!p0 $0x5  }
0x29: {  	_ =	swait.ge @!p0 [sflag:s0], $0x100  }
0x2a: {  	[sflag:s0] =	ssyncset.done @!p0 $0x0  }
0x2b: {  	[sflag:s0] =	ssyncadd.s32 @!p0 $0xFFFFFF00  }
0x2c: {  	[bflag:$0x0] =	sbarrier.arrive $0xFFFF  }
0x2d: {  	s23 =	rddreg [dreg:$0x5]  }
0x2e: {  	[tilespmem:s30], [sflag:$0x1] =	stream.linear.gather [hbm4b:s23+s30], $0x80, $0x38;
	[tilespmem:$0x16690] =	vst v63  }
0x2f: {  	s24 =	rddreg [dreg:$0x6]  }
0x30: {  	[tilespmem:s18], [sflag:$0x3] =	stream.linear.gather [hbm4b:s24+s30], $0x1000, $0x38;
	[tilespmem:$0x16690] =	vst v63  }
0x31: {  	s2 =	simm.s32 $0x1180;
	p2 =	sle.u32 s3, $0x0;
	s25 =	rddreg [dreg:$0x7]  }
0x32: {  	[tilespmem:s19], [sflag:$0x2] =	stream.linear.gather [hbm4b:s25+s30], $0x80, $0x38;
	[tilespmem:$0x16690] =	vst v63  }
0x33: {  	p1 =	por p2, p2;
	s0 =	simm.s32 @!p2 $0x1;
	s26 =	rddreg [dreg:$0x8]  }
0x34: {  	[tilespmem:s2], [sflag:$0x4] =	stream.linear.gather [hbm4b:s26+s30], $0x1000, $0x38;
	[tilespmem:$0x16690] =	vst v63  }
0x35: {  	_ =	swait.ge @!p1 [sflag:s0], $0x80  }
0x36: {  	[sflag:s0] =	ssyncset.done @!p1 $0x0  }
0x37: {  	[sflag:s0] =	ssyncadd.s32 @!p1 $0xFFFFFF80;
	s0 =	simm.s32 @!p1 $0x3  }
0x38: {  	_ =	swait.ge @!p1 [sflag:s0], $0x1000  }
0x39: {  	[sflag:s0] =	ssyncset.done @!p1 $0x0  }
0x3a: {  	[sflag:s0] =	ssyncadd.s32 @!p1 $0xFFFFF000  }
0x3b: {  	v3 =	vld @!p1 [tilespmem:$0x30]  }
0x3c: {  	v4 =	vld @!p1 [tilespmem:$0x50]  }
0x3d: {  	v5 =	vld @!p1 [tilespmem:$0x70]  }
0x3e: {  	v6 =	vld @!p1 [tilespmem:$0x0]  }
0x3f: {  	v7 =	vld @!p1 [tilespmem:$0x60]  }
0x40: {  	v8 =	vld @!p1 [tilespmem:$0x10];
	v3 =	vsub.s32 @!p1 v3, v0  }
0x41: {  	v9 =	vld @!p1 [tilespmem:$0x20];
	v4 =	vsub.s32 @!p1 v4, v0;
	v3 =	vmin.u32 @!p1 v3, $0x9C40  }
0x42: {  	v5 =	vsub.s32 @!p1 v5, v0;
	v4 =	vmin.u32 @!p1 v4, $0x9C40;
	[tilespmem:$0x130] =	vst @!p1 v3;
	v3 =	vld @!p1 [tilespmem:$0x40]  }
0x43: {  	[tilespmem:$0x150] =	vst @!p1 v4;
	v4 =	vmin.u32 @!p1 v5, $0x9C40;
	v5 =	vsub.s32 @!p1 v6, v0  }
0x44: {  	[tilespmem:$0x170] =	vst @!p1 v4;
	v4 =	vmin.u32 @!p1 v5, $0x9C40;
	v5 =	vsub.s32 @!p1 v7, v0  }
0x45: {  	[tilespmem:$0x100] =	vst @!p1 v4;
	v4 =	vsub.s32 @!p1 v8, v0;
	v5 =	vmin.u32 @!p1 v5, $0x9C40  }
0x46: {  	v6 =	vsub.s32 @!p1 v9, v0;
	v4 =	vmin.u32 @!p1 v4, $0x9C40;
	[tilespmem:$0x160] =	vst @!p1 v5  }
0x47: {  	v5 =	vmin.u32 @!p1 v6, $0x9C40;
	[tilespmem:$0x110] =	vst @!p1 v4;
	v3 =	vsub.s32 @!p1 v3, v0  }
0x48: {  	s4 =	simm.s32 @!p1 $0x100;
	s7 =	simm.s32 @!p1 $0x180;
	p2 =	sle.u32 @!p2 s3, $0x2;
	[tilespmem:$0x120] =	vst @!p1 v5;
	v3 =	vmin.u32 @!p1 v3, $0x9C40  }
0x49: {  	s10 =	simm.s32 @!p1 $0x80;
	p2 =	por p2, p2;
	s0 =	simm.s32 @!p1 $0x5;
	[tilespmem:$0x140] =	vst @!p1 v3  }
0x4a: {  	[spmem:s1] =	stream.indirect.scatter.add.f32 @!p1 [tilespmem:s7], [sflag:$0x5], $0x20, s4, s10, $0xb8;
	[tilespmem:$0x16690] =	vst v63  }
0x4b: {  	p2 =	por p2, p1;
	_ =	swait.ge @!p1 [sflag:s0], $0x1000  }
0x4c: {  	s4 =	simm.s32 @!p2 $0x0;
	[sflag:s0] =	ssyncset.done @!p1 $0x0;
	s2 =	rddreg [dreg:$0xa]  }
0x4d: {  	s13 =	rddreg [dreg:$0xb];
	[sflag:s0] =	ssyncadd.s32 @!p1 $0xFFFFF000;
	s0 =	sadd.s32 @!p2 $0xFFFFFF00, s2  }
0x4e: {  	[tilespmem:s4], [sflag:$0x1] =	stream.linear.gather @!p2 [hbm4b:s0+s4], $0x80, $0x38;
	[tilespmem:$0x16690] =	vst v63  }
0x4f: {  	s7 =	simm.s32 @!p2 $0x180;
	p1 =	sle.u32 s9, $0x0;
	s0 =	sadd.s32 @!p2 $0xFFFFE000, s13  }
0x50: {  	[tilespmem:s7], [sflag:$0x3] =	stream.linear.gather @!p2 [hbm4b:s0+s4], $0x1000, $0x38;
	[tilespmem:$0x16690] =	vst v63  }
0x51: {  	s0 =	simm.s32 @!p1 $0x2  }
0x52: {  	_ =	swait.ge @!p1 [sflag:s0], $0x80  }
0x53: {  	[sflag:s0] =	ssyncset.done @!p1 $0x0  }
0x54: {  	[sflag:s0] =	ssyncadd.s32 @!p1 $0xFFFFFF80;
	s0 =	simm.s32 @!p1 $0x4  }
0x55: {  	_ =	swait.ge @!p1 [sflag:s0], $0x1000  }
0x56: {  	[sflag:s0] =	ssyncset.done @!p1 $0x0  }
0x57: {  	[sflag:s0] =	ssyncadd.s32 @!p1 $0xFFFFF000  }
0x58: {  	v3 =	vld @!p1 [tilespmem:$0x80]  }
0x59: {  	v4 =	vld @!p1 [tilespmem:$0x90]  }
0x5a: {  	v5 =	vld @!p1 [tilespmem:$0xA0]  }
0x5b: {  	v6 =	vld @!p1 [tilespmem:$0xB0]  }
0x5c: {  	v7 =	vld @!p1 [tilespmem:$0xD0]  }
0x5d: {  	v8 =	vld @!p1 [tilespmem:$0xE0];
	v3 =	vsub.s32 @!p1 v3, v0  }
0x5e: {  	v9 =	vld @!p1 [tilespmem:$0xF0];
	v4 =	vsub.s32 @!p1 v4, v0;
	v3 =	vmin.u32 @!p1 v3, $0x9C40  }
0x5f: {  	[tilespmem:$0x100] =	vst @!p1 v3;
	v3 =	vmin.u32 @!p1 v4, $0x9C40;
	v4 =	vsub.s32 @!p1 v5, v0;
	v5 =	vld @!p1 [tilespmem:$0xC0]  }
0x60: {  	[tilespmem:$0x110] =	vst @!p1 v3;
	v3 =	vmin.u32 @!p1 v4, $0x9C40;
	v4 =	vsub.s32 @!p1 v6, v0  }
0x61: {  	[tilespmem:$0x120] =	vst @!p1 v3;
	v3 =	vmin.u32 @!p1 v4, $0x9C40;
	v4 =	vsub.s32 @!p1 v7, v0  }
0x62: {  	s29 =	simm.s32 $0x2;
	s25 =	simm.s32 $0x5;
	[tilespmem:$0x130] =	vst @!p1 v3;
	v3 =	vmin.u32 @!p1 v4, $0x9C40;
	v4 =	vsub.s32 @!p1 v8, v0  }
0x63: {  	s30 =	simm.s32 $0x7;
	s24 =	sadd.s32 $0x200, s2;
	s23 =	sadd.s32 $0x4000, s13;
	[tilespmem:$0x150] =	vst @!p1 v3;
	v3 =	vmin.u32 @!p1 v4, $0x9C40;
	v4 =	vsub.s32 @!p1 v9, v0  }
0x64: {  	s10 =	simm.s32 @!p1 $0x1180;
	p3 =	sle.u32 @!p1 s3, $0x3;
	s31 =	sadd.s32 $0x200, s24;
	v5 =	vsub.s32 @!p1 v5, v0;
	[tilespmem:$0x160] =	vst @!p1 v3;
	v3 =	vmin.u32 @!p1 v4, $0x9C40  }
0x65: {  	s28 =	smov.u32 s24;
	s26 =	smov.u32 s23;
	s4 =	simm.s32 @!p1 $0x80;
	v4 =	vmin.u32 @!p1 v5, $0x9C40;
	[tilespmem:$0x170] =	vst @!p1 v3  }
0x66: {  	s7 =	simm.s32 @!p1 $0x100;
	p2 =	sle.u32 s3, $0x2;
	s0 =	simm.s32 @!p1 $0x5;
	[tilespmem:$0x140] =	vst @!p1 v4  }
0x67: {  	[spmem:s1] =	stream.indirect.scatter.add.f32 @!p1 [tilespmem:s10], [sflag:$0x5], $0x20, s7, s4, $0xb8;
	[tilespmem:$0x16690] =	vst v63  }
0x68: {  	p5 =	por p3, p1;
	p4 =	sle.u32 @!p2 s3, $0x4;
	_ =	swait.ge @!p1 [sflag:s0], $0x1000  }
0x69: {  	s7 =	simm.s32 @!p5 $0x0;
	s4 =	simm.s32 @!p2 $0x1;
	[sflag:s0] =	ssyncset.done @!p1 $0x0  }
0x6a: {  	p2 =	por p2, p2;
	[sflag:s0] =	ssyncadd.s32 @!p1 $0xFFFFF000;
	s0 =	simm.s32 @!p5 $0x80  }
0x6b: {  	[tilespmem:s0], [sflag:$0x2] =	stream.linear.gather @!p5 [hbm4b:s2+s7], $0x80, $0x38;
	[tilespmem:$0x16690] =	vst v63  }
0x6c: {  	s10 =	simm.s32 @!p5 $0x1180;
	p1 =	por p4, p4;
	s0 =	sadd.s32 $0x4000, s23  }
.LBB2_6:
0x6d: {  	[tilespmem:s10], [sflag:$0x4] =	stream.linear.gather @!p5 [hbm4b:s13+s7], $0x1000, $0x38;
	[tilespmem:$0x16690] =	vst v63  }
0x6e: {  	s7 =	smov.u32 s30;
	s30 =	sadd.s32 $0x2, s30;
	_ =	swait.ge @!p2 [sflag:s4], $0x80  }
0x6f: {  	s10 =	smov.u32 s28;
	p3 =	sne.s32 s30, $0xA1;
	[sflag:s4] =	ssyncset.done @!p2 $0x0  }
0x70: {  	s28 =	smov.u32 s31;
	[sflag:s4] =	ssyncadd.s32 @!p2 $0xFFFFFF80;
	s4 =	simm.s32 @!p2 $0x3  }
0x71: {  	s13 =	smov.u32 s26;
	s26 =	smov.u32 s0;
	_ =	swait.ge @!p2 [sflag:s4], $0x1000  }
0x72: {  	[sflag:s4] =	ssyncset.done @!p2 $0x0  }
0x73: {  	[sflag:s4] =	ssyncadd.s32 @!p2 $0xFFFFF000  }
0x74: {  	v3 =	vld @!p2 [tilespmem:$0x30]  }
0x75: {  	v4 =	vld @!p2 [tilespmem:$0x50]  }
0x76: {  	v5 =	vld @!p2 [tilespmem:$0x70]  }
0x77: {  	v6 =	vld @!p2 [tilespmem:$0x20]  }
0x78: {  	v7 =	vld @!p2 [tilespmem:$0x0]  }
0x79: {  	v3 =	vsub.s32 @!p2 v3, v0;
	v8 =	vld @!p2 [tilespmem:$0x60]  }
0x7a: {  	v9 =	vld @!p2 [tilespmem:$0x10];
	v3 =	vmin.u32 @!p2 v3, $0x9C40;
	v4 =	vsub.s32 @!p2 v4, v0  }
0x7b: {  	[tilespmem:$0x130] =	vst @!p2 v3;
	v3 =	vld @!p2 [tilespmem:$0x40];
	v4 =	vmin.u32 @!p2 v4, $0x9C40;
	v5 =	vsub.s32 @!p2 v5, v0  }
0x7c: {  	[tilespmem:$0x150] =	vst @!p2 v4;
	v4 =	vmin.u32 @!p2 v5, $0x9C40  }
0x7d: {  	v5 =	vsub.s32 @!p2 v7, v0;
	[tilespmem:$0x170] =	vst @!p2 v4  }
0x7e: {  	v4 =	vmin.u32 @!p2 v5, $0x9C40;
	v5 =	vsub.s32 @!p2 v6, v0;
	v6 =	vsub.s32 @!p2 v8, v0  }
0x7f: {  	[tilespmem:$0x100] =	vst @!p2 v4;
	v4 =	vsub.s32 @!p2 v9, v0;
	v5 =	vmin.u32 @!p2 v5, $0x9C40;
	v6 =	vmin.u32 @!p2 v6, $0x9C40  }
0x80: {  	v4 =	vmin.u32 @!p2 v4, $0x9C40;
	v3 =	vsub.s32 @!p2 v3, v0;
	[tilespmem:$0x160] =	vst @!p2 v6  }
0x81: {  	s5 =	simm.s32 @!p2 $0x5;
	s8 =	sadd.s32 $0xFFFFFFFD, s7;
	[tilespmem:$0x110] =	vst @!p2 v4;
	v3 =	vmin.u32 @!p2 v3, $0x9C40  }
0x82: {  	s6 =	simm.s32 @!p2 $0x100;
	s2 =	simm.s32 @!p2 $0x180;
	p6 =	sge.u32 s8, s3;
	[tilespmem:$0x120] =	vst @!p2 v5  }
0x83: {  	s20 =	simm.s32 @!p2 $0x80;
	s12 =	sadd.s32 @!p6 $0xFFFFFFFF, s7;
	s4 =	simm.s32 @!p6 $0x1;
	[tilespmem:$0x140] =	vst @!p2 v3  }
0x84: {  	[spmem:s1] =	stream.indirect.scatter.add.f32 @!p2 [tilespmem:s2], [sflag:$0x5], $0x20, s6, s20, $0xb8;
	[tilespmem:$0x16690] =	vst v63  }
0x85: {  	p4 =	sge.u32 @!p6 s12, s3;
	_ =	swait.ge @!p2 [sflag:s5], $0x1000  }
0x86: {  	p5 =	por p1, p2;
	p1 =	por p4, p4;
	[sflag:s5] =	ssyncset.done @!p2 $0x0  }
0x87: {  	s2 =	sadd.s32 @!p5 $0xFFFFFF00, s10;
	[sflag:s5] =	ssyncadd.s32 @!p2 $0xFFFFF000;
	s5 =	simm.s32 @!p5 $0x0  }
0x88: {  	[tilespmem:s5], [sflag:$0x1] =	stream.linear.gather @!p5 [hbm4b:s2+s5], $0x80, $0x38;
	[tilespmem:$0x16690] =	vst v63  }
0x89: {  	p4 =	sge.u32 s29, s9;
	s6 =	simm.s32 @!p5 $0x180;
	s2 =	sadd.s32 @!p5 $0xFFFFE000, s13  }
0x8a: {  	[tilespmem:s6], [sflag:$0x3] =	stream.linear.gather @!p5 [hbm4b:s2+s5], $0x1000, $0x38;
	[tilespmem:$0x16690] =	vst v63  }
0x8b: {  	s2 =	simm.s32 @!p4 $0x2;
	p5 =	sge.u32 @!p4 s25, s3;
	s25 =	smov.u32 s7  }
0x8c: {  	s29 =	smov.u32 s8;
	p2 =	por p6, p6;
	_ =	swait.ge @!p4 [sflag:s2], $0x80  }
0x8d: {  	[sflag:s2] =	ssyncset.done @!p4 $0x0  }
0x8e: {  	[sflag:s2] =	ssyncadd.s32 @!p4 $0xFFFFFF80;
	s2 =	simm.s32 @!p4 $0x4  }
0x8f: {  	_ =	swait.ge @!p4 [sflag:s2], $0x1000  }
0x90: {  	[sflag:s2] =	ssyncset.done @!p4 $0x0  }
0x91: {  	[sflag:s2] =	ssyncadd.s32 @!p4 $0xFFFFF000  }
0x92: {  	v3 =	vld @!p4 [tilespmem:$0x80]  }
0x93: {  	v4 =	vld @!p4 [tilespmem:$0x90]  }
0x94: {  	v5 =	vld @!p4 [tilespmem:$0xA0]  }
0x95: {  	v6 =	vld @!p4 [tilespmem:$0xB0]  }
0x96: {  	v7 =	vld @!p4 [tilespmem:$0xD0]  }
0x97: {  	v3 =	vsub.s32 @!p4 v3, v0;
	v8 =	vld @!p4 [tilespmem:$0xE0]  }
0x98: {  	v3 =	vmin.u32 @!p4 v3, $0x9C40;
	v4 =	vsub.s32 @!p4 v4, v0;
	v9 =	vld @!p4 [tilespmem:$0xF0]  }
0x99: {  	[tilespmem:$0x100] =	vst @!p4 v3;
	v3 =	vmin.u32 @!p4 v4, $0x9C40;
	v4 =	vsub.s32 @!p4 v5, v0;
	v5 =	vld @!p4 [tilespmem:$0xC0]  }
0x9a: {  	[tilespmem:$0x110] =	vst @!p4 v3;
	v3 =	vmin.u32 @!p4 v4, $0x9C40;
	v4 =	vsub.s32 @!p4 v6, v0  }
0x9b: {  	[tilespmem:$0x120] =	vst @!p4 v3;
	v3 =	vmin.u32 @!p4 v4, $0x9C40;
	v4 =	vsub.s32 @!p4 v7, v0  }
0x9c: {  	[tilespmem:$0x130] =	vst @!p4 v3;
	v3 =	vmin.u32 @!p4 v4, $0x9C40;
	v4 =	vsub.s32 @!p4 v8, v0  }
0x9d: {  	[tilespmem:$0x150] =	vst @!p4 v3;
	v3 =	vmin.u32 @!p4 v4, $0x9C40;
	v4 =	vsub.s32 @!p4 v9, v0  }
0x9e: {  	v5 =	vsub.s32 @!p4 v5, v0;
	[tilespmem:$0x160] =	vst @!p4 v3;
	v3 =	vmin.u32 @!p4 v4, $0x9C40  }
0x9f: {  	s2 =	simm.s32 @!p4 $0x5;
	v4 =	vmin.u32 @!p4 v5, $0x9C40;
	[tilespmem:$0x170] =	vst @!p4 v3  }
0xa0: {  	s5 =	simm.s32 @!p4 $0x80;
	s6 =	simm.s32 @!p4 $0x100;
	s7 =	simm.s32 @!p4 $0x1180;
	[tilespmem:$0x140] =	vst @!p4 v4  }
0xa1: {  	[spmem:s1] =	stream.indirect.scatter.add.f32 @!p4 [tilespmem:s7], [sflag:$0x5], $0x20, s6, s5, $0xb8;
	[tilespmem:$0x16690] =	vst v63  }
.Ltmp2:
0xa2: {  	_ =	swait.ge @!p4 [sflag:s2], $0x1000;
	(pc) =	sbr.rel @p3 .LBB2_6-.Ltmp2, $4  }
0xa3: {  	p5 =	por p5, p4;
	[sflag:s2] =	ssyncset.done @!p4 $0x0  }
0xa4: {  	s7 =	simm.s32 @!p5 $0x0;
	[sflag:s2] =	ssyncadd.s32 @!p4 $0xFFFFF000;
	s2 =	simm.s32 @!p5 $0x80  }
0xa5: {  	[tilespmem:s2], [sflag:$0x2] =	stream.linear.gather @!p5 [hbm4b:s10+s7], $0x80, $0x38;
	[tilespmem:$0x16690] =	vst v63  }
0xa6: {  	s31 =	sadd.s32 $0x200, s31;
	s0 =	sadd.s32 $0x4000, s0;
	s10 =	simm.s32 @!p5 $0x1180  }
0xa7: {  	[tilespmem:s10], [sflag:$0x4] =	stream.linear.gather @!p5 [hbm4b:s13+s7], $0x1000, $0x38;
	[tilespmem:$0x16690] =	vst v63  }
0xa8: {  	_ =	swait.ge @!p2 [sflag:s4], $0x80  }
0xa9: {  	[sflag:s4] =	ssyncset.done @!p2 $0x0  }
0xaa: {  	s0 =	simm.s32 @!p2 $0x3;
	[sflag:s4] =	ssyncadd.s32 @!p2 $0xFFFFFF80  }
0xab: {  	_ =	swait.ge @!p2 [sflag:s0], $0x1000  }
0xac: {  	[sflag:s0] =	ssyncset.done @!p2 $0x0  }
0xad: {  	[sflag:s0] =	ssyncadd.s32 @!p2 $0xFFFFF000  }
0xae: {  	v3 =	vld @!p2 [tilespmem:$0x30]  }
0xaf: {  	v4 =	vld @!p2 [tilespmem:$0x50]  }
0xb0: {  	v5 =	vld @!p2 [tilespmem:$0x70]  }
0xb1: {  	v6 =	vld @!p2 [tilespmem:$0x0]  }
0xb2: {  	v7 =	vld @!p2 [tilespmem:$0x60]  }
0xb3: {  	v8 =	vld @!p2 [tilespmem:$0x10];
	v3 =	vsub.s32 @!p2 v3, v0  }
0xb4: {  	v9 =	vld @!p2 [tilespmem:$0x20];
	v4 =	vsub.s32 @!p2 v4, v0;
	v3 =	vmin.u32 @!p2 v3, $0x9C40  }
0xb5: {  	v5 =	vsub.s32 @!p2 v5, v0;
	v4 =	vmin.u32 @!p2 v4, $0x9C40;
	[tilespmem:$0x130] =	vst @!p2 v3;
	v3 =	vld @!p2 [tilespmem:$0x40]  }
0xb6: {  	[tilespmem:$0x150] =	vst @!p2 v4;
	v4 =	vmin.u32 @!p2 v5, $0x9C40;
	v5 =	vsub.s32 @!p2 v6, v0  }
0xb7: {  	[tilespmem:$0x170] =	vst @!p2 v4;
	v4 =	vmin.u32 @!p2 v5, $0x9C40;
	v5 =	vsub.s32 @!p2 v7, v0  }
0xb8: {  	[tilespmem:$0x100] =	vst @!p2 v4;
	v4 =	vsub.s32 @!p2 v8, v0;
	v5 =	vmin.u32 @!p2 v5, $0x9C40  }
0xb9: {  	v6 =	vsub.s32 @!p2 v9, v0;
	v4 =	vmin.u32 @!p2 v4, $0x9C40;
	[tilespmem:$0x160] =	vst @!p2 v5  }
0xba: {  	v5 =	vmin.u32 @!p2 v6, $0x9C40;
	[tilespmem:$0x110] =	vst @!p2 v4;
	v3 =	vsub.s32 @!p2 v3, v0  }
0xbb: {  	s2 =	simm.s32 @!p2 $0x100;
	[tilespmem:$0x120] =	vst @!p2 v5;
	v3 =	vmin.u32 @!p2 v3, $0x9C40  }
0xbc: {  	s5 =	simm.s32 @!p2 $0x80;
	s4 =	simm.s32 @!p2 $0x180;
	s0 =	simm.s32 @!p2 $0x5;
	[tilespmem:$0x140] =	vst @!p2 v3  }
0xbd: {  	[spmem:s1] =	stream.indirect.scatter.add.f32 @!p2 [tilespmem:s4], [sflag:$0x5], $0x20, s2, s5, $0xb8;
	[tilespmem:$0x16690] =	vst v63  }
0xbe: {  	_ =	swait.ge @!p2 [sflag:s0], $0x1000  }
0xbf: {  	p3 =	por p1, p2;
	[sflag:s0] =	ssyncset.done @!p2 $0x0  }
0xc0: {  	s2 =	simm.s32 @!p3 $0x0;
	[sflag:s0] =	ssyncadd.s32 @!p2 $0xFFFFF000;
	s0 =	sadd.s32 @!p3 $0xFFFFFF00, s28  }
0xc1: {  	[tilespmem:s2], [sflag:$0x1] =	stream.linear.gather @!p3 [hbm4b:s0+s2], $0x80, $0x38;
	[tilespmem:$0x16690] =	vst v63  }
0xc2: {  	p1 =	sge.u32 s29, s9;
	s4 =	simm.s32 @!p3 $0x180;
	s0 =	sadd.s32 @!p3 $0xFFFFE000, s26  }
0xc3: {  	[tilespmem:s4], [sflag:$0x3] =	stream.linear.gather @!p3 [hbm4b:s0+s2], $0x1000, $0x38;
	[tilespmem:$0x16690] =	vst v63  }
0xc4: {  	s0 =	simm.s32 @!p1 $0x2  }
0xc5: {  	_ =	swait.ge @!p1 [sflag:s0], $0x80  }
0xc6: {  	[sflag:s0] =	ssyncset.done @!p1 $0x0  }
0xc7: {  	[sflag:s0] =	ssyncadd.s32 @!p1 $0xFFFFFF80;
	s0 =	simm.s32 @!p1 $0x4  }
0xc8: {  	_ =	swait.ge @!p1 [sflag:s0], $0x1000  }
0xc9: {  	[sflag:s0] =	ssyncset.done @!p1 $0x0  }
0xca: {  	[sflag:s0] =	ssyncadd.s32 @!p1 $0xFFFFF000  }
0xcb: {  	v3 =	vld @!p1 [tilespmem:$0x80]  }
0xcc: {  	v4 =	vld @!p1 [tilespmem:$0x90]  }
0xcd: {  	v5 =	vld @!p1 [tilespmem:$0xA0]  }
0xce: {  	v6 =	vld @!p1 [tilespmem:$0xB0]  }
0xcf: {  	v7 =	vld @!p1 [tilespmem:$0xD0]  }
0xd0: {  	v8 =	vld @!p1 [tilespmem:$0xE0];
	v3 =	vsub.s32 @!p1 v3, v0  }
0xd1: {  	v9 =	vld @!p1 [tilespmem:$0xF0];
	v4 =	vsub.s32 @!p1 v4, v0;
	v3 =	vmin.u32 @!p1 v3, $0x9C40  }
0xd2: {  	[tilespmem:$0x100] =	vst @!p1 v3;
	v3 =	vmin.u32 @!p1 v4, $0x9C40;
	v4 =	vsub.s32 @!p1 v5, v0;
	v5 =	vld @!p1 [tilespmem:$0xC0]  }
0xd3: {  	[tilespmem:$0x110] =	vst @!p1 v3;
	v3 =	vmin.u32 @!p1 v4, $0x9C40;
	v4 =	vsub.s32 @!p1 v6, v0  }
0xd4: {  	[tilespmem:$0x120] =	vst @!p1 v3;
	v3 =	vmin.u32 @!p1 v4, $0x9C40;
	v4 =	vsub.s32 @!p1 v7, v0  }
0xd5: {  	[tilespmem:$0x130] =	vst @!p1 v3;
	v3 =	vmin.u32 @!p1 v4, $0x9C40;
	v4 =	vsub.s32 @!p1 v8, v0  }
0xd6: {  	[tilespmem:$0x150] =	vst @!p1 v3;
	v3 =	vmin.u32 @!p1 v4, $0x9C40;
	v4 =	vsub.s32 @!p1 v9, v0  }
0xd7: {  	v5 =	vsub.s32 @!p1 v5, v0;
	[tilespmem:$0x160] =	vst @!p1 v3;
	v3 =	vmin.u32 @!p1 v4, $0x9C40  }
0xd8: {  	s5 =	simm.s32 @!p1 $0x1180;
	v4 =	vmin.u32 @!p1 v5, $0x9C40;
	[tilespmem:$0x170] =	vst @!p1 v3  }
0xd9: {  	s2 =	simm.s32 @!p1 $0x80;
	s4 =	simm.s32 @!p1 $0x100;
	s0 =	simm.s32 @!p1 $0x5;
	[tilespmem:$0x140] =	vst @!p1 v4  }
0xda: {  	[spmem:s1] =	stream.indirect.scatter.add.f32 @!p1 [tilespmem:s5], [sflag:$0x5], $0x20, s4, s2, $0xb8;
	[tilespmem:$0x16690] =	vst v63  }
0xdb: {  	p2 =	sge.u32 @!p1 s25, s3;
	_ =	swait.ge @!p1 [sflag:s0], $0x1000  }
0xdc: {  	p2 =	por p2, p1;
	[sflag:s0] =	ssyncset.done @!p1 $0x0  }
0xdd: {  	s2 =	simm.s32 @!p2 $0x80;
	[sflag:s0] =	ssyncadd.s32 @!p1 $0xFFFFF000;
	s0 =	simm.s32 @!p2 $0x0  }
0xde: {  	[tilespmem:s2], [sflag:$0x2] =	stream.linear.gather @!p2 [hbm4b:s28+s0], $0x80, $0x38;
	[tilespmem:$0x16690] =	vst v63  }
0xdf: {  	s2 =	simm.s32 @!p2 $0x1180  }
0xe0: {  	[tilespmem:s2], [sflag:$0x4] =	stream.linear.gather @!p2 [hbm4b:s26+s0], $0x1000, $0x38;
	[tilespmem:$0x16690] =	vst v63  }
0xe1: {  	[bflag:$0x0] =	sbarrier.arrive $0xFFFF  }
0xe2: {  	[tilespmem:s18], [sflag:$0x5] =	stream.linear.gather [spmem:s11], $0xC80, $0x38;
	[tilespmem:$0x16690] =	vst v63  }
0xe3: {  	_ =	swait.ge [sflag:s17], $0xC80  }
0xe4: {  	[sflag:s17] =	ssyncset.done $0x0  }
0xe5: {  	s31 =	sadd.s32 $0x0, s14;
	[sflag:s17] =	ssyncadd.s32 $0xFFFFF380  }
0xe6: {  	[hbm4b:s31+s21] =	stream.strided.scatter [tilespmem:s18], [sflag:$0x5], $0xC80, s19, s21, $0x38;
	[tilespmem:$0x16690] =	vst v63  }
0xe7: {  	_ =	swait.ge [sflag:s17], $0xC80  }
0xe8: {  	s4 =	smov.u32 s11;
	s0 =	simm.s32 $0x640;
	[sflag:s17] =	ssyncset.done $0x0  }
.LBB2_8:
0xe9: {  	p1 =	sne.s32 s0, $0x9600;
	[sflag:s17] =	ssyncadd.s32 $0xFFFFF380;
	s4 =	sadd.s32 $0xC80, s4  }
0xea: {  	[tilespmem:s18], [sflag:$0x5] =	stream.linear.gather [spmem:s4], $0xC80, $0x38;
	[tilespmem:$0x16690] =	vst v63  }
0xeb: {  	s2 =	smov.u32 s0;
	s0 =	sadd.s32 $0x640, s0;
	_ =	swait.ge [sflag:s17], $0xC80  }
.Ltmp3:
0xec: {  	[sflag:s17] =	ssyncset.done $0x0;
	(pc) =	sbr.rel @p1 .LBB2_8-.Ltmp3, $4  }
0xed: {  	s2 =	sadd.s32 s2, s14;
	[sflag:s17] =	ssyncadd.s32 $0xFFFFF380  }
0xee: {  	[hbm4b:s2+s21] =	stream.strided.scatter [tilespmem:s18], [sflag:$0x5], $0xC80, s19, s21, $0x38;
	[tilespmem:$0x16690] =	vst v63  }
0xef: {  	_ =	swait.ge [sflag:s17], $0xC80  }
0xf0: {  	[sflag:s17] =	ssyncset.done $0x0  }
0xf1: {  	[sflag:s17] =	ssyncadd.s32 $0xFFFFF380  }
0xf2: {  	s0 =	sadd.s32 $0x0, s11;
	[bflag:$0x0] =	sbarrier.arrive $0xFFFF  }
0xf3: {  	[spmem:s0] =	stream.linear.scatter [tilespmem:s16], [sflag:$0x5], $0xC80, $0x38;
	[tilespmem:$0x16690] =	vst v63  }
0xf4: {  	_ =	swait.ge [sflag:s17], $0xC80  }
0xf5: {  	s30 =	simm.s32 $0x0;
	s0 =	simm.s32 $0x3200;
	s31 =	rddreg [dreg:$0x4]  }
.LBB2_10:
0xf6: {  	s2 =	sshra.s32 s0, $0x2;
	[sflag:s17] =	ssyncset.done $0x0;
	p1 =	sne.s32 s0, $0x4B000  }
.Ltmp4:
0xf7: {  	s2 =	sadd.s32 s2, s11;
	[sflag:s17] =	ssyncadd.s32 $0xFFFFF380;
	(pc) =	sbr.rel @p1 .LBB2_10-.Ltmp4, $3  }
0xf8: {  	[spmem:s2] =	stream.linear.scatter [tilespmem:s16], [sflag:$0x5], $0xC80, $0x38;
	[tilespmem:$0x16690] =	vst v63  }
0xf9: {  	s0 =	sadd.s32 $0x3200, s0;
	_ =	sdelay $0x1  }
0xfa: {  	_ =	swait.ge [sflag:s17], $0xC80  }
0xfb: {  	[sflag:s17] =	ssyncset.done $0x0  }
0xfc: {  	s0 =	simm.s32 @!p0 $0x2180;
	[sflag:s17] =	ssyncadd.s32 $0xFFFFF380  }
0xfd: {  	[spmem:s31] =	stream.linear.scatter @!p0 [tilespmem:s0], [sflag:$0x5], $0x100, $0x38;
	[tilespmem:$0x16690] =	vst v63  }
0xfe: {  	s0 =	simm.s32 @!p0 $0x5  }
0xff: {  	_ =	swait.ge @!p0 [sflag:s0], $0x100  }
0x100: {  	[sflag:s0] =	ssyncset.done @!p0 $0x0  }
0x101: {  	[sflag:s0] =	ssyncadd.s32 @!p0 $0xFFFFFF00  }
0x102: {  	[bflag:$0x0] =	sbarrier.arrive $0xFFFF  }
0x103: {  	s13 =	rddreg [dreg:$0x5]  }
0x104: {  	[tilespmem:s30], [sflag:$0x1] =	stream.linear.gather [hbm4b:s13+s30], $0x80, $0x38;
	[tilespmem:$0x16690] =	vst v63  }
0x105: {  	s20 =	rddreg [dreg:$0x6]  }
0x106: {  	[tilespmem:s18], [sflag:$0x3] =	stream.linear.gather [hbm4b:s20+s30], $0x1000, $0x38;
	[tilespmem:$0x16690] =	vst v63  }
0x107: {  	s2 =	simm.s32 $0x1180;
	p2 =	sle.u32 s3, $0x0;
	s25 =	rddreg [dreg:$0x7]  }
0x108: {  	[tilespmem:s19], [sflag:$0x2] =	stream.linear.gather [hbm4b:s25+s30], $0x80, $0x38;
	[tilespmem:$0x16690] =	vst v63  }
0x109: {  	p1 =	por p2, p2;
	s0 =	simm.s32 @!p2 $0x1;
	s26 =	rddreg [dreg:$0x8]  }
0x10a: {  	[tilespmem:s2], [sflag:$0x4] =	stream.linear.gather [hbm4b:s26+s30], $0x1000, $0x38;
	[tilespmem:$0x16690] =	vst v63  }
0x10b: {  	_ =	swait.ge @!p1 [sflag:s0], $0x80  }
0x10c: {  	[sflag:s0] =	ssyncset.done @!p1 $0x0  }
0x10d: {  	[sflag:s0] =	ssyncadd.s32 @!p1 $0xFFFFFF80;
	s0 =	simm.s32 @!p1 $0x3  }
0x10e: {  	_ =	swait.ge @!p1 [sflag:s0], $0x1000  }
0x10f: {  	[sflag:s0] =	ssyncset.done @!p1 $0x0  }
0x110: {  	[sflag:s0] =	ssyncadd.s32 @!p1 $0xFFFFF000  }
0x111: {  	v3 =	vld @!p1 [tilespmem:$0x30]  }
0x112: {  	v4 =	vld @!p1 [tilespmem:$0x50]  }
0x113: {  	v5 =	vld @!p1 [tilespmem:$0x70]  }
0x114: {  	v6 =	vld @!p1 [tilespmem:$0x0]  }
0x115: {  	v7 =	vld @!p1 [tilespmem:$0x60]  }
0x116: {  	v8 =	vld @!p1 [tilespmem:$0x10];
	v3 =	vsub.s32 @!p1 v3, v1  }
0x117: {  	v9 =	vld @!p1 [tilespmem:$0x20];
	v4 =	vsub.s32 @!p1 v4, v1;
	v3 =	vmin.u32 @!p1 v3, $0x9C40  }
0x118: {  	v5 =	vsub.s32 @!p1 v5, v1;
	v4 =	vmin.u32 @!p1 v4, $0x9C40;
	[tilespmem:$0x130] =	vst @!p1 v3;
	v3 =	vld @!p1 [tilespmem:$0x40]  }
0x119: {  	[tilespmem:$0x150] =	vst @!p1 v4;
	v4 =	vmin.u32 @!p1 v5, $0x9C40;
	v5 =	vsub.s32 @!p1 v6, v1  }
0x11a: {  	[tilespmem:$0x170] =	vst @!p1 v4;
	v4 =	vmin.u32 @!p1 v5, $0x9C40;
	v5 =	vsub.s32 @!p1 v7, v1  }
0x11b: {  	[tilespmem:$0x100] =	vst @!p1 v4;
	v4 =	vsub.s32 @!p1 v8, v1;
	v5 =	vmin.u32 @!p1 v5, $0x9C40  }
0x11c: {  	v6 =	vsub.s32 @!p1 v9, v1;
	v4 =	vmin.u32 @!p1 v4, $0x9C40;
	[tilespmem:$0x160] =	vst @!p1 v5  }
0x11d: {  	v5 =	vmin.u32 @!p1 v6, $0x9C40;
	[tilespmem:$0x110] =	vst @!p1 v4;
	v3 =	vsub.s32 @!p1 v3, v1  }
0x11e: {  	s4 =	simm.s32 @!p1 $0x180;
	s5 =	simm.s32 @!p1 $0x80;
	p2 =	sle.u32 @!p2 s3, $0x2;
	[tilespmem:$0x120] =	vst @!p1 v5;
	v3 =	vmin.u32 @!p1 v3, $0x9C40  }
0x11f: {  	p2 =	por p2, p2;
	s2 =	simm.s32 @!p1 $0x100;
	s0 =	simm.s32 @!p1 $0x5;
	[tilespmem:$0x140] =	vst @!p1 v3  }
0x120: {  	[spmem:s1] =	stream.indirect.scatter.add.f32 @!p1 [tilespmem:s4], [sflag:$0x5], $0x20, s2, s5, $0xb8;
	[tilespmem:$0x16690] =	vst v63  }
0x121: {  	p2 =	por p2, p1;
	_ =	swait.ge @!p1 [sflag:s0], $0x1000  }
0x122: {  	s2 =	simm.s32 @!p2 $0x0;
	[sflag:s0] =	ssyncset.done @!p1 $0x0;
	s6 =	rddreg [dreg:$0xa]  }
0x123: {  	s13 =	rddreg [dreg:$0xb];
	[sflag:s0] =	ssyncadd.s32 @!p1 $0xFFFFF000;
	s0 =	sadd.s32 @!p2 $0xFFFFFF00, s6  }
0x124: {  	[tilespmem:s2], [sflag:$0x1] =	stream.linear.gather @!p2 [hbm4b:s0+s2], $0x80, $0x38;
	[tilespmem:$0x16690] =	vst v63  }
0x125: {  	s4 =	simm.s32 @!p2 $0x180;
	p1 =	sle.u32 s9, $0x0;
	s0 =	sadd.s32 @!p2 $0xFFFFE000, s13  }
0x126: {  	[tilespmem:s4], [sflag:$0x3] =	stream.linear.gather @!p2 [hbm4b:s0+s2], $0x1000, $0x38;
	[tilespmem:$0x16690] =	vst v63  }
0x127: {  	s0 =	simm.s32 @!p1 $0x2  }
0x128: {  	_ =	swait.ge @!p1 [sflag:s0], $0x80  }
0x129: {  	[sflag:s0] =	ssyncset.done @!p1 $0x0  }
0x12a: {  	[sflag:s0] =	ssyncadd.s32 @!p1 $0xFFFFFF80;
	s0 =	simm.s32 @!p1 $0x4  }
0x12b: {  	_ =	swait.ge @!p1 [sflag:s0], $0x1000  }
0x12c: {  	[sflag:s0] =	ssyncset.done @!p1 $0x0  }
0x12d: {  	[sflag:s0] =	ssyncadd.s32 @!p1 $0xFFFFF000  }
0x12e: {  	v3 =	vld @!p1 [tilespmem:$0x80]  }
0x12f: {  	v4 =	vld @!p1 [tilespmem:$0x90]  }
0x130: {  	v5 =	vld @!p1 [tilespmem:$0xA0]  }
0x131: {  	v6 =	vld @!p1 [tilespmem:$0xB0]  }
0x132: {  	v7 =	vld @!p1 [tilespmem:$0xD0]  }
0x133: {  	v8 =	vld @!p1 [tilespmem:$0xE0];
	v3 =	vsub.s32 @!p1 v3, v1  }
0x134: {  	v9 =	vld @!p1 [tilespmem:$0xF0];
	v4 =	vsub.s32 @!p1 v4, v1;
	v3 =	vmin.u32 @!p1 v3, $0x9C40  }
0x135: {  	[tilespmem:$0x100] =	vst @!p1 v3;
	v3 =	vmin.u32 @!p1 v4, $0x9C40;
	v4 =	vsub.s32 @!p1 v5, v1;
	v5 =	vld @!p1 [tilespmem:$0xC0]  }
0x136: {  	[tilespmem:$0x110] =	vst @!p1 v3;
	v3 =	vmin.u32 @!p1 v4, $0x9C40;
	v4 =	vsub.s32 @!p1 v6, v1  }
0x137: {  	[tilespmem:$0x120] =	vst @!p1 v3;
	v3 =	vmin.u32 @!p1 v4, $0x9C40;
	v4 =	vsub.s32 @!p1 v7, v1  }
0x138: {  	[tilespmem:$0x130] =	vst @!p1 v3;
	v3 =	vmin.u32 @!p1 v4, $0x9C40;
	v4 =	vsub.s32 @!p1 v8, v1  }
0x139: {  	s28 =	simm.s32 $0x7;
	[tilespmem:$0x150] =	vst @!p1 v3;
	v3 =	vmin.u32 @!p1 v4, $0x9C40;
	v4 =	vsub.s32 @!p1 v9, v1  }
0x13a: {  	s29 =	sadd.s32 $0x4000, s23;
	s25 =	simm.s32 $0x5;
	p3 =	sle.u32 @!p1 s3, $0x3;
	v5 =	vsub.s32 @!p1 v5, v1;
	[tilespmem:$0x160] =	vst @!p1 v3;
	v3 =	vmin.u32 @!p1 v4, $0x9C40  }
0x13b: {  	s26 =	simm.s32 $0x2;
	s5 =	simm.s32 @!p1 $0x1180;
	p5 =	por p3, p1;
	v4 =	vmin.u32 @!p1 v5, $0x9C40;
	[tilespmem:$0x170] =	vst @!p1 v3  }
0x13c: {  	s2 =	simm.s32 @!p1 $0x80;
	s4 =	simm.s32 @!p1 $0x100;
	s0 =	simm.s32 @!p1 $0x5;
	[tilespmem:$0x140] =	vst @!p1 v4  }
0x13d: {  	[spmem:s1] =	stream.indirect.scatter.add.f32 @!p1 [tilespmem:s5], [sflag:$0x5], $0x20, s4, s2, $0xb8;
	[tilespmem:$0x16690] =	vst v63  }
0x13e: {  	p2 =	sle.u32 s3, $0x2;
	s7 =	simm.s32 @!p5 $0x0;
	_ =	swait.ge @!p1 [sflag:s0], $0x1000  }
0x13f: {  	s10 =	simm.s32 @!p5 $0x1180;
	p4 =	sle.u32 @!p2 s3, $0x4;
	[sflag:s0] =	ssyncset.done @!p1 $0x0  }
0x140: {  	s4 =	simm.s32 @!p2 $0x1;
	[sflag:s0] =	ssyncadd.s32 @!p1 $0xFFFFF000;
	s0 =	simm.s32 @!p5 $0x80  }
0x141: {  	[tilespmem:s0], [sflag:$0x2] =	stream.linear.gather @!p5 [hbm4b:s6+s7], $0x80, $0x38;
	[tilespmem:$0x16690] =	vst v63  }
0x142: {  	p2 =	por p2, p2;
	p1 =	por p4, p4;
	s0 =	sadd.s32 $0x200, s24  }
.LBB2_12:
0x143: {  	[tilespmem:s10], [sflag:$0x4] =	stream.linear.gather @!p5 [hbm4b:s13+s7], $0x1000, $0x38;
	[tilespmem:$0x16690] =	vst v63  }
0x144: {  	s7 =	smov.u32 s28;
	s28 =	sadd.s32 $0x2, s28;
	_ =	swait.ge @!p2 [sflag:s4], $0x80  }
0x145: {  	s10 =	smov.u32 s24;
	p3 =	sne.s32 s28, $0xA1;
	[sflag:s4] =	ssyncset.done @!p2 $0x0  }
0x146: {  	s2 =	simm.s32 @!p2 $0x3;
	s24 =	smov.u32 s0;
	[sflag:s4] =	ssyncadd.s32 @!p2 $0xFFFFFF80  }
0x147: {  	s13 =	smov.u32 s23;
	s23 =	smov.u32 s29;
	_ =	swait.ge @!p2 [sflag:s2], $0x1000  }
0x148: {  	[sflag:s2] =	ssyncset.done @!p2 $0x0  }
0x149: {  	[sflag:s2] =	ssyncadd.s32 @!p2 $0xFFFFF000  }
0x14a: {  	v3 =	vld @!p2 [tilespmem:$0x30]  }
0x14b: {  	v4 =	vld @!p2 [tilespmem:$0x50]  }
0x14c: {  	v5 =	vld @!p2 [tilespmem:$0x70]  }
0x14d: {  	v6 =	vld @!p2 [tilespmem:$0x20]  }
0x14e: {  	v7 =	vld @!p2 [tilespmem:$0x0]  }
0x14f: {  	v3 =	vsub.s32 @!p2 v3, v1;
	v8 =	vld @!p2 [tilespmem:$0x60]  }
0x150: {  	v9 =	vld @!p2 [tilespmem:$0x10];
	v3 =	vmin.u32 @!p2 v3, $0x9C40;
	v4 =	vsub.s32 @!p2 v4, v1  }
0x151: {  	[tilespmem:$0x130] =	vst @!p2 v3;
	v3 =	vld @!p2 [tilespmem:$0x40];
	v4 =	vmin.u32 @!p2 v4, $0x9C40;
	v5 =	vsub.s32 @!p2 v5, v1  }
0x152: {  	[tilespmem:$0x150] =	vst @!p2 v4;
	v4 =	vmin.u32 @!p2 v5, $0x9C40  }
0x153: {  	v5 =	vsub.s32 @!p2 v7, v1;
	[tilespmem:$0x170] =	vst @!p2 v4  }
0x154: {  	v4 =	vmin.u32 @!p2 v5, $0x9C40;
	v5 =	vsub.s32 @!p2 v6, v1;
	v6 =	vsub.s32 @!p2 v8, v1  }
0x155: {  	[tilespmem:$0x100] =	vst @!p2 v4;
	v4 =	vsub.s32 @!p2 v9, v1;
	v5 =	vmin.u32 @!p2 v5, $0x9C40;
	v6 =	vmin.u32 @!p2 v6, $0x9C40  }
0x156: {  	v4 =	vmin.u32 @!p2 v4, $0x9C40;
	v3 =	vsub.s32 @!p2 v3, v1;
	[tilespmem:$0x160] =	vst @!p2 v6  }
0x157: {  	s5 =	simm.s32 @!p2 $0x5;
	s2 =	sadd.s32 $0xFFFFFFFD, s7;
	[tilespmem:$0x110] =	vst @!p2 v4;
	v3 =	vmin.u32 @!p2 v3, $0x9C40  }
0x158: {  	s6 =	simm.s32 @!p2 $0x100;
	s8 =	simm.s32 @!p2 $0x180;
	p6 =	sge.u32 s2, s3;
	[tilespmem:$0x120] =	vst @!p2 v5  }
0x159: {  	s20 =	simm.s32 @!p2 $0x80;
	s4 =	simm.s32 @!p6 $0x1;
	s12 =	sadd.s32 @!p6 $0xFFFFFFFF, s7;
	[tilespmem:$0x140] =	vst @!p2 v3  }
0x15a: {  	[spmem:s1] =	stream.indirect.scatter.add.f32 @!p2 [tilespmem:s8], [sflag:$0x5], $0x20, s6, s20, $0xb8;
	[tilespmem:$0x16690] =	vst v63  }
0x15b: {  	p4 =	sge.u32 @!p6 s12, s3;
	_ =	swait.ge @!p2 [sflag:s5], $0x1000  }
0x15c: {  	p5 =	por p1, p2;
	p1 =	por p4, p4;
	[sflag:s5] =	ssyncset.done @!p2 $0x0  }
0x15d: {  	s6 =	simm.s32 @!p5 $0x0;
	[sflag:s5] =	ssyncadd.s32 @!p2 $0xFFFFF000;
	s5 =	sadd.s32 @!p5 $0xFFFFFF00, s10  }
0x15e: {  	[tilespmem:s6], [sflag:$0x1] =	stream.linear.gather @!p5 [hbm4b:s5+s6], $0x80, $0x38;
	[tilespmem:$0x16690] =	vst v63  }
0x15f: {  	p4 =	sge.u32 s26, s9;
	s8 =	simm.s32 @!p5 $0x180;
	s5 =	sadd.s32 @!p5 $0xFFFFE000, s13  }
0x160: {  	[tilespmem:s8], [sflag:$0x3] =	stream.linear.gather @!p5 [hbm4b:s5+s6], $0x1000, $0x38;
	[tilespmem:$0x16690] =	vst v63  }
0x161: {  	s5 =	simm.s32 @!p4 $0x2;
	p5 =	sge.u32 @!p4 s25, s3;
	s25 =	smov.u32 s7  }
0x162: {  	s26 =	smov.u32 s2;
	p2 =	por p6, p6;
	_ =	swait.ge @!p4 [sflag:s5], $0x80  }
0x163: {  	[sflag:s5] =	ssyncset.done @!p4 $0x0  }
0x164: {  	s2 =	simm.s32 @!p4 $0x4;
	[sflag:s5] =	ssyncadd.s32 @!p4 $0xFFFFFF80  }
0x165: {  	_ =	swait.ge @!p4 [sflag:s2], $0x1000  }
0x166: {  	[sflag:s2] =	ssyncset.done @!p4 $0x0  }
0x167: {  	[sflag:s2] =	ssyncadd.s32 @!p4 $0xFFFFF000  }
0x168: {  	v3 =	vld @!p4 [tilespmem:$0x80]  }
0x169: {  	v4 =	vld @!p4 [tilespmem:$0x90]  }
0x16a: {  	v5 =	vld @!p4 [tilespmem:$0xA0]  }
0x16b: {  	v6 =	vld @!p4 [tilespmem:$0xB0]  }
0x16c: {  	v7 =	vld @!p4 [tilespmem:$0xD0]  }
0x16d: {  	v3 =	vsub.s32 @!p4 v3, v1;
	v8 =	vld @!p4 [tilespmem:$0xE0]  }
0x16e: {  	v3 =	vmin.u32 @!p4 v3, $0x9C40;
	v4 =	vsub.s32 @!p4 v4, v1;
	v9 =	vld @!p4 [tilespmem:$0xF0]  }
0x16f: {  	[tilespmem:$0x100] =	vst @!p4 v3;
	v3 =	vmin.u32 @!p4 v4, $0x9C40;
	v4 =	vsub.s32 @!p4 v5, v1;
	v5 =	vld @!p4 [tilespmem:$0xC0]  }
0x170: {  	[tilespmem:$0x110] =	vst @!p4 v3;
	v3 =	vmin.u32 @!p4 v4, $0x9C40;
	v4 =	vsub.s32 @!p4 v6, v1  }
0x171: {  	[tilespmem:$0x120] =	vst @!p4 v3;
	v3 =	vmin.u32 @!p4 v4, $0x9C40;
	v4 =	vsub.s32 @!p4 v7, v1  }
0x172: {  	[tilespmem:$0x130] =	vst @!p4 v3;
	v3 =	vmin.u32 @!p4 v4, $0x9C40;
	v4 =	vsub.s32 @!p4 v8, v1  }
0x173: {  	[tilespmem:$0x150] =	vst @!p4 v3;
	v3 =	vmin.u32 @!p4 v4, $0x9C40;
	v4 =	vsub.s32 @!p4 v9, v1  }
0x174: {  	v5 =	vsub.s32 @!p4 v5, v1;
	[tilespmem:$0x160] =	vst @!p4 v3;
	v3 =	vmin.u32 @!p4 v4, $0x9C40  }
0x175: {  	s2 =	simm.s32 @!p4 $0x5;
	v4 =	vmin.u32 @!p4 v5, $0x9C40;
	[tilespmem:$0x170] =	vst @!p4 v3  }
0x176: {  	s6 =	simm.s32 @!p4 $0x100;
	s7 =	simm.s32 @!p4 $0x1180;
	s5 =	simm.s32 @!p4 $0x80;
	[tilespmem:$0x140] =	vst @!p4 v4  }
0x177: {  	[spmem:s1] =	stream.indirect.scatter.add.f32 @!p4 [tilespmem:s7], [sflag:$0x5], $0x20, s6, s5, $0xb8;
	[tilespmem:$0x16690] =	vst v63  }
.Ltmp5:
0x178: {  	_ =	swait.ge @!p4 [sflag:s2], $0x1000;
	(pc) =	sbr.rel @p3 .LBB2_12-.Ltmp5, $4  }
0x179: {  	p5 =	por p5, p4;
	[sflag:s2] =	ssyncset.done @!p4 $0x0  }
0x17a: {  	s7 =	simm.s32 @!p5 $0x0;
	[sflag:s2] =	ssyncadd.s32 @!p4 $0xFFFFF000;
	s2 =	simm.s32 @!p5 $0x80  }
0x17b: {  	[tilespmem:s2], [sflag:$0x2] =	stream.linear.gather @!p5 [hbm4b:s10+s7], $0x80, $0x38;
	[tilespmem:$0x16690] =	vst v63  }
0x17c: {  	s0 =	sadd.s32 $0x200, s0;
	s29 =	sadd.s32 $0x4000, s29;
	s10 =	simm.s32 @!p5 $0x1180  }
0x17d: {  	[tilespmem:s10], [sflag:$0x4] =	stream.linear.gather @!p5 [hbm4b:s13+s7], $0x1000, $0x38;
	[tilespmem:$0x16690] =	vst v63  }
0x17e: {  	_ =	swait.ge @!p2 [sflag:s4], $0x80  }
0x17f: {  	[sflag:s4] =	ssyncset.done @!p2 $0x0  }
0x180: {  	s0 =	simm.s32 @!p2 $0x3;
	[sflag:s4] =	ssyncadd.s32 @!p2 $0xFFFFFF80  }
0x181: {  	_ =	swait.ge @!p2 [sflag:s0], $0x1000  }
0x182: {  	[sflag:s0] =	ssyncset.done @!p2 $0x0  }
0x183: {  	[sflag:s0] =	ssyncadd.s32 @!p2 $0xFFFFF000  }
0x184: {  	v3 =	vld @!p2 [tilespmem:$0x30]  }
0x185: {  	v4 =	vld @!p2 [tilespmem:$0x50]  }
0x186: {  	v5 =	vld @!p2 [tilespmem:$0x70]  }
0x187: {  	v6 =	vld @!p2 [tilespmem:$0x0]  }
0x188: {  	v7 =	vld @!p2 [tilespmem:$0x60]  }
0x189: {  	v8 =	vld @!p2 [tilespmem:$0x10];
	v3 =	vsub.s32 @!p2 v3, v1  }
0x18a: {  	v9 =	vld @!p2 [tilespmem:$0x20];
	v4 =	vsub.s32 @!p2 v4, v1;
	v3 =	vmin.u32 @!p2 v3, $0x9C40  }
0x18b: {  	v5 =	vsub.s32 @!p2 v5, v1;
	v4 =	vmin.u32 @!p2 v4, $0x9C40;
	[tilespmem:$0x130] =	vst @!p2 v3;
	v3 =	vld @!p2 [tilespmem:$0x40]  }
0x18c: {  	[tilespmem:$0x150] =	vst @!p2 v4;
	v4 =	vmin.u32 @!p2 v5, $0x9C40;
	v5 =	vsub.s32 @!p2 v6, v1  }
0x18d: {  	[tilespmem:$0x170] =	vst @!p2 v4;
	v4 =	vmin.u32 @!p2 v5, $0x9C40;
	v5 =	vsub.s32 @!p2 v7, v1  }
0x18e: {  	[tilespmem:$0x100] =	vst @!p2 v4;
	v4 =	vsub.s32 @!p2 v8, v1;
	v5 =	vmin.u32 @!p2 v5, $0x9C40  }
0x18f: {  	v6 =	vsub.s32 @!p2 v9, v1;
	v4 =	vmin.u32 @!p2 v4, $0x9C40;
	[tilespmem:$0x160] =	vst @!p2 v5  }
0x190: {  	v5 =	vmin.u32 @!p2 v6, $0x9C40;
	[tilespmem:$0x110] =	vst @!p2 v4;
	v3 =	vsub.s32 @!p2 v3, v1  }
0x191: {  	s2 =	simm.s32 @!p2 $0x100;
	[tilespmem:$0x120] =	vst @!p2 v5;
	v3 =	vmin.u32 @!p2 v3, $0x9C40  }
0x192: {  	s5 =	simm.s32 @!p2 $0x80;
	s4 =	simm.s32 @!p2 $0x180;
	s0 =	simm.s32 @!p2 $0x5;
	[tilespmem:$0x140] =	vst @!p2 v3  }
0x193: {  	[spmem:s1] =	stream.indirect.scatter.add.f32 @!p2 [tilespmem:s4], [sflag:$0x5], $0x20, s2, s5, $0xb8;
	[tilespmem:$0x16690] =	vst v63  }
0x194: {  	_ =	swait.ge @!p2 [sflag:s0], $0x1000  }
0x195: {  	p3 =	por p1, p2;
	[sflag:s0] =	ssyncset.done @!p2 $0x0  }
0x196: {  	s2 =	simm.s32 @!p3 $0x0;
	[sflag:s0] =	ssyncadd.s32 @!p2 $0xFFFFF000;
	s0 =	sadd.s32 @!p3 $0xFFFFFF00, s24  }
0x197: {  	[tilespmem:s2], [sflag:$0x1] =	stream.linear.gather @!p3 [hbm4b:s0+s2], $0x80, $0x38;
	[tilespmem:$0x16690] =	vst v63  }
0x198: {  	p1 =	sge.u32 s26, s9;
	s4 =	simm.s32 @!p3 $0x180;
	s0 =	sadd.s32 @!p3 $0xFFFFE000, s23  }
0x199: {  	[tilespmem:s4], [sflag:$0x3] =	stream.linear.gather @!p3 [hbm4b:s0+s2], $0x1000, $0x38;
	[tilespmem:$0x16690] =	vst v63  }
0x19a: {  	s0 =	simm.s32 @!p1 $0x2  }
0x19b: {  	_ =	swait.ge @!p1 [sflag:s0], $0x80  }
0x19c: {  	[sflag:s0] =	ssyncset.done @!p1 $0x0  }
0x19d: {  	[sflag:s0] =	ssyncadd.s32 @!p1 $0xFFFFFF80;
	s0 =	simm.s32 @!p1 $0x4  }
0x19e: {  	_ =	swait.ge @!p1 [sflag:s0], $0x1000  }
0x19f: {  	[sflag:s0] =	ssyncset.done @!p1 $0x0  }
0x1a0: {  	[sflag:s0] =	ssyncadd.s32 @!p1 $0xFFFFF000  }
0x1a1: {  	v3 =	vld @!p1 [tilespmem:$0x80]  }
0x1a2: {  	v4 =	vld @!p1 [tilespmem:$0x90]  }
0x1a3: {  	v5 =	vld @!p1 [tilespmem:$0xA0]  }
0x1a4: {  	v6 =	vld @!p1 [tilespmem:$0xB0]  }
0x1a5: {  	v7 =	vld @!p1 [tilespmem:$0xD0]  }
0x1a6: {  	v8 =	vld @!p1 [tilespmem:$0xE0];
	v3 =	vsub.s32 @!p1 v3, v1  }
0x1a7: {  	v9 =	vld @!p1 [tilespmem:$0xF0];
	v4 =	vsub.s32 @!p1 v4, v1;
	v3 =	vmin.u32 @!p1 v3, $0x9C40  }
0x1a8: {  	[tilespmem:$0x100] =	vst @!p1 v3;
	v3 =	vmin.u32 @!p1 v4, $0x9C40;
	v4 =	vsub.s32 @!p1 v5, v1;
	v5 =	vld @!p1 [tilespmem:$0xC0]  }
0x1a9: {  	[tilespmem:$0x110] =	vst @!p1 v3;
	v3 =	vmin.u32 @!p1 v4, $0x9C40;
	v4 =	vsub.s32 @!p1 v6, v1  }
0x1aa: {  	[tilespmem:$0x120] =	vst @!p1 v3;
	v3 =	vmin.u32 @!p1 v4, $0x9C40;
	v4 =	vsub.s32 @!p1 v7, v1  }
0x1ab: {  	[tilespmem:$0x130] =	vst @!p1 v3;
	v3 =	vmin.u32 @!p1 v4, $0x9C40;
	v4 =	vsub.s32 @!p1 v8, v1  }
0x1ac: {  	[tilespmem:$0x150] =	vst @!p1 v3;
	v3 =	vmin.u32 @!p1 v4, $0x9C40;
	v4 =	vsub.s32 @!p1 v9, v1  }
0x1ad: {  	v5 =	vsub.s32 @!p1 v5, v1;
	[tilespmem:$0x160] =	vst @!p1 v3;
	v3 =	vmin.u32 @!p1 v4, $0x9C40  }
0x1ae: {  	s5 =	simm.s32 @!p1 $0x1180;
	v4 =	vmin.u32 @!p1 v5, $0x9C40;
	[tilespmem:$0x170] =	vst @!p1 v3  }
0x1af: {  	s2 =	simm.s32 @!p1 $0x80;
	s4 =	simm.s32 @!p1 $0x100;
	s0 =	simm.s32 @!p1 $0x5;
	[tilespmem:$0x140] =	vst @!p1 v4  }
0x1b0: {  	[spmem:s1] =	stream.indirect.scatter.add.f32 @!p1 [tilespmem:s5], [sflag:$0x5], $0x20, s4, s2, $0xb8;
	[tilespmem:$0x16690] =	vst v63  }
0x1b1: {  	p2 =	sge.u32 @!p1 s25, s3;
	_ =	swait.ge @!p1 [sflag:s0], $0x1000  }
0x1b2: {  	p2 =	por p2, p1;
	[sflag:s0] =	ssyncset.done @!p1 $0x0  }
0x1b3: {  	s2 =	simm.s32 @!p2 $0x80;
	[sflag:s0] =	ssyncadd.s32 @!p1 $0xFFFFF000;
	s0 =	simm.s32 @!p2 $0x0  }
0x1b4: {  	[tilespmem:s2], [sflag:$0x2] =	stream.linear.gather @!p2 [hbm4b:s24+s0], $0x80, $0x38;
	[tilespmem:$0x16690] =	vst v63  }
0x1b5: {  	s2 =	simm.s32 @!p2 $0x1180  }
0x1b6: {  	[tilespmem:s2], [sflag:$0x4] =	stream.linear.gather @!p2 [hbm4b:s23+s0], $0x1000, $0x38;
	[tilespmem:$0x16690] =	vst v63  }
0x1b7: {  	[bflag:$0x0] =	sbarrier.arrive $0xFFFF  }
0x1b8: {  	[tilespmem:s18], [sflag:$0x5] =	stream.linear.gather [spmem:s11], $0xC80, $0x38;
	[tilespmem:$0x16690] =	vst v63  }
0x1b9: {  	_ =	swait.ge [sflag:s17], $0xC80  }
0x1ba: {  	[sflag:s17] =	ssyncset.done $0x0  }
0x1bb: {  	s29 =	sadd.s32 $0x0, s15;
	[sflag:s17] =	ssyncadd.s32 $0xFFFFF380  }
0x1bc: {  	[hbm4b:s29+s21] =	stream.strided.scatter [tilespmem:s18], [sflag:$0x5], $0xC80, s19, s21, $0x38;
	[tilespmem:$0x16690] =	vst v63  }
0x1bd: {  	_ =	swait.ge [sflag:s17], $0xC80  }
0x1be: {  	s4 =	smov.u32 s11;
	s0 =	simm.s32 $0x640;
	[sflag:s17] =	ssyncset.done $0x0  }
.LBB2_14:
0x1bf: {  	p1 =	sne.s32 s0, $0x9600;
	[sflag:s17] =	ssyncadd.s32 $0xFFFFF380;
	s4 =	sadd.s32 $0xC80, s4  }
0x1c0: {  	[tilespmem:s18], [sflag:$0x5] =	stream.linear.gather [spmem:s4], $0xC80, $0x38;
	[tilespmem:$0x16690] =	vst v63  }
0x1c1: {  	s2 =	smov.u32 s0;
	s0 =	sadd.s32 $0x640, s0;
	_ =	swait.ge [sflag:s17], $0xC80  }
.Ltmp6:
0x1c2: {  	[sflag:s17] =	ssyncset.done $0x0;
	(pc) =	sbr.rel @p1 .LBB2_14-.Ltmp6, $4  }
0x1c3: {  	s2 =	sadd.s32 s2, s15;
	[sflag:s17] =	ssyncadd.s32 $0xFFFFF380  }
0x1c4: {  	[hbm4b:s2+s21] =	stream.strided.scatter [tilespmem:s18], [sflag:$0x5], $0xC80, s19, s21, $0x38;
	[tilespmem:$0x16690] =	vst v63  }
0x1c5: {  	_ =	swait.ge [sflag:s17], $0xC80  }
0x1c6: {  	[sflag:s17] =	ssyncset.done $0x0  }
0x1c7: {  	s22 =	sadd.s32 $0x1, s22;
	s0 =	rddreg [dreg:$0x9]  }
0x1c8: {  	p1 =	sne.s32 s22, s0  }
.Ltmp7:
0x1c9: {  	_ = 	snop;
	(pc) =	sbr.rel @p1 .LBB2_1-.Ltmp7, $3  }
0x1ca: {  	_ = 	snop  }
0x1cb: {  	[sflag:s17] =	ssyncadd.s32 $0xFFFFF380  }
0x1cc: {  	[bflag:$0x0] =	sbarrier.arrive $0xFFFF;
	_ =	sdelay $0x1  }
0x1cd: {  	_ =	sfence.sel $0x180000  }
0x1ce: {  	[bflag:$0x0] =	sbarrier.arrive $0xFFFF  }
0x1cf: {  	_ =	strace $0x9000004D  }
0x1d0: {  	[bflag:$0x2] =	sbarrier.arrive $0xFFFF  }
0x1d1: {  	s0 =	rddreg [dreg:$0x3]  }
0x1d2: {  	s0 =	sadd.s32 @!p0 $0x100000, s0  }
0x1d3: {  	[sflag:s0] =	ssyncadd.tile.s32 @!p0 $0x1;
	_ =	shalt  }
.Lfunc_end2:
_tile_overlayer_lowered:
.L_overlay_start_2:
0x1d4: {  	(tag) =	ssettag $0x2  }
0x1d5: {  	s0 =	rddreg [dreg:$0x0];
	s2 =	stileid.u32  }
0x1d6: {  	s1 =	rddreg [dreg:$0x1];
	p0 =	sne.s32 s2, $0x0  }
0x1d7: {  	s3 =	rddreg [dreg:$0x2];
	[bflag:$0x3] =	sbarrier.arrive $0xFFFF;
	s2 =	simm.s32 @!p0 $0x1C05  }
0x1d8: {  	[timem:s3], [sflag:s2] =	dma.local @!p0 [hbm:s0], s1  }
0x1d9: {  	s0 =	simm.s32 @!p0 $0x5  }
0x1da: {  	_ =	swait.ge @!p0 [sflag:s0], s1  }
0x1db: {  	s1 =	ssub.s32 @!p0 $0x0, s1;
	[sflag:s0] =	ssyncset.done @!p0 $0x0  }
0x1dc: {  	[sflag:s0] =	ssyncadd.s32 @!p0 s1  }
0x1dd: {  	[bflag:$0x3] =	sbarrier.arrive $0xFFFF  }
0x1de: {  	_ =	shalt  }

// kernel: kernel.19.cloned.1.call-start
scs
__scs_entry_jumppad:
0x0: {  	(pc) =	sbr.rel $0x88, $3  }
0x1: {  	(tag) =	ssettag $0x0;
	lr =	simm.s32 $0x1  }
0x2: {  	[smem:$0x3F8D] =	sst lr;
	_ =	strace $0xD0000000  }
0x3: {  	_ = 	snop  }
0x4: {  	_ = 	snop  }
0x5: {  	_ = 	snop  }
0x6: {  	_ = 	snop  }
0x7: {  	_ = 	snop  }
__scs_overlays_trampoline_lowered:
0x8: {  	[smem:$0x3F9C] =	sst s0  }
0x9: {  	[smem:$0x3F9D] =	sst s1  }
0xa: {  	[smem:$0x3F9E] =	sst s2  }
0xb: {  	[smem:$0x3F9F] =	sst s3  }
0xc: {  	[smem:$0x3FA0] =	sst s4  }
0xd: {  	[smem:$0x3FA1] =	sst s5  }
0xe: {  	[smem:$0x3FA2] =	sst s6  }
0xf: {  	[smem:$0x3FA3] =	sst s7  }
0x10: {  	[smem:$0x3FA4] =	sst s8  }
0x11: {  	[smem:$0x3FA5] =	sst s9;
	s0 =	simm.s32 @!p0 $0x0  }
0x12: {  	s1 =	sld [smem:$0x3F8B];
	s0 =	simm.s32 @p0 $0x1  }
0x13: {  	[smem:$0x3FA6] =	sst s0;
	s0 =	simm.s32 @!p1 $0x0  }
0x14: {  	s2 =	sld [smem:$0x3F8A];
	s0 =	simm.s32 @p1 $0x1  }
0x15: {  	[smem:$0x3FA7] =	sst s0;
	s0 =	simm.s32 @!p2 $0x0  }
0x16: {  	s3 =	sld [smem:$0x3FDB];
	s0 =	simm.s32 @p2 $0x1  }
0x17: {  	s4 =	simm.s32 $0x1BF5;
	[smem:$0x3FA9] =	sst s0  }
0x18: {  	s0 =	sld [smem:$0x3F8C];
	_ =	swait.ge [sflag:s4], $0x0  }
0x19: {  	s7 =	sld [smem:$0x3F8D]  }
0x1a: {  	s8 =	sadd.s32 $0xFFFFE003, lr  }
0x1b: {  	s9 =	sadd.s32 $0xFFFFFEF7, lr;
	s5 =	simm.s32 $0xFFFFFFFF;
	p2 =	slt.u32 s8, $0xFFFFF086  }
0x1c: {  	p1 =	slt.u32 s9, $0xF7A;
	s5 =	simm.s32 @!p2 $0x0  }
0x1d: {  	s5 =	simm.s32 @p1 $0x1;
	p0 =	seq.s32 s7, s2  }
0x1e: {  	s7 =	smul.u32 @!p0 $0xF7A, s2;
	p2 =	seq.s32 @!p0 s5, $0x0  }
0x1f: {  	s9 =	smul.u32 $0xF7A, s1;
	s8 =	simm.s32 @!p0 $0x1BF5;
	p2 =	por !p2, p0  }
0x20: {  	[sflag:s8] =	ssyncset.s32 @!p0 $0xFFFFF086;
	s6 =	sadd.s32 @!p0 s3, s7;
	s7 =	simm.s32 @!p0 $0x108  }
0x21: {  	s3 =	sadd.s32 s3, s9;
	s6 =	sadd.s32 @!p0 $0x88, s6;
	s7 =	simm.s32 @p2 $0x1082  }
0x22: {  	[simem:s7], [sflag:s8] =	dma.local @!p0 [hbm:s6], $0xF7A  }
0x23: {  	s9 =	sor.u32 $0xD0000000, s2;
	s6 =	simm.s32 $0x108;
	_ =	swait.ge @!p0 [sflag:s8], $0x0  }
0x24: {  	s3 =	sadd.s32 $0x88, s3;
	s6 =	simm.s32 @!p1 $0x1082;
	[sflag:s4] =	ssyncset.s32 $0xFFFFF086  }
0x25: {  	[simem:s6], [sflag:s4] =	dma.local [hbm:s3], $0xF7A  }
0x26: {  	[smem:$0x3F8D] =	sst s1;
	(tag) =	ssettag s2;
	_ =	strace s9  }
0x27: {  	s1 =	sld [smem:$0x3F9D]  }
0x28: {  	s2 =	sld [smem:$0x3F9E]  }
0x29: {  	s4 =	sld [smem:$0x3FA0]  }
0x2a: {  	p0 =	seq.s32 s5, $0x0;
	s5 =	sld [smem:$0x3FA1]  }
0x2b: {  	s6 =	sld [smem:$0x3FA2]  }
0x2c: {  	s7 =	sld [smem:$0x3FA3]  }
0x2d: {  	s3 =	simm.s32 $0x108;
	s8 =	sld [smem:$0x3FA4]  }
0x2e: {  	s3 =	simm.s32 @!p0 $0x1082;
	s9 =	sld [smem:$0x3FA5]  }
0x2f: {  	lr =	sadd.s32 s0, s3;
	s0 =	sld [smem:$0x3F9C]  }
0x30: {  	s3 =	sld [smem:$0x3F9F]  }
0x31: {  	[smem:$0x3FA8] =	sst s10  }
0x32: {  	s10 =	sld [smem:$0x3FA6];
	_ =	sdelay $0x3  }
0x33: {  	p0 =	seq.s32 s10, $0x1;
	s10 =	sld [smem:$0x3FA8];
	_ =	sdelay $0x3  }
0x34: {  	[smem:$0x3FA8] =	sst s10  }
0x35: {  	s10 =	sld [smem:$0x3FA7];
	_ =	sdelay $0x3  }
0x36: {  	p1 =	seq.s32 s10, $0x1;
	s10 =	sld [smem:$0x3FA8];
	_ =	sdelay $0x3  }
0x37: {  	[smem:$0x3FA8] =	sst s10  }
0x38: {  	s10 =	sld [smem:$0x3FA9]  }
0x39: {  	_ = 	snop;
	(pc) =	sbr.ind lr, $3  }
0x3a: {  	_ = 	snop  }
0x3b: {  	_ = 	snop  }
0x3c: {  	p2 =	seq.s32 s10, $0x1;
	s10 =	sld [smem:$0x3FA8]  }
0x3d: {  	_ =	shalt  }
0x3e: {  	_ =	shalt  }
0x3f: {  	_ =	shalt  }
0x40: {  	_ =	shalt  }
0x41: {  	_ =	shalt  }
0x42: {  	_ =	shalt  }
0x43: {  	_ =	shalt  }
0x44: {  	_ =	shalt  }
0x45: {  	_ =	shalt  }
0x46: {  	_ =	shalt  }
0x47: {  	_ =	shalt  }
0x48: {  	_ =	shalt  }
0x49: {  	_ =	shalt  }
0x4a: {  	_ =	shalt  }
0x4b: {  	_ =	shalt  }
0x4c: {  	_ =	shalt  }
0x4d: {  	_ =	shalt  }
0x4e: {  	_ =	shalt  }
0x4f: {  	_ =	shalt  }
0x50: {  	_ =	shalt  }
0x51: {  	_ =	shalt  }
0x52: {  	_ =	shalt  }
0x53: {  	_ =	shalt  }
0x54: {  	_ =	shalt  }
0x55: {  	_ =	shalt  }
0x56: {  	_ =	shalt  }
0x57: {  	_ =	shalt  }
0x58: {  	_ =	shalt  }
0x59: {  	_ =	shalt  }
0x5a: {  	_ =	shalt  }
0x5b: {  	_ =	shalt  }
0x5c: {  	_ =	shalt  }
0x5d: {  	_ =	shalt  }
0x5e: {  	_ =	shalt  }
0x5f: {  	_ =	shalt  }
0x60: {  	_ =	shalt  }
0x61: {  	_ =	shalt  }
0x62: {  	_ =	shalt  }
0x63: {  	_ =	shalt  }
0x64: {  	_ =	shalt  }
0x65: {  	_ =	shalt  }
0x66: {  	_ =	shalt  }
0x67: {  	_ =	shalt  }
0x68: {  	_ =	shalt  }
0x69: {  	_ =	shalt  }
0x6a: {  	_ =	shalt  }
0x6b: {  	_ =	shalt  }
0x6c: {  	_ =	shalt  }
0x6d: {  	_ =	shalt  }
0x6e: {  	_ =	shalt  }
0x6f: {  	_ =	shalt  }
0x70: {  	_ =	shalt  }
0x71: {  	_ =	shalt  }
0x72: {  	_ =	shalt  }
0x73: {  	_ =	shalt  }
0x74: {  	_ =	shalt  }
0x75: {  	_ =	shalt  }
0x76: {  	_ =	shalt  }
0x77: {  	_ =	shalt  }
0x78: {  	_ =	shalt  }
0x79: {  	_ =	shalt  }
0x7a: {  	_ =	shalt  }
0x7b: {  	_ =	shalt  }
0x7c: {  	_ =	shalt  }
0x7d: {  	_ =	shalt  }
0x7e: {  	_ =	shalt  }
0x7f: {  	_ =	shalt  }
0x80: {  	_ =	shalt  }
0x81: {  	_ =	shalt  }
0x82: {  	_ =	shalt  }
0x83: {  	_ =	shalt  }
0x84: {  	_ =	shalt  }
0x85: {  	_ =	shalt  }
0x86: {  	_ =	shalt  }
0x87: {  	_ =	shalt  }
.Lfunc_end0:
.L_simem_size_0:
called_computation.3_lowered:
.L_overlay_start_0:
0x88: {  	s2 =	sld [smem:$0x3FD9]  }
0x89: {  	s3 =	sld [smem:$0x3FFE];
	_ =	sdelay $0x1  }
0x8a: {  	s1 =	srdreg.scid  }
0x8b: {  	s0 =	sand.u32 $0x1, s1  }
0x8c: {  	s17 =	sshll.u32 s0, $0xA;
	s2 =	sadd.s32 s3, s2  }
0x8d: {  	s2 =	sadd.s32 s2, s17  }
0x8e: {  	[smem:$0x3FB4] =	sst s2  }
0x8f: {  	_ = 	snop  }
0x90: {  	s2 =	sld [smem:$0x3FC5];
	(tm) =	ssettm $0x1  }
0x91: {  	s18 =	sld [smem:$0x3FFB];
	_ =	sdelay $0x3  }
0x92: {  	_ =	strace s18  }
0x93: {  	s3 =	sld [smem:$0x3FFC];
	_ =	sdelay $0x3  }
0x94: {  	_ =	strace s3  }
0x95: {  	s3 =	sld [smem:$0x3FFD];
	_ =	sdelay $0x3  }
0x96: {  	_ =	strace s3  }
0x97: {  	_ =	strace $0x8FFFFFFF  }
0x98: {  	s19 =	sld [smem:$0x3FDB];
	_ =	sdelay $0x1  }
0x99: {  	s4 =	simm.s32 $_scs_section_size  }
0x9a: {  	s5 =	simm.s32 $_size__tile_overlayer_lowered;
	s6 =	simm.s32 $_tile_overlayer_lowered  }
0x9b: {  	s22 =	simm.s32 $0x1BFF;
	s21 =	sshll.u32 s6, $0x1;
	s3 =	sadd.s32 s4, s19  }
0x9c: {  	s7 =	simm.s32 $0x0;
	s20 =	sshll.u32 s5, $0x1;
	s5 =	sadd.s32 s21, s3  }
0x9d: {  	[timem:s7], [sflag:s22] =	dma.local [hbm:s5], s20  }
0x9e: {  	_ =	swait.ge [sflag:s22], s20  }
0x9f: {  	s4 =	ssub.s32 $0x0, s20;
	[sflag:s22] =	ssyncset.done $0x0  }
0xa0: {  	[sflag:s22] =	ssyncadd.s32 s4;
	_ =	sdelay $0x1  }
0xa1: {  	s23 =	simm.s32 $0x1B8B  }
0xa2: {  	_ =	swait.ge [sflag:s23], $0x1  }
0xa3: {  	[sflag:s23] =	ssyncset.done $0x0  }
0xa4: {  	s25 =	simm.s32 $0x1B8E;
	s24 =	sld [smem:$0x3FFE];
	[sflag:s23] =	ssyncadd.s32 $0xFFFFFFFF  }
0xa5: {  	s26 =	simm.s32 $execute0_lowered;
	[smem:$0x3FD2] =	sst s25  }
0xa6: {  	s5 =	sshll.u32 s26, $0x1;
	_ =	strace $0x8000004F;
	[dreg:$0x1] =	wrdreg $0xFFFFFFFF  }
0xa7: {  	s28 =	simm.s32 $_size_execute0_lowered;
	s3 =	sadd.s32 s3, s5;
	[dreg:$0x0] =	wrdreg $0x0  }
0xa8: {  	s5 =	sshll.u32 s28, $0x1;
	[dreg:$0x2] =	wrdreg s3  }
0xa9: {  	[dreg:$0x3] =	wrdreg s5  }
0xaa: {  	[dreg:$0x4] =	wrdreg $0xC0  }
0xab: {  	_ =	task [dreg:s7], $0x5FFFF  }
0xac: {  	[dreg:$0x1] =	wrdreg $0xFFFFFFFF  }
0xad: {  	[dreg:$0x0] =	wrdreg $0x60  }
0xae: {  	[dreg:$0x2] =	wrdreg s24  }
0xaf: {  	[dreg:$0x3] =	wrdreg s2  }
0xb0: {  	[dreg:$0x4] =	wrdreg $0x20200  }
0xb1: {  	[dreg:$0x5] =	wrdreg $0x9  }
0xb2: {  	_ =	task.clear_ibuf [dreg:s7], $0x6FFFF;
	_ =	strace $0x9000004F  }
0xb3: {  	s29 =	simm.s32 $0x9;
	_ =	strace $0x80000051  }
0xb4: {  	_ =	swait.ge [sflag:s29], $0x1  }
0xb5: {  	[sflag:s29] =	ssyncadd.s32 $0xFFFFFFFF  }
0xb6: {  	_ =	strace $0x90000051  }
0xb7: {  	_ =	sfence  }
0xb8: {  	s30 =	sld [smem:$0x0];
	_ =	sdelay $0x2  }
0xb9: {  	s31 =	sshll.u32 s1, $0xD;
	s1 =	sshrl.u32 s1, $0x2  }
0xba: {  	s3 =	sand.u32 $0x4000, s31;
	s1 =	sadd.s32 s1, s30  }
0xbb: {  	s0 =	sor.u32 s3, s0;
	s1 =	sshll.u32 s1, $0x11  }
0xbc: {  	s0 =	sor.u32 s1, s0  }
0xbd: {  	s0 =	sadd.s32 $0x8F2B, s0  }
0xbe: {  	[sflag:s0] =	ssyncadd.remote.s32 $0x1  }
0xbf: {  	_ =	sfence.sel $0xFFFF  }
0xc0: {  	[dreg:$0x0] =	wrdreg $0xFFFFFFFF;
	(pc) =	sbr.abs _section_cstart, $3  }
0xc1: {  	[dreg:$0x1] =	wrdreg $0xFFFFFFFF  }
0xc2: {  	_ =	task.clear_ibuf [dreg:s7], $0x2FFFF;
	_ =	strace $0x9FFFFFFF  }
0xc3: {  	(tm) =	ssettm $0x7FFFFFFF  }
tec
execute0_lowered:
.L_overlay_start_1:
0x0: {  	(tag) =	ssettag $0x1  }
0x1: {  	s4 =	rddreg [dreg:$0x0]  }
0x2: {  	s16 =	rddreg [dreg:$0x1]  }
0x3: {  	s1 =	rddreg [dreg:$0x2]  }
0x4: {  	s0 =	rddreg [dreg:$0x3];
	s5 =	srdreg.scid  }
0x5: {  	s3 =	simm.s32 $0x0;
	s2 =	stileid.u32;
	s15 =	sand.u32 $0x1, s5  }
0x6: {  	[smem:$0x7FF] =	sst s3;
	s25 =	sshll.u32 s2, $0xC;
	s9 =	smul.u32 $0x271, s2  }
0x7: {  	s18 =	sadd.s32 $0x5200, s4;
	p0 =	seq.s32 s2, $0x0;
	s28 =	smul.u32 $0x13880, s2  }
0x8: {  	s19 =	sshll.u32 s2, $0x8;
	s6 =	ssub.s32 $0x2, s15;
	_ =	strace $0x80000050  }
0x9: {  	s17 =	sadd.s32 s25, s4;
	s4 =	simm.s32 $0x28;
	s20 =	sshll.u32 s15, $0x7  }
0xa: {  	s21 =	smul.u32 $0x2710, s15;
	s31 =	sshll.u32 s15, $0xB;
	s26 =	sshrl.u32 s6, $0x1  }
0xb: {  	s4 =	simm.s32 @!p0 $0x27;
	s5 =	sshrl.u32 s28, $0x2;
	s12 =	sadd.s32 $0x7D, s9  }
0xc: {  	s13 =	sadd.s32 $0xFA, s9;
	s14 =	sadd.s32 $0x177, s9;
	s22 =	sadd.s32 $0x1F4, s9  }
0xd: {  	s19 =	sor.u32 s20, s19;
	s17 =	sadd.s32 s31, s17;
	s20 =	simm.s32 $0x20  }
0xe: {  	s6 =	ssub.s32 s6, s26;
	s5 =	sadd.s32 s5, s1;
	s7 =	sshll.u32 s12, $0x5  }
0xf: {  	s8 =	sshll.u32 s13, $0x5;
	s10 =	sshll.u32 s14, $0x5;
	s11 =	sshll.u32 s22, $0x5  }
0x10: {  	s23 =	sadd.s32 s21, s9;
	s12 =	sadd.s32 s21, s12;
	s13 =	sadd.s32 s21, s13  }
0x11: {  	s14 =	sadd.s32 s21, s14;
	s21 =	sadd.s32 s21, s22;
	s19 =	sshrl.u32 s19, $0x3  }
0x12: {  	s17 =	sadd.s32 $0xC72200, s17;
	s22 =	simm.s32 $0x0;
	s6 =	smax.u32 s6, $0x1  }
0x13: {  	s7 =	sadd.s32 s7, s1;
	s8 =	sadd.s32 s8, s1;
	s9 =	sadd.s32 s10, s1  }
0x14: {  	s10 =	sadd.s32 s11, s1;
	s29 =	sshll.u32 s23, $0x4;
	s12 =	sshll.u32 s12, $0x4  }
0x15: {  	s13 =	sshll.u32 s13, $0x4;
	s14 =	sshll.u32 s14, $0x4;
	s30 =	sshll.u32 s21, $0x4  }
0x16: {  	s16 =	sadd.s32 s19, s16;
	s19 =	simm.s32 $0x1;
	s21 =	simm.s32 $0x80  }
0x17: {  	s11 =	sadd.s32 s18, s29;
	s12 =	sadd.s32 s18, s12;
	s13 =	sadd.s32 s18, s13  }
0x18: {  	v0 =	vimm.f32 $0.0e+00;
	s14 =	sadd.s32 s18, s14;
	s15 =	sadd.s32 s18, s30;
	s18 =	simm.s32 $0x1080  }
.LBB2_1:
0x19: {  	s23 =	simm.s32 $0x80;
	s24 =	simm.s32 $0x0  }
.LBB2_2:
0x1a: {  	p0 =	sne.s32 s23, $0x3E00;
	[tilespmem:s24+$0x1080] =	vst v0;
	s25 =	smov.u32 s23;
	s23 =	sadd.s32 $0x80, s23  }
.Ltmp0:
0x1b: {  	[tilespmem:s24+$0x1090] =	vst v0;
	(pc) =	sbr.rel @p0 .LBB2_2-.Ltmp0, $2  }
0x1c: {  	_ =	sdelay $0x2  }
0x1d: {  	s24 =	sshra.s32 s25, $0x2  }
0x1e: {  	[tilespmem:s24+$0x1080] =	vst v0  }
0x1f: {  	[tilespmem:s24+$0x1090] =	vst v0  }
0x20: {  	[spmem:s5] =	stream.linear.scatter [tilespmem:s18], [sflag:$0x1], $0xFA0, $0x38;
	[tilespmem:$0x6E40] =	vst v63  }
0x21: {  	_ =	swait.ge [sflag:s19], $0xFA0  }
0x22: {  	[sflag:s19] =	ssyncset.done $0x0  }
0x23: {  	[sflag:s19] =	ssyncadd.s32 $0xFFFFF060  }
0x24: {  	[spmem:s7] =	stream.linear.scatter [tilespmem:s18], [sflag:$0x1], $0xFA0, $0x38;
	[tilespmem:$0x6E40] =	vst v63  }
0x25: {  	_ =	swait.ge [sflag:s19], $0xFA0  }
0x26: {  	[sflag:s19] =	ssyncset.done $0x0  }
0x27: {  	[sflag:s19] =	ssyncadd.s32 $0xFFFFF060  }
0x28: {  	[spmem:s8] =	stream.linear.scatter [tilespmem:s18], [sflag:$0x1], $0xFA0, $0x38;
	[tilespmem:$0x6E40] =	vst v63  }
0x29: {  	_ =	swait.ge [sflag:s19], $0xFA0  }
0x2a: {  	[sflag:s19] =	ssyncset.done $0x0  }
0x2b: {  	[sflag:s19] =	ssyncadd.s32 $0xFFFFF060  }
0x2c: {  	[spmem:s9] =	stream.linear.scatter [tilespmem:s18], [sflag:$0x1], $0xFA0, $0x38;
	[tilespmem:$0x6E40] =	vst v63  }
0x2d: {  	_ =	swait.ge [sflag:s19], $0xFA0  }
0x2e: {  	[sflag:s19] =	ssyncset.done $0x0  }
0x2f: {  	[sflag:s19] =	ssyncadd.s32 $0xFFFFF060  }
0x30: {  	[spmem:s10] =	stream.linear.scatter [tilespmem:s18], [sflag:$0x1], $0xFA0, $0x38;
	[tilespmem:$0x6E40] =	vst v63  }
0x31: {  	_ =	swait.ge [sflag:s19], $0xFA0  }
0x32: {  	[sflag:s19] =	ssyncset.done $0x0  }
0x33: {  	[sflag:s19] =	ssyncadd.s32 $0xFFFFF060  }
0x34: {  	[bflag:$0x0] =	sbarrier.arrive $0xFFFF  }
0x35: {  	[tilespmem:s3], [sflag:$0x1] =	stream.linear.gather [hbm4b:s16+s3], $0x80, $0x38;
	[tilespmem:$0x6E40] =	vst v63  }
0x36: {  	_ =	swait.ge [sflag:s19], $0x80  }
0x37: {  	[sflag:s19] =	ssyncset.done $0x0  }
0x38: {  	[sflag:s19] =	ssyncadd.s32 $0xFFFFFF80  }
0x39: {  	[tilespmem:s21], [sflag:$0x1] =	stream.strided.gather [hbm4b:s17+s20], $0x1000, s21, s20, $0x38;
	[tilespmem:$0x6E40] =	vst v63  }
0x3a: {  	p0 =	sne.s32 s4, $0x1;
	_ =	swait.ge [sflag:s19], $0x1000  }
.Ltmp1:
0x3b: {  	[sflag:s19] =	ssyncset.done $0x0;
	(pc) =	sbr.rel @!p0 .LBB2_5-.Ltmp1, $4  }
0x3c: {  	[sflag:s19] =	ssyncadd.s32 $0xFFFFF000  }
0x3d: {  	[spmem:s1] =	stream.indirect.scatter.add.f32 [tilespmem:s21], [sflag:$0x1], $0x20, s3, s21, $0xb8;
	[tilespmem:$0x6E40] =	vst v63  }
0x3e: {  	s23 =	sadd.s32 $0xFFFFFFFF, s4;
	_ =	swait.ge [sflag:s19], $0x1000  }
0x3f: {  	s24 =	smov.u32 s16;
	s25 =	smov.u32 s17;
	[sflag:s19] =	ssyncset.done $0x0  }
.LBB2_4:
0x40: {  	[sflag:s19] =	ssyncadd.s32 $0xFFFFF000;
	s24 =	sadd.s32 $0x200, s24;
	s25 =	sadd.s32 $0x10000, s25  }
0x41: {  	[tilespmem:s3], [sflag:$0x1] =	stream.linear.gather [hbm4b:s24+s3], $0x80, $0x38;
	[tilespmem:$0x6E40] =	vst v63  }
0x42: {  	p0 =	sne.s32 s23, $0x1;
	s23 =	sadd.s32 $0xFFFFFFFF, s23;
	_ =	swait.ge [sflag:s19], $0x80  }
0x43: {  	[sflag:s19] =	ssyncset.done $0x0  }
0x44: {  	[sflag:s19] =	ssyncadd.s32 $0xFFFFFF80  }
0x45: {  	[tilespmem:s21], [sflag:$0x1] =	stream.strided.gather [hbm4b:s25+s20], $0x1000, s21, s20, $0x38;
	[tilespmem:$0x6E40] =	vst v63  }
0x46: {  	_ =	swait.ge [sflag:s19], $0x1000  }
.Ltmp2:
0x47: {  	[sflag:s19] =	ssyncset.done $0x0;
	(pc) =	sbr.rel @p0 .LBB2_4-.Ltmp2, $4  }
0x48: {  	[sflag:s19] =	ssyncadd.s32 $0xFFFFF000  }
0x49: {  	[spmem:s1] =	stream.indirect.scatter.add.f32 [tilespmem:s21], [sflag:$0x1], $0x20, s3, s21, $0xb8;
	[tilespmem:$0x6E40] =	vst v63  }
0x4a: {  	_ =	swait.ge [sflag:s19], $0x1000  }
0x4b: {  	[sflag:s19] =	ssyncset.done $0x0  }
.LBB2_5:
0x4c: {  	[sflag:s19] =	ssyncadd.s32 $0xFFFFF000  }
0x4d: {  	[bflag:$0x0] =	sbarrier.arrive $0xFFFF  }
0x4e: {  	[tilespmem:s21], [sflag:$0x1] =	stream.linear.gather [spmem:s5], $0xFA0, $0x38;
	[tilespmem:$0x6E40] =	vst v63  }
0x4f: {  	_ =	swait.ge [sflag:s19], $0xFA0  }
0x50: {  	[sflag:s19] =	ssyncset.done $0x0  }
0x51: {  	[sflag:s19] =	ssyncadd.s32 $0xFFFFF060  }
0x52: {  	[hbm4b:s11+s20] =	stream.strided.scatter [tilespmem:s21], [sflag:$0x1], $0xFA0, s21, s20, $0x38;
	[tilespmem:$0x6E40] =	vst v63  }
0x53: {  	_ =	swait.ge [sflag:s19], $0xFA0  }
0x54: {  	[sflag:s19] =	ssyncset.done $0x0  }
0x55: {  	[sflag:s19] =	ssyncadd.s32 $0xFFFFF060  }
0x56: {  	[tilespmem:s21], [sflag:$0x1] =	stream.linear.gather [spmem:s7], $0xFA0, $0x38;
	[tilespmem:$0x6E40] =	vst v63  }
0x57: {  	_ =	swait.ge [sflag:s19], $0xFA0  }
0x58: {  	[sflag:s19] =	ssyncset.done $0x0  }
0x59: {  	[sflag:s19] =	ssyncadd.s32 $0xFFFFF060  }
0x5a: {  	[hbm4b:s12+s20] =	stream.strided.scatter [tilespmem:s21], [sflag:$0x1], $0xFA0, s21, s20, $0x38;
	[tilespmem:$0x6E40] =	vst v63  }
0x5b: {  	_ =	swait.ge [sflag:s19], $0xFA0  }
0x5c: {  	[sflag:s19] =	ssyncset.done $0x0  }
0x5d: {  	[sflag:s19] =	ssyncadd.s32 $0xFFFFF060  }
0x5e: {  	[tilespmem:s21], [sflag:$0x1] =	stream.linear.gather [spmem:s8], $0xFA0, $0x38;
	[tilespmem:$0x6E40] =	vst v63  }
0x5f: {  	_ =	swait.ge [sflag:s19], $0xFA0  }
0x60: {  	[sflag:s19] =	ssyncset.done $0x0  }
0x61: {  	[sflag:s19] =	ssyncadd.s32 $0xFFFFF060  }
0x62: {  	[hbm4b:s13+s20] =	stream.strided.scatter [tilespmem:s21], [sflag:$0x1], $0xFA0, s21, s20, $0x38;
	[tilespmem:$0x6E40] =	vst v63  }
0x63: {  	_ =	swait.ge [sflag:s19], $0xFA0  }
0x64: {  	[sflag:s19] =	ssyncset.done $0x0  }
0x65: {  	[sflag:s19] =	ssyncadd.s32 $0xFFFFF060  }
0x66: {  	[tilespmem:s21], [sflag:$0x1] =	stream.linear.gather [spmem:s9], $0xFA0, $0x38;
	[tilespmem:$0x6E40] =	vst v63  }
0x67: {  	_ =	swait.ge [sflag:s19], $0xFA0  }
0x68: {  	[sflag:s19] =	ssyncset.done $0x0  }
0x69: {  	[sflag:s19] =	ssyncadd.s32 $0xFFFFF060  }
0x6a: {  	[hbm4b:s14+s20] =	stream.strided.scatter [tilespmem:s21], [sflag:$0x1], $0xFA0, s21, s20, $0x38;
	[tilespmem:$0x6E40] =	vst v63  }
0x6b: {  	_ =	swait.ge [sflag:s19], $0xFA0  }
0x6c: {  	[sflag:s19] =	ssyncset.done $0x0  }
0x6d: {  	[sflag:s19] =	ssyncadd.s32 $0xFFFFF060  }
0x6e: {  	[tilespmem:s21], [sflag:$0x1] =	stream.linear.gather [spmem:s10], $0xFA0, $0x38;
	[tilespmem:$0x6E40] =	vst v63  }
0x6f: {  	s22 =	sadd.s32 $0x1, s22;
	_ =	swait.ge [sflag:s19], $0xFA0  }
0x70: {  	p0 =	sne.s32 s22, s6;
	[sflag:s19] =	ssyncset.done $0x0  }
.Ltmp3:
0x71: {  	[sflag:s19] =	ssyncadd.s32 $0xFFFFF060;
	(pc) =	sbr.rel @p0 .LBB2_1-.Ltmp3, $4  }
0x72: {  	[hbm4b:s15+s20] =	stream.strided.scatter [tilespmem:s21], [sflag:$0x1], $0xFA0, s21, s20, $0x38;
	[tilespmem:$0x6E40] =	vst v63  }
0x73: {  	_ =	swait.ge [sflag:s19], $0xFA0  }
0x74: {  	[sflag:s19] =	ssyncset.done $0x0  }
0x75: {  	[sflag:s19] =	ssyncadd.s32 $0xFFFFF060  }
0x76: {  	_ =	sfence.sel $0x180000  }
0x77: {  	[bflag:$0x0] =	sbarrier.arrive $0xFFFF  }
0x78: {  	p0 =	sne.s32 s2, $0x0;
	_ =	strace $0x90000050  }
0x79: {  	s0 =	sadd.s32 @!p0 $0x100000, s0;
	[bflag:$0x2] =	sbarrier.arrive $0xFFFF  }
0x7a: {  	[sflag:s0] =	ssyncadd.tile.s32 @!p0 $0x1;
	_ =	shalt  }
.Lfunc_end2:
_tile_overlayer_lowered:
.L_overlay_start_2:
0x7b: {  	(tag) =	ssettag $0x2  }
0x7c: {  	s0 =	rddreg [dreg:$0x0];
	s2 =	stileid.u32  }
0x7d: {  	s1 =	rddreg [dreg:$0x1];
	p0 =	sne.s32 s2, $0x0  }
0x7e: {  	s3 =	rddreg [dreg:$0x2];
	[bflag:$0x3] =	sbarrier.arrive $0xFFFF;
	s2 =	simm.s32 @!p0 $0x1C01  }
0x7f: {  	[timem:s3], [sflag:s2] =	dma.local @!p0 [hbm:s0], s1  }
0x80: {  	s0 =	simm.s32 @!p0 $0x1  }
0x81: {  	_ =	swait.ge @!p0 [sflag:s0], s1  }
0x82: {  	s1 =	ssub.s32 @!p0 $0x0, s1;
	[sflag:s0] =	ssyncset.done @!p0 $0x0  }
0x83: {  	[sflag:s0] =	ssyncadd.s32 @!p0 s1  }
0x84: {  	[bflag:$0x3] =	sbarrier.arrive $0xFFFF  }
0x85: {  	_ =	shalt  }

</sc_bundles>
